<compile_context>
chip_gen: v7x
topology: tpu7x:2x2x1
jax: 0.10.2.dev20260603
libtpu: 0.0.44.dev20260713+nightly
codegen_flags: <defaults>
</compile_context>

<pallas_src>
import functools

import jax
import jax.numpy as jnp
from jax import lax
from jax.experimental import pallas as pl
from jax.experimental.pallas import tpu as pltpu
from jax.experimental.pallas import tpu_sc as plsc

_N = 10000
_E = 320000
_D = 128
_G = 64
_OUT = 8

_NC = 2
_NS = 16
_NW = _NC * _NS

_EPT = _E // _NW
_CH = 40
_NCH = _EPT // _CH
_K = 5
_NG = _NCH // _K
_RPT = _N // _NS
_RCH = 125
_NRC = _RPT // _RCH
_ZCH = 25
_NZC = _RPT // _ZCH


def _segsum_body(x_hbm, src_hbm, dst_hbm, out_hbm,
                 src_v, dst_v, r0, r1, r2, r3, r4, zbuf, acc,
                 s0, s1, s2, s3, s4, zsem):
    rows = [r0, r1, r2, r3, r4]
    sems = [s0, s1, s2, s3, s4]
    c = lax.axis_index("c")
    s = lax.axis_index("s")
    wid = c * _NS + s

    pltpu.sync_copy(src_hbm.at[wid], src_v)
    pltpu.sync_copy(dst_hbm.at[wid], dst_v)
    for b in range(_K - 1):
        pltpu.async_copy(x_hbm.at[src_v.at[b]], rows[b], sems[b])

    zero16 = jnp.zeros((16,), jnp.float32)

    def _z(i, carry):
        for k in range(_D // 16):
            zbuf[i, pl.ds(k * 16, 16)] = zero16
        return carry

    lax.fori_loop(0, _ZCH, _z, 0)

    def _zc(r, carry):
        pltpu.async_copy(zbuf, acc.at[pl.ds(s * _RPT + r * _ZCH, _ZCH)],
                         zsem)
        return carry

    lax.fori_loop(0, _NZC, _zc, 0)
    for _ in range(_NZC):
        pltpu.make_async_copy(zbuf, acc.at[pl.ds(s * _RPT, _ZCH)],
                              zsem).wait()
    plsc.subcore_barrier()

    def _grp(g, carry):
        for b in range(_K):
            j = g * _K + b
            bp = (b - 1) % _K
            pltpu.make_async_copy(x_hbm.at[src_v.at[j]], rows[b],
                                  sems[b]).wait()

            @pl.when(j <= _NCH - _K)
            def _():
                pltpu.async_copy(x_hbm.at[src_v.at[j + _K - 1]], rows[bp],
                                 sems[bp])

            pltpu.sync_copy(rows[b], acc.at[dst_v.at[j]], add=True)
        return carry

    lax.fori_loop(0, _NG, _grp, 0)
    plsc.subcore_barrier()

    for r in range(_NRC):
        off = s * _RPT + r * _RCH
        pltpu.async_copy(acc.at[pl.ds(off, _RCH)],
                         out_hbm.at[pl.ds(c * _N + off, _RCH)], zsem)
    for r in range(_NRC):
        off = s * _RPT + r * _RCH
        pltpu.make_async_copy(acc.at[pl.ds(off, _RCH)],
                              out_hbm.at[pl.ds(c * _N + off, _RCH)],
                              zsem).wait()


_segsum = functools.partial(
    pl.kernel,
    out_type=jax.ShapeDtypeStruct((2 * _N, _D), jnp.float32),
    mesh=plsc.VectorSubcoreMesh(core_axis_name="c", subcore_axis_name="s"),
    scratch_types=(
        [pltpu.VMEM((_NCH, _CH), jnp.int32),
         pltpu.VMEM((_NCH, _CH), jnp.int32)]
        + [pltpu.VMEM((_CH, _D), jnp.float32) for _ in range(_K)]
        + [pltpu.VMEM((_ZCH, _D), jnp.float32),
           pltpu.VMEM_SHARED((_N, _D), jnp.float32)]
        + [pltpu.SemaphoreType.DMA for _ in range(_K + 1)]
    ),
    compiler_params=pltpu.CompilerParams(use_tc_tiling_on_sc=False),
)(_segsum_body)


def _mm(a, b):
    return jnp.dot(a, b, preferred_element_type=jnp.float32)


def _bn(v, g, be):
    inv_n = jnp.float32(1.0 / _N)
    m = jnp.sum(v, axis=0) * inv_n
    var = jnp.sum((v - m) * (v - m), axis=0) * inv_n
    ve = var + 1e-5
    r = jax.lax.rsqrt(ve)
    r = r * (1.5 - 0.5 * ve * r * r)
    return (v - m) * r * g + be


def _layer_body(x_ref, p_ref, Wa_ref, ba_ref, Wb_ref, bb_ref, g_ref, be_ref,
                o_ref):
    h = x_ref[...] + p_ref[0] + p_ref[1]
    t = jnp.maximum(_mm(h, Wa_ref[...]) + ba_ref[...], 0.0)
    u = _mm(t, Wb_ref[...]) + bb_ref[...]
    v = jnp.maximum(u, 0.0)
    o_ref[...] = _bn(v, g_ref[...], be_ref[...])


_layer = pl.pallas_call(
    _layer_body,
    out_shape=jax.ShapeDtypeStruct((_N, _D), jnp.float32),
)


def _leaky(x):
    return jnp.where(x >= 0, x, 0.025 * x)


def _final_body(x_ref, p_ref, Wa_ref, ba_ref, Wb_ref, bb_ref, g_ref, be_ref,
                batch_ref, Wf1_ref, bf1_ref, Wf2_ref, bf2_ref, Wf3_ref,
                bf3_ref, o_ref, emb_ref):
    h = x_ref[...] + p_ref[0] + p_ref[1]
    t = jnp.maximum(_mm(h, Wa_ref[...]) + ba_ref[...], 0.0)
    u = _mm(t, Wb_ref[...]) + bb_ref[...]
    v = _bn(jnp.maximum(u, 0.0), g_ref[...], be_ref[...])

    batch = batch_ref[...]
    neg = jnp.float32(-jnp.inf)

    def _seg(g, carry):
        m = jnp.max(jnp.where(batch == g, v, neg), axis=0)
        emb_ref[pl.ds(g, 1), :] = m[None, :]
        return carry

    lax.fori_loop(0, _G, _seg, 0)
    emb = emb_ref[...]
    o = _leaky(_mm(emb, Wf1_ref[...]) + bf1_ref[...])
    o = _leaky(_mm(o, Wf2_ref[...]) + bf2_ref[...])
    o_ref[...] = _mm(o, Wf3_ref[...]) + bf3_ref[...]


_final = pl.pallas_call(
    _final_body,
    out_shape=jax.ShapeDtypeStruct((_G, _OUT), jnp.float32),
    scratch_shapes=[pltpu.VMEM((_G, _D), jnp.float32)],
)


def kernel(data_base, edge_index_base, batch_base,
           W1a, b1a, W1b, b1b, g1, be1,
           W2a, b2a, W2b, b2b, g2, be2,
           W3a, b3a, W3b, b3b, g3, be3,
           Wf1, bf1, Wf2, bf2, Wf3, bf3):
    src = edge_index_base[0].reshape(_NW, _NCH, _CH)
    dst = edge_index_base[1].reshape(_NW, _NCH, _CH)
    batch2 = batch_base.reshape(_N, 1)

    x = data_base
    p = _segsum(x, src, dst).reshape(2, _N, _D)
    h = _layer(x, p, W1a, b1a, W1b, b1b, g1, be1)
    p = _segsum(h, src, dst).reshape(2, _N, _D)
    h = _layer(h, p, W2a, b2a, W2b, b2b, g2, be2)
    p = _segsum(h, src, dst).reshape(2, _N, _D)
    return _final(h, p, W3a, b3a, W3b, b3b, g3, be3, batch2,
                  Wf1, bf1, Wf2, bf2, Wf3, bf3)

# --- scband reference (transcript-rebuilt; emitter-appended) ---
"""Pipeline reference for scband-encoder-gin-12498354831669 (READ-ONLY COPY).

The authoritative reference and input builder live on the scoring server;
editing this copy changes nothing except your own understanding.
"""

import jax, jax.numpy as jnp
import numpy as np

N = 10000
E = 320000
D = 128
H = 128
OUT = 8
G = 64


def gin_conv(x, src, dst, Wa, ba, Wb, bb):
    # GINConv with eps=0: MLP(x + sum_{j in N(i)} x_j)
    agg = jax.ops.segment_sum(x[src], dst, num_segments=N)
    h = x + agg
    h = jax.nn.relu(h @ Wa + ba)
    return h @ Wb + bb


def batchnorm(x, g, b):
    m = jnp.mean(x, axis=0)
    v = jnp.var(x, axis=0)
    return (x - m) / jnp.sqrt(v + 1e-5) * g + b


def leaky(x):
    return jnp.where(x >= 0, x, 0.025 * x)


def setup_inputs(seed: int = 0) -> dict:
    key = jax.random.key(seed)
    ks = jax.random.split(key, 32)
    x = jax.random.normal(ks[0], (N, D), dtype=jnp.float32)
    edge_index = jax.random.randint(ks[1], (2, E), 0, N, dtype=jnp.int32)
    batch = jnp.sort(jax.random.randint(ks[2], (N,), 0, G, dtype=jnp.int32))
    s = 0.1
    params = {
        'W1a': jax.random.normal(ks[3], (D, H), jnp.float32) * s, 'b1a': jnp.zeros((H,), jnp.float32),
        'W1b': jax.random.normal(ks[4], (H, H), jnp.float32) * s, 'b1b': jnp.zeros((H,), jnp.float32),
        'g1': jnp.ones((H,), jnp.float32), 'be1': jnp.zeros((H,), jnp.float32),
        'W2a': jax.random.normal(ks[5], (H, H), jnp.float32) * s, 'b2a': jnp.zeros((H,), jnp.float32),
        'W2b': jax.random.normal(ks[6], (H, H), jnp.float32) * s, 'b2b': jnp.zeros((H,), jnp.float32),
        'g2': jnp.ones((H,), jnp.float32), 'be2': jnp.zeros((H,), jnp.float32),
        'W3a': jax.random.normal(ks[7], (H, H), jnp.float32) * s, 'b3a': jnp.zeros((H,), jnp.float32),
        'W3b': jax.random.normal(ks[8], (H, H), jnp.float32) * s, 'b3b': jnp.zeros((H,), jnp.float32),
        'g3': jnp.ones((H,), jnp.float32), 'be3': jnp.zeros((H,), jnp.float32),
        'Wf1': jax.random.normal(ks[9], (H, 2 * H), jnp.float32) * s, 'bf1': jnp.zeros((2 * H,), jnp.float32),
        'Wf2': jax.random.normal(ks[10], (2 * H, H), jnp.float32) * s, 'bf2': jnp.zeros((H,), jnp.float32),
        'Wf3': jax.random.normal(ks[11], (H, OUT), jnp.float32) * s, 'bf3': jnp.zeros((OUT,), jnp.float32),
    }
    return {'data_base': x, 'edge_index_base': edge_index, 'batch_base': batch, **params}


def reference(data_base, edge_index_base, batch_base,
              W1a, b1a, W1b, b1b, g1, be1,
              W2a, b2a, W2b, b2b, g2, be2,
              W3a, b3a, W3b, b3b, g3, be3,
              Wf1, bf1, Wf2, bf2, Wf3, bf3):
    src = edge_index_base[0]
    dst = edge_index_base[1]
    h = batchnorm(jax.nn.relu(gin_conv(data_base, src, dst, W1a, b1a, W1b, b1b)), g1, be1)
    h = batchnorm(jax.nn.relu(gin_conv(h, src, dst, W2a, b2a, W2b, b2b)), g2, be2)
    h = batchnorm(jax.nn.relu(gin_conv(h, src, dst, W3a, b3a, W3b, b3b)), g3, be3)
    emb = jax.ops.segment_max(h, batch_base, num_segments=G)
    o = leaky(emb @ Wf1 + bf1)
    o = leaky(o @ Wf2 + bf2)
    o = o @ Wf3 + bf3
    return o

if __name__ == "__main__":
    import jax
    _d = setup_inputs()
    print(jax.jit(kernel)(*tuple(_d.values())))

</pallas_src>

<mosaic_0001>
#map = affine_map<(d0, d1) -> (0, 0)>
#map1 = affine_map<(d0, d1) -> (0, 0, 0)>
module attributes {stable_mosaic.version = 14 : i64} {
  func.func @_segsum_body(%arg0: i32, %arg1: i32, %arg2: memref<10000x128xf32, #tpu.memory_space<hbm>>, %arg3: memref<32x250x40xi32, #tpu.memory_space<hbm>>, %arg4: memref<32x250x40xi32, #tpu.memory_space<hbm>>, %arg5: memref<20000x128xf32, #tpu.memory_space<hbm>>, %arg6: memref<250x40xi32, #tpu.memory_space<vmem>>, %arg7: memref<250x40xi32, #tpu.memory_space<vmem>>, %arg8: memref<40x128xf32, #tpu.memory_space<vmem>>, %arg9: memref<40x128xf32, #tpu.memory_space<vmem>>, %arg10: memref<40x128xf32, #tpu.memory_space<vmem>>, %arg11: memref<40x128xf32, #tpu.memory_space<vmem>>, %arg12: memref<40x128xf32, #tpu.memory_space<vmem>>, %arg13: memref<25x128xf32, #tpu.memory_space<vmem>>, %arg14: memref<10000x128xf32, #tpu.memory_space<vmem_shared>>, %arg15: memref<!tpu.dma_semaphore, #tpu.memory_space<semaphore_mem>>, %arg16: memref<!tpu.dma_semaphore, #tpu.memory_space<semaphore_mem>>, %arg17: memref<!tpu.dma_semaphore, #tpu.memory_space<semaphore_mem>>, %arg18: memref<!tpu.dma_semaphore, #tpu.memory_space<semaphore_mem>>, %arg19: memref<!tpu.dma_semaphore, #tpu.memory_space<semaphore_mem>>, %arg20: memref<!tpu.dma_semaphore, #tpu.memory_space<semaphore_mem>>) attributes {dimension_semantics = [#tpu.dimension_semantics<core_parallel>, #tpu.dimension_semantics<subcore_parallel>], iteration_bounds = array<i64: 2, 16>, scalar_prefetch = 0 : i64, scratch_operands = 15 : i64, tpu.core_type = #tpu.core_type<sc_vector_subcore>, window_params = [{transform_indices = #map}, {transform_indices = #map1}, {transform_indices = #map1}, {transform_indices = #map}]} {
    %mul3A = arith.constant 16 : i32
    %mul3A_0 = arith.muli %arg0, %mul3A : i32
    %add3A = arith.addi %mul3A_0, %arg1 : i32
    "tpu.region"() ({
      %run_scoped3A = tpu.sem_alloc : memref<!tpu.dma_semaphore, #tpu.memory_space<semaphore_mem>>
      %dma_start3A_306 = arith.constant 0 : i32
      %dma_start3A_307 = arith.constant 0 : i32
      %dma_start3A_308 = tpu.memref_slice %arg3[%add3A, %dma_start3A_306, %dma_start3A_307] : memref<32x250x40xi32, #tpu.memory_space<hbm>> -> memref<1x250x40xi32, #tpu.memory_space<hbm>>
      %dma_start3A_309 = tpu.memref_squeeze %dma_start3A_308 : memref<1x250x40xi32, #tpu.memory_space<hbm>> -> memref<250x40xi32, #tpu.memory_space<hbm>>
      %dma_start3A_310 = arith.constant 0 : i32
      %dma_start3A_311 = arith.constant 0 : i32
      %dma_start3A_312 = tpu.memref_slice %arg3[%add3A, %dma_start3A_310, %dma_start3A_311] : memref<32x250x40xi32, #tpu.memory_space<hbm>> -> memref<1x250x40xi32, #tpu.memory_space<hbm>>
      %dma_start3A_313 = tpu.memref_squeeze %dma_start3A_312 : memref<1x250x40xi32, #tpu.memory_space<hbm>> -> memref<250x40xi32, #tpu.memory_space<hbm>>
      tpu.enqueue_dma source(%dma_start3A_313 : memref<250x40xi32, #tpu.memory_space<hbm>>) target(%arg6 : memref<250x40xi32, #tpu.memory_space<vmem>>) target_semaphore(%run_scoped3A : memref<!tpu.dma_semaphore, #tpu.memory_space<semaphore_mem>>)
      %dma_wait3A_314 = arith.constant 0 : i32
      %dma_wait3A_315 = arith.constant 0 : i32
      %dma_wait3A_316 = tpu.memref_slice %arg3[%add3A, %dma_wait3A_314, %dma_wait3A_315] : memref<32x250x40xi32, #tpu.memory_space<hbm>> -> memref<1x250x40xi32, #tpu.memory_space<hbm>>
      %dma_wait3A_317 = tpu.memref_squeeze %dma_wait3A_316 : memref<1x250x40xi32, #tpu.memory_space<hbm>> -> memref<250x40xi32, #tpu.memory_space<hbm>>
      %dma_wait3A_318 = arith.constant 0 : i32
      %dma_wait3A_319 = arith.constant 0 : i32
      %dma_wait3A_320 = tpu.memref_slice %arg3[%add3A, %dma_wait3A_318, %dma_wait3A_319] : memref<32x250x40xi32, #tpu.memory_space<hbm>> -> memref<1x250x40xi32, #tpu.memory_space<hbm>>
      %dma_wait3A_321 = tpu.memref_squeeze %dma_wait3A_320 : memref<1x250x40xi32, #tpu.memory_space<hbm>> -> memref<250x40xi32, #tpu.memory_space<hbm>>
      tpu.wait_dma2 semaphore(%run_scoped3A : memref<!tpu.dma_semaphore, #tpu.memory_space<semaphore_mem>>) src(%dma_wait3A_321 : memref<250x40xi32, #tpu.memory_space<hbm>>) dst(%arg6 : memref<250x40xi32, #tpu.memory_space<vmem>>)
      tpu.yield
    }) : () -> ()
    "tpu.region"() ({
      %run_scoped3A = tpu.sem_alloc : memref<!tpu.dma_semaphore, #tpu.memory_space<semaphore_mem>>
      %dma_start3A_306 = arith.constant 0 : i32
      %dma_start3A_307 = arith.constant 0 : i32
      %dma_start3A_308 = tpu.memref_slice %arg4[%add3A, %dma_start3A_306, %dma_start3A_307] : memref<32x250x40xi32, #tpu.memory_space<hbm>> -> memref<1x250x40xi32, #tpu.memory_space<hbm>>
      %dma_start3A_309 = tpu.memref_squeeze %dma_start3A_308 : memref<1x250x40xi32, #tpu.memory_space<hbm>> -> memref<250x40xi32, #tpu.memory_space<hbm>>
      %dma_start3A_310 = arith.constant 0 : i32
      %dma_start3A_311 = arith.constant 0 : i32
      %dma_start3A_312 = tpu.memref_slice %arg4[%add3A, %dma_start3A_310, %dma_start3A_311] : memref<32x250x40xi32, #tpu.memory_space<hbm>> -> memref<1x250x40xi32, #tpu.memory_space<hbm>>
      %dma_start3A_313 = tpu.memref_squeeze %dma_start3A_312 : memref<1x250x40xi32, #tpu.memory_space<hbm>> -> memref<250x40xi32, #tpu.memory_space<hbm>>
      tpu.enqueue_dma source(%dma_start3A_313 : memref<250x40xi32, #tpu.memory_space<hbm>>) target(%arg7 : memref<250x40xi32, #tpu.memory_space<vmem>>) target_semaphore(%run_scoped3A : memref<!tpu.dma_semaphore, #tpu.memory_space<semaphore_mem>>)
      %dma_wait3A_314 = arith.constant 0 : i32
      %dma_wait3A_315 = arith.constant 0 : i32
      %dma_wait3A_316 = tpu.memref_slice %arg4[%add3A, %dma_wait3A_314, %dma_wait3A_315] : memref<32x250x40xi32, #tpu.memory_space<hbm>> -> memref<1x250x40xi32, #tpu.memory_space<hbm>>
      %dma_wait3A_317 = tpu.memref_squeeze %dma_wait3A_316 : memref<1x250x40xi32, #tpu.memory_space<hbm>> -> memref<250x40xi32, #tpu.memory_space<hbm>>
      %dma_wait3A_318 = arith.constant 0 : i32
      %dma_wait3A_319 = arith.constant 0 : i32
      %dma_wait3A_320 = tpu.memref_slice %arg4[%add3A, %dma_wait3A_318, %dma_wait3A_319] : memref<32x250x40xi32, #tpu.memory_space<hbm>> -> memref<1x250x40xi32, #tpu.memory_space<hbm>>
      %dma_wait3A_321 = tpu.memref_squeeze %dma_wait3A_320 : memref<1x250x40xi32, #tpu.memory_space<hbm>> -> memref<250x40xi32, #tpu.memory_space<hbm>>
      tpu.wait_dma2 semaphore(%run_scoped3A : memref<!tpu.dma_semaphore, #tpu.memory_space<semaphore_mem>>) src(%dma_wait3A_321 : memref<250x40xi32, #tpu.memory_space<hbm>>) dst(%arg7 : memref<250x40xi32, #tpu.memory_space<vmem>>)
      tpu.yield
    }) : () -> ()
    %dma_start3A = arith.constant 0 : i32
    %dma_start3A_1 = arith.constant 0 : i32
    %dma_start3A_2 = tpu.memref_slice %arg6[%dma_start3A, %dma_start3A_1] : memref<250x40xi32, #tpu.memory_space<vmem>> -> memref<1x40xi32, #tpu.memory_space<vmem>>
    %dma_start3A_3 = tpu.memref_squeeze %dma_start3A_2 : memref<1x40xi32, #tpu.memory_space<vmem>> -> memref<40xi32, #tpu.memory_space<vmem>>
    %dma_start3A_4 = arith.constant 0 : i32
    %dma_start3A_5 = arith.constant 0 : i32
    %dma_start3A_6 = tpu.memref_slice %arg2[%dma_start3A_4, %dma_start3A_5] : memref<10000x128xf32, #tpu.memory_space<hbm>> -> memref<10000x128xf32, #tpu.memory_space<hbm>>
    tpu.enqueue_indirect_dma source(%dma_start3A_6 : memref<10000x128xf32, #tpu.memory_space<hbm>>) target(%arg8 : memref<40x128xf32, #tpu.memory_space<vmem>>) offsets(%dma_start3A_3 : memref<40xi32, #tpu.memory_space<vmem>>) semaphore(%arg15 : memref<!tpu.dma_semaphore, #tpu.memory_space<semaphore_mem>>)
    %dma_start3A_7 = arith.constant 1 : i32
    %dma_start3A_8 = arith.constant 0 : i32
    %dma_start3A_9 = tpu.memref_slice %arg6[%dma_start3A_7, %dma_start3A_8] : memref<250x40xi32, #tpu.memory_space<vmem>> -> memref<1x40xi32, #tpu.memory_space<vmem>>
    %dma_start3A_10 = tpu.memref_squeeze %dma_start3A_9 : memref<1x40xi32, #tpu.memory_space<vmem>> -> memref<40xi32, #tpu.memory_space<vmem>>
    %dma_start3A_11 = arith.constant 0 : i32
    %dma_start3A_12 = arith.constant 0 : i32
    %dma_start3A_13 = tpu.memref_slice %arg2[%dma_start3A_11, %dma_start3A_12] : memref<10000x128xf32, #tpu.memory_space<hbm>> -> memref<10000x128xf32, #tpu.memory_space<hbm>>
    tpu.enqueue_indirect_dma source(%dma_start3A_13 : memref<10000x128xf32, #tpu.memory_space<hbm>>) target(%arg9 : memref<40x128xf32, #tpu.memory_space<vmem>>) offsets(%dma_start3A_10 : memref<40xi32, #tpu.memory_space<vmem>>) semaphore(%arg16 : memref<!tpu.dma_semaphore, #tpu.memory_space<semaphore_mem>>)
    %dma_start3A_14 = arith.constant 2 : i32
    %dma_start3A_15 = arith.constant 0 : i32
    %dma_start3A_16 = tpu.memref_slice %arg6[%dma_start3A_14, %dma_start3A_15] : memref<250x40xi32, #tpu.memory_space<vmem>> -> memref<1x40xi32, #tpu.memory_space<vmem>>
    %dma_start3A_17 = tpu.memref_squeeze %dma_start3A_16 : memref<1x40xi32, #tpu.memory_space<vmem>> -> memref<40xi32, #tpu.memory_space<vmem>>
    %dma_start3A_18 = arith.constant 0 : i32
    %dma_start3A_19 = arith.constant 0 : i32
    %dma_start3A_20 = tpu.memref_slice %arg2[%dma_start3A_18, %dma_start3A_19] : memref<10000x128xf32, #tpu.memory_space<hbm>> -> memref<10000x128xf32, #tpu.memory_space<hbm>>
    tpu.enqueue_indirect_dma source(%dma_start3A_20 : memref<10000x128xf32, #tpu.memory_space<hbm>>) target(%arg10 : memref<40x128xf32, #tpu.memory_space<vmem>>) offsets(%dma_start3A_17 : memref<40xi32, #tpu.memory_space<vmem>>) semaphore(%arg17 : memref<!tpu.dma_semaphore, #tpu.memory_space<semaphore_mem>>)
    %dma_start3A_21 = arith.constant 3 : i32
    %dma_start3A_22 = arith.constant 0 : i32
    %dma_start3A_23 = tpu.memref_slice %arg6[%dma_start3A_21, %dma_start3A_22] : memref<250x40xi32, #tpu.memory_space<vmem>> -> memref<1x40xi32, #tpu.memory_space<vmem>>
    %dma_start3A_24 = tpu.memref_squeeze %dma_start3A_23 : memref<1x40xi32, #tpu.memory_space<vmem>> -> memref<40xi32, #tpu.memory_space<vmem>>
    %dma_start3A_25 = arith.constant 0 : i32
    %dma_start3A_26 = arith.constant 0 : i32
    %dma_start3A_27 = tpu.memref_slice %arg2[%dma_start3A_25, %dma_start3A_26] : memref<10000x128xf32, #tpu.memory_space<hbm>> -> memref<10000x128xf32, #tpu.memory_space<hbm>>
    tpu.enqueue_indirect_dma source(%dma_start3A_27 : memref<10000x128xf32, #tpu.memory_space<hbm>>) target(%arg11 : memref<40x128xf32, #tpu.memory_space<vmem>>) offsets(%dma_start3A_24 : memref<40xi32, #tpu.memory_space<vmem>>) semaphore(%arg18 : memref<!tpu.dma_semaphore, #tpu.memory_space<semaphore_mem>>)
    %broadcast_in_dim3A = arith.constant 0.000000e+00 : f32
    %broadcast_in_dim3A_28 = vector.broadcast %broadcast_in_dim3A : f32 to vector<16xf32>
    %scan3A = arith.constant 0 : i32
    %scan3A_29 = arith.constant 0 : i32
    %scan3A_30 = arith.constant 25 : i32
    %scan3A_31 = arith.addi %scan3A_29, %scan3A_30 : i32
    %scan3A_32 = arith.constant 1 : i32
    scf.for %scan3A_306 = %scan3A_29 to %scan3A_31 step %scan3A_32  : i32 {
      %swap3A = arith.index_cast %scan3A_306 : i32 to index
      %swap3A_307 = arith.constant 0 : index
      %swap3A_308 = tpu.vector_load %arg13[%swap3A, %swap3A_307] {strides = array<i32>} : memref<25x128xf32, #tpu.memory_space<vmem>>, vector<1x16xf32>,
      %swap3A_309 = vector.shape_cast %swap3A_308 : vector<1x16xf32> to vector<16xf32>
      %swap3A_310 = vector.shape_cast %broadcast_in_dim3A_28 : vector<16xf32> to vector<1x16xf32>
      tpu.vector_store %arg13[%swap3A, %swap3A_307], %swap3A_310 {strides = array<i32>} : memref<25x128xf32, #tpu.memory_space<vmem>>, vector<1x16xf32>,
      %swap3A_311 = arith.index_cast %scan3A_306 : i32 to index
      %swap3A_312 = arith.constant 16 : index
      %swap3A_313 = tpu.vector_load %arg13[%swap3A_311, %swap3A_312] {strides = array<i32>} : memref<25x128xf32, #tpu.memory_space<vmem>>, vector<1x16xf32>,
      %swap3A_314 = vector.shape_cast %swap3A_313 : vector<1x16xf32> to vector<16xf32>
      %swap3A_315 = vector.shape_cast %broadcast_in_dim3A_28 : vector<16xf32> to vector<1x16xf32>
      tpu.vector_store %arg13[%swap3A_311, %swap3A_312], %swap3A_315 {strides = array<i32>} : memref<25x128xf32, #tpu.memory_space<vmem>>, vector<1x16xf32>,
      %swap3A_316 = arith.index_cast %scan3A_306 : i32 to index
      %swap3A_317 = arith.constant 32 : index
      %swap3A_318 = tpu.vector_load %arg13[%swap3A_316, %swap3A_317] {strides = array<i32>} : memref<25x128xf32, #tpu.memory_space<vmem>>, vector<1x16xf32>,
      %swap3A_319 = vector.shape_cast %swap3A_318 : vector<1x16xf32> to vector<16xf32>
      %swap3A_320 = vector.shape_cast %broadcast_in_dim3A_28 : vector<16xf32> to vector<1x16xf32>
      tpu.vector_store %arg13[%swap3A_316, %swap3A_317], %swap3A_320 {strides = array<i32>} : memref<25x128xf32, #tpu.memory_space<vmem>>, vector<1x16xf32>,
      %swap3A_321 = arith.index_cast %scan3A_306 : i32 to index
      %swap3A_322 = arith.constant 48 : index
      %swap3A_323 = tpu.vector_load %arg13[%swap3A_321, %swap3A_322] {strides = array<i32>} : memref<25x128xf32, #tpu.memory_space<vmem>>, vector<1x16xf32>,
      %swap3A_324 = vector.shape_cast %swap3A_323 : vector<1x16xf32> to vector<16xf32>
      %swap3A_325 = vector.shape_cast %broadcast_in_dim3A_28 : vector<16xf32> to vector<1x16xf32>
      tpu.vector_store %arg13[%swap3A_321, %swap3A_322], %swap3A_325 {strides = array<i32>} : memref<25x128xf32, #tpu.memory_space<vmem>>, vector<1x16xf32>,
      %swap3A_326 = arith.index_cast %scan3A_306 : i32 to index
      %swap3A_327 = arith.constant 64 : index
      %swap3A_328 = tpu.vector_load %arg13[%swap3A_326, %swap3A_327] {strides = array<i32>} : memref<25x128xf32, #tpu.memory_space<vmem>>, vector<1x16xf32>,
      %swap3A_329 = vector.shape_cast %swap3A_328 : vector<1x16xf32> to vector<16xf32>
      %swap3A_330 = vector.shape_cast %broadcast_in_dim3A_28 : vector<16xf32> to vector<1x16xf32>
      tpu.vector_store %arg13[%swap3A_326, %swap3A_327], %swap3A_330 {strides = array<i32>} : memref<25x128xf32, #tpu.memory_space<vmem>>, vector<1x16xf32>,
      %swap3A_331 = arith.index_cast %scan3A_306 : i32 to index
      %swap3A_332 = arith.constant 80 : index
      %swap3A_333 = tpu.vector_load %arg13[%swap3A_331, %swap3A_332] {strides = array<i32>} : memref<25x128xf32, #tpu.memory_space<vmem>>, vector<1x16xf32>,
      %swap3A_334 = vector.shape_cast %swap3A_333 : vector<1x16xf32> to vector<16xf32>
      %swap3A_335 = vector.shape_cast %broadcast_in_dim3A_28 : vector<16xf32> to vector<1x16xf32>
      tpu.vector_store %arg13[%swap3A_331, %swap3A_332], %swap3A_335 {strides = array<i32>} : memref<25x128xf32, #tpu.memory_space<vmem>>, vector<1x16xf32>,
      %swap3A_336 = arith.index_cast %scan3A_306 : i32 to index
      %swap3A_337 = arith.constant 96 : index
      %swap3A_338 = tpu.vector_load %arg13[%swap3A_336, %swap3A_337] {strides = array<i32>} : memref<25x128xf32, #tpu.memory_space<vmem>>, vector<1x16xf32>,
      %swap3A_339 = vector.shape_cast %swap3A_338 : vector<1x16xf32> to vector<16xf32>
      %swap3A_340 = vector.shape_cast %broadcast_in_dim3A_28 : vector<16xf32> to vector<1x16xf32>
      tpu.vector_store %arg13[%swap3A_336, %swap3A_337], %swap3A_340 {strides = array<i32>} : memref<25x128xf32, #tpu.memory_space<vmem>>, vector<1x16xf32>,
      %swap3A_341 = arith.index_cast %scan3A_306 : i32 to index
      %swap3A_342 = arith.constant 112 : index
      %swap3A_343 = tpu.vector_load %arg13[%swap3A_341, %swap3A_342] {strides = array<i32>} : memref<25x128xf32, #tpu.memory_space<vmem>>, vector<1x16xf32>,
      %swap3A_344 = vector.shape_cast %swap3A_343 : vector<1x16xf32> to vector<16xf32>
      %swap3A_345 = vector.shape_cast %broadcast_in_dim3A_28 : vector<16xf32> to vector<1x16xf32>
      tpu.vector_store %arg13[%swap3A_341, %swap3A_342], %swap3A_345 {strides = array<i32>} : memref<25x128xf32, #tpu.memory_space<vmem>>, vector<1x16xf32>,
    }
    %scan3A_33 = arith.constant 25 : i32
    %scan3A_34 = arith.constant 0 : i32
    %scan3A_35 = arith.constant 0 : i32
    %scan3A_36 = arith.constant 25 : i32
    %scan3A_37 = arith.addi %scan3A_35, %scan3A_36 : i32
    %scan3A_38 = arith.constant 1 : i32
    scf.for %scan3A_306 = %scan3A_35 to %scan3A_37 step %scan3A_38  : i32 {
      %mul3A_307 = arith.constant 625 : i32
      %mul3A_308 = arith.muli %arg1, %mul3A_307 : i32
      %mul3A_309 = arith.constant 25 : i32
      %mul3A_310 = arith.muli %scan3A_306, %mul3A_309 : i32
      %add3A_311 = arith.addi %mul3A_308, %mul3A_310 : i32
      %dma_start3A_312 = arith.constant 0 : i32
      %dma_start3A_313 = tpu.memref_slice %arg14[%add3A_311, %dma_start3A_312] : memref<10000x128xf32, #tpu.memory_space<vmem_shared>> -> memref<25x128xf32, #tpu.memory_space<vmem_shared>>
      %dma_start3A_314 = arith.constant 0 : i32
      %dma_start3A_315 = tpu.memref_slice %arg14[%add3A_311, %dma_start3A_314] : memref<10000x128xf32, #tpu.memory_space<vmem_shared>> -> memref<25x128xf32, #tpu.memory_space<vmem_shared>>
      tpu.enqueue_dma source(%arg13 : memref<25x128xf32, #tpu.memory_space<vmem>>) target(%dma_start3A_315 : memref<25x128xf32, #tpu.memory_space<vmem_shared>>) target_semaphore(%arg20 : memref<!tpu.dma_semaphore, #tpu.memory_space<semaphore_mem>>)
    }
    %scan3A_39 = arith.constant 25 : i32
    %mul3A_40 = arith.constant 625 : i32
    %mul3A_41 = arith.muli %arg1, %mul3A_40 : i32
    %dma_wait3A = arith.constant 0 : i32
    %dma_wait3A_42 = tpu.memref_slice %arg14[%mul3A_41, %dma_wait3A] : memref<10000x128xf32, #tpu.memory_space<vmem_shared>> -> memref<25x128xf32, #tpu.memory_space<vmem_shared>>
    %dma_wait3A_43 = arith.constant 0 : i32
    %dma_wait3A_44 = tpu.memref_slice %arg14[%mul3A_41, %dma_wait3A_43] : memref<10000x128xf32, #tpu.memory_space<vmem_shared>> -> memref<25x128xf32, #tpu.memory_space<vmem_shared>>
    tpu.wait_dma2 semaphore(%arg20 : memref<!tpu.dma_semaphore, #tpu.memory_space<semaphore_mem>>) src(%arg13 : memref<25x128xf32, #tpu.memory_space<vmem>>) dst(%dma_wait3A_44 : memref<25x128xf32, #tpu.memory_space<vmem_shared>>)
    %mul3A_45 = arith.constant 625 : i32
    %mul3A_46 = arith.muli %arg1, %mul3A_45 : i32
    %dma_wait3A_47 = arith.constant 0 : i32
    %dma_wait3A_48 = tpu.memref_slice %arg14[%mul3A_46, %dma_wait3A_47] : memref<10000x128xf32, #tpu.memory_space<vmem_shared>> -> memref<25x128xf32, #tpu.memory_space<vmem_shared>>
    %dma_wait3A_49 = arith.constant 0 : i32
    %dma_wait3A_50 = tpu.memref_slice %arg14[%mul3A_46, %dma_wait3A_49] : memref<10000x128xf32, #tpu.memory_space<vmem_shared>> -> memref<25x128xf32, #tpu.memory_space<vmem_shared>>
    tpu.wait_dma2 semaphore(%arg20 : memref<!tpu.dma_semaphore, #tpu.memory_space<semaphore_mem>>) src(%arg13 : memref<25x128xf32, #tpu.memory_space<vmem>>) dst(%dma_wait3A_50 : memref<25x128xf32, #tpu.memory_space<vmem_shared>>)
    %mul3A_51 = arith.constant 625 : i32
    %mul3A_52 = arith.muli %arg1, %mul3A_51 : i32
    %dma_wait3A_53 = arith.constant 0 : i32
    %dma_wait3A_54 = tpu.memref_slice %arg14[%mul3A_52, %dma_wait3A_53] : memref<10000x128xf32, #tpu.memory_space<vmem_shared>> -> memref<25x128xf32, #tpu.memory_space<vmem_shared>>
    %dma_wait3A_55 = arith.constant 0 : i32
    %dma_wait3A_56 = tpu.memref_slice %arg14[%mul3A_52, %dma_wait3A_55] : memref<10000x128xf32, #tpu.memory_space<vmem_shared>> -> memref<25x128xf32, #tpu.memory_space<vmem_shared>>
    tpu.wait_dma2 semaphore(%arg20 : memref<!tpu.dma_semaphore, #tpu.memory_space<semaphore_mem>>) src(%arg13 : memref<25x128xf32, #tpu.memory_space<vmem>>) dst(%dma_wait3A_56 : memref<25x128xf32, #tpu.memory_space<vmem_shared>>)
    %mul3A_57 = arith.constant 625 : i32
    %mul3A_58 = arith.muli %arg1, %mul3A_57 : i32
    %dma_wait3A_59 = arith.constant 0 : i32
    %dma_wait3A_60 = tpu.memref_slice %arg14[%mul3A_58, %dma_wait3A_59] : memref<10000x128xf32, #tpu.memory_space<vmem_shared>> -> memref<25x128xf32, #tpu.memory_space<vmem_shared>>
    %dma_wait3A_61 = arith.constant 0 : i32
    %dma_wait3A_62 = tpu.memref_slice %arg14[%mul3A_58, %dma_wait3A_61] : memref<10000x128xf32, #tpu.memory_space<vmem_shared>> -> memref<25x128xf32, #tpu.memory_space<vmem_shared>>
    tpu.wait_dma2 semaphore(%arg20 : memref<!tpu.dma_semaphore, #tpu.memory_space<semaphore_mem>>) src(%arg13 : memref<25x128xf32, #tpu.memory_space<vmem>>) dst(%dma_wait3A_62 : memref<25x128xf32, #tpu.memory_space<vmem_shared>>)
    %mul3A_63 = arith.constant 625 : i32
    %mul3A_64 = arith.muli %arg1, %mul3A_63 : i32
    %dma_wait3A_65 = arith.constant 0 : i32
    %dma_wait3A_66 = tpu.memref_slice %arg14[%mul3A_64, %dma_wait3A_65] : memref<10000x128xf32, #tpu.memory_space<vmem_shared>> -> memref<25x128xf32, #tpu.memory_space<vmem_shared>>
    %dma_wait3A_67 = arith.constant 0 : i32
    %dma_wait3A_68 = tpu.memref_slice %arg14[%mul3A_64, %dma_wait3A_67] : memref<10000x128xf32, #tpu.memory_space<vmem_shared>> -> memref<25x128xf32, #tpu.memory_space<vmem_shared>>
    tpu.wait_dma2 semaphore(%arg20 : memref<!tpu.dma_semaphore, #tpu.memory_space<semaphore_mem>>) src(%arg13 : memref<25x128xf32, #tpu.memory_space<vmem>>) dst(%dma_wait3A_68 : memref<25x128xf32, #tpu.memory_space<vmem_shared>>)
    %mul3A_69 = arith.constant 625 : i32
    %mul3A_70 = arith.muli %arg1, %mul3A_69 : i32
    %dma_wait3A_71 = arith.constant 0 : i32
    %dma_wait3A_72 = tpu.memref_slice %arg14[%mul3A_70, %dma_wait3A_71] : memref<10000x128xf32, #tpu.memory_space<vmem_shared>> -> memref<25x128xf32, #tpu.memory_space<vmem_shared>>
    %dma_wait3A_73 = arith.constant 0 : i32
    %dma_wait3A_74 = tpu.memref_slice %arg14[%mul3A_70, %dma_wait3A_73] : memref<10000x128xf32, #tpu.memory_space<vmem_shared>> -> memref<25x128xf32, #tpu.memory_space<vmem_shared>>
    tpu.wait_dma2 semaphore(%arg20 : memref<!tpu.dma_semaphore, #tpu.memory_space<semaphore_mem>>) src(%arg13 : memref<25x128xf32, #tpu.memory_space<vmem>>) dst(%dma_wait3A_74 : memref<25x128xf32, #tpu.memory_space<vmem_shared>>)
    %mul3A_75 = arith.constant 625 : i32
    %mul3A_76 = arith.muli %arg1, %mul3A_75 : i32
    %dma_wait3A_77 = arith.constant 0 : i32
    %dma_wait3A_78 = tpu.memref_slice %arg14[%mul3A_76, %dma_wait3A_77] : memref<10000x128xf32, #tpu.memory_space<vmem_shared>> -> memref<25x128xf32, #tpu.memory_space<vmem_shared>>
    %dma_wait3A_79 = arith.constant 0 : i32
    %dma_wait3A_80 = tpu.memref_slice %arg14[%mul3A_76, %dma_wait3A_79] : memref<10000x128xf32, #tpu.memory_space<vmem_shared>> -> memref<25x128xf32, #tpu.memory_space<vmem_shared>>
    tpu.wait_dma2 semaphore(%arg20 : memref<!tpu.dma_semaphore, #tpu.memory_space<semaphore_mem>>) src(%arg13 : memref<25x128xf32, #tpu.memory_space<vmem>>) dst(%dma_wait3A_80 : memref<25x128xf32, #tpu.memory_space<vmem_shared>>)
    %mul3A_81 = arith.constant 625 : i32
    %mul3A_82 = arith.muli %arg1, %mul3A_81 : i32
    %dma_wait3A_83 = arith.constant 0 : i32
    %dma_wait3A_84 = tpu.memref_slice %arg14[%mul3A_82, %dma_wait3A_83] : memref<10000x128xf32, #tpu.memory_space<vmem_shared>> -> memref<25x128xf32, #tpu.memory_space<vmem_shared>>
    %dma_wait3A_85 = arith.constant 0 : i32
    %dma_wait3A_86 = tpu.memref_slice %arg14[%mul3A_82, %dma_wait3A_85] : memref<10000x128xf32, #tpu.memory_space<vmem_shared>> -> memref<25x128xf32, #tpu.memory_space<vmem_shared>>
    tpu.wait_dma2 semaphore(%arg20 : memref<!tpu.dma_semaphore, #tpu.memory_space<semaphore_mem>>) src(%arg13 : memref<25x128xf32, #tpu.memory_space<vmem>>) dst(%dma_wait3A_86 : memref<25x128xf32, #tpu.memory_space<vmem_shared>>)
    %mul3A_87 = arith.constant 625 : i32
    %mul3A_88 = arith.muli %arg1, %mul3A_87 : i32
    %dma_wait3A_89 = arith.constant 0 : i32
    %dma_wait3A_90 = tpu.memref_slice %arg14[%mul3A_88, %dma_wait3A_89] : memref<10000x128xf32, #tpu.memory_space<vmem_shared>> -> memref<25x128xf32, #tpu.memory_space<vmem_shared>>
    %dma_wait3A_91 = arith.constant 0 : i32
    %dma_wait3A_92 = tpu.memref_slice %arg14[%mul3A_88, %dma_wait3A_91] : memref<10000x128xf32, #tpu.memory_space<vmem_shared>> -> memref<25x128xf32, #tpu.memory_space<vmem_shared>>
    tpu.wait_dma2 semaphore(%arg20 : memref<!tpu.dma_semaphore, #tpu.memory_space<semaphore_mem>>) src(%arg13 : memref<25x128xf32, #tpu.memory_space<vmem>>) dst(%dma_wait3A_92 : memref<25x128xf32, #tpu.memory_space<vmem_shared>>)
    %mul3A_93 = arith.constant 625 : i32
    %mul3A_94 = arith.muli %arg1, %mul3A_93 : i32
    %dma_wait3A_95 = arith.constant 0 : i32
    %dma_wait3A_96 = tpu.memref_slice %arg14[%mul3A_94, %dma_wait3A_95] : memref<10000x128xf32, #tpu.memory_space<vmem_shared>> -> memref<25x128xf32, #tpu.memory_space<vmem_shared>>
    %dma_wait3A_97 = arith.constant 0 : i32
    %dma_wait3A_98 = tpu.memref_slice %arg14[%mul3A_94, %dma_wait3A_97] : memref<10000x128xf32, #tpu.memory_space<vmem_shared>> -> memref<25x128xf32, #tpu.memory_space<vmem_shared>>
    tpu.wait_dma2 semaphore(%arg20 : memref<!tpu.dma_semaphore, #tpu.memory_space<semaphore_mem>>) src(%arg13 : memref<25x128xf32, #tpu.memory_space<vmem>>) dst(%dma_wait3A_98 : memref<25x128xf32, #tpu.memory_space<vmem_shared>>)
    %mul3A_99 = arith.constant 625 : i32
    %mul3A_100 = arith.muli %arg1, %mul3A_99 : i32
    %dma_wait3A_101 = arith.constant 0 : i32
    %dma_wait3A_102 = tpu.memref_slice %arg14[%mul3A_100, %dma_wait3A_101] : memref<10000x128xf32, #tpu.memory_space<vmem_shared>> -> memref<25x128xf32, #tpu.memory_space<vmem_shared>>
    %dma_wait3A_103 = arith.constant 0 : i32
    %dma_wait3A_104 = tpu.memref_slice %arg14[%mul3A_100, %dma_wait3A_103] : memref<10000x128xf32, #tpu.memory_space<vmem_shared>> -> memref<25x128xf32, #tpu.memory_space<vmem_shared>>
    tpu.wait_dma2 semaphore(%arg20 : memref<!tpu.dma_semaphore, #tpu.memory_space<semaphore_mem>>) src(%arg13 : memref<25x128xf32, #tpu.memory_space<vmem>>) dst(%dma_wait3A_104 : memref<25x128xf32, #tpu.memory_space<vmem_shared>>)
    %mul3A_105 = arith.constant 625 : i32
    %mul3A_106 = arith.muli %arg1, %mul3A_105 : i32
    %dma_wait3A_107 = arith.constant 0 : i32
    %dma_wait3A_108 = tpu.memref_slice %arg14[%mul3A_106, %dma_wait3A_107] : memref<10000x128xf32, #tpu.memory_space<vmem_shared>> -> memref<25x128xf32, #tpu.memory_space<vmem_shared>>
    %dma_wait3A_109 = arith.constant 0 : i32
    %dma_wait3A_110 = tpu.memref_slice %arg14[%mul3A_106, %dma_wait3A_109] : memref<10000x128xf32, #tpu.memory_space<vmem_shared>> -> memref<25x128xf32, #tpu.memory_space<vmem_shared>>
    tpu.wait_dma2 semaphore(%arg20 : memref<!tpu.dma_semaphore, #tpu.memory_space<semaphore_mem>>) src(%arg13 : memref<25x128xf32, #tpu.memory_space<vmem>>) dst(%dma_wait3A_110 : memref<25x128xf32, #tpu.memory_space<vmem_shared>>)
    %mul3A_111 = arith.constant 625 : i32
    %mul3A_112 = arith.muli %arg1, %mul3A_111 : i32
    %dma_wait3A_113 = arith.constant 0 : i32
    %dma_wait3A_114 = tpu.memref_slice %arg14[%mul3A_112, %dma_wait3A_113] : memref<10000x128xf32, #tpu.memory_space<vmem_shared>> -> memref<25x128xf32, #tpu.memory_space<vmem_shared>>
    %dma_wait3A_115 = arith.constant 0 : i32
    %dma_wait3A_116 = tpu.memref_slice %arg14[%mul3A_112, %dma_wait3A_115] : memref<10000x128xf32, #tpu.memory_space<vmem_shared>> -> memref<25x128xf32, #tpu.memory_space<vmem_shared>>
    tpu.wait_dma2 semaphore(%arg20 : memref<!tpu.dma_semaphore, #tpu.memory_space<semaphore_mem>>) src(%arg13 : memref<25x128xf32, #tpu.memory_space<vmem>>) dst(%dma_wait3A_116 : memref<25x128xf32, #tpu.memory_space<vmem_shared>>)
    %mul3A_117 = arith.constant 625 : i32
    %mul3A_118 = arith.muli %arg1, %mul3A_117 : i32
    %dma_wait3A_119 = arith.constant 0 : i32
    %dma_wait3A_120 = tpu.memref_slice %arg14[%mul3A_118, %dma_wait3A_119] : memref<10000x128xf32, #tpu.memory_space<vmem_shared>> -> memref<25x128xf32, #tpu.memory_space<vmem_shared>>
    %dma_wait3A_121 = arith.constant 0 : i32
    %dma_wait3A_122 = tpu.memref_slice %arg14[%mul3A_118, %dma_wait3A_121] : memref<10000x128xf32, #tpu.memory_space<vmem_shared>> -> memref<25x128xf32, #tpu.memory_space<vmem_shared>>
    tpu.wait_dma2 semaphore(%arg20 : memref<!tpu.dma_semaphore, #tpu.memory_space<semaphore_mem>>) src(%arg13 : memref<25x128xf32, #tpu.memory_space<vmem>>) dst(%dma_wait3A_122 : memref<25x128xf32, #tpu.memory_space<vmem_shared>>)
    %mul3A_123 = arith.constant 625 : i32
    %mul3A_124 = arith.muli %arg1, %mul3A_123 : i32
    %dma_wait3A_125 = arith.constant 0 : i32
    %dma_wait3A_126 = tpu.memref_slice %arg14[%mul3A_124, %dma_wait3A_125] : memref<10000x128xf32, #tpu.memory_space<vmem_shared>> -> memref<25x128xf32, #tpu.memory_space<vmem_shared>>
    %dma_wait3A_127 = arith.constant 0 : i32
    %dma_wait3A_128 = tpu.memref_slice %arg14[%mul3A_124, %dma_wait3A_127] : memref<10000x128xf32, #tpu.memory_space<vmem_shared>> -> memref<25x128xf32, #tpu.memory_space<vmem_shared>>
    tpu.wait_dma2 semaphore(%arg20 : memref<!tpu.dma_semaphore, #tpu.memory_space<semaphore_mem>>) src(%arg13 : memref<25x128xf32, #tpu.memory_space<vmem>>) dst(%dma_wait3A_128 : memref<25x128xf32, #tpu.memory_space<vmem_shared>>)
    %mul3A_129 = arith.constant 625 : i32
    %mul3A_130 = arith.muli %arg1, %mul3A_129 : i32
    %dma_wait3A_131 = arith.constant 0 : i32
    %dma_wait3A_132 = tpu.memref_slice %arg14[%mul3A_130, %dma_wait3A_131] : memref<10000x128xf32, #tpu.memory_space<vmem_shared>> -> memref<25x128xf32, #tpu.memory_space<vmem_shared>>
    %dma_wait3A_133 = arith.constant 0 : i32
    %dma_wait3A_134 = tpu.memref_slice %arg14[%mul3A_130, %dma_wait3A_133] : memref<10000x128xf32, #tpu.memory_space<vmem_shared>> -> memref<25x128xf32, #tpu.memory_space<vmem_shared>>
    tpu.wait_dma2 semaphore(%arg20 : memref<!tpu.dma_semaphore, #tpu.memory_space<semaphore_mem>>) src(%arg13 : memref<25x128xf32, #tpu.memory_space<vmem>>) dst(%dma_wait3A_134 : memref<25x128xf32, #tpu.memory_space<vmem_shared>>)
    %mul3A_135 = arith.constant 625 : i32
    %mul3A_136 = arith.muli %arg1, %mul3A_135 : i32
    %dma_wait3A_137 = arith.constant 0 : i32
    %dma_wait3A_138 = tpu.memref_slice %arg14[%mul3A_136, %dma_wait3A_137] : memref<10000x128xf32, #tpu.memory_space<vmem_shared>> -> memref<25x128xf32, #tpu.memory_space<vmem_shared>>
    %dma_wait3A_139 = arith.constant 0 : i32
    %dma_wait3A_140 = tpu.memref_slice %arg14[%mul3A_136, %dma_wait3A_139] : memref<10000x128xf32, #tpu.memory_space<vmem_shared>> -> memref<25x128xf32, #tpu.memory_space<vmem_shared>>
    tpu.wait_dma2 semaphore(%arg20 : memref<!tpu.dma_semaphore, #tpu.memory_space<semaphore_mem>>) src(%arg13 : memref<25x128xf32, #tpu.memory_space<vmem>>) dst(%dma_wait3A_140 : memref<25x128xf32, #tpu.memory_space<vmem_shared>>)
    %mul3A_141 = arith.constant 625 : i32
    %mul3A_142 = arith.muli %arg1, %mul3A_141 : i32
    %dma_wait3A_143 = arith.constant 0 : i32
    %dma_wait3A_144 = tpu.memref_slice %arg14[%mul3A_142, %dma_wait3A_143] : memref<10000x128xf32, #tpu.memory_space<vmem_shared>> -> memref<25x128xf32, #tpu.memory_space<vmem_shared>>
    %dma_wait3A_145 = arith.constant 0 : i32
    %dma_wait3A_146 = tpu.memref_slice %arg14[%mul3A_142, %dma_wait3A_145] : memref<10000x128xf32, #tpu.memory_space<vmem_shared>> -> memref<25x128xf32, #tpu.memory_space<vmem_shared>>
    tpu.wait_dma2 semaphore(%arg20 : memref<!tpu.dma_semaphore, #tpu.memory_space<semaphore_mem>>) src(%arg13 : memref<25x128xf32, #tpu.memory_space<vmem>>) dst(%dma_wait3A_146 : memref<25x128xf32, #tpu.memory_space<vmem_shared>>)
    %mul3A_147 = arith.constant 625 : i32
    %mul3A_148 = arith.muli %arg1, %mul3A_147 : i32
    %dma_wait3A_149 = arith.constant 0 : i32
    %dma_wait3A_150 = tpu.memref_slice %arg14[%mul3A_148, %dma_wait3A_149] : memref<10000x128xf32, #tpu.memory_space<vmem_shared>> -> memref<25x128xf32, #tpu.memory_space<vmem_shared>>
    %dma_wait3A_151 = arith.constant 0 : i32
    %dma_wait3A_152 = tpu.memref_slice %arg14[%mul3A_148, %dma_wait3A_151] : memref<10000x128xf32, #tpu.memory_space<vmem_shared>> -> memref<25x128xf32, #tpu.memory_space<vmem_shared>>
    tpu.wait_dma2 semaphore(%arg20 : memref<!tpu.dma_semaphore, #tpu.memory_space<semaphore_mem>>) src(%arg13 : memref<25x128xf32, #tpu.memory_space<vmem>>) dst(%dma_wait3A_152 : memref<25x128xf32, #tpu.memory_space<vmem_shared>>)
    %mul3A_153 = arith.constant 625 : i32
    %mul3A_154 = arith.muli %arg1, %mul3A_153 : i32
    %dma_wait3A_155 = arith.constant 0 : i32
    %dma_wait3A_156 = tpu.memref_slice %arg14[%mul3A_154, %dma_wait3A_155] : memref<10000x128xf32, #tpu.memory_space<vmem_shared>> -> memref<25x128xf32, #tpu.memory_space<vmem_shared>>
    %dma_wait3A_157 = arith.constant 0 : i32
    %dma_wait3A_158 = tpu.memref_slice %arg14[%mul3A_154, %dma_wait3A_157] : memref<10000x128xf32, #tpu.memory_space<vmem_shared>> -> memref<25x128xf32, #tpu.memory_space<vmem_shared>>
    tpu.wait_dma2 semaphore(%arg20 : memref<!tpu.dma_semaphore, #tpu.memory_space<semaphore_mem>>) src(%arg13 : memref<25x128xf32, #tpu.memory_space<vmem>>) dst(%dma_wait3A_158 : memref<25x128xf32, #tpu.memory_space<vmem_shared>>)
    %mul3A_159 = arith.constant 625 : i32
    %mul3A_160 = arith.muli %arg1, %mul3A_159 : i32
    %dma_wait3A_161 = arith.constant 0 : i32
    %dma_wait3A_162 = tpu.memref_slice %arg14[%mul3A_160, %dma_wait3A_161] : memref<10000x128xf32, #tpu.memory_space<vmem_shared>> -> memref<25x128xf32, #tpu.memory_space<vmem_shared>>
    %dma_wait3A_163 = arith.constant 0 : i32
    %dma_wait3A_164 = tpu.memref_slice %arg14[%mul3A_160, %dma_wait3A_163] : memref<10000x128xf32, #tpu.memory_space<vmem_shared>> -> memref<25x128xf32, #tpu.memory_space<vmem_shared>>
    tpu.wait_dma2 semaphore(%arg20 : memref<!tpu.dma_semaphore, #tpu.memory_space<semaphore_mem>>) src(%arg13 : memref<25x128xf32, #tpu.memory_space<vmem>>) dst(%dma_wait3A_164 : memref<25x128xf32, #tpu.memory_space<vmem_shared>>)
    %mul3A_165 = arith.constant 625 : i32
    %mul3A_166 = arith.muli %arg1, %mul3A_165 : i32
    %dma_wait3A_167 = arith.constant 0 : i32
    %dma_wait3A_168 = tpu.memref_slice %arg14[%mul3A_166, %dma_wait3A_167] : memref<10000x128xf32, #tpu.memory_space<vmem_shared>> -> memref<25x128xf32, #tpu.memory_space<vmem_shared>>
    %dma_wait3A_169 = arith.constant 0 : i32
    %dma_wait3A_170 = tpu.memref_slice %arg14[%mul3A_166, %dma_wait3A_169] : memref<10000x128xf32, #tpu.memory_space<vmem_shared>> -> memref<25x128xf32, #tpu.memory_space<vmem_shared>>
    tpu.wait_dma2 semaphore(%arg20 : memref<!tpu.dma_semaphore, #tpu.memory_space<semaphore_mem>>) src(%arg13 : memref<25x128xf32, #tpu.memory_space<vmem>>) dst(%dma_wait3A_170 : memref<25x128xf32, #tpu.memory_space<vmem_shared>>)
    %mul3A_171 = arith.constant 625 : i32
    %mul3A_172 = arith.muli %arg1, %mul3A_171 : i32
    %dma_wait3A_173 = arith.constant 0 : i32
    %dma_wait3A_174 = tpu.memref_slice %arg14[%mul3A_172, %dma_wait3A_173] : memref<10000x128xf32, #tpu.memory_space<vmem_shared>> -> memref<25x128xf32, #tpu.memory_space<vmem_shared>>
    %dma_wait3A_175 = arith.constant 0 : i32
    %dma_wait3A_176 = tpu.memref_slice %arg14[%mul3A_172, %dma_wait3A_175] : memref<10000x128xf32, #tpu.memory_space<vmem_shared>> -> memref<25x128xf32, #tpu.memory_space<vmem_shared>>
    tpu.wait_dma2 semaphore(%arg20 : memref<!tpu.dma_semaphore, #tpu.memory_space<semaphore_mem>>) src(%arg13 : memref<25x128xf32, #tpu.memory_space<vmem>>) dst(%dma_wait3A_176 : memref<25x128xf32, #tpu.memory_space<vmem_shared>>)
    %mul3A_177 = arith.constant 625 : i32
    %mul3A_178 = arith.muli %arg1, %mul3A_177 : i32
    %dma_wait3A_179 = arith.constant 0 : i32
    %dma_wait3A_180 = tpu.memref_slice %arg14[%mul3A_178, %dma_wait3A_179] : memref<10000x128xf32, #tpu.memory_space<vmem_shared>> -> memref<25x128xf32, #tpu.memory_space<vmem_shared>>
    %dma_wait3A_181 = arith.constant 0 : i32
    %dma_wait3A_182 = tpu.memref_slice %arg14[%mul3A_178, %dma_wait3A_181] : memref<10000x128xf32, #tpu.memory_space<vmem_shared>> -> memref<25x128xf32, #tpu.memory_space<vmem_shared>>
    tpu.wait_dma2 semaphore(%arg20 : memref<!tpu.dma_semaphore, #tpu.memory_space<semaphore_mem>>) src(%arg13 : memref<25x128xf32, #tpu.memory_space<vmem>>) dst(%dma_wait3A_182 : memref<25x128xf32, #tpu.memory_space<vmem_shared>>)
    %mul3A_183 = arith.constant 625 : i32
    %mul3A_184 = arith.muli %arg1, %mul3A_183 : i32
    %dma_wait3A_185 = arith.constant 0 : i32
    %dma_wait3A_186 = tpu.memref_slice %arg14[%mul3A_184, %dma_wait3A_185] : memref<10000x128xf32, #tpu.memory_space<vmem_shared>> -> memref<25x128xf32, #tpu.memory_space<vmem_shared>>
    %dma_wait3A_187 = arith.constant 0 : i32
    %dma_wait3A_188 = tpu.memref_slice %arg14[%mul3A_184, %dma_wait3A_187] : memref<10000x128xf32, #tpu.memory_space<vmem_shared>> -> memref<25x128xf32, #tpu.memory_space<vmem_shared>>
    tpu.wait_dma2 semaphore(%arg20 : memref<!tpu.dma_semaphore, #tpu.memory_space<semaphore_mem>>) src(%arg13 : memref<25x128xf32, #tpu.memory_space<vmem>>) dst(%dma_wait3A_188 : memref<25x128xf32, #tpu.memory_space<vmem_shared>>)
    %barrier3A = arith.constant 0 : index
    tpu.barrier barrier_id(%barrier3A)
    %scan3A_189 = arith.constant 0 : i32
    %scan3A_190 = arith.constant 0 : i32
    %scan3A_191 = arith.constant 50 : i32
    %scan3A_192 = arith.addi %scan3A_190, %scan3A_191 : i32
    %scan3A_193 = arith.constant 1 : i32
    scf.for %scan3A_306 = %scan3A_190 to %scan3A_192 step %scan3A_193  : i32 {
      %mul3A_307 = arith.constant 5 : i32
      %mul3A_308 = arith.muli %scan3A_306, %mul3A_307 : i32
      %add3A_309 = arith.constant 0 : i32
      %add3A_310 = arith.addi %mul3A_308, %add3A_309 : i32
      %dma_wait3A_311 = arith.constant 0 : i32
      %dma_wait3A_312 = tpu.memref_slice %arg6[%add3A_310, %dma_wait3A_311] : memref<250x40xi32, #tpu.memory_space<vmem>> -> memref<1x40xi32, #tpu.memory_space<vmem>>
      %dma_wait3A_313 = tpu.memref_squeeze %dma_wait3A_312 : memref<1x40xi32, #tpu.memory_space<vmem>> -> memref<40xi32, #tpu.memory_space<vmem>>
      %dma_wait3A_314 = arith.constant 0 : i32
      %dma_wait3A_315 = arith.constant 0 : i32
      %dma_wait3A_316 = tpu.memref_slice %arg2[%dma_wait3A_314, %dma_wait3A_315] : memref<10000x128xf32, #tpu.memory_space<hbm>> -> memref<10000x128xf32, #tpu.memory_space<hbm>>
      tpu.wait_indirect_dma semaphore(%arg15 : memref<!tpu.dma_semaphore, #tpu.memory_space<semaphore_mem>>) src(%dma_wait3A_316 : memref<10000x128xf32, #tpu.memory_space<hbm>>) dst(%arg8 : memref<40x128xf32, #tpu.memory_space<vmem>>)
      %le3A = arith.constant 245 : i32
      %le3A_317 = arith.cmpi sle, %add3A_310, %le3A : i32
      %convert_element_type3A = arith.extui %le3A_317 : i1 to i32
      %cond3A = arith.constant 0 : i32
      %cond3A_318 = arith.cmpi ne, %convert_element_type3A, %cond3A : i32
      scf.if %cond3A_318 {
        %add3A_379 = arith.constant 5 : i32
        %add3A_380 = arith.addi %add3A_310, %add3A_379 : i32
        %sub3A = arith.constant 1 : i32
        %sub3A_381 = arith.subi %add3A_380, %sub3A : i32
        %dma_start3A_382 = arith.constant 0 : i32
        %dma_start3A_383 = tpu.memref_slice %arg6[%sub3A_381, %dma_start3A_382] : memref<250x40xi32, #tpu.memory_space<vmem>> -> memref<1x40xi32, #tpu.memory_space<vmem>>
        %dma_start3A_384 = tpu.memref_squeeze %dma_start3A_383 : memref<1x40xi32, #tpu.memory_space<vmem>> -> memref<40xi32, #tpu.memory_space<vmem>>
        %dma_start3A_385 = arith.constant 0 : i32
        %dma_start3A_386 = arith.constant 0 : i32
        %dma_start3A_387 = tpu.memref_slice %arg2[%dma_start3A_385, %dma_start3A_386] : memref<10000x128xf32, #tpu.memory_space<hbm>> -> memref<10000x128xf32, #tpu.memory_space<hbm>>
        tpu.enqueue_indirect_dma source(%dma_start3A_387 : memref<10000x128xf32, #tpu.memory_space<hbm>>) target(%arg12 : memref<40x128xf32, #tpu.memory_space<vmem>>) offsets(%dma_start3A_384 : memref<40xi32, #tpu.memory_space<vmem>>) semaphore(%arg19 : memref<!tpu.dma_semaphore, #tpu.memory_space<semaphore_mem>>)
      } else {
      }
      "tpu.region"() ({
        %run_scoped3A = tpu.sem_alloc : memref<!tpu.dma_semaphore, #tpu.memory_space<semaphore_mem>>
        %dma_start3A_379 = arith.constant 0 : i32
        %dma_start3A_380 = tpu.memref_slice %arg7[%add3A_310, %dma_start3A_379] : memref<250x40xi32, #tpu.memory_space<vmem>> -> memref<1x40xi32, #tpu.memory_space<vmem>>
        %dma_start3A_381 = tpu.memref_squeeze %dma_start3A_380 : memref<1x40xi32, #tpu.memory_space<vmem>> -> memref<40xi32, #tpu.memory_space<vmem>>
        %dma_start3A_382 = arith.constant 0 : i32
        %dma_start3A_383 = arith.constant 0 : i32
        %dma_start3A_384 = tpu.memref_slice %arg14[%dma_start3A_382, %dma_start3A_383] : memref<10000x128xf32, #tpu.memory_space<vmem_shared>> -> memref<10000x128xf32, #tpu.memory_space<vmem_shared>>
        tpu.enqueue_indirect_dma source(%arg8 : memref<40x128xf32, #tpu.memory_space<vmem>>) target(%dma_start3A_384 : memref<10000x128xf32, #tpu.memory_space<vmem_shared>>) offsets(%dma_start3A_381 : memref<40xi32, #tpu.memory_space<vmem>>) semaphore(%run_scoped3A : memref<!tpu.dma_semaphore, #tpu.memory_space<semaphore_mem>>) {add = true}
        %dma_wait3A_385 = arith.constant 0 : i32
        %dma_wait3A_386 = tpu.memref_slice %arg7[%add3A_310, %dma_wait3A_385] : memref<250x40xi32, #tpu.memory_space<vmem>> -> memref<1x40xi32, #tpu.memory_space<vmem>>
        %dma_wait3A_387 = tpu.memref_squeeze %dma_wait3A_386 : memref<1x40xi32, #tpu.memory_space<vmem>> -> memref<40xi32, #tpu.memory_space<vmem>>
        %dma_wait3A_388 = arith.constant 0 : i32
        %dma_wait3A_389 = arith.constant 0 : i32
        %dma_wait3A_390 = tpu.memref_slice %arg14[%dma_wait3A_388, %dma_wait3A_389] : memref<10000x128xf32, #tpu.memory_space<vmem_shared>> -> memref<10000x128xf32, #tpu.memory_space<vmem_shared>>
        tpu.wait_indirect_dma semaphore(%run_scoped3A : memref<!tpu.dma_semaphore, #tpu.memory_space<semaphore_mem>>) src(%arg8 : memref<40x128xf32, #tpu.memory_space<vmem>>) dst(%dma_wait3A_390 : memref<10000x128xf32, #tpu.memory_space<vmem_shared>>)
        tpu.yield
      }) : () -> ()
      %mul3A_319 = arith.constant 5 : i32
      %mul3A_320 = arith.muli %scan3A_306, %mul3A_319 : i32
      %add3A_321 = arith.constant 1 : i32
      %add3A_322 = arith.addi %mul3A_320, %add3A_321 : i32
      %dma_wait3A_323 = arith.constant 0 : i32
      %dma_wait3A_324 = tpu.memref_slice %arg6[%add3A_322, %dma_wait3A_323] : memref<250x40xi32, #tpu.memory_space<vmem>> -> memref<1x40xi32, #tpu.memory_space<vmem>>
      %dma_wait3A_325 = tpu.memref_squeeze %dma_wait3A_324 : memref<1x40xi32, #tpu.memory_space<vmem>> -> memref<40xi32, #tpu.memory_space<vmem>>
      %dma_wait3A_326 = arith.constant 0 : i32
      %dma_wait3A_327 = arith.constant 0 : i32
      %dma_wait3A_328 = tpu.memref_slice %arg2[%dma_wait3A_326, %dma_wait3A_327] : memref<10000x128xf32, #tpu.memory_space<hbm>> -> memref<10000x128xf32, #tpu.memory_space<hbm>>
      tpu.wait_indirect_dma semaphore(%arg16 : memref<!tpu.dma_semaphore, #tpu.memory_space<semaphore_mem>>) src(%dma_wait3A_328 : memref<10000x128xf32, #tpu.memory_space<hbm>>) dst(%arg9 : memref<40x128xf32, #tpu.memory_space<vmem>>)
      %le3A_329 = arith.constant 245 : i32
      %le3A_330 = arith.cmpi sle, %add3A_322, %le3A_329 : i32
      %convert_element_type3A_331 = arith.extui %le3A_330 : i1 to i32
      %cond3A_332 = arith.constant 0 : i32
      %cond3A_333 = arith.cmpi ne, %convert_element_type3A_331, %cond3A_332 : i32
      scf.if %cond3A_333 {
        %add3A_379 = arith.constant 5 : i32
        %add3A_380 = arith.addi %add3A_322, %add3A_379 : i32
        %sub3A = arith.constant 1 : i32
        %sub3A_381 = arith.subi %add3A_380, %sub3A : i32
        %dma_start3A_382 = arith.constant 0 : i32
        %dma_start3A_383 = tpu.memref_slice %arg6[%sub3A_381, %dma_start3A_382] : memref<250x40xi32, #tpu.memory_space<vmem>> -> memref<1x40xi32, #tpu.memory_space<vmem>>
        %dma_start3A_384 = tpu.memref_squeeze %dma_start3A_383 : memref<1x40xi32, #tpu.memory_space<vmem>> -> memref<40xi32, #tpu.memory_space<vmem>>
        %dma_start3A_385 = arith.constant 0 : i32
        %dma_start3A_386 = arith.constant 0 : i32
        %dma_start3A_387 = tpu.memref_slice %arg2[%dma_start3A_385, %dma_start3A_386] : memref<10000x128xf32, #tpu.memory_space<hbm>> -> memref<10000x128xf32, #tpu.memory_space<hbm>>
        tpu.enqueue_indirect_dma source(%dma_start3A_387 : memref<10000x128xf32, #tpu.memory_space<hbm>>) target(%arg8 : memref<40x128xf32, #tpu.memory_space<vmem>>) offsets(%dma_start3A_384 : memref<40xi32, #tpu.memory_space<vmem>>) semaphore(%arg15 : memref<!tpu.dma_semaphore, #tpu.memory_space<semaphore_mem>>)
      } else {
      }
      "tpu.region"() ({
        %run_scoped3A = tpu.sem_alloc : memref<!tpu.dma_semaphore, #tpu.memory_space<semaphore_mem>>
        %dma_start3A_379 = arith.constant 0 : i32
        %dma_start3A_380 = tpu.memref_slice %arg7[%add3A_322, %dma_start3A_379] : memref<250x40xi32, #tpu.memory_space<vmem>> -> memref<1x40xi32, #tpu.memory_space<vmem>>
        %dma_start3A_381 = tpu.memref_squeeze %dma_start3A_380 : memref<1x40xi32, #tpu.memory_space<vmem>> -> memref<40xi32, #tpu.memory_space<vmem>>
        %dma_start3A_382 = arith.constant 0 : i32
        %dma_start3A_383 = arith.constant 0 : i32
        %dma_start3A_384 = tpu.memref_slice %arg14[%dma_start3A_382, %dma_start3A_383] : memref<10000x128xf32, #tpu.memory_space<vmem_shared>> -> memref<10000x128xf32, #tpu.memory_space<vmem_shared>>
        tpu.enqueue_indirect_dma source(%arg9 : memref<40x128xf32, #tpu.memory_space<vmem>>) target(%dma_start3A_384 : memref<10000x128xf32, #tpu.memory_space<vmem_shared>>) offsets(%dma_start3A_381 : memref<40xi32, #tpu.memory_space<vmem>>) semaphore(%run_scoped3A : memref<!tpu.dma_semaphore, #tpu.memory_space<semaphore_mem>>) {add = true}
        %dma_wait3A_385 = arith.constant 0 : i32
        %dma_wait3A_386 = tpu.memref_slice %arg7[%add3A_322, %dma_wait3A_385] : memref<250x40xi32, #tpu.memory_space<vmem>> -> memref<1x40xi32, #tpu.memory_space<vmem>>
        %dma_wait3A_387 = tpu.memref_squeeze %dma_wait3A_386 : memref<1x40xi32, #tpu.memory_space<vmem>> -> memref<40xi32, #tpu.memory_space<vmem>>
        %dma_wait3A_388 = arith.constant 0 : i32
        %dma_wait3A_389 = arith.constant 0 : i32
        %dma_wait3A_390 = tpu.memref_slice %arg14[%dma_wait3A_388, %dma_wait3A_389] : memref<10000x128xf32, #tpu.memory_space<vmem_shared>> -> memref<10000x128xf32, #tpu.memory_space<vmem_shared>>
        tpu.wait_indirect_dma semaphore(%run_scoped3A : memref<!tpu.dma_semaphore, #tpu.memory_space<semaphore_mem>>) src(%arg9 : memref<40x128xf32, #tpu.memory_space<vmem>>) dst(%dma_wait3A_390 : memref<10000x128xf32, #tpu.memory_space<vmem_shared>>)
        tpu.yield
      }) : () -> ()
      %mul3A_334 = arith.constant 5 : i32
      %mul3A_335 = arith.muli %scan3A_306, %mul3A_334 : i32
      %add3A_336 = arith.constant 2 : i32
      %add3A_337 = arith.addi %mul3A_335, %add3A_336 : i32
      %dma_wait3A_338 = arith.constant 0 : i32
      %dma_wait3A_339 = tpu.memref_slice %arg6[%add3A_337, %dma_wait3A_338] : memref<250x40xi32, #tpu.memory_space<vmem>> -> memref<1x40xi32, #tpu.memory_space<vmem>>
      %dma_wait3A_340 = tpu.memref_squeeze %dma_wait3A_339 : memref<1x40xi32, #tpu.memory_space<vmem>> -> memref<40xi32, #tpu.memory_space<vmem>>
      %dma_wait3A_341 = arith.constant 0 : i32
      %dma_wait3A_342 = arith.constant 0 : i32
      %dma_wait3A_343 = tpu.memref_slice %arg2[%dma_wait3A_341, %dma_wait3A_342] : memref<10000x128xf32, #tpu.memory_space<hbm>> -> memref<10000x128xf32, #tpu.memory_space<hbm>>
      tpu.wait_indirect_dma semaphore(%arg17 : memref<!tpu.dma_semaphore, #tpu.memory_space<semaphore_mem>>) src(%dma_wait3A_343 : memref<10000x128xf32, #tpu.memory_space<hbm>>) dst(%arg10 : memref<40x128xf32, #tpu.memory_space<vmem>>)
      %le3A_344 = arith.constant 245 : i32
      %le3A_345 = arith.cmpi sle, %add3A_337, %le3A_344 : i32
      %convert_element_type3A_346 = arith.extui %le3A_345 : i1 to i32
      %cond3A_347 = arith.constant 0 : i32
      %cond3A_348 = arith.cmpi ne, %convert_element_type3A_346, %cond3A_347 : i32
      scf.if %cond3A_348 {
        %add3A_379 = arith.constant 5 : i32
        %add3A_380 = arith.addi %add3A_337, %add3A_379 : i32
        %sub3A = arith.constant 1 : i32
        %sub3A_381 = arith.subi %add3A_380, %sub3A : i32
        %dma_start3A_382 = arith.constant 0 : i32
        %dma_start3A_383 = tpu.memref_slice %arg6[%sub3A_381, %dma_start3A_382] : memref<250x40xi32, #tpu.memory_space<vmem>> -> memref<1x40xi32, #tpu.memory_space<vmem>>
        %dma_start3A_384 = tpu.memref_squeeze %dma_start3A_383 : memref<1x40xi32, #tpu.memory_space<vmem>> -> memref<40xi32, #tpu.memory_space<vmem>>
        %dma_start3A_385 = arith.constant 0 : i32
        %dma_start3A_386 = arith.constant 0 : i32
        %dma_start3A_387 = tpu.memref_slice %arg2[%dma_start3A_385, %dma_start3A_386] : memref<10000x128xf32, #tpu.memory_space<hbm>> -> memref<10000x128xf32, #tpu.memory_space<hbm>>
        tpu.enqueue_indirect_dma source(%dma_start3A_387 : memref<10000x128xf32, #tpu.memory_space<hbm>>) target(%arg9 : memref<40x128xf32, #tpu.memory_space<vmem>>) offsets(%dma_start3A_384 : memref<40xi32, #tpu.memory_space<vmem>>) semaphore(%arg16 : memref<!tpu.dma_semaphore, #tpu.memory_space<semaphore_mem>>)
      } else {
      }
      "tpu.region"() ({
        %run_scoped3A = tpu.sem_alloc : memref<!tpu.dma_semaphore, #tpu.memory_space<semaphore_mem>>
        %dma_start3A_379 = arith.constant 0 : i32
        %dma_start3A_380 = tpu.memref_slice %arg7[%add3A_337, %dma_start3A_379] : memref<250x40xi32, #tpu.memory_space<vmem>> -> memref<1x40xi32, #tpu.memory_space<vmem>>
        %dma_start3A_381 = tpu.memref_squeeze %dma_start3A_380 : memref<1x40xi32, #tpu.memory_space<vmem>> -> memref<40xi32, #tpu.memory_space<vmem>>
        %dma_start3A_382 = arith.constant 0 : i32
        %dma_start3A_383 = arith.constant 0 : i32
        %dma_start3A_384 = tpu.memref_slice %arg14[%dma_start3A_382, %dma_start3A_383] : memref<10000x128xf32, #tpu.memory_space<vmem_shared>> -> memref<10000x128xf32, #tpu.memory_space<vmem_shared>>
        tpu.enqueue_indirect_dma source(%arg10 : memref<40x128xf32, #tpu.memory_space<vmem>>) target(%dma_start3A_384 : memref<10000x128xf32, #tpu.memory_space<vmem_shared>>) offsets(%dma_start3A_381 : memref<40xi32, #tpu.memory_space<vmem>>) semaphore(%run_scoped3A : memref<!tpu.dma_semaphore, #tpu.memory_space<semaphore_mem>>) {add = true}
        %dma_wait3A_385 = arith.constant 0 : i32
        %dma_wait3A_386 = tpu.memref_slice %arg7[%add3A_337, %dma_wait3A_385] : memref<250x40xi32, #tpu.memory_space<vmem>> -> memref<1x40xi32, #tpu.memory_space<vmem>>
        %dma_wait3A_387 = tpu.memref_squeeze %dma_wait3A_386 : memref<1x40xi32, #tpu.memory_space<vmem>> -> memref<40xi32, #tpu.memory_space<vmem>>
        %dma_wait3A_388 = arith.constant 0 : i32
        %dma_wait3A_389 = arith.constant 0 : i32
        %dma_wait3A_390 = tpu.memref_slice %arg14[%dma_wait3A_388, %dma_wait3A_389] : memref<10000x128xf32, #tpu.memory_space<vmem_shared>> -> memref<10000x128xf32, #tpu.memory_space<vmem_shared>>
        tpu.wait_indirect_dma semaphore(%run_scoped3A : memref<!tpu.dma_semaphore, #tpu.memory_space<semaphore_mem>>) src(%arg10 : memref<40x128xf32, #tpu.memory_space<vmem>>) dst(%dma_wait3A_390 : memref<10000x128xf32, #tpu.memory_space<vmem_shared>>)
        tpu.yield
      }) : () -> ()
      %mul3A_349 = arith.constant 5 : i32
      %mul3A_350 = arith.muli %scan3A_306, %mul3A_349 : i32
      %add3A_351 = arith.constant 3 : i32
      %add3A_352 = arith.addi %mul3A_350, %add3A_351 : i32
      %dma_wait3A_353 = arith.constant 0 : i32
      %dma_wait3A_354 = tpu.memref_slice %arg6[%add3A_352, %dma_wait3A_353] : memref<250x40xi32, #tpu.memory_space<vmem>> -> memref<1x40xi32, #tpu.memory_space<vmem>>
      %dma_wait3A_355 = tpu.memref_squeeze %dma_wait3A_354 : memref<1x40xi32, #tpu.memory_space<vmem>> -> memref<40xi32, #tpu.memory_space<vmem>>
      %dma_wait3A_356 = arith.constant 0 : i32
      %dma_wait3A_357 = arith.constant 0 : i32
      %dma_wait3A_358 = tpu.memref_slice %arg2[%dma_wait3A_356, %dma_wait3A_357] : memref<10000x128xf32, #tpu.memory_space<hbm>> -> memref<10000x128xf32, #tpu.memory_space<hbm>>
      tpu.wait_indirect_dma semaphore(%arg18 : memref<!tpu.dma_semaphore, #tpu.memory_space<semaphore_mem>>) src(%dma_wait3A_358 : memref<10000x128xf32, #tpu.memory_space<hbm>>) dst(%arg11 : memref<40x128xf32, #tpu.memory_space<vmem>>)
      %le3A_359 = arith.constant 245 : i32
      %le3A_360 = arith.cmpi sle, %add3A_352, %le3A_359 : i32
      %convert_element_type3A_361 = arith.extui %le3A_360 : i1 to i32
      %cond3A_362 = arith.constant 0 : i32
      %cond3A_363 = arith.cmpi ne, %convert_element_type3A_361, %cond3A_362 : i32
      scf.if %cond3A_363 {
        %add3A_379 = arith.constant 5 : i32
        %add3A_380 = arith.addi %add3A_352, %add3A_379 : i32
        %sub3A = arith.constant 1 : i32
        %sub3A_381 = arith.subi %add3A_380, %sub3A : i32
        %dma_start3A_382 = arith.constant 0 : i32
        %dma_start3A_383 = tpu.memref_slice %arg6[%sub3A_381, %dma_start3A_382] : memref<250x40xi32, #tpu.memory_space<vmem>> -> memref<1x40xi32, #tpu.memory_space<vmem>>
        %dma_start3A_384 = tpu.memref_squeeze %dma_start3A_383 : memref<1x40xi32, #tpu.memory_space<vmem>> -> memref<40xi32, #tpu.memory_space<vmem>>
        %dma_start3A_385 = arith.constant 0 : i32
        %dma_start3A_386 = arith.constant 0 : i32
        %dma_start3A_387 = tpu.memref_slice %arg2[%dma_start3A_385, %dma_start3A_386] : memref<10000x128xf32, #tpu.memory_space<hbm>> -> memref<10000x128xf32, #tpu.memory_space<hbm>>
        tpu.enqueue_indirect_dma source(%dma_start3A_387 : memref<10000x128xf32, #tpu.memory_space<hbm>>) target(%arg10 : memref<40x128xf32, #tpu.memory_space<vmem>>) offsets(%dma_start3A_384 : memref<40xi32, #tpu.memory_space<vmem>>) semaphore(%arg17 : memref<!tpu.dma_semaphore, #tpu.memory_space<semaphore_mem>>)
      } else {
      }
      "tpu.region"() ({
        %run_scoped3A = tpu.sem_alloc : memref<!tpu.dma_semaphore, #tpu.memory_space<semaphore_mem>>
        %dma_start3A_379 = arith.constant 0 : i32
        %dma_start3A_380 = tpu.memref_slice %arg7[%add3A_352, %dma_start3A_379] : memref<250x40xi32, #tpu.memory_space<vmem>> -> memref<1x40xi32, #tpu.memory_space<vmem>>
        %dma_start3A_381 = tpu.memref_squeeze %dma_start3A_380 : memref<1x40xi32, #tpu.memory_space<vmem>> -> memref<40xi32, #tpu.memory_space<vmem>>
        %dma_start3A_382 = arith.constant 0 : i32
        %dma_start3A_383 = arith.constant 0 : i32
        %dma_start3A_384 = tpu.memref_slice %arg14[%dma_start3A_382, %dma_start3A_383] : memref<10000x128xf32, #tpu.memory_space<vmem_shared>> -> memref<10000x128xf32, #tpu.memory_space<vmem_shared>>
        tpu.enqueue_indirect_dma source(%arg11 : memref<40x128xf32, #tpu.memory_space<vmem>>) target(%dma_start3A_384 : memref<10000x128xf32, #tpu.memory_space<vmem_shared>>) offsets(%dma_start3A_381 : memref<40xi32, #tpu.memory_space<vmem>>) semaphore(%run_scoped3A : memref<!tpu.dma_semaphore, #tpu.memory_space<semaphore_mem>>) {add = true}
        %dma_wait3A_385 = arith.constant 0 : i32
        %dma_wait3A_386 = tpu.memref_slice %arg7[%add3A_352, %dma_wait3A_385] : memref<250x40xi32, #tpu.memory_space<vmem>> -> memref<1x40xi32, #tpu.memory_space<vmem>>
        %dma_wait3A_387 = tpu.memref_squeeze %dma_wait3A_386 : memref<1x40xi32, #tpu.memory_space<vmem>> -> memref<40xi32, #tpu.memory_space<vmem>>
        %dma_wait3A_388 = arith.constant 0 : i32
        %dma_wait3A_389 = arith.constant 0 : i32
        %dma_wait3A_390 = tpu.memref_slice %arg14[%dma_wait3A_388, %dma_wait3A_389] : memref<10000x128xf32, #tpu.memory_space<vmem_shared>> -> memref<10000x128xf32, #tpu.memory_space<vmem_shared>>
        tpu.wait_indirect_dma semaphore(%run_scoped3A : memref<!tpu.dma_semaphore, #tpu.memory_space<semaphore_mem>>) src(%arg11 : memref<40x128xf32, #tpu.memory_space<vmem>>) dst(%dma_wait3A_390 : memref<10000x128xf32, #tpu.memory_space<vmem_shared>>)
        tpu.yield
      }) : () -> ()
      %mul3A_364 = arith.constant 5 : i32
      %mul3A_365 = arith.muli %scan3A_306, %mul3A_364 : i32
      %add3A_366 = arith.constant 4 : i32
      %add3A_367 = arith.addi %mul3A_365, %add3A_366 : i32
      %dma_wait3A_368 = arith.constant 0 : i32
      %dma_wait3A_369 = tpu.memref_slice %arg6[%add3A_367, %dma_wait3A_368] : memref<250x40xi32, #tpu.memory_space<vmem>> -> memref<1x40xi32, #tpu.memory_space<vmem>>
      %dma_wait3A_370 = tpu.memref_squeeze %dma_wait3A_369 : memref<1x40xi32, #tpu.memory_space<vmem>> -> memref<40xi32, #tpu.memory_space<vmem>>
      %dma_wait3A_371 = arith.constant 0 : i32
      %dma_wait3A_372 = arith.constant 0 : i32
      %dma_wait3A_373 = tpu.memref_slice %arg2[%dma_wait3A_371, %dma_wait3A_372] : memref<10000x128xf32, #tpu.memory_space<hbm>> -> memref<10000x128xf32, #tpu.memory_space<hbm>>
      tpu.wait_indirect_dma semaphore(%arg19 : memref<!tpu.dma_semaphore, #tpu.memory_space<semaphore_mem>>) src(%dma_wait3A_373 : memref<10000x128xf32, #tpu.memory_space<hbm>>) dst(%arg12 : memref<40x128xf32, #tpu.memory_space<vmem>>)
      %le3A_374 = arith.constant 245 : i32
      %le3A_375 = arith.cmpi sle, %add3A_367, %le3A_374 : i32
      %convert_element_type3A_376 = arith.extui %le3A_375 : i1 to i32
      %cond3A_377 = arith.constant 0 : i32
      %cond3A_378 = arith.cmpi ne, %convert_element_type3A_376, %cond3A_377 : i32
      scf.if %cond3A_378 {
        %add3A_379 = arith.constant 5 : i32
        %add3A_380 = arith.addi %add3A_367, %add3A_379 : i32
        %sub3A = arith.constant 1 : i32
        %sub3A_381 = arith.subi %add3A_380, %sub3A : i32
        %dma_start3A_382 = arith.constant 0 : i32
        %dma_start3A_383 = tpu.memref_slice %arg6[%sub3A_381, %dma_start3A_382] : memref<250x40xi32, #tpu.memory_space<vmem>> -> memref<1x40xi32, #tpu.memory_space<vmem>>
        %dma_start3A_384 = tpu.memref_squeeze %dma_start3A_383 : memref<1x40xi32, #tpu.memory_space<vmem>> -> memref<40xi32, #tpu.memory_space<vmem>>
        %dma_start3A_385 = arith.constant 0 : i32
        %dma_start3A_386 = arith.constant 0 : i32
        %dma_start3A_387 = tpu.memref_slice %arg2[%dma_start3A_385, %dma_start3A_386] : memref<10000x128xf32, #tpu.memory_space<hbm>> -> memref<10000x128xf32, #tpu.memory_space<hbm>>
        tpu.enqueue_indirect_dma source(%dma_start3A_387 : memref<10000x128xf32, #tpu.memory_space<hbm>>) target(%arg11 : memref<40x128xf32, #tpu.memory_space<vmem>>) offsets(%dma_start3A_384 : memref<40xi32, #tpu.memory_space<vmem>>) semaphore(%arg18 : memref<!tpu.dma_semaphore, #tpu.memory_space<semaphore_mem>>)
      } else {
      }
      "tpu.region"() ({
        %run_scoped3A = tpu.sem_alloc : memref<!tpu.dma_semaphore, #tpu.memory_space<semaphore_mem>>
        %dma_start3A_379 = arith.constant 0 : i32
        %dma_start3A_380 = tpu.memref_slice %arg7[%add3A_367, %dma_start3A_379] : memref<250x40xi32, #tpu.memory_space<vmem>> -> memref<1x40xi32, #tpu.memory_space<vmem>>
        %dma_start3A_381 = tpu.memref_squeeze %dma_start3A_380 : memref<1x40xi32, #tpu.memory_space<vmem>> -> memref<40xi32, #tpu.memory_space<vmem>>
        %dma_start3A_382 = arith.constant 0 : i32
        %dma_start3A_383 = arith.constant 0 : i32
        %dma_start3A_384 = tpu.memref_slice %arg14[%dma_start3A_382, %dma_start3A_383] : memref<10000x128xf32, #tpu.memory_space<vmem_shared>> -> memref<10000x128xf32, #tpu.memory_space<vmem_shared>>
        tpu.enqueue_indirect_dma source(%arg12 : memref<40x128xf32, #tpu.memory_space<vmem>>) target(%dma_start3A_384 : memref<10000x128xf32, #tpu.memory_space<vmem_shared>>) offsets(%dma_start3A_381 : memref<40xi32, #tpu.memory_space<vmem>>) semaphore(%run_scoped3A : memref<!tpu.dma_semaphore, #tpu.memory_space<semaphore_mem>>) {add = true}
        %dma_wait3A_385 = arith.constant 0 : i32
        %dma_wait3A_386 = tpu.memref_slice %arg7[%add3A_367, %dma_wait3A_385] : memref<250x40xi32, #tpu.memory_space<vmem>> -> memref<1x40xi32, #tpu.memory_space<vmem>>
        %dma_wait3A_387 = tpu.memref_squeeze %dma_wait3A_386 : memref<1x40xi32, #tpu.memory_space<vmem>> -> memref<40xi32, #tpu.memory_space<vmem>>
        %dma_wait3A_388 = arith.constant 0 : i32
        %dma_wait3A_389 = arith.constant 0 : i32
        %dma_wait3A_390 = tpu.memref_slice %arg14[%dma_wait3A_388, %dma_wait3A_389] : memref<10000x128xf32, #tpu.memory_space<vmem_shared>> -> memref<10000x128xf32, #tpu.memory_space<vmem_shared>>
        tpu.wait_indirect_dma semaphore(%run_scoped3A : memref<!tpu.dma_semaphore, #tpu.memory_space<semaphore_mem>>) src(%arg12 : memref<40x128xf32, #tpu.memory_space<vmem>>) dst(%dma_wait3A_390 : memref<10000x128xf32, #tpu.memory_space<vmem_shared>>)
        tpu.yield
      }) : () -> ()
    }
    %scan3A_194 = arith.constant 50 : i32
    %barrier3A_195 = arith.constant 0 : index
    tpu.barrier barrier_id(%barrier3A_195)
    %mul3A_196 = arith.constant 625 : i32
    %mul3A_197 = arith.muli %arg1, %mul3A_196 : i32
    %add3A_198 = arith.constant 0 : i32
    %add3A_199 = arith.addi %mul3A_197, %add3A_198 : i32
    %mul3A_200 = arith.constant 10000 : i32
    %mul3A_201 = arith.muli %arg0, %mul3A_200 : i32
    %add3A_202 = arith.addi %mul3A_201, %add3A_199 : i32
    %dma_start3A_203 = arith.constant 0 : i32
    %dma_start3A_204 = tpu.memref_slice %arg5[%add3A_202, %dma_start3A_203] : memref<20000x128xf32, #tpu.memory_space<hbm>> -> memref<125x128xf32, #tpu.memory_space<hbm>>
    %dma_start3A_205 = arith.constant 0 : i32
    %dma_start3A_206 = tpu.memref_slice %arg14[%add3A_199, %dma_start3A_205] : memref<10000x128xf32, #tpu.memory_space<vmem_shared>> -> memref<125x128xf32, #tpu.memory_space<vmem_shared>>
    tpu.enqueue_dma source(%dma_start3A_206 : memref<125x128xf32, #tpu.memory_space<vmem_shared>>) target(%dma_start3A_204 : memref<125x128xf32, #tpu.memory_space<hbm>>) target_semaphore(%arg20 : memref<!tpu.dma_semaphore, #tpu.memory_space<semaphore_mem>>)
    %mul3A_207 = arith.constant 625 : i32
    %mul3A_208 = arith.muli %arg1, %mul3A_207 : i32
    %add3A_209 = arith.constant 125 : i32
    %add3A_210 = arith.addi %mul3A_208, %add3A_209 : i32
    %mul3A_211 = arith.constant 10000 : i32
    %mul3A_212 = arith.muli %arg0, %mul3A_211 : i32
    %add3A_213 = arith.addi %mul3A_212, %add3A_210 : i32
    %dma_start3A_214 = arith.constant 0 : i32
    %dma_start3A_215 = tpu.memref_slice %arg5[%add3A_213, %dma_start3A_214] : memref<20000x128xf32, #tpu.memory_space<hbm>> -> memref<125x128xf32, #tpu.memory_space<hbm>>
    %dma_start3A_216 = arith.constant 0 : i32
    %dma_start3A_217 = tpu.memref_slice %arg14[%add3A_210, %dma_start3A_216] : memref<10000x128xf32, #tpu.memory_space<vmem_shared>> -> memref<125x128xf32, #tpu.memory_space<vmem_shared>>
    tpu.enqueue_dma source(%dma_start3A_217 : memref<125x128xf32, #tpu.memory_space<vmem_shared>>) target(%dma_start3A_215 : memref<125x128xf32, #tpu.memory_space<hbm>>) target_semaphore(%arg20 : memref<!tpu.dma_semaphore, #tpu.memory_space<semaphore_mem>>)
    %mul3A_218 = arith.constant 625 : i32
    %mul3A_219 = arith.muli %arg1, %mul3A_218 : i32
    %add3A_220 = arith.constant 250 : i32
    %add3A_221 = arith.addi %mul3A_219, %add3A_220 : i32
    %mul3A_222 = arith.constant 10000 : i32
    %mul3A_223 = arith.muli %arg0, %mul3A_222 : i32
    %add3A_224 = arith.addi %mul3A_223, %add3A_221 : i32
    %dma_start3A_225 = arith.constant 0 : i32
    %dma_start3A_226 = tpu.memref_slice %arg5[%add3A_224, %dma_start3A_225] : memref<20000x128xf32, #tpu.memory_space<hbm>> -> memref<125x128xf32, #tpu.memory_space<hbm>>
    %dma_start3A_227 = arith.constant 0 : i32
    %dma_start3A_228 = tpu.memref_slice %arg14[%add3A_221, %dma_start3A_227] : memref<10000x128xf32, #tpu.memory_space<vmem_shared>> -> memref<125x128xf32, #tpu.memory_space<vmem_shared>>
    tpu.enqueue_dma source(%dma_start3A_228 : memref<125x128xf32, #tpu.memory_space<vmem_shared>>) target(%dma_start3A_226 : memref<125x128xf32, #tpu.memory_space<hbm>>) target_semaphore(%arg20 : memref<!tpu.dma_semaphore, #tpu.memory_space<semaphore_mem>>)
    %mul3A_229 = arith.constant 625 : i32
    %mul3A_230 = arith.muli %arg1, %mul3A_229 : i32
    %add3A_231 = arith.constant 375 : i32
    %add3A_232 = arith.addi %mul3A_230, %add3A_231 : i32
    %mul3A_233 = arith.constant 10000 : i32
    %mul3A_234 = arith.muli %arg0, %mul3A_233 : i32
    %add3A_235 = arith.addi %mul3A_234, %add3A_232 : i32
    %dma_start3A_236 = arith.constant 0 : i32
    %dma_start3A_237 = tpu.memref_slice %arg5[%add3A_235, %dma_start3A_236] : memref<20000x128xf32, #tpu.memory_space<hbm>> -> memref<125x128xf32, #tpu.memory_space<hbm>>
    %dma_start3A_238 = arith.constant 0 : i32
    %dma_start3A_239 = tpu.memref_slice %arg14[%add3A_232, %dma_start3A_238] : memref<10000x128xf32, #tpu.memory_space<vmem_shared>> -> memref<125x128xf32, #tpu.memory_space<vmem_shared>>
    tpu.enqueue_dma source(%dma_start3A_239 : memref<125x128xf32, #tpu.memory_space<vmem_shared>>) target(%dma_start3A_237 : memref<125x128xf32, #tpu.memory_space<hbm>>) target_semaphore(%arg20 : memref<!tpu.dma_semaphore, #tpu.memory_space<semaphore_mem>>)
    %mul3A_240 = arith.constant 625 : i32
    %mul3A_241 = arith.muli %arg1, %mul3A_240 : i32
    %add3A_242 = arith.constant 500 : i32
    %add3A_243 = arith.addi %mul3A_241, %add3A_242 : i32
    %mul3A_244 = arith.constant 10000 : i32
    %mul3A_245 = arith.muli %arg0, %mul3A_244 : i32
    %add3A_246 = arith.addi %mul3A_245, %add3A_243 : i32
    %dma_start3A_247 = arith.constant 0 : i32
    %dma_start3A_248 = tpu.memref_slice %arg5[%add3A_246, %dma_start3A_247] : memref<20000x128xf32, #tpu.memory_space<hbm>> -> memref<125x128xf32, #tpu.memory_space<hbm>>
    %dma_start3A_249 = arith.constant 0 : i32
    %dma_start3A_250 = tpu.memref_slice %arg14[%add3A_243, %dma_start3A_249] : memref<10000x128xf32, #tpu.memory_space<vmem_shared>> -> memref<125x128xf32, #tpu.memory_space<vmem_shared>>
    tpu.enqueue_dma source(%dma_start3A_250 : memref<125x128xf32, #tpu.memory_space<vmem_shared>>) target(%dma_start3A_248 : memref<125x128xf32, #tpu.memory_space<hbm>>) target_semaphore(%arg20 : memref<!tpu.dma_semaphore, #tpu.memory_space<semaphore_mem>>)
    %mul3A_251 = arith.constant 625 : i32
    %mul3A_252 = arith.muli %arg1, %mul3A_251 : i32
    %add3A_253 = arith.constant 0 : i32
    %add3A_254 = arith.addi %mul3A_252, %add3A_253 : i32
    %mul3A_255 = arith.constant 10000 : i32
    %mul3A_256 = arith.muli %arg0, %mul3A_255 : i32
    %add3A_257 = arith.addi %mul3A_256, %add3A_254 : i32
    %dma_wait3A_258 = arith.constant 0 : i32
    %dma_wait3A_259 = tpu.memref_slice %arg5[%add3A_257, %dma_wait3A_258] : memref<20000x128xf32, #tpu.memory_space<hbm>> -> memref<125x128xf32, #tpu.memory_space<hbm>>
    %dma_wait3A_260 = arith.constant 0 : i32
    %dma_wait3A_261 = tpu.memref_slice %arg14[%add3A_254, %dma_wait3A_260] : memref<10000x128xf32, #tpu.memory_space<vmem_shared>> -> memref<125x128xf32, #tpu.memory_space<vmem_shared>>
    tpu.wait_dma2 semaphore(%arg20 : memref<!tpu.dma_semaphore, #tpu.memory_space<semaphore_mem>>) src(%dma_wait3A_261 : memref<125x128xf32, #tpu.memory_space<vmem_shared>>) dst(%dma_wait3A_259 : memref<125x128xf32, #tpu.memory_space<hbm>>)
    %mul3A_262 = arith.constant 625 : i32
    %mul3A_263 = arith.muli %arg1, %mul3A_262 : i32
    %add3A_264 = arith.constant 125 : i32
    %add3A_265 = arith.addi %mul3A_263, %add3A_264 : i32
    %mul3A_266 = arith.constant 10000 : i32
    %mul3A_267 = arith.muli %arg0, %mul3A_266 : i32
    %add3A_268 = arith.addi %mul3A_267, %add3A_265 : i32
    %dma_wait3A_269 = arith.constant 0 : i32
    %dma_wait3A_270 = tpu.memref_slice %arg5[%add3A_268, %dma_wait3A_269] : memref<20000x128xf32, #tpu.memory_space<hbm>> -> memref<125x128xf32, #tpu.memory_space<hbm>>
    %dma_wait3A_271 = arith.constant 0 : i32
    %dma_wait3A_272 = tpu.memref_slice %arg14[%add3A_265, %dma_wait3A_271] : memref<10000x128xf32, #tpu.memory_space<vmem_shared>> -> memref<125x128xf32, #tpu.memory_space<vmem_shared>>
    tpu.wait_dma2 semaphore(%arg20 : memref<!tpu.dma_semaphore, #tpu.memory_space<semaphore_mem>>) src(%dma_wait3A_272 : memref<125x128xf32, #tpu.memory_space<vmem_shared>>) dst(%dma_wait3A_270 : memref<125x128xf32, #tpu.memory_space<hbm>>)
    %mul3A_273 = arith.constant 625 : i32
    %mul3A_274 = arith.muli %arg1, %mul3A_273 : i32
    %add3A_275 = arith.constant 250 : i32
    %add3A_276 = arith.addi %mul3A_274, %add3A_275 : i32
    %mul3A_277 = arith.constant 10000 : i32
    %mul3A_278 = arith.muli %arg0, %mul3A_277 : i32
    %add3A_279 = arith.addi %mul3A_278, %add3A_276 : i32
    %dma_wait3A_280 = arith.constant 0 : i32
    %dma_wait3A_281 = tpu.memref_slice %arg5[%add3A_279, %dma_wait3A_280] : memref<20000x128xf32, #tpu.memory_space<hbm>> -> memref<125x128xf32, #tpu.memory_space<hbm>>
    %dma_wait3A_282 = arith.constant 0 : i32
    %dma_wait3A_283 = tpu.memref_slice %arg14[%add3A_276, %dma_wait3A_282] : memref<10000x128xf32, #tpu.memory_space<vmem_shared>> -> memref<125x128xf32, #tpu.memory_space<vmem_shared>>
    tpu.wait_dma2 semaphore(%arg20 : memref<!tpu.dma_semaphore, #tpu.memory_space<semaphore_mem>>) src(%dma_wait3A_283 : memref<125x128xf32, #tpu.memory_space<vmem_shared>>) dst(%dma_wait3A_281 : memref<125x128xf32, #tpu.memory_space<hbm>>)
    %mul3A_284 = arith.constant 625 : i32
    %mul3A_285 = arith.muli %arg1, %mul3A_284 : i32
    %add3A_286 = arith.constant 375 : i32
    %add3A_287 = arith.addi %mul3A_285, %add3A_286 : i32
    %mul3A_288 = arith.constant 10000 : i32
    %mul3A_289 = arith.muli %arg0, %mul3A_288 : i32
    %add3A_290 = arith.addi %mul3A_289, %add3A_287 : i32
    %dma_wait3A_291 = arith.constant 0 : i32
    %dma_wait3A_292 = tpu.memref_slice %arg5[%add3A_290, %dma_wait3A_291] : memref<20000x128xf32, #tpu.memory_space<hbm>> -> memref<125x128xf32, #tpu.memory_space<hbm>>
    %dma_wait3A_293 = arith.constant 0 : i32
    %dma_wait3A_294 = tpu.memref_slice %arg14[%add3A_287, %dma_wait3A_293] : memref<10000x128xf32, #tpu.memory_space<vmem_shared>> -> memref<125x128xf32, #tpu.memory_space<vmem_shared>>
    tpu.wait_dma2 semaphore(%arg20 : memref<!tpu.dma_semaphore, #tpu.memory_space<semaphore_mem>>) src(%dma_wait3A_294 : memref<125x128xf32, #tpu.memory_space<vmem_shared>>) dst(%dma_wait3A_292 : memref<125x128xf32, #tpu.memory_space<hbm>>)
    %mul3A_295 = arith.constant 625 : i32
    %mul3A_296 = arith.muli %arg1, %mul3A_295 : i32
    %add3A_297 = arith.constant 500 : i32
    %add3A_298 = arith.addi %mul3A_296, %add3A_297 : i32
    %mul3A_299 = arith.constant 10000 : i32
    %mul3A_300 = arith.muli %arg0, %mul3A_299 : i32
    %add3A_301 = arith.addi %mul3A_300, %add3A_298 : i32
    %dma_wait3A_302 = arith.constant 0 : i32
    %dma_wait3A_303 = tpu.memref_slice %arg5[%add3A_301, %dma_wait3A_302] : memref<20000x128xf32, #tpu.memory_space<hbm>> -> memref<125x128xf32, #tpu.memory_space<hbm>>
    %dma_wait3A_304 = arith.constant 0 : i32
    %dma_wait3A_305 = tpu.memref_slice %arg14[%add3A_298, %dma_wait3A_304] : memref<10000x128xf32, #tpu.memory_space<vmem_shared>> -> memref<125x128xf32, #tpu.memory_space<vmem_shared>>
    tpu.wait_dma2 semaphore(%arg20 : memref<!tpu.dma_semaphore, #tpu.memory_space<semaphore_mem>>) src(%dma_wait3A_305 : memref<125x128xf32, #tpu.memory_space<vmem_shared>>) dst(%dma_wait3A_303 : memref<125x128xf32, #tpu.memory_space<hbm>>)
    return
  }
}

#map = affine_map<(d0, d1) -> (0, 0)>
#map1 = affine_map<(d0, d1) -> (0, 0, 0)>
module attributes {stable_mosaic.version = 14 : i64} {
  func.func @_segsum_body(%arg0: i32, %arg1: i32, %arg2: memref<10000x128xf32, #tpu.memory_space<hbm>>, %arg3: memref<32x250x40xi32, #tpu.memory_space<hbm>>, %arg4: memref<32x250x40xi32, #tpu.memory_space<hbm>>, %arg5: memref<20000x128xf32, #tpu.memory_space<hbm>>, %arg6: memref<250x40xi32, #tpu.memory_space<vmem>>, %arg7: memref<250x40xi32, #tpu.memory_space<vmem>>, %arg8: memref<40x128xf32, #tpu.memory_space<vmem>>, %arg9: memref<40x128xf32, #tpu.memory_space<vmem>>, %arg10: memref<40x128xf32, #tpu.memory_space<vmem>>, %arg11: memref<40x128xf32, #tpu.memory_space<vmem>>, %arg12: memref<40x128xf32, #tpu.memory_space<vmem>>, %arg13: memref<25x128xf32, #tpu.memory_space<vmem>>, %arg14: memref<10000x128xf32, #tpu.memory_space<vmem_shared>>, %arg15: memref<!tpu.dma_semaphore, #tpu.memory_space<semaphore_mem>>, %arg16: memref<!tpu.dma_semaphore, #tpu.memory_space<semaphore_mem>>, %arg17: memref<!tpu.dma_semaphore, #tpu.memory_space<semaphore_mem>>, %arg18: memref<!tpu.dma_semaphore, #tpu.memory_space<semaphore_mem>>, %arg19: memref<!tpu.dma_semaphore, #tpu.memory_space<semaphore_mem>>, %arg20: memref<!tpu.dma_semaphore, #tpu.memory_space<semaphore_mem>>) attributes {dimension_semantics = [#tpu.dimension_semantics<core_parallel>, #tpu.dimension_semantics<subcore_parallel>], iteration_bounds = array<i64: 2, 16>, scalar_prefetch = 0 : i64, scratch_operands = 15 : i64, tpu.core_type = #tpu.core_type<sc_vector_subcore>, window_params = [{transform_indices = #map}, {transform_indices = #map1}, {transform_indices = #map1}, {transform_indices = #map}]} {
    %mul3A = arith.constant 16 : i32
    %mul3A_0 = arith.muli %arg0, %mul3A : i32
    %add3A = arith.addi %mul3A_0, %arg1 : i32
    "tpu.region"() ({
      %run_scoped3A = tpu.sem_alloc : memref<!tpu.dma_semaphore, #tpu.memory_space<semaphore_mem>>
      %dma_start3A_306 = arith.constant 0 : i32
      %dma_start3A_307 = arith.constant 0 : i32
      %dma_start3A_308 = tpu.memref_slice %arg3[%add3A, %dma_start3A_306, %dma_start3A_307] : memref<32x250x40xi32, #tpu.memory_space<hbm>> -> memref<1x250x40xi32, #tpu.memory_space<hbm>>
      %dma_start3A_309 = tpu.memref_squeeze %dma_start3A_308 : memref<1x250x40xi32, #tpu.memory_space<hbm>> -> memref<250x40xi32, #tpu.memory_space<hbm>>
      %dma_start3A_310 = arith.constant 0 : i32
      %dma_start3A_311 = arith.constant 0 : i32
      %dma_start3A_312 = tpu.memref_slice %arg3[%add3A, %dma_start3A_310, %dma_start3A_311] : memref<32x250x40xi32, #tpu.memory_space<hbm>> -> memref<1x250x40xi32, #tpu.memory_space<hbm>>
      %dma_start3A_313 = tpu.memref_squeeze %dma_start3A_312 : memref<1x250x40xi32, #tpu.memory_space<hbm>> -> memref<250x40xi32, #tpu.memory_space<hbm>>
      tpu.enqueue_dma source(%dma_start3A_313 : memref<250x40xi32, #tpu.memory_space<hbm>>) target(%arg6 : memref<250x40xi32, #tpu.memory_space<vmem>>) target_semaphore(%run_scoped3A : memref<!tpu.dma_semaphore, #tpu.memory_space<semaphore_mem>>)
      %dma_wait3A_314 = arith.constant 0 : i32
      %dma_wait3A_315 = arith.constant 0 : i32
      %dma_wait3A_316 = tpu.memref_slice %arg3[%add3A, %dma_wait3A_314, %dma_wait3A_315] : memref<32x250x40xi32, #tpu.memory_space<hbm>> -> memref<1x250x40xi32, #tpu.memory_space<hbm>>
      %dma_wait3A_317 = tpu.memref_squeeze %dma_wait3A_316 : memref<1x250x40xi32, #tpu.memory_space<hbm>> -> memref<250x40xi32, #tpu.memory_space<hbm>>
      %dma_wait3A_318 = arith.constant 0 : i32
      %dma_wait3A_319 = arith.constant 0 : i32
      %dma_wait3A_320 = tpu.memref_slice %arg3[%add3A, %dma_wait3A_318, %dma_wait3A_319] : memref<32x250x40xi32, #tpu.memory_space<hbm>> -> memref<1x250x40xi32, #tpu.memory_space<hbm>>
      %dma_wait3A_321 = tpu.memref_squeeze %dma_wait3A_320 : memref<1x250x40xi32, #tpu.memory_space<hbm>> -> memref<250x40xi32, #tpu.memory_space<hbm>>
      tpu.wait_dma2 semaphore(%run_scoped3A : memref<!tpu.dma_semaphore, #tpu.memory_space<semaphore_mem>>) src(%dma_wait3A_321 : memref<250x40xi32, #tpu.memory_space<hbm>>) dst(%arg6 : memref<250x40xi32, #tpu.memory_space<vmem>>)
      tpu.yield
    }) : () -> ()
    "tpu.region"() ({
      %run_scoped3A = tpu.sem_alloc : memref<!tpu.dma_semaphore, #tpu.memory_space<semaphore_mem>>
      %dma_start3A_306 = arith.constant 0 : i32
      %dma_start3A_307 = arith.constant 0 : i32
      %dma_start3A_308 = tpu.memref_slice %arg4[%add3A, %dma_start3A_306, %dma_start3A_307] : memref<32x250x40xi32, #tpu.memory_space<hbm>> -> memref<1x250x40xi32, #tpu.memory_space<hbm>>
      %dma_start3A_309 = tpu.memref_squeeze %dma_start3A_308 : memref<1x250x40xi32, #tpu.memory_space<hbm>> -> memref<250x40xi32, #tpu.memory_space<hbm>>
      %dma_start3A_310 = arith.constant 0 : i32
      %dma_start3A_311 = arith.constant 0 : i32
      %dma_start3A_312 = tpu.memref_slice %arg4[%add3A, %dma_start3A_310, %dma_start3A_311] : memref<32x250x40xi32, #tpu.memory_space<hbm>> -> memref<1x250x40xi32, #tpu.memory_space<hbm>>
      %dma_start3A_313 = tpu.memref_squeeze %dma_start3A_312 : memref<1x250x40xi32, #tpu.memory_space<hbm>> -> memref<250x40xi32, #tpu.memory_space<hbm>>
      tpu.enqueue_dma source(%dma_start3A_313 : memref<250x40xi32, #tpu.memory_space<hbm>>) target(%arg7 : memref<250x40xi32, #tpu.memory_space<vmem>>) target_semaphore(%run_scoped3A : memref<!tpu.dma_semaphore, #tpu.memory_space<semaphore_mem>>)
      %dma_wait3A_314 = arith.constant 0 : i32
      %dma_wait3A_315 = arith.constant 0 : i32
      %dma_wait3A_316 = tpu.memref_slice %arg4[%add3A, %dma_wait3A_314, %dma_wait3A_315] : memref<32x250x40xi32, #tpu.memory_space<hbm>> -> memref<1x250x40xi32, #tpu.memory_space<hbm>>
      %dma_wait3A_317 = tpu.memref_squeeze %dma_wait3A_316 : memref<1x250x40xi32, #tpu.memory_space<hbm>> -> memref<250x40xi32, #tpu.memory_space<hbm>>
      %dma_wait3A_318 = arith.constant 0 : i32
      %dma_wait3A_319 = arith.constant 0 : i32
      %dma_wait3A_320 = tpu.memref_slice %arg4[%add3A, %dma_wait3A_318, %dma_wait3A_319] : memref<32x250x40xi32, #tpu.memory_space<hbm>> -> memref<1x250x40xi32, #tpu.memory_space<hbm>>
      %dma_wait3A_321 = tpu.memref_squeeze %dma_wait3A_320 : memref<1x250x40xi32, #tpu.memory_space<hbm>> -> memref<250x40xi32, #tpu.memory_space<hbm>>
      tpu.wait_dma2 semaphore(%run_scoped3A : memref<!tpu.dma_semaphore, #tpu.memory_space<semaphore_mem>>) src(%dma_wait3A_321 : memref<250x40xi32, #tpu.memory_space<hbm>>) dst(%arg7 : memref<250x40xi32, #tpu.memory_space<vmem>>)
      tpu.yield
    }) : () -> ()
    %dma_start3A = arith.constant 0 : i32
    %dma_start3A_1 = arith.constant 0 : i32
    %dma_start3A_2 = tpu.memref_slice %arg6[%dma_start3A, %dma_start3A_1] : memref<250x40xi32, #tpu.memory_space<vmem>> -> memref<1x40xi32, #tpu.memory_space<vmem>>
    %dma_start3A_3 = tpu.memref_squeeze %dma_start3A_2 : memref<1x40xi32, #tpu.memory_space<vmem>> -> memref<40xi32, #tpu.memory_space<vmem>>
    %dma_start3A_4 = arith.constant 0 : i32
    %dma_start3A_5 = arith.constant 0 : i32
    %dma_start3A_6 = tpu.memref_slice %arg2[%dma_start3A_4, %dma_start3A_5] : memref<10000x128xf32, #tpu.memory_space<hbm>> -> memref<10000x128xf32, #tpu.memory_space<hbm>>
    tpu.enqueue_indirect_dma source(%dma_start3A_6 : memref<10000x128xf32, #tpu.memory_space<hbm>>) target(%arg8 : memref<40x128xf32, #tpu.memory_space<vmem>>) offsets(%dma_start3A_3 : memref<40xi32, #tpu.memory_space<vmem>>) semaphore(%arg15 : memref<!tpu.dma_semaphore, #tpu.memory_space<semaphore_mem>>)
    %dma_start3A_7 = arith.constant 1 : i32
    %dma_start3A_8 = arith.constant 0 : i32
    %dma_start3A_9 = tpu.memref_slice %arg6[%dma_start3A_7, %dma_start3A_8] : memref<250x40xi32, #tpu.memory_space<vmem>> -> memref<1x40xi32, #tpu.memory_space<vmem>>
    %dma_start3A_10 = tpu.memref_squeeze %dma_start3A_9 : memref<1x40xi32, #tpu.memory_space<vmem>> -> memref<40xi32, #tpu.memory_space<vmem>>
    %dma_start3A_11 = arith.constant 0 : i32
    %dma_start3A_12 = arith.constant 0 : i32
    %dma_start3A_13 = tpu.memref_slice %arg2[%dma_start3A_11, %dma_start3A_12] : memref<10000x128xf32, #tpu.memory_space<hbm>> -> memref<10000x128xf32, #tpu.memory_space<hbm>>
    tpu.enqueue_indirect_dma source(%dma_start3A_13 : memref<10000x128xf32, #tpu.memory_space<hbm>>) target(%arg9 : memref<40x128xf32, #tpu.memory_space<vmem>>) offsets(%dma_start3A_10 : memref<40xi32, #tpu.memory_space<vmem>>) semaphore(%arg16 : memref<!tpu.dma_semaphore, #tpu.memory_space<semaphore_mem>>)
    %dma_start3A_14 = arith.constant 2 : i32
    %dma_start3A_15 = arith.constant 0 : i32
    %dma_start3A_16 = tpu.memref_slice %arg6[%dma_start3A_14, %dma_start3A_15] : memref<250x40xi32, #tpu.memory_space<vmem>> -> memref<1x40xi32, #tpu.memory_space<vmem>>
    %dma_start3A_17 = tpu.memref_squeeze %dma_start3A_16 : memref<1x40xi32, #tpu.memory_space<vmem>> -> memref<40xi32, #tpu.memory_space<vmem>>
    %dma_start3A_18 = arith.constant 0 : i32
    %dma_start3A_19 = arith.constant 0 : i32
    %dma_start3A_20 = tpu.memref_slice %arg2[%dma_start3A_18, %dma_start3A_19] : memref<10000x128xf32, #tpu.memory_space<hbm>> -> memref<10000x128xf32, #tpu.memory_space<hbm>>
    tpu.enqueue_indirect_dma source(%dma_start3A_20 : memref<10000x128xf32, #tpu.memory_space<hbm>>) target(%arg10 : memref<40x128xf32, #tpu.memory_space<vmem>>) offsets(%dma_start3A_17 : memref<40xi32, #tpu.memory_space<vmem>>) semaphore(%arg17 : memref<!tpu.dma_semaphore, #tpu.memory_space<semaphore_mem>>)
    %dma_start3A_21 = arith.constant 3 : i32
    %dma_start3A_22 = arith.constant 0 : i32
    %dma_start3A_23 = tpu.memref_slice %arg6[%dma_start3A_21, %dma_start3A_22] : memref<250x40xi32, #tpu.memory_space<vmem>> -> memref<1x40xi32, #tpu.memory_space<vmem>>
    %dma_start3A_24 = tpu.memref_squeeze %dma_start3A_23 : memref<1x40xi32, #tpu.memory_space<vmem>> -> memref<40xi32, #tpu.memory_space<vmem>>
    %dma_start3A_25 = arith.constant 0 : i32
    %dma_start3A_26 = arith.constant 0 : i32
    %dma_start3A_27 = tpu.memref_slice %arg2[%dma_start3A_25, %dma_start3A_26] : memref<10000x128xf32, #tpu.memory_space<hbm>> -> memref<10000x128xf32, #tpu.memory_space<hbm>>
    tpu.enqueue_indirect_dma source(%dma_start3A_27 : memref<10000x128xf32, #tpu.memory_space<hbm>>) target(%arg11 : memref<40x128xf32, #tpu.memory_space<vmem>>) offsets(%dma_start3A_24 : memref<40xi32, #tpu.memory_space<vmem>>) semaphore(%arg18 : memref<!tpu.dma_semaphore, #tpu.memory_space<semaphore_mem>>)
    %broadcast_in_dim3A = arith.constant 0.000000e+00 : f32
    %broadcast_in_dim3A_28 = vector.broadcast %broadcast_in_dim3A : f32 to vector<16xf32>
    %scan3A = arith.constant 0 : i32
    %scan3A_29 = arith.constant 0 : i32
    %scan3A_30 = arith.constant 25 : i32
    %scan3A_31 = arith.addi %scan3A_29, %scan3A_30 : i32
    %scan3A_32 = arith.constant 1 : i32
    scf.for %scan3A_306 = %scan3A_29 to %scan3A_31 step %scan3A_32  : i32 {
      %swap3A = arith.index_cast %scan3A_306 : i32 to index
      %swap3A_307 = arith.constant 0 : index
      %swap3A_308 = tpu.vector_load %arg13[%swap3A, %swap3A_307] {strides = array<i32>} : memref<25x128xf32, #tpu.memory_space<vmem>>, vector<1x16xf32>,
      %swap3A_309 = vector.shape_cast %swap3A_308 : vector<1x16xf32> to vector<16xf32>
      %swap3A_310 = vector.shape_cast %broadcast_in_dim3A_28 : vector<16xf32> to vector<1x16xf32>
      tpu.vector_store %arg13[%swap3A, %swap3A_307], %swap3A_310 {strides = array<i32>} : memref<25x128xf32, #tpu.memory_space<vmem>>, vector<1x16xf32>,
      %swap3A_311 = arith.index_cast %scan3A_306 : i32 to index
      %swap3A_312 = arith.constant 16 : index
      %swap3A_313 = tpu.vector_load %arg13[%swap3A_311, %swap3A_312] {strides = array<i32>} : memref<25x128xf32, #tpu.memory_space<vmem>>, vector<1x16xf32>,
      %swap3A_314 = vector.shape_cast %swap3A_313 : vector<1x16xf32> to vector<16xf32>
      %swap3A_315 = vector.shape_cast %broadcast_in_dim3A_28 : vector<16xf32> to vector<1x16xf32>
      tpu.vector_store %arg13[%swap3A_311, %swap3A_312], %swap3A_315 {strides = array<i32>} : memref<25x128xf32, #tpu.memory_space<vmem>>, vector<1x16xf32>,
      %swap3A_316 = arith.index_cast %scan3A_306 : i32 to index
      %swap3A_317 = arith.constant 32 : index
      %swap3A_318 = tpu.vector_load %arg13[%swap3A_316, %swap3A_317] {strides = array<i32>} : memref<25x128xf32, #tpu.memory_space<vmem>>, vector<1x16xf32>,
      %swap3A_319 = vector.shape_cast %swap3A_318 : vector<1x16xf32> to vector<16xf32>
      %swap3A_320 = vector.shape_cast %broadcast_in_dim3A_28 : vector<16xf32> to vector<1x16xf32>
      tpu.vector_store %arg13[%swap3A_316, %swap3A_317], %swap3A_320 {strides = array<i32>} : memref<25x128xf32, #tpu.memory_space<vmem>>, vector<1x16xf32>,
      %swap3A_321 = arith.index_cast %scan3A_306 : i32 to index
      %swap3A_322 = arith.constant 48 : index
      %swap3A_323 = tpu.vector_load %arg13[%swap3A_321, %swap3A_322] {strides = array<i32>} : memref<25x128xf32, #tpu.memory_space<vmem>>, vector<1x16xf32>,
      %swap3A_324 = vector.shape_cast %swap3A_323 : vector<1x16xf32> to vector<16xf32>
      %swap3A_325 = vector.shape_cast %broadcast_in_dim3A_28 : vector<16xf32> to vector<1x16xf32>
      tpu.vector_store %arg13[%swap3A_321, %swap3A_322], %swap3A_325 {strides = array<i32>} : memref<25x128xf32, #tpu.memory_space<vmem>>, vector<1x16xf32>,
      %swap3A_326 = arith.index_cast %scan3A_306 : i32 to index
      %swap3A_327 = arith.constant 64 : index
      %swap3A_328 = tpu.vector_load %arg13[%swap3A_326, %swap3A_327] {strides = array<i32>} : memref<25x128xf32, #tpu.memory_space<vmem>>, vector<1x16xf32>,
      %swap3A_329 = vector.shape_cast %swap3A_328 : vector<1x16xf32> to vector<16xf32>
      %swap3A_330 = vector.shape_cast %broadcast_in_dim3A_28 : vector<16xf32> to vector<1x16xf32>
      tpu.vector_store %arg13[%swap3A_326, %swap3A_327], %swap3A_330 {strides = array<i32>} : memref<25x128xf32, #tpu.memory_space<vmem>>, vector<1x16xf32>,
      %swap3A_331 = arith.index_cast %scan3A_306 : i32 to index
      %swap3A_332 = arith.constant 80 : index
      %swap3A_333 = tpu.vector_load %arg13[%swap3A_331, %swap3A_332] {strides = array<i32>} : memref<25x128xf32, #tpu.memory_space<vmem>>, vector<1x16xf32>,
      %swap3A_334 = vector.shape_cast %swap3A_333 : vector<1x16xf32> to vector<16xf32>
      %swap3A_335 = vector.shape_cast %broadcast_in_dim3A_28 : vector<16xf32> to vector<1x16xf32>
      tpu.vector_store %arg13[%swap3A_331, %swap3A_332], %swap3A_335 {strides = array<i32>} : memref<25x128xf32, #tpu.memory_space<vmem>>, vector<1x16xf32>,
      %swap3A_336 = arith.index_cast %scan3A_306 : i32 to index
      %swap3A_337 = arith.constant 96 : index
      %swap3A_338 = tpu.vector_load %arg13[%swap3A_336, %swap3A_337] {strides = array<i32>} : memref<25x128xf32, #tpu.memory_space<vmem>>, vector<1x16xf32>,
      %swap3A_339 = vector.shape_cast %swap3A_338 : vector<1x16xf32> to vector<16xf32>
      %swap3A_340 = vector.shape_cast %broadcast_in_dim3A_28 : vector<16xf32> to vector<1x16xf32>
      tpu.vector_store %arg13[%swap3A_336, %swap3A_337], %swap3A_340 {strides = array<i32>} : memref<25x128xf32, #tpu.memory_space<vmem>>, vector<1x16xf32>,
      %swap3A_341 = arith.index_cast %scan3A_306 : i32 to index
      %swap3A_342 = arith.constant 112 : index
      %swap3A_343 = tpu.vector_load %arg13[%swap3A_341, %swap3A_342] {strides = array<i32>} : memref<25x128xf32, #tpu.memory_space<vmem>>, vector<1x16xf32>,
      %swap3A_344 = vector.shape_cast %swap3A_343 : vector<1x16xf32> to vector<16xf32>
      %swap3A_345 = vector.shape_cast %broadcast_in_dim3A_28 : vector<16xf32> to vector<1x16xf32>
      tpu.vector_store %arg13[%swap3A_341, %swap3A_342], %swap3A_345 {strides = array<i32>} : memref<25x128xf32, #tpu.memory_space<vmem>>, vector<1x16xf32>,
    }
    %scan3A_33 = arith.constant 25 : i32
    %scan3A_34 = arith.constant 0 : i32
    %scan3A_35 = arith.constant 0 : i32
    %scan3A_36 = arith.constant 25 : i32
    %scan3A_37 = arith.addi %scan3A_35, %scan3A_36 : i32
    %scan3A_38 = arith.constant 1 : i32
    scf.for %scan3A_306 = %scan3A_35 to %scan3A_37 step %scan3A_38  : i32 {
      %mul3A_307 = arith.constant 625 : i32
      %mul3A_308 = arith.muli %arg1, %mul3A_307 : i32
      %mul3A_309 = arith.constant 25 : i32
      %mul3A_310 = arith.muli %scan3A_306, %mul3A_309 : i32
      %add3A_311 = arith.addi %mul3A_308, %mul3A_310 : i32
      %dma_start3A_312 = arith.constant 0 : i32
      %dma_start3A_313 = tpu.memref_slice %arg14[%add3A_311, %dma_start3A_312] : memref<10000x128xf32, #tpu.memory_space<vmem_shared>> -> memref<25x128xf32, #tpu.memory_space<vmem_shared>>
      %dma_start3A_314 = arith.constant 0 : i32
      %dma_start3A_315 = tpu.memref_slice %arg14[%add3A_311, %dma_start3A_314] : memref<10000x128xf32, #tpu.memory_space<vmem_shared>> -> memref<25x128xf32, #tpu.memory_space<vmem_shared>>
      tpu.enqueue_dma source(%arg13 : memref<25x128xf32, #tpu.memory_space<vmem>>) target(%dma_start3A_315 : memref<25x128xf32, #tpu.memory_space<vmem_shared>>) target_semaphore(%arg20 : memref<!tpu.dma_semaphore, #tpu.memory_space<semaphore_mem>>)
    }
    %scan3A_39 = arith.constant 25 : i32
    %mul3A_40 = arith.constant 625 : i32
    %mul3A_41 = arith.muli %arg1, %mul3A_40 : i32
    %dma_wait3A = arith.constant 0 : i32
    %dma_wait3A_42 = tpu.memref_slice %arg14[%mul3A_41, %dma_wait3A] : memref<10000x128xf32, #tpu.memory_space<vmem_shared>> -> memref<25x128xf32, #tpu.memory_space<vmem_shared>>
    %dma_wait3A_43 = arith.constant 0 : i32
    %dma_wait3A_44 = tpu.memref_slice %arg14[%mul3A_41, %dma_wait3A_43] : memref<10000x128xf32, #tpu.memory_space<vmem_shared>> -> memref<25x128xf32, #tpu.memory_space<vmem_shared>>
    tpu.wait_dma2 semaphore(%arg20 : memref<!tpu.dma_semaphore, #tpu.memory_space<semaphore_mem>>) src(%arg13 : memref<25x128xf32, #tpu.memory_space<vmem>>) dst(%dma_wait3A_44 : memref<25x128xf32, #tpu.memory_space<vmem_shared>>)
    %mul3A_45 = arith.constant 625 : i32
    %mul3A_46 = arith.muli %arg1, %mul3A_45 : i32
    %dma_wait3A_47 = arith.constant 0 : i32
    %dma_wait3A_48 = tpu.memref_slice %arg14[%mul3A_46, %dma_wait3A_47] : memref<10000x128xf32, #tpu.memory_space<vmem_shared>> -> memref<25x128xf32, #tpu.memory_space<vmem_shared>>
    %dma_wait3A_49 = arith.constant 0 : i32
    %dma_wait3A_50 = tpu.memref_slice %arg14[%mul3A_46, %dma_wait3A_49] : memref<10000x128xf32, #tpu.memory_space<vmem_shared>> -> memref<25x128xf32, #tpu.memory_space<vmem_shared>>
    tpu.wait_dma2 semaphore(%arg20 : memref<!tpu.dma_semaphore, #tpu.memory_space<semaphore_mem>>) src(%arg13 : memref<25x128xf32, #tpu.memory_space<vmem>>) dst(%dma_wait3A_50 : memref<25x128xf32, #tpu.memory_space<vmem_shared>>)
    %mul3A_51 = arith.constant 625 : i32
    %mul3A_52 = arith.muli %arg1, %mul3A_51 : i32
    %dma_wait3A_53 = arith.constant 0 : i32
    %dma_wait3A_54 = tpu.memref_slice %arg14[%mul3A_52, %dma_wait3A_53] : memref<10000x128xf32, #tpu.memory_space<vmem_shared>> -> memref<25x128xf32, #tpu.memory_space<vmem_shared>>
    %dma_wait3A_55 = arith.constant 0 : i32
    %dma_wait3A_56 = tpu.memref_slice %arg14[%mul3A_52, %dma_wait3A_55] : memref<10000x128xf32, #tpu.memory_space<vmem_shared>> -> memref<25x128xf32, #tpu.memory_space<vmem_shared>>
    tpu.wait_dma2 semaphore(%arg20 : memref<!tpu.dma_semaphore, #tpu.memory_space<semaphore_mem>>) src(%arg13 : memref<25x128xf32, #tpu.memory_space<vmem>>) dst(%dma_wait3A_56 : memref<25x128xf32, #tpu.memory_space<vmem_shared>>)
    %mul3A_57 = arith.constant 625 : i32
    %mul3A_58 = arith.muli %arg1, %mul3A_57 : i32
    %dma_wait3A_59 = arith.constant 0 : i32
    %dma_wait3A_60 = tpu.memref_slice %arg14[%mul3A_58, %dma_wait3A_59] : memref<10000x128xf32, #tpu.memory_space<vmem_shared>> -> memref<25x128xf32, #tpu.memory_space<vmem_shared>>
    %dma_wait3A_61 = arith.constant 0 : i32
    %dma_wait3A_62 = tpu.memref_slice %arg14[%mul3A_58, %dma_wait3A_61] : memref<10000x128xf32, #tpu.memory_space<vmem_shared>> -> memref<25x128xf32, #tpu.memory_space<vmem_shared>>
    tpu.wait_dma2 semaphore(%arg20 : memref<!tpu.dma_semaphore, #tpu.memory_space<semaphore_mem>>) src(%arg13 : memref<25x128xf32, #tpu.memory_space<vmem>>) dst(%dma_wait3A_62 : memref<25x128xf32, #tpu.memory_space<vmem_shared>>)
    %mul3A_63 = arith.constant 625 : i32
    %mul3A_64 = arith.muli %arg1, %mul3A_63 : i32
    %dma_wait3A_65 = arith.constant 0 : i32
    %dma_wait3A_66 = tpu.memref_slice %arg14[%mul3A_64, %dma_wait3A_65] : memref<10000x128xf32, #tpu.memory_space<vmem_shared>> -> memref<25x128xf32, #tpu.memory_space<vmem_shared>>
    %dma_wait3A_67 = arith.constant 0 : i32
    %dma_wait3A_68 = tpu.memref_slice %arg14[%mul3A_64, %dma_wait3A_67] : memref<10000x128xf32, #tpu.memory_space<vmem_shared>> -> memref<25x128xf32, #tpu.memory_space<vmem_shared>>
    tpu.wait_dma2 semaphore(%arg20 : memref<!tpu.dma_semaphore, #tpu.memory_space<semaphore_mem>>) src(%arg13 : memref<25x128xf32, #tpu.memory_space<vmem>>) dst(%dma_wait3A_68 : memref<25x128xf32, #tpu.memory_space<vmem_shared>>)
    %mul3A_69 = arith.constant 625 : i32
    %mul3A_70 = arith.muli %arg1, %mul3A_69 : i32
    %dma_wait3A_71 = arith.constant 0 : i32
    %dma_wait3A_72 = tpu.memref_slice %arg14[%mul3A_70, %dma_wait3A_71] : memref<10000x128xf32, #tpu.memory_space<vmem_shared>> -> memref<25x128xf32, #tpu.memory_space<vmem_shared>>
    %dma_wait3A_73 = arith.constant 0 : i32
    %dma_wait3A_74 = tpu.memref_slice %arg14[%mul3A_70, %dma_wait3A_73] : memref<10000x128xf32, #tpu.memory_space<vmem_shared>> -> memref<25x128xf32, #tpu.memory_space<vmem_shared>>
    tpu.wait_dma2 semaphore(%arg20 : memref<!tpu.dma_semaphore, #tpu.memory_space<semaphore_mem>>) src(%arg13 : memref<25x128xf32, #tpu.memory_space<vmem>>) dst(%dma_wait3A_74 : memref<25x128xf32, #tpu.memory_space<vmem_shared>>)
    %mul3A_75 = arith.constant 625 : i32
    %mul3A_76 = arith.muli %arg1, %mul3A_75 : i32
    %dma_wait3A_77 = arith.constant 0 : i32
    %dma_wait3A_78 = tpu.memref_slice %arg14[%mul3A_76, %dma_wait3A_77] : memref<10000x128xf32, #tpu.memory_space<vmem_shared>> -> memref<25x128xf32, #tpu.memory_space<vmem_shared>>
    %dma_wait3A_79 = arith.constant 0 : i32
    %dma_wait3A_80 = tpu.memref_slice %arg14[%mul3A_76, %dma_wait3A_79] : memref<10000x128xf32, #tpu.memory_space<vmem_shared>> -> memref<25x128xf32, #tpu.memory_space<vmem_shared>>
    tpu.wait_dma2 semaphore(%arg20 : memref<!tpu.dma_semaphore, #tpu.memory_space<semaphore_mem>>) src(%arg13 : memref<25x128xf32, #tpu.memory_space<vmem>>) dst(%dma_wait3A_80 : memref<25x128xf32, #tpu.memory_space<vmem_shared>>)
    %mul3A_81 = arith.constant 625 : i32
    %mul3A_82 = arith.muli %arg1, %mul3A_81 : i32
    %dma_wait3A_83 = arith.constant 0 : i32
    %dma_wait3A_84 = tpu.memref_slice %arg14[%mul3A_82, %dma_wait3A_83] : memref<10000x128xf32, #tpu.memory_space<vmem_shared>> -> memref<25x128xf32, #tpu.memory_space<vmem_shared>>
    %dma_wait3A_85 = arith.constant 0 : i32
    %dma_wait3A_86 = tpu.memref_slice %arg14[%mul3A_82, %dma_wait3A_85] : memref<10000x128xf32, #tpu.memory_space<vmem_shared>> -> memref<25x128xf32, #tpu.memory_space<vmem_shared>>
    tpu.wait_dma2 semaphore(%arg20 : memref<!tpu.dma_semaphore, #tpu.memory_space<semaphore_mem>>) src(%arg13 : memref<25x128xf32, #tpu.memory_space<vmem>>) dst(%dma_wait3A_86 : memref<25x128xf32, #tpu.memory_space<vmem_shared>>)
    %mul3A_87 = arith.constant 625 : i32
    %mul3A_88 = arith.muli %arg1, %mul3A_87 : i32
    %dma_wait3A_89 = arith.constant 0 : i32
    %dma_wait3A_90 = tpu.memref_slice %arg14[%mul3A_88, %dma_wait3A_89] : memref<10000x128xf32, #tpu.memory_space<vmem_shared>> -> memref<25x128xf32, #tpu.memory_space<vmem_shared>>
    %dma_wait3A_91 = arith.constant 0 : i32
    %dma_wait3A_92 = tpu.memref_slice %arg14[%mul3A_88, %dma_wait3A_91] : memref<10000x128xf32, #tpu.memory_space<vmem_shared>> -> memref<25x128xf32, #tpu.memory_space<vmem_shared>>
    tpu.wait_dma2 semaphore(%arg20 : memref<!tpu.dma_semaphore, #tpu.memory_space<semaphore_mem>>) src(%arg13 : memref<25x128xf32, #tpu.memory_space<vmem>>) dst(%dma_wait3A_92 : memref<25x128xf32, #tpu.memory_space<vmem_shared>>)
    %mul3A_93 = arith.constant 625 : i32
    %mul3A_94 = arith.muli %arg1, %mul3A_93 : i32
    %dma_wait3A_95 = arith.constant 0 : i32
    %dma_wait3A_96 = tpu.memref_slice %arg14[%mul3A_94, %dma_wait3A_95] : memref<10000x128xf32, #tpu.memory_space<vmem_shared>> -> memref<25x128xf32, #tpu.memory_space<vmem_shared>>
    %dma_wait3A_97 = arith.constant 0 : i32
    %dma_wait3A_98 = tpu.memref_slice %arg14[%mul3A_94, %dma_wait3A_97] : memref<10000x128xf32, #tpu.memory_space<vmem_shared>> -> memref<25x128xf32, #tpu.memory_space<vmem_shared>>
    tpu.wait_dma2 semaphore(%arg20 : memref<!tpu.dma_semaphore, #tpu.memory_space<semaphore_mem>>) src(%arg13 : memref<25x128xf32, #tpu.memory_space<vmem>>) dst(%dma_wait3A_98 : memref<25x128xf32, #tpu.memory_space<vmem_shared>>)
    %mul3A_99 = arith.constant 625 : i32
    %mul3A_100 = arith.muli %arg1, %mul3A_99 : i32
    %dma_wait3A_101 = arith.constant 0 : i32
    %dma_wait3A_102 = tpu.memref_slice %arg14[%mul3A_100, %dma_wait3A_101] : memref<10000x128xf32, #tpu.memory_space<vmem_shared>> -> memref<25x128xf32, #tpu.memory_space<vmem_shared>>
    %dma_wait3A_103 = arith.constant 0 : i32
    %dma_wait3A_104 = tpu.memref_slice %arg14[%mul3A_100, %dma_wait3A_103] : memref<10000x128xf32, #tpu.memory_space<vmem_shared>> -> memref<25x128xf32, #tpu.memory_space<vmem_shared>>
    tpu.wait_dma2 semaphore(%arg20 : memref<!tpu.dma_semaphore, #tpu.memory_space<semaphore_mem>>) src(%arg13 : memref<25x128xf32, #tpu.memory_space<vmem>>) dst(%dma_wait3A_104 : memref<25x128xf32, #tpu.memory_space<vmem_shared>>)
    %mul3A_105 = arith.constant 625 : i32
    %mul3A_106 = arith.muli %arg1, %mul3A_105 : i32
    %dma_wait3A_107 = arith.constant 0 : i32
    %dma_wait3A_108 = tpu.memref_slice %arg14[%mul3A_106, %dma_wait3A_107] : memref<10000x128xf32, #tpu.memory_space<vmem_shared>> -> memref<25x128xf32, #tpu.memory_space<vmem_shared>>
    %dma_wait3A_109 = arith.constant 0 : i32
    %dma_wait3A_110 = tpu.memref_slice %arg14[%mul3A_106, %dma_wait3A_109] : memref<10000x128xf32, #tpu.memory_space<vmem_shared>> -> memref<25x128xf32, #tpu.memory_space<vmem_shared>>
    tpu.wait_dma2 semaphore(%arg20 : memref<!tpu.dma_semaphore, #tpu.memory_space<semaphore_mem>>) src(%arg13 : memref<25x128xf32, #tpu.memory_space<vmem>>) dst(%dma_wait3A_110 : memref<25x128xf32, #tpu.memory_space<vmem_shared>>)
    %mul3A_111 = arith.constant 625 : i32
    %mul3A_112 = arith.muli %arg1, %mul3A_111 : i32
    %dma_wait3A_113 = arith.constant 0 : i32
    %dma_wait3A_114 = tpu.memref_slice %arg14[%mul3A_112, %dma_wait3A_113] : memref<10000x128xf32, #tpu.memory_space<vmem_shared>> -> memref<25x128xf32, #tpu.memory_space<vmem_shared>>
    %dma_wait3A_115 = arith.constant 0 : i32
    %dma_wait3A_116 = tpu.memref_slice %arg14[%mul3A_112, %dma_wait3A_115] : memref<10000x128xf32, #tpu.memory_space<vmem_shared>> -> memref<25x128xf32, #tpu.memory_space<vmem_shared>>
    tpu.wait_dma2 semaphore(%arg20 : memref<!tpu.dma_semaphore, #tpu.memory_space<semaphore_mem>>) src(%arg13 : memref<25x128xf32, #tpu.memory_space<vmem>>) dst(%dma_wait3A_116 : memref<25x128xf32, #tpu.memory_space<vmem_shared>>)
    %mul3A_117 = arith.constant 625 : i32
    %mul3A_118 = arith.muli %arg1, %mul3A_117 : i32
    %dma_wait3A_119 = arith.constant 0 : i32
    %dma_wait3A_120 = tpu.memref_slice %arg14[%mul3A_118, %dma_wait3A_119] : memref<10000x128xf32, #tpu.memory_space<vmem_shared>> -> memref<25x128xf32, #tpu.memory_space<vmem_shared>>
    %dma_wait3A_121 = arith.constant 0 : i32
    %dma_wait3A_122 = tpu.memref_slice %arg14[%mul3A_118, %dma_wait3A_121] : memref<10000x128xf32, #tpu.memory_space<vmem_shared>> -> memref<25x128xf32, #tpu.memory_space<vmem_shared>>
    tpu.wait_dma2 semaphore(%arg20 : memref<!tpu.dma_semaphore, #tpu.memory_space<semaphore_mem>>) src(%arg13 : memref<25x128xf32, #tpu.memory_space<vmem>>) dst(%dma_wait3A_122 : memref<25x128xf32, #tpu.memory_space<vmem_shared>>)
    %mul3A_123 = arith.constant 625 : i32
    %mul3A_124 = arith.muli %arg1, %mul3A_123 : i32
    %dma_wait3A_125 = arith.constant 0 : i32
    %dma_wait3A_126 = tpu.memref_slice %arg14[%mul3A_124, %dma_wait3A_125] : memref<10000x128xf32, #tpu.memory_space<vmem_shared>> -> memref<25x128xf32, #tpu.memory_space<vmem_shared>>
    %dma_wait3A_127 = arith.constant 0 : i32
    %dma_wait3A_128 = tpu.memref_slice %arg14[%mul3A_124, %dma_wait3A_127] : memref<10000x128xf32, #tpu.memory_space<vmem_shared>> -> memref<25x128xf32, #tpu.memory_space<vmem_shared>>
    tpu.wait_dma2 semaphore(%arg20 : memref<!tpu.dma_semaphore, #tpu.memory_space<semaphore_mem>>) src(%arg13 : memref<25x128xf32, #tpu.memory_space<vmem>>) dst(%dma_wait3A_128 : memref<25x128xf32, #tpu.memory_space<vmem_shared>>)
    %mul3A_129 = arith.constant 625 : i32
    %mul3A_130 = arith.muli %arg1, %mul3A_129 : i32
    %dma_wait3A_131 = arith.constant 0 : i32
    %dma_wait3A_132 = tpu.memref_slice %arg14[%mul3A_130, %dma_wait3A_131] : memref<10000x128xf32, #tpu.memory_space<vmem_shared>> -> memref<25x128xf32, #tpu.memory_space<vmem_shared>>
    %dma_wait3A_133 = arith.constant 0 : i32
    %dma_wait3A_134 = tpu.memref_slice %arg14[%mul3A_130, %dma_wait3A_133] : memref<10000x128xf32, #tpu.memory_space<vmem_shared>> -> memref<25x128xf32, #tpu.memory_space<vmem_shared>>
    tpu.wait_dma2 semaphore(%arg20 : memref<!tpu.dma_semaphore, #tpu.memory_space<semaphore_mem>>) src(%arg13 : memref<25x128xf32, #tpu.memory_space<vmem>>) dst(%dma_wait3A_134 : memref<25x128xf32, #tpu.memory_space<vmem_shared>>)
    %mul3A_135 = arith.constant 625 : i32
    %mul3A_136 = arith.muli %arg1, %mul3A_135 : i32
    %dma_wait3A_137 = arith.constant 0 : i32
    %dma_wait3A_138 = tpu.memref_slice %arg14[%mul3A_136, %dma_wait3A_137] : memref<10000x128xf32, #tpu.memory_space<vmem_shared>> -> memref<25x128xf32, #tpu.memory_space<vmem_shared>>
    %dma_wait3A_139 = arith.constant 0 : i32
    %dma_wait3A_140 = tpu.memref_slice %arg14[%mul3A_136, %dma_wait3A_139] : memref<10000x128xf32, #tpu.memory_space<vmem_shared>> -> memref<25x128xf32, #tpu.memory_space<vmem_shared>>
    tpu.wait_dma2 semaphore(%arg20 : memref<!tpu.dma_semaphore, #tpu.memory_space<semaphore_mem>>) src(%arg13 : memref<25x128xf32, #tpu.memory_space<vmem>>) dst(%dma_wait3A_140 : memref<25x128xf32, #tpu.memory_space<vmem_shared>>)
    %mul3A_141 = arith.constant 625 : i32
    %mul3A_142 = arith.muli %arg1, %mul3A_141 : i32
    %dma_wait3A_143 = arith.constant 0 : i32
    %dma_wait3A_144 = tpu.memref_slice %arg14[%mul3A_142, %dma_wait3A_143] : memref<10000x128xf32, #tpu.memory_space<vmem_shared>> -> memref<25x128xf32, #tpu.memory_space<vmem_shared>>
    %dma_wait3A_145 = arith.constant 0 : i32
    %dma_wait3A_146 = tpu.memref_slice %arg14[%mul3A_142, %dma_wait3A_145] : memref<10000x128xf32, #tpu.memory_space<vmem_shared>> -> memref<25x128xf32, #tpu.memory_space<vmem_shared>>
    tpu.wait_dma2 semaphore(%arg20 : memref<!tpu.dma_semaphore, #tpu.memory_space<semaphore_mem>>) src(%arg13 : memref<25x128xf32, #tpu.memory_space<vmem>>) dst(%dma_wait3A_146 : memref<25x128xf32, #tpu.memory_space<vmem_shared>>)
    %mul3A_147 = arith.constant 625 : i32
    %mul3A_148 = arith.muli %arg1, %mul3A_147 : i32
    %dma_wait3A_149 = arith.constant 0 : i32
    %dma_wait3A_150 = tpu.memref_slice %arg14[%mul3A_148, %dma_wait3A_149] : memref<10000x128xf32, #tpu.memory_space<vmem_shared>> -> memref<25x128xf32, #tpu.memory_space<vmem_shared>>
    %dma_wait3A_151 = arith.constant 0 : i32
    %dma_wait3A_152 = tpu.memref_slice %arg14[%mul3A_148, %dma_wait3A_151] : memref<10000x128xf32, #tpu.memory_space<vmem_shared>> -> memref<25x128xf32, #tpu.memory_space<vmem_shared>>
    tpu.wait_dma2 semaphore(%arg20 : memref<!tpu.dma_semaphore, #tpu.memory_space<semaphore_mem>>) src(%arg13 : memref<25x128xf32, #tpu.memory_space<vmem>>) dst(%dma_wait3A_152 : memref<25x128xf32, #tpu.memory_space<vmem_shared>>)
    %mul3A_153 = arith.constant 625 : i32
    %mul3A_154 = arith.muli %arg1, %mul3A_153 : i32
    %dma_wait3A_155 = arith.constant 0 : i32
    %dma_wait3A_156 = tpu.memref_slice %arg14[%mul3A_154, %dma_wait3A_155] : memref<10000x128xf32, #tpu.memory_space<vmem_shared>> -> memref<25x128xf32, #tpu.memory_space<vmem_shared>>
    %dma_wait3A_157 = arith.constant 0 : i32
    %dma_wait3A_158 = tpu.memref_slice %arg14[%mul3A_154, %dma_wait3A_157] : memref<10000x128xf32, #tpu.memory_space<vmem_shared>> -> memref<25x128xf32, #tpu.memory_space<vmem_shared>>
    tpu.wait_dma2 semaphore(%arg20 : memref<!tpu.dma_semaphore, #tpu.memory_space<semaphore_mem>>) src(%arg13 : memref<25x128xf32, #tpu.memory_space<vmem>>) dst(%dma_wait3A_158 : memref<25x128xf32, #tpu.memory_space<vmem_shared>>)
    %mul3A_159 = arith.constant 625 : i32
    %mul3A_160 = arith.muli %arg1, %mul3A_159 : i32
    %dma_wait3A_161 = arith.constant 0 : i32
    %dma_wait3A_162 = tpu.memref_slice %arg14[%mul3A_160, %dma_wait3A_161] : memref<10000x128xf32, #tpu.memory_space<vmem_shared>> -> memref<25x128xf32, #tpu.memory_space<vmem_shared>>
    %dma_wait3A_163 = arith.constant 0 : i32
    %dma_wait3A_164 = tpu.memref_slice %arg14[%mul3A_160, %dma_wait3A_163] : memref<10000x128xf32, #tpu.memory_space<vmem_shared>> -> memref<25x128xf32, #tpu.memory_space<vmem_shared>>
    tpu.wait_dma2 semaphore(%arg20 : memref<!tpu.dma_semaphore, #tpu.memory_space<semaphore_mem>>) src(%arg13 : memref<25x128xf32, #tpu.memory_space<vmem>>) dst(%dma_wait3A_164 : memref<25x128xf32, #tpu.memory_space<vmem_shared>>)
    %mul3A_165 = arith.constant 625 : i32
    %mul3A_166 = arith.muli %arg1, %mul3A_165 : i32
    %dma_wait3A_167 = arith.constant 0 : i32
    %dma_wait3A_168 = tpu.memref_slice %arg14[%mul3A_166, %dma_wait3A_167] : memref<10000x128xf32, #tpu.memory_space<vmem_shared>> -> memref<25x128xf32, #tpu.memory_space<vmem_shared>>
    %dma_wait3A_169 = arith.constant 0 : i32
    %dma_wait3A_170 = tpu.memref_slice %arg14[%mul3A_166, %dma_wait3A_169] : memref<10000x128xf32, #tpu.memory_space<vmem_shared>> -> memref<25x128xf32, #tpu.memory_space<vmem_shared>>
    tpu.wait_dma2 semaphore(%arg20 : memref<!tpu.dma_semaphore, #tpu.memory_space<semaphore_mem>>) src(%arg13 : memref<25x128xf32, #tpu.memory_space<vmem>>) dst(%dma_wait3A_170 : memref<25x128xf32, #tpu.memory_space<vmem_shared>>)
    %mul3A_171 = arith.constant 625 : i32
    %mul3A_172 = arith.muli %arg1, %mul3A_171 : i32
    %dma_wait3A_173 = arith.constant 0 : i32
    %dma_wait3A_174 = tpu.memref_slice %arg14[%mul3A_172, %dma_wait3A_173] : memref<10000x128xf32, #tpu.memory_space<vmem_shared>> -> memref<25x128xf32, #tpu.memory_space<vmem_shared>>
    %dma_wait3A_175 = arith.constant 0 : i32
    %dma_wait3A_176 = tpu.memref_slice %arg14[%mul3A_172, %dma_wait3A_175] : memref<10000x128xf32, #tpu.memory_space<vmem_shared>> -> memref<25x128xf32, #tpu.memory_space<vmem_shared>>
    tpu.wait_dma2 semaphore(%arg20 : memref<!tpu.dma_semaphore, #tpu.memory_space<semaphore_mem>>) src(%arg13 : memref<25x128xf32, #tpu.memory_space<vmem>>) dst(%dma_wait3A_176 : memref<25x128xf32, #tpu.memory_space<vmem_shared>>)
    %mul3A_177 = arith.constant 625 : i32
    %mul3A_178 = arith.muli %arg1, %mul3A_177 : i32
    %dma_wait3A_179 = arith.constant 0 : i32
    %dma_wait3A_180 = tpu.memref_slice %arg14[%mul3A_178, %dma_wait3A_179] : memref<10000x128xf32, #tpu.memory_space<vmem_shared>> -> memref<25x128xf32, #tpu.memory_space<vmem_shared>>
    %dma_wait3A_181 = arith.constant 0 : i32
    %dma_wait3A_182 = tpu.memref_slice %arg14[%mul3A_178, %dma_wait3A_181] : memref<10000x128xf32, #tpu.memory_space<vmem_shared>> -> memref<25x128xf32, #tpu.memory_space<vmem_shared>>
    tpu.wait_dma2 semaphore(%arg20 : memref<!tpu.dma_semaphore, #tpu.memory_space<semaphore_mem>>) src(%arg13 : memref<25x128xf32, #tpu.memory_space<vmem>>) dst(%dma_wait3A_182 : memref<25x128xf32, #tpu.memory_space<vmem_shared>>)
    %mul3A_183 = arith.constant 625 : i32
    %mul3A_184 = arith.muli %arg1, %mul3A_183 : i32
    %dma_wait3A_185 = arith.constant 0 : i32
    %dma_wait3A_186 = tpu.memref_slice %arg14[%mul3A_184, %dma_wait3A_185] : memref<10000x128xf32, #tpu.memory_space<vmem_shared>> -> memref<25x128xf32, #tpu.memory_space<vmem_shared>>
    %dma_wait3A_187 = arith.constant 0 : i32
    %dma_wait3A_188 = tpu.memref_slice %arg14[%mul3A_184, %dma_wait3A_187] : memref<10000x128xf32, #tpu.memory_space<vmem_shared>> -> memref<25x128xf32, #tpu.memory_space<vmem_shared>>
    tpu.wait_dma2 semaphore(%arg20 : memref<!tpu.dma_semaphore, #tpu.memory_space<semaphore_mem>>) src(%arg13 : memref<25x128xf32, #tpu.memory_space<vmem>>) dst(%dma_wait3A_188 : memref<25x128xf32, #tpu.memory_space<vmem_shared>>)
    %barrier3A = arith.constant 0 : index
    tpu.barrier barrier_id(%barrier3A)
    %scan3A_189 = arith.constant 0 : i32
    %scan3A_190 = arith.constant 0 : i32
    %scan3A_191 = arith.constant 50 : i32
    %scan3A_192 = arith.addi %scan3A_190, %scan3A_191 : i32
    %scan3A_193 = arith.constant 1 : i32
    scf.for %scan3A_306 = %scan3A_190 to %scan3A_192 step %scan3A_193  : i32 {
      %mul3A_307 = arith.constant 5 : i32
      %mul3A_308 = arith.muli %scan3A_306, %mul3A_307 : i32
      %add3A_309 = arith.constant 0 : i32
      %add3A_310 = arith.addi %mul3A_308, %add3A_309 : i32
      %dma_wait3A_311 = arith.constant 0 : i32
      %dma_wait3A_312 = tpu.memref_slice %arg6[%add3A_310, %dma_wait3A_311] : memref<250x40xi32, #tpu.memory_space<vmem>> -> memref<1x40xi32, #tpu.memory_space<vmem>>
      %dma_wait3A_313 = tpu.memref_squeeze %dma_wait3A_312 : memref<1x40xi32, #tpu.memory_space<vmem>> -> memref<40xi32, #tpu.memory_space<vmem>>
      %dma_wait3A_314 = arith.constant 0 : i32
      %dma_wait3A_315 = arith.constant 0 : i32
      %dma_wait3A_316 = tpu.memref_slice %arg2[%dma_wait3A_314, %dma_wait3A_315] : memref<10000x128xf32, #tpu.memory_space<hbm>> -> memref<10000x128xf32, #tpu.memory_space<hbm>>
      tpu.wait_indirect_dma semaphore(%arg15 : memref<!tpu.dma_semaphore, #tpu.memory_space<semaphore_mem>>) src(%dma_wait3A_316 : memref<10000x128xf32, #tpu.memory_space<hbm>>) dst(%arg8 : memref<40x128xf32, #tpu.memory_space<vmem>>)
      %le3A = arith.constant 245 : i32
      %le3A_317 = arith.cmpi sle, %add3A_310, %le3A : i32
      %convert_element_type3A = arith.extui %le3A_317 : i1 to i32
      %cond3A = arith.constant 0 : i32
      %cond3A_318 = arith.cmpi ne, %convert_element_type3A, %cond3A : i32
      scf.if %cond3A_318 {
        %add3A_379 = arith.constant 5 : i32
        %add3A_380 = arith.addi %add3A_310, %add3A_379 : i32
        %sub3A = arith.constant 1 : i32
        %sub3A_381 = arith.subi %add3A_380, %sub3A : i32
        %dma_start3A_382 = arith.constant 0 : i32
        %dma_start3A_383 = tpu.memref_slice %arg6[%sub3A_381, %dma_start3A_382] : memref<250x40xi32, #tpu.memory_space<vmem>> -> memref<1x40xi32, #tpu.memory_space<vmem>>
        %dma_start3A_384 = tpu.memref_squeeze %dma_start3A_383 : memref<1x40xi32, #tpu.memory_space<vmem>> -> memref<40xi32, #tpu.memory_space<vmem>>
        %dma_start3A_385 = arith.constant 0 : i32
        %dma_start3A_386 = arith.constant 0 : i32
        %dma_start3A_387 = tpu.memref_slice %arg2[%dma_start3A_385, %dma_start3A_386] : memref<10000x128xf32, #tpu.memory_space<hbm>> -> memref<10000x128xf32, #tpu.memory_space<hbm>>
        tpu.enqueue_indirect_dma source(%dma_start3A_387 : memref<10000x128xf32, #tpu.memory_space<hbm>>) target(%arg12 : memref<40x128xf32, #tpu.memory_space<vmem>>) offsets(%dma_start3A_384 : memref<40xi32, #tpu.memory_space<vmem>>) semaphore(%arg19 : memref<!tpu.dma_semaphore, #tpu.memory_space<semaphore_mem>>)
      } else {
      }
      "tpu.region"() ({
        %run_scoped3A = tpu.sem_alloc : memref<!tpu.dma_semaphore, #tpu.memory_space<semaphore_mem>>
        %dma_start3A_379 = arith.constant 0 : i32
        %dma_start3A_380 = tpu.memref_slice %arg7[%add3A_310, %dma_start3A_379] : memref<250x40xi32, #tpu.memory_space<vmem>> -> memref<1x40xi32, #tpu.memory_space<vmem>>
        %dma_start3A_381 = tpu.memref_squeeze %dma_start3A_380 : memref<1x40xi32, #tpu.memory_space<vmem>> -> memref<40xi32, #tpu.memory_space<vmem>>
        %dma_start3A_382 = arith.constant 0 : i32
        %dma_start3A_383 = arith.constant 0 : i32
        %dma_start3A_384 = tpu.memref_slice %arg14[%dma_start3A_382, %dma_start3A_383] : memref<10000x128xf32, #tpu.memory_space<vmem_shared>> -> memref<10000x128xf32, #tpu.memory_space<vmem_shared>>
        tpu.enqueue_indirect_dma source(%arg8 : memref<40x128xf32, #tpu.memory_space<vmem>>) target(%dma_start3A_384 : memref<10000x128xf32, #tpu.memory_space<vmem_shared>>) offsets(%dma_start3A_381 : memref<40xi32, #tpu.memory_space<vmem>>) semaphore(%run_scoped3A : memref<!tpu.dma_semaphore, #tpu.memory_space<semaphore_mem>>) {add = true}
        %dma_wait3A_385 = arith.constant 0 : i32
        %dma_wait3A_386 = tpu.memref_slice %arg7[%add3A_310, %dma_wait3A_385] : memref<250x40xi32, #tpu.memory_space<vmem>> -> memref<1x40xi32, #tpu.memory_space<vmem>>
        %dma_wait3A_387 = tpu.memref_squeeze %dma_wait3A_386 : memref<1x40xi32, #tpu.memory_space<vmem>> -> memref<40xi32, #tpu.memory_space<vmem>>
        %dma_wait3A_388 = arith.constant 0 : i32
        %dma_wait3A_389 = arith.constant 0 : i32
        %dma_wait3A_390 = tpu.memref_slice %arg14[%dma_wait3A_388, %dma_wait3A_389] : memref<10000x128xf32, #tpu.memory_space<vmem_shared>> -> memref<10000x128xf32, #tpu.memory_space<vmem_shared>>
        tpu.wait_indirect_dma semaphore(%run_scoped3A : memref<!tpu.dma_semaphore, #tpu.memory_space<semaphore_mem>>) src(%arg8 : memref<40x128xf32, #tpu.memory_space<vmem>>) dst(%dma_wait3A_390 : memref<10000x128xf32, #tpu.memory_space<vmem_shared>>)
        tpu.yield
      }) : () -> ()
      %mul3A_319 = arith.constant 5 : i32
      %mul3A_320 = arith.muli %scan3A_306, %mul3A_319 : i32
      %add3A_321 = arith.constant 1 : i32
      %add3A_322 = arith.addi %mul3A_320, %add3A_321 : i32
      %dma_wait3A_323 = arith.constant 0 : i32
      %dma_wait3A_324 = tpu.memref_slice %arg6[%add3A_322, %dma_wait3A_323] : memref<250x40xi32, #tpu.memory_space<vmem>> -> memref<1x40xi32, #tpu.memory_space<vmem>>
      %dma_wait3A_325 = tpu.memref_squeeze %dma_wait3A_324 : memref<1x40xi32, #tpu.memory_space<vmem>> -> memref<40xi32, #tpu.memory_space<vmem>>
      %dma_wait3A_326 = arith.constant 0 : i32
      %dma_wait3A_327 = arith.constant 0 : i32
      %dma_wait3A_328 = tpu.memref_slice %arg2[%dma_wait3A_326, %dma_wait3A_327] : memref<10000x128xf32, #tpu.memory_space<hbm>> -> memref<10000x128xf32, #tpu.memory_space<hbm>>
      tpu.wait_indirect_dma semaphore(%arg16 : memref<!tpu.dma_semaphore, #tpu.memory_space<semaphore_mem>>) src(%dma_wait3A_328 : memref<10000x128xf32, #tpu.memory_space<hbm>>) dst(%arg9 : memref<40x128xf32, #tpu.memory_space<vmem>>)
      %le3A_329 = arith.constant 245 : i32
      %le3A_330 = arith.cmpi sle, %add3A_322, %le3A_329 : i32
      %convert_element_type3A_331 = arith.extui %le3A_330 : i1 to i32
      %cond3A_332 = arith.constant 0 : i32
      %cond3A_333 = arith.cmpi ne, %convert_element_type3A_331, %cond3A_332 : i32
      scf.if %cond3A_333 {
        %add3A_379 = arith.constant 5 : i32
        %add3A_380 = arith.addi %add3A_322, %add3A_379 : i32
        %sub3A = arith.constant 1 : i32
        %sub3A_381 = arith.subi %add3A_380, %sub3A : i32
        %dma_start3A_382 = arith.constant 0 : i32
        %dma_start3A_383 = tpu.memref_slice %arg6[%sub3A_381, %dma_start3A_382] : memref<250x40xi32, #tpu.memory_space<vmem>> -> memref<1x40xi32, #tpu.memory_space<vmem>>
        %dma_start3A_384 = tpu.memref_squeeze %dma_start3A_383 : memref<1x40xi32, #tpu.memory_space<vmem>> -> memref<40xi32, #tpu.memory_space<vmem>>
        %dma_start3A_385 = arith.constant 0 : i32
        %dma_start3A_386 = arith.constant 0 : i32
        %dma_start3A_387 = tpu.memref_slice %arg2[%dma_start3A_385, %dma_start3A_386] : memref<10000x128xf32, #tpu.memory_space<hbm>> -> memref<10000x128xf32, #tpu.memory_space<hbm>>
        tpu.enqueue_indirect_dma source(%dma_start3A_387 : memref<10000x128xf32, #tpu.memory_space<hbm>>) target(%arg8 : memref<40x128xf32, #tpu.memory_space<vmem>>) offsets(%dma_start3A_384 : memref<40xi32, #tpu.memory_space<vmem>>) semaphore(%arg15 : memref<!tpu.dma_semaphore, #tpu.memory_space<semaphore_mem>>)
      } else {
      }
      "tpu.region"() ({
        %run_scoped3A = tpu.sem_alloc : memref<!tpu.dma_semaphore, #tpu.memory_space<semaphore_mem>>
        %dma_start3A_379 = arith.constant 0 : i32
        %dma_start3A_380 = tpu.memref_slice %arg7[%add3A_322, %dma_start3A_379] : memref<250x40xi32, #tpu.memory_space<vmem>> -> memref<1x40xi32, #tpu.memory_space<vmem>>
        %dma_start3A_381 = tpu.memref_squeeze %dma_start3A_380 : memref<1x40xi32, #tpu.memory_space<vmem>> -> memref<40xi32, #tpu.memory_space<vmem>>
        %dma_start3A_382 = arith.constant 0 : i32
        %dma_start3A_383 = arith.constant 0 : i32
        %dma_start3A_384 = tpu.memref_slice %arg14[%dma_start3A_382, %dma_start3A_383] : memref<10000x128xf32, #tpu.memory_space<vmem_shared>> -> memref<10000x128xf32, #tpu.memory_space<vmem_shared>>
        tpu.enqueue_indirect_dma source(%arg9 : memref<40x128xf32, #tpu.memory_space<vmem>>) target(%dma_start3A_384 : memref<10000x128xf32, #tpu.memory_space<vmem_shared>>) offsets(%dma_start3A_381 : memref<40xi32, #tpu.memory_space<vmem>>) semaphore(%run_scoped3A : memref<!tpu.dma_semaphore, #tpu.memory_space<semaphore_mem>>) {add = true}
        %dma_wait3A_385 = arith.constant 0 : i32
        %dma_wait3A_386 = tpu.memref_slice %arg7[%add3A_322, %dma_wait3A_385] : memref<250x40xi32, #tpu.memory_space<vmem>> -> memref<1x40xi32, #tpu.memory_space<vmem>>
        %dma_wait3A_387 = tpu.memref_squeeze %dma_wait3A_386 : memref<1x40xi32, #tpu.memory_space<vmem>> -> memref<40xi32, #tpu.memory_space<vmem>>
        %dma_wait3A_388 = arith.constant 0 : i32
        %dma_wait3A_389 = arith.constant 0 : i32
        %dma_wait3A_390 = tpu.memref_slice %arg14[%dma_wait3A_388, %dma_wait3A_389] : memref<10000x128xf32, #tpu.memory_space<vmem_shared>> -> memref<10000x128xf32, #tpu.memory_space<vmem_shared>>
        tpu.wait_indirect_dma semaphore(%run_scoped3A : memref<!tpu.dma_semaphore, #tpu.memory_space<semaphore_mem>>) src(%arg9 : memref<40x128xf32, #tpu.memory_space<vmem>>) dst(%dma_wait3A_390 : memref<10000x128xf32, #tpu.memory_space<vmem_shared>>)
        tpu.yield
      }) : () -> ()
      %mul3A_334 = arith.constant 5 : i32
      %mul3A_335 = arith.muli %scan3A_306, %mul3A_334 : i32
      %add3A_336 = arith.constant 2 : i32
      %add3A_337 = arith.addi %mul3A_335, %add3A_336 : i32
      %dma_wait3A_338 = arith.constant 0 : i32
      %dma_wait3A_339 = tpu.memref_slice %arg6[%add3A_337, %dma_wait3A_338] : memref<250x40xi32, #tpu.memory_space<vmem>> -> memref<1x40xi32, #tpu.memory_space<vmem>>
      %dma_wait3A_340 = tpu.memref_squeeze %dma_wait3A_339 : memref<1x40xi32, #tpu.memory_space<vmem>> -> memref<40xi32, #tpu.memory_space<vmem>>
      %dma_wait3A_341 = arith.constant 0 : i32
      %dma_wait3A_342 = arith.constant 0 : i32
      %dma_wait3A_343 = tpu.memref_slice %arg2[%dma_wait3A_341, %dma_wait3A_342] : memref<10000x128xf32, #tpu.memory_space<hbm>> -> memref<10000x128xf32, #tpu.memory_space<hbm>>
      tpu.wait_indirect_dma semaphore(%arg17 : memref<!tpu.dma_semaphore, #tpu.memory_space<semaphore_mem>>) src(%dma_wait3A_343 : memref<10000x128xf32, #tpu.memory_space<hbm>>) dst(%arg10 : memref<40x128xf32, #tpu.memory_space<vmem>>)
      %le3A_344 = arith.constant 245 : i32
      %le3A_345 = arith.cmpi sle, %add3A_337, %le3A_344 : i32
      %convert_element_type3A_346 = arith.extui %le3A_345 : i1 to i32
      %cond3A_347 = arith.constant 0 : i32
      %cond3A_348 = arith.cmpi ne, %convert_element_type3A_346, %cond3A_347 : i32
      scf.if %cond3A_348 {
        %add3A_379 = arith.constant 5 : i32
        %add3A_380 = arith.addi %add3A_337, %add3A_379 : i32
        %sub3A = arith.constant 1 : i32
        %sub3A_381 = arith.subi %add3A_380, %sub3A : i32
        %dma_start3A_382 = arith.constant 0 : i32
        %dma_start3A_383 = tpu.memref_slice %arg6[%sub3A_381, %dma_start3A_382] : memref<250x40xi32, #tpu.memory_space<vmem>> -> memref<1x40xi32, #tpu.memory_space<vmem>>
        %dma_start3A_384 = tpu.memref_squeeze %dma_start3A_383 : memref<1x40xi32, #tpu.memory_space<vmem>> -> memref<40xi32, #tpu.memory_space<vmem>>
        %dma_start3A_385 = arith.constant 0 : i32
        %dma_start3A_386 = arith.constant 0 : i32
        %dma_start3A_387 = tpu.memref_slice %arg2[%dma_start3A_385, %dma_start3A_386] : memref<10000x128xf32, #tpu.memory_space<hbm>> -> memref<10000x128xf32, #tpu.memory_space<hbm>>
        tpu.enqueue_indirect_dma source(%dma_start3A_387 : memref<10000x128xf32, #tpu.memory_space<hbm>>) target(%arg9 : memref<40x128xf32, #tpu.memory_space<vmem>>) offsets(%dma_start3A_384 : memref<40xi32, #tpu.memory_space<vmem>>) semaphore(%arg16 : memref<!tpu.dma_semaphore, #tpu.memory_space<semaphore_mem>>)
      } else {
      }
      "tpu.region"() ({
        %run_scoped3A = tpu.sem_alloc : memref<!tpu.dma_semaphore, #tpu.memory_space<semaphore_mem>>
        %dma_start3A_379 = arith.constant 0 : i32
        %dma_start3A_380 = tpu.memref_slice %arg7[%add3A_337, %dma_start3A_379] : memref<250x40xi32, #tpu.memory_space<vmem>> -> memref<1x40xi32, #tpu.memory_space<vmem>>
        %dma_start3A_381 = tpu.memref_squeeze %dma_start3A_380 : memref<1x40xi32, #tpu.memory_space<vmem>> -> memref<40xi32, #tpu.memory_space<vmem>>
        %dma_start3A_382 = arith.constant 0 : i32
        %dma_start3A_383 = arith.constant 0 : i32
        %dma_start3A_384 = tpu.memref_slice %arg14[%dma_start3A_382, %dma_start3A_383] : memref<10000x128xf32, #tpu.memory_space<vmem_shared>> -> memref<10000x128xf32, #tpu.memory_space<vmem_shared>>
        tpu.enqueue_indirect_dma source(%arg10 : memref<40x128xf32, #tpu.memory_space<vmem>>) target(%dma_start3A_384 : memref<10000x128xf32, #tpu.memory_space<vmem_shared>>) offsets(%dma_start3A_381 : memref<40xi32, #tpu.memory_space<vmem>>) semaphore(%run_scoped3A : memref<!tpu.dma_semaphore, #tpu.memory_space<semaphore_mem>>) {add = true}
        %dma_wait3A_385 = arith.constant 0 : i32
        %dma_wait3A_386 = tpu.memref_slice %arg7[%add3A_337, %dma_wait3A_385] : memref<250x40xi32, #tpu.memory_space<vmem>> -> memref<1x40xi32, #tpu.memory_space<vmem>>
        %dma_wait3A_387 = tpu.memref_squeeze %dma_wait3A_386 : memref<1x40xi32, #tpu.memory_space<vmem>> -> memref<40xi32, #tpu.memory_space<vmem>>
        %dma_wait3A_388 = arith.constant 0 : i32
        %dma_wait3A_389 = arith.constant 0 : i32
        %dma_wait3A_390 = tpu.memref_slice %arg14[%dma_wait3A_388, %dma_wait3A_389] : memref<10000x128xf32, #tpu.memory_space<vmem_shared>> -> memref<10000x128xf32, #tpu.memory_space<vmem_shared>>
        tpu.wait_indirect_dma semaphore(%run_scoped3A : memref<!tpu.dma_semaphore, #tpu.memory_space<semaphore_mem>>) src(%arg10 : memref<40x128xf32, #tpu.memory_space<vmem>>) dst(%dma_wait3A_390 : memref<10000x128xf32, #tpu.memory_space<vmem_shared>>)
        tpu.yield
      }) : () -> ()
      %mul3A_349 = arith.constant 5 : i32
      %mul3A_350 = arith.muli %scan3A_306, %mul3A_349 : i32
      %add3A_351 = arith.constant 3 : i32
      %add3A_352 = arith.addi %mul3A_350, %add3A_351 : i32
      %dma_wait3A_353 = arith.constant 0 : i32
      %dma_wait3A_354 = tpu.memref_slice %arg6[%add3A_352, %dma_wait3A_353] : memref<250x40xi32, #tpu.memory_space<vmem>> -> memref<1x40xi32, #tpu.memory_space<vmem>>
      %dma_wait3A_355 = tpu.memref_squeeze %dma_wait3A_354 : memref<1x40xi32, #tpu.memory_space<vmem>> -> memref<40xi32, #tpu.memory_space<vmem>>
      %dma_wait3A_356 = arith.constant 0 : i32
      %dma_wait3A_357 = arith.constant 0 : i32
      %dma_wait3A_358 = tpu.memref_slice %arg2[%dma_wait3A_356, %dma_wait3A_357] : memref<10000x128xf32, #tpu.memory_space<hbm>> -> memref<10000x128xf32, #tpu.memory_space<hbm>>
      tpu.wait_indirect_dma semaphore(%arg18 : memref<!tpu.dma_semaphore, #tpu.memory_space<semaphore_mem>>) src(%dma_wait3A_358 : memref<10000x128xf32, #tpu.memory_space<hbm>>) dst(%arg11 : memref<40x128xf32, #tpu.memory_space<vmem>>)
      %le3A_359 = arith.constant 245 : i32
      %le3A_360 = arith.cmpi sle, %add3A_352, %le3A_359 : i32
      %convert_element_type3A_361 = arith.extui %le3A_360 : i1 to i32
      %cond3A_362 = arith.constant 0 : i32
      %cond3A_363 = arith.cmpi ne, %convert_element_type3A_361, %cond3A_362 : i32
      scf.if %cond3A_363 {
        %add3A_379 = arith.constant 5 : i32
        %add3A_380 = arith.addi %add3A_352, %add3A_379 : i32
        %sub3A = arith.constant 1 : i32
        %sub3A_381 = arith.subi %add3A_380, %sub3A : i32
        %dma_start3A_382 = arith.constant 0 : i32
        %dma_start3A_383 = tpu.memref_slice %arg6[%sub3A_381, %dma_start3A_382] : memref<250x40xi32, #tpu.memory_space<vmem>> -> memref<1x40xi32, #tpu.memory_space<vmem>>
        %dma_start3A_384 = tpu.memref_squeeze %dma_start3A_383 : memref<1x40xi32, #tpu.memory_space<vmem>> -> memref<40xi32, #tpu.memory_space<vmem>>
        %dma_start3A_385 = arith.constant 0 : i32
        %dma_start3A_386 = arith.constant 0 : i32
        %dma_start3A_387 = tpu.memref_slice %arg2[%dma_start3A_385, %dma_start3A_386] : memref<10000x128xf32, #tpu.memory_space<hbm>> -> memref<10000x128xf32, #tpu.memory_space<hbm>>
        tpu.enqueue_indirect_dma source(%dma_start3A_387 : memref<10000x128xf32, #tpu.memory_space<hbm>>) target(%arg10 : memref<40x128xf32, #tpu.memory_space<vmem>>) offsets(%dma_start3A_384 : memref<40xi32, #tpu.memory_space<vmem>>) semaphore(%arg17 : memref<!tpu.dma_semaphore, #tpu.memory_space<semaphore_mem>>)
      } else {
      }
      "tpu.region"() ({
        %run_scoped3A = tpu.sem_alloc : memref<!tpu.dma_semaphore, #tpu.memory_space<semaphore_mem>>
        %dma_start3A_379 = arith.constant 0 : i32
        %dma_start3A_380 = tpu.memref_slice %arg7[%add3A_352, %dma_start3A_379] : memref<250x40xi32, #tpu.memory_space<vmem>> -> memref<1x40xi32, #tpu.memory_space<vmem>>
        %dma_start3A_381 = tpu.memref_squeeze %dma_start3A_380 : memref<1x40xi32, #tpu.memory_space<vmem>> -> memref<40xi32, #tpu.memory_space<vmem>>
        %dma_start3A_382 = arith.constant 0 : i32
        %dma_start3A_383 = arith.constant 0 : i32
        %dma_start3A_384 = tpu.memref_slice %arg14[%dma_start3A_382, %dma_start3A_383] : memref<10000x128xf32, #tpu.memory_space<vmem_shared>> -> memref<10000x128xf32, #tpu.memory_space<vmem_shared>>
        tpu.enqueue_indirect_dma source(%arg11 : memref<40x128xf32, #tpu.memory_space<vmem>>) target(%dma_start3A_384 : memref<10000x128xf32, #tpu.memory_space<vmem_shared>>) offsets(%dma_start3A_381 : memref<40xi32, #tpu.memory_space<vmem>>) semaphore(%run_scoped3A : memref<!tpu.dma_semaphore, #tpu.memory_space<semaphore_mem>>) {add = true}
        %dma_wait3A_385 = arith.constant 0 : i32
        %dma_wait3A_386 = tpu.memref_slice %arg7[%add3A_352, %dma_wait3A_385] : memref<250x40xi32, #tpu.memory_space<vmem>> -> memref<1x40xi32, #tpu.memory_space<vmem>>
        %dma_wait3A_387 = tpu.memref_squeeze %dma_wait3A_386 : memref<1x40xi32, #tpu.memory_space<vmem>> -> memref<40xi32, #tpu.memory_space<vmem>>
        %dma_wait3A_388 = arith.constant 0 : i32
        %dma_wait3A_389 = arith.constant 0 : i32
        %dma_wait3A_390 = tpu.memref_slice %arg14[%dma_wait3A_388, %dma_wait3A_389] : memref<10000x128xf32, #tpu.memory_space<vmem_shared>> -> memref<10000x128xf32, #tpu.memory_space<vmem_shared>>
        tpu.wait_indirect_dma semaphore(%run_scoped3A : memref<!tpu.dma_semaphore, #tpu.memory_space<semaphore_mem>>) src(%arg11 : memref<40x128xf32, #tpu.memory_space<vmem>>) dst(%dma_wait3A_390 : memref<10000x128xf32, #tpu.memory_space<vmem_shared>>)
        tpu.yield
      }) : () -> ()
      %mul3A_364 = arith.constant 5 : i32
      %mul3A_365 = arith.muli %scan3A_306, %mul3A_364 : i32
      %add3A_366 = arith.constant 4 : i32
      %add3A_367 = arith.addi %mul3A_365, %add3A_366 : i32
      %dma_wait3A_368 = arith.constant 0 : i32
      %dma_wait3A_369 = tpu.memref_slice %arg6[%add3A_367, %dma_wait3A_368] : memref<250x40xi32, #tpu.memory_space<vmem>> -> memref<1x40xi32, #tpu.memory_space<vmem>>
      %dma_wait3A_370 = tpu.memref_squeeze %dma_wait3A_369 : memref<1x40xi32, #tpu.memory_space<vmem>> -> memref<40xi32, #tpu.memory_space<vmem>>
      %dma_wait3A_371 = arith.constant 0 : i32
      %dma_wait3A_372 = arith.constant 0 : i32
      %dma_wait3A_373 = tpu.memref_slice %arg2[%dma_wait3A_371, %dma_wait3A_372] : memref<10000x128xf32, #tpu.memory_space<hbm>> -> memref<10000x128xf32, #tpu.memory_space<hbm>>
      tpu.wait_indirect_dma semaphore(%arg19 : memref<!tpu.dma_semaphore, #tpu.memory_space<semaphore_mem>>) src(%dma_wait3A_373 : memref<10000x128xf32, #tpu.memory_space<hbm>>) dst(%arg12 : memref<40x128xf32, #tpu.memory_space<vmem>>)
      %le3A_374 = arith.constant 245 : i32
      %le3A_375 = arith.cmpi sle, %add3A_367, %le3A_374 : i32
      %convert_element_type3A_376 = arith.extui %le3A_375 : i1 to i32
      %cond3A_377 = arith.constant 0 : i32
      %cond3A_378 = arith.cmpi ne, %convert_element_type3A_376, %cond3A_377 : i32
      scf.if %cond3A_378 {
        %add3A_379 = arith.constant 5 : i32
        %add3A_380 = arith.addi %add3A_367, %add3A_379 : i32
        %sub3A = arith.constant 1 : i32
        %sub3A_381 = arith.subi %add3A_380, %sub3A : i32
        %dma_start3A_382 = arith.constant 0 : i32
        %dma_start3A_383 = tpu.memref_slice %arg6[%sub3A_381, %dma_start3A_382] : memref<250x40xi32, #tpu.memory_space<vmem>> -> memref<1x40xi32, #tpu.memory_space<vmem>>
        %dma_start3A_384 = tpu.memref_squeeze %dma_start3A_383 : memref<1x40xi32, #tpu.memory_space<vmem>> -> memref<40xi32, #tpu.memory_space<vmem>>
        %dma_start3A_385 = arith.constant 0 : i32
        %dma_start3A_386 = arith.constant 0 : i32
        %dma_start3A_387 = tpu.memref_slice %arg2[%dma_start3A_385, %dma_start3A_386] : memref<10000x128xf32, #tpu.memory_space<hbm>> -> memref<10000x128xf32, #tpu.memory_space<hbm>>
        tpu.enqueue_indirect_dma source(%dma_start3A_387 : memref<10000x128xf32, #tpu.memory_space<hbm>>) target(%arg11 : memref<40x128xf32, #tpu.memory_space<vmem>>) offsets(%dma_start3A_384 : memref<40xi32, #tpu.memory_space<vmem>>) semaphore(%arg18 : memref<!tpu.dma_semaphore, #tpu.memory_space<semaphore_mem>>)
      } else {
      }
      "tpu.region"() ({
        %run_scoped3A = tpu.sem_alloc : memref<!tpu.dma_semaphore, #tpu.memory_space<semaphore_mem>>
        %dma_start3A_379 = arith.constant 0 : i32
        %dma_start3A_380 = tpu.memref_slice %arg7[%add3A_367, %dma_start3A_379] : memref<250x40xi32, #tpu.memory_space<vmem>> -> memref<1x40xi32, #tpu.memory_space<vmem>>
        %dma_start3A_381 = tpu.memref_squeeze %dma_start3A_380 : memref<1x40xi32, #tpu.memory_space<vmem>> -> memref<40xi32, #tpu.memory_space<vmem>>
        %dma_start3A_382 = arith.constant 0 : i32
        %dma_start3A_383 = arith.constant 0 : i32
        %dma_start3A_384 = tpu.memref_slice %arg14[%dma_start3A_382, %dma_start3A_383] : memref<10000x128xf32, #tpu.memory_space<vmem_shared>> -> memref<10000x128xf32, #tpu.memory_space<vmem_shared>>
        tpu.enqueue_indirect_dma source(%arg12 : memref<40x128xf32, #tpu.memory_space<vmem>>) target(%dma_start3A_384 : memref<10000x128xf32, #tpu.memory_space<vmem_shared>>) offsets(%dma_start3A_381 : memref<40xi32, #tpu.memory_space<vmem>>) semaphore(%run_scoped3A : memref<!tpu.dma_semaphore, #tpu.memory_space<semaphore_mem>>) {add = true}
        %dma_wait3A_385 = arith.constant 0 : i32
        %dma_wait3A_386 = tpu.memref_slice %arg7[%add3A_367, %dma_wait3A_385] : memref<250x40xi32, #tpu.memory_space<vmem>> -> memref<1x40xi32, #tpu.memory_space<vmem>>
        %dma_wait3A_387 = tpu.memref_squeeze %dma_wait3A_386 : memref<1x40xi32, #tpu.memory_space<vmem>> -> memref<40xi32, #tpu.memory_space<vmem>>
        %dma_wait3A_388 = arith.constant 0 : i32
        %dma_wait3A_389 = arith.constant 0 : i32
        %dma_wait3A_390 = tpu.memref_slice %arg14[%dma_wait3A_388, %dma_wait3A_389] : memref<10000x128xf32, #tpu.memory_space<vmem_shared>> -> memref<10000x128xf32, #tpu.memory_space<vmem_shared>>
        tpu.wait_indirect_dma semaphore(%run_scoped3A : memref<!tpu.dma_semaphore, #tpu.memory_space<semaphore_mem>>) src(%arg12 : memref<40x128xf32, #tpu.memory_space<vmem>>) dst(%dma_wait3A_390 : memref<10000x128xf32, #tpu.memory_space<vmem_shared>>)
        tpu.yield
      }) : () -> ()
    }
    %scan3A_194 = arith.constant 50 : i32
    %barrier3A_195 = arith.constant 0 : index
    tpu.barrier barrier_id(%barrier3A_195)
    %mul3A_196 = arith.constant 625 : i32
    %mul3A_197 = arith.muli %arg1, %mul3A_196 : i32
    %add3A_198 = arith.constant 0 : i32
    %add3A_199 = arith.addi %mul3A_197, %add3A_198 : i32
    %mul3A_200 = arith.constant 10000 : i32
    %mul3A_201 = arith.muli %arg0, %mul3A_200 : i32
    %add3A_202 = arith.addi %mul3A_201, %add3A_199 : i32
    %dma_start3A_203 = arith.constant 0 : i32
    %dma_start3A_204 = tpu.memref_slice %arg5[%add3A_202, %dma_start3A_203] : memref<20000x128xf32, #tpu.memory_space<hbm>> -> memref<125x128xf32, #tpu.memory_space<hbm>>
    %dma_start3A_205 = arith.constant 0 : i32
    %dma_start3A_206 = tpu.memref_slice %arg14[%add3A_199, %dma_start3A_205] : memref<10000x128xf32, #tpu.memory_space<vmem_shared>> -> memref<125x128xf32, #tpu.memory_space<vmem_shared>>
    tpu.enqueue_dma source(%dma_start3A_206 : memref<125x128xf32, #tpu.memory_space<vmem_shared>>) target(%dma_start3A_204 : memref<125x128xf32, #tpu.memory_space<hbm>>) target_semaphore(%arg20 : memref<!tpu.dma_semaphore, #tpu.memory_space<semaphore_mem>>)
    %mul3A_207 = arith.constant 625 : i32
    %mul3A_208 = arith.muli %arg1, %mul3A_207 : i32
    %add3A_209 = arith.constant 125 : i32
    %add3A_210 = arith.addi %mul3A_208, %add3A_209 : i32
    %mul3A_211 = arith.constant 10000 : i32
    %mul3A_212 = arith.muli %arg0, %mul3A_211 : i32
    %add3A_213 = arith.addi %mul3A_212, %add3A_210 : i32
    %dma_start3A_214 = arith.constant 0 : i32
    %dma_start3A_215 = tpu.memref_slice %arg5[%add3A_213, %dma_start3A_214] : memref<20000x128xf32, #tpu.memory_space<hbm>> -> memref<125x128xf32, #tpu.memory_space<hbm>>
    %dma_start3A_216 = arith.constant 0 : i32
    %dma_start3A_217 = tpu.memref_slice %arg14[%add3A_210, %dma_start3A_216] : memref<10000x128xf32, #tpu.memory_space<vmem_shared>> -> memref<125x128xf32, #tpu.memory_space<vmem_shared>>
    tpu.enqueue_dma source(%dma_start3A_217 : memref<125x128xf32, #tpu.memory_space<vmem_shared>>) target(%dma_start3A_215 : memref<125x128xf32, #tpu.memory_space<hbm>>) target_semaphore(%arg20 : memref<!tpu.dma_semaphore, #tpu.memory_space<semaphore_mem>>)
    %mul3A_218 = arith.constant 625 : i32
    %mul3A_219 = arith.muli %arg1, %mul3A_218 : i32
    %add3A_220 = arith.constant 250 : i32
    %add3A_221 = arith.addi %mul3A_219, %add3A_220 : i32
    %mul3A_222 = arith.constant 10000 : i32
    %mul3A_223 = arith.muli %arg0, %mul3A_222 : i32
    %add3A_224 = arith.addi %mul3A_223, %add3A_221 : i32
    %dma_start3A_225 = arith.constant 0 : i32
    %dma_start3A_226 = tpu.memref_slice %arg5[%add3A_224, %dma_start3A_225] : memref<20000x128xf32, #tpu.memory_space<hbm>> -> memref<125x128xf32, #tpu.memory_space<hbm>>
    %dma_start3A_227 = arith.constant 0 : i32
    %dma_start3A_228 = tpu.memref_slice %arg14[%add3A_221, %dma_start3A_227] : memref<10000x128xf32, #tpu.memory_space<vmem_shared>> -> memref<125x128xf32, #tpu.memory_space<vmem_shared>>
    tpu.enqueue_dma source(%dma_start3A_228 : memref<125x128xf32, #tpu.memory_space<vmem_shared>>) target(%dma_start3A_226 : memref<125x128xf32, #tpu.memory_space<hbm>>) target_semaphore(%arg20 : memref<!tpu.dma_semaphore, #tpu.memory_space<semaphore_mem>>)
    %mul3A_229 = arith.constant 625 : i32
    %mul3A_230 = arith.muli %arg1, %mul3A_229 : i32
    %add3A_231 = arith.constant 375 : i32
    %add3A_232 = arith.addi %mul3A_230, %add3A_231 : i32
    %mul3A_233 = arith.constant 10000 : i32
    %mul3A_234 = arith.muli %arg0, %mul3A_233 : i32
    %add3A_235 = arith.addi %mul3A_234, %add3A_232 : i32
    %dma_start3A_236 = arith.constant 0 : i32
    %dma_start3A_237 = tpu.memref_slice %arg5[%add3A_235, %dma_start3A_236] : memref<20000x128xf32, #tpu.memory_space<hbm>> -> memref<125x128xf32, #tpu.memory_space<hbm>>
    %dma_start3A_238 = arith.constant 0 : i32
    %dma_start3A_239 = tpu.memref_slice %arg14[%add3A_232, %dma_start3A_238] : memref<10000x128xf32, #tpu.memory_space<vmem_shared>> -> memref<125x128xf32, #tpu.memory_space<vmem_shared>>
    tpu.enqueue_dma source(%dma_start3A_239 : memref<125x128xf32, #tpu.memory_space<vmem_shared>>) target(%dma_start3A_237 : memref<125x128xf32, #tpu.memory_space<hbm>>) target_semaphore(%arg20 : memref<!tpu.dma_semaphore, #tpu.memory_space<semaphore_mem>>)
    %mul3A_240 = arith.constant 625 : i32
    %mul3A_241 = arith.muli %arg1, %mul3A_240 : i32
    %add3A_242 = arith.constant 500 : i32
    %add3A_243 = arith.addi %mul3A_241, %add3A_242 : i32
    %mul3A_244 = arith.constant 10000 : i32
    %mul3A_245 = arith.muli %arg0, %mul3A_244 : i32
    %add3A_246 = arith.addi %mul3A_245, %add3A_243 : i32
    %dma_start3A_247 = arith.constant 0 : i32
    %dma_start3A_248 = tpu.memref_slice %arg5[%add3A_246, %dma_start3A_247] : memref<20000x128xf32, #tpu.memory_space<hbm>> -> memref<125x128xf32, #tpu.memory_space<hbm>>
    %dma_start3A_249 = arith.constant 0 : i32
    %dma_start3A_250 = tpu.memref_slice %arg14[%add3A_243, %dma_start3A_249] : memref<10000x128xf32, #tpu.memory_space<vmem_shared>> -> memref<125x128xf32, #tpu.memory_space<vmem_shared>>
    tpu.enqueue_dma source(%dma_start3A_250 : memref<125x128xf32, #tpu.memory_space<vmem_shared>>) target(%dma_start3A_248 : memref<125x128xf32, #tpu.memory_space<hbm>>) target_semaphore(%arg20 : memref<!tpu.dma_semaphore, #tpu.memory_space<semaphore_mem>>)
    %mul3A_251 = arith.constant 625 : i32
    %mul3A_252 = arith.muli %arg1, %mul3A_251 : i32
    %add3A_253 = arith.constant 0 : i32
    %add3A_254 = arith.addi %mul3A_252, %add3A_253 : i32
    %mul3A_255 = arith.constant 10000 : i32
    %mul3A_256 = arith.muli %arg0, %mul3A_255 : i32
    %add3A_257 = arith.addi %mul3A_256, %add3A_254 : i32
    %dma_wait3A_258 = arith.constant 0 : i32
    %dma_wait3A_259 = tpu.memref_slice %arg5[%add3A_257, %dma_wait3A_258] : memref<20000x128xf32, #tpu.memory_space<hbm>> -> memref<125x128xf32, #tpu.memory_space<hbm>>
    %dma_wait3A_260 = arith.constant 0 : i32
    %dma_wait3A_261 = tpu.memref_slice %arg14[%add3A_254, %dma_wait3A_260] : memref<10000x128xf32, #tpu.memory_space<vmem_shared>> -> memref<125x128xf32, #tpu.memory_space<vmem_shared>>
    tpu.wait_dma2 semaphore(%arg20 : memref<!tpu.dma_semaphore, #tpu.memory_space<semaphore_mem>>) src(%dma_wait3A_261 : memref<125x128xf32, #tpu.memory_space<vmem_shared>>) dst(%dma_wait3A_259 : memref<125x128xf32, #tpu.memory_space<hbm>>)
    %mul3A_262 = arith.constant 625 : i32
    %mul3A_263 = arith.muli %arg1, %mul3A_262 : i32
    %add3A_264 = arith.constant 125 : i32
    %add3A_265 = arith.addi %mul3A_263, %add3A_264 : i32
    %mul3A_266 = arith.constant 10000 : i32
    %mul3A_267 = arith.muli %arg0, %mul3A_266 : i32
    %add3A_268 = arith.addi %mul3A_267, %add3A_265 : i32
    %dma_wait3A_269 = arith.constant 0 : i32
    %dma_wait3A_270 = tpu.memref_slice %arg5[%add3A_268, %dma_wait3A_269] : memref<20000x128xf32, #tpu.memory_space<hbm>> -> memref<125x128xf32, #tpu.memory_space<hbm>>
    %dma_wait3A_271 = arith.constant 0 : i32
    %dma_wait3A_272 = tpu.memref_slice %arg14[%add3A_265, %dma_wait3A_271] : memref<10000x128xf32, #tpu.memory_space<vmem_shared>> -> memref<125x128xf32, #tpu.memory_space<vmem_shared>>
    tpu.wait_dma2 semaphore(%arg20 : memref<!tpu.dma_semaphore, #tpu.memory_space<semaphore_mem>>) src(%dma_wait3A_272 : memref<125x128xf32, #tpu.memory_space<vmem_shared>>) dst(%dma_wait3A_270 : memref<125x128xf32, #tpu.memory_space<hbm>>)
    %mul3A_273 = arith.constant 625 : i32
    %mul3A_274 = arith.muli %arg1, %mul3A_273 : i32
    %add3A_275 = arith.constant 250 : i32
    %add3A_276 = arith.addi %mul3A_274, %add3A_275 : i32
    %mul3A_277 = arith.constant 10000 : i32
    %mul3A_278 = arith.muli %arg0, %mul3A_277 : i32
    %add3A_279 = arith.addi %mul3A_278, %add3A_276 : i32
    %dma_wait3A_280 = arith.constant 0 : i32
    %dma_wait3A_281 = tpu.memref_slice %arg5[%add3A_279, %dma_wait3A_280] : memref<20000x128xf32, #tpu.memory_space<hbm>> -> memref<125x128xf32, #tpu.memory_space<hbm>>
    %dma_wait3A_282 = arith.constant 0 : i32
    %dma_wait3A_283 = tpu.memref_slice %arg14[%add3A_276, %dma_wait3A_282] : memref<10000x128xf32, #tpu.memory_space<vmem_shared>> -> memref<125x128xf32, #tpu.memory_space<vmem_shared>>
    tpu.wait_dma2 semaphore(%arg20 : memref<!tpu.dma_semaphore, #tpu.memory_space<semaphore_mem>>) src(%dma_wait3A_283 : memref<125x128xf32, #tpu.memory_space<vmem_shared>>) dst(%dma_wait3A_281 : memref<125x128xf32, #tpu.memory_space<hbm>>)
    %mul3A_284 = arith.constant 625 : i32
    %mul3A_285 = arith.muli %arg1, %mul3A_284 : i32
    %add3A_286 = arith.constant 375 : i32
    %add3A_287 = arith.addi %mul3A_285, %add3A_286 : i32
    %mul3A_288 = arith.constant 10000 : i32
    %mul3A_289 = arith.muli %arg0, %mul3A_288 : i32
    %add3A_290 = arith.addi %mul3A_289, %add3A_287 : i32
    %dma_wait3A_291 = arith.constant 0 : i32
    %dma_wait3A_292 = tpu.memref_slice %arg5[%add3A_290, %dma_wait3A_291] : memref<20000x128xf32, #tpu.memory_space<hbm>> -> memref<125x128xf32, #tpu.memory_space<hbm>>
    %dma_wait3A_293 = arith.constant 0 : i32
    %dma_wait3A_294 = tpu.memref_slice %arg14[%add3A_287, %dma_wait3A_293] : memref<10000x128xf32, #tpu.memory_space<vmem_shared>> -> memref<125x128xf32, #tpu.memory_space<vmem_shared>>
    tpu.wait_dma2 semaphore(%arg20 : memref<!tpu.dma_semaphore, #tpu.memory_space<semaphore_mem>>) src(%dma_wait3A_294 : memref<125x128xf32, #tpu.memory_space<vmem_shared>>) dst(%dma_wait3A_292 : memref<125x128xf32, #tpu.memory_space<hbm>>)
    %mul3A_295 = arith.constant 625 : i32
    %mul3A_296 = arith.muli %arg1, %mul3A_295 : i32
    %add3A_297 = arith.constant 500 : i32
    %add3A_298 = arith.addi %mul3A_296, %add3A_297 : i32
    %mul3A_299 = arith.constant 10000 : i32
    %mul3A_300 = arith.muli %arg0, %mul3A_299 : i32
    %add3A_301 = arith.addi %mul3A_300, %add3A_298 : i32
    %dma_wait3A_302 = arith.constant 0 : i32
    %dma_wait3A_303 = tpu.memref_slice %arg5[%add3A_301, %dma_wait3A_302] : memref<20000x128xf32, #tpu.memory_space<hbm>> -> memref<125x128xf32, #tpu.memory_space<hbm>>
    %dma_wait3A_304 = arith.constant 0 : i32
    %dma_wait3A_305 = tpu.memref_slice %arg14[%add3A_298, %dma_wait3A_304] : memref<10000x128xf32, #tpu.memory_space<vmem_shared>> -> memref<125x128xf32, #tpu.memory_space<vmem_shared>>
    tpu.wait_dma2 semaphore(%arg20 : memref<!tpu.dma_semaphore, #tpu.memory_space<semaphore_mem>>) src(%dma_wait3A_305 : memref<125x128xf32, #tpu.memory_space<vmem_shared>>) dst(%dma_wait3A_303 : memref<125x128xf32, #tpu.memory_space<hbm>>)
    return
  }
}

#map = affine_map<(d0, d1) -> (0, 0)>
#map1 = affine_map<(d0, d1) -> (0, 0, 0)>
module attributes {stable_mosaic.version = 14 : i64} {
  func.func @_segsum_body(%arg0: i32, %arg1: i32, %arg2: memref<10000x128xf32, #tpu.memory_space<hbm>>, %arg3: memref<32x250x40xi32, #tpu.memory_space<hbm>>, %arg4: memref<32x250x40xi32, #tpu.memory_space<hbm>>, %arg5: memref<20000x128xf32, #tpu.memory_space<hbm>>, %arg6: memref<250x40xi32, #tpu.memory_space<vmem>>, %arg7: memref<250x40xi32, #tpu.memory_space<vmem>>, %arg8: memref<40x128xf32, #tpu.memory_space<vmem>>, %arg9: memref<40x128xf32, #tpu.memory_space<vmem>>, %arg10: memref<40x128xf32, #tpu.memory_space<vmem>>, %arg11: memref<40x128xf32, #tpu.memory_space<vmem>>, %arg12: memref<40x128xf32, #tpu.memory_space<vmem>>, %arg13: memref<25x128xf32, #tpu.memory_space<vmem>>, %arg14: memref<10000x128xf32, #tpu.memory_space<vmem_shared>>, %arg15: memref<!tpu.dma_semaphore, #tpu.memory_space<semaphore_mem>>, %arg16: memref<!tpu.dma_semaphore, #tpu.memory_space<semaphore_mem>>, %arg17: memref<!tpu.dma_semaphore, #tpu.memory_space<semaphore_mem>>, %arg18: memref<!tpu.dma_semaphore, #tpu.memory_space<semaphore_mem>>, %arg19: memref<!tpu.dma_semaphore, #tpu.memory_space<semaphore_mem>>, %arg20: memref<!tpu.dma_semaphore, #tpu.memory_space<semaphore_mem>>) attributes {dimension_semantics = [#tpu.dimension_semantics<core_parallel>, #tpu.dimension_semantics<subcore_parallel>], iteration_bounds = array<i64: 2, 16>, scalar_prefetch = 0 : i64, scratch_operands = 15 : i64, tpu.core_type = #tpu.core_type<sc_vector_subcore>, window_params = [{transform_indices = #map}, {transform_indices = #map1}, {transform_indices = #map1}, {transform_indices = #map}]} {
    %mul3A = arith.constant 16 : i32
    %mul3A_0 = arith.muli %arg0, %mul3A : i32
    %add3A = arith.addi %mul3A_0, %arg1 : i32
    "tpu.region"() ({
      %run_scoped3A = tpu.sem_alloc : memref<!tpu.dma_semaphore, #tpu.memory_space<semaphore_mem>>
      %dma_start3A_306 = arith.constant 0 : i32
      %dma_start3A_307 = arith.constant 0 : i32
      %dma_start3A_308 = tpu.memref_slice %arg3[%add3A, %dma_start3A_306, %dma_start3A_307] : memref<32x250x40xi32, #tpu.memory_space<hbm>> -> memref<1x250x40xi32, #tpu.memory_space<hbm>>
      %dma_start3A_309 = tpu.memref_squeeze %dma_start3A_308 : memref<1x250x40xi32, #tpu.memory_space<hbm>> -> memref<250x40xi32, #tpu.memory_space<hbm>>
      %dma_start3A_310 = arith.constant 0 : i32
      %dma_start3A_311 = arith.constant 0 : i32
      %dma_start3A_312 = tpu.memref_slice %arg3[%add3A, %dma_start3A_310, %dma_start3A_311] : memref<32x250x40xi32, #tpu.memory_space<hbm>> -> memref<1x250x40xi32, #tpu.memory_space<hbm>>
      %dma_start3A_313 = tpu.memref_squeeze %dma_start3A_312 : memref<1x250x40xi32, #tpu.memory_space<hbm>> -> memref<250x40xi32, #tpu.memory_space<hbm>>
      tpu.enqueue_dma source(%dma_start3A_313 : memref<250x40xi32, #tpu.memory_space<hbm>>) target(%arg6 : memref<250x40xi32, #tpu.memory_space<vmem>>) target_semaphore(%run_scoped3A : memref<!tpu.dma_semaphore, #tpu.memory_space<semaphore_mem>>)
      %dma_wait3A_314 = arith.constant 0 : i32
      %dma_wait3A_315 = arith.constant 0 : i32
      %dma_wait3A_316 = tpu.memref_slice %arg3[%add3A, %dma_wait3A_314, %dma_wait3A_315] : memref<32x250x40xi32, #tpu.memory_space<hbm>> -> memref<1x250x40xi32, #tpu.memory_space<hbm>>
      %dma_wait3A_317 = tpu.memref_squeeze %dma_wait3A_316 : memref<1x250x40xi32, #tpu.memory_space<hbm>> -> memref<250x40xi32, #tpu.memory_space<hbm>>
      %dma_wait3A_318 = arith.constant 0 : i32
      %dma_wait3A_319 = arith.constant 0 : i32
      %dma_wait3A_320 = tpu.memref_slice %arg3[%add3A, %dma_wait3A_318, %dma_wait3A_319] : memref<32x250x40xi32, #tpu.memory_space<hbm>> -> memref<1x250x40xi32, #tpu.memory_space<hbm>>
      %dma_wait3A_321 = tpu.memref_squeeze %dma_wait3A_320 : memref<1x250x40xi32, #tpu.memory_space<hbm>> -> memref<250x40xi32, #tpu.memory_space<hbm>>
      tpu.wait_dma2 semaphore(%run_scoped3A : memref<!tpu.dma_semaphore, #tpu.memory_space<semaphore_mem>>) src(%dma_wait3A_321 : memref<250x40xi32, #tpu.memory_space<hbm>>) dst(%arg6 : memref<250x40xi32, #tpu.memory_space<vmem>>)
      tpu.yield
    }) : () -> ()
    "tpu.region"() ({
      %run_scoped3A = tpu.sem_alloc : memref<!tpu.dma_semaphore, #tpu.memory_space<semaphore_mem>>
      %dma_start3A_306 = arith.constant 0 : i32
      %dma_start3A_307 = arith.constant 0 : i32
      %dma_start3A_308 = tpu.memref_slice %arg4[%add3A, %dma_start3A_306, %dma_start3A_307] : memref<32x250x40xi32, #tpu.memory_space<hbm>> -> memref<1x250x40xi32, #tpu.memory_space<hbm>>
      %dma_start3A_309 = tpu.memref_squeeze %dma_start3A_308 : memref<1x250x40xi32, #tpu.memory_space<hbm>> -> memref<250x40xi32, #tpu.memory_space<hbm>>
      %dma_start3A_310 = arith.constant 0 : i32
      %dma_start3A_311 = arith.constant 0 : i32
      %dma_start3A_312 = tpu.memref_slice %arg4[%add3A, %dma_start3A_310, %dma_start3A_311] : memref<32x250x40xi32, #tpu.memory_space<hbm>> -> memref<1x250x40xi32, #tpu.memory_space<hbm>>
      %dma_start3A_313 = tpu.memref_squeeze %dma_start3A_312 : memref<1x250x40xi32, #tpu.memory_space<hbm>> -> memref<250x40xi32, #tpu.memory_space<hbm>>
      tpu.enqueue_dma source(%dma_start3A_313 : memref<250x40xi32, #tpu.memory_space<hbm>>) target(%arg7 : memref<250x40xi32, #tpu.memory_space<vmem>>) target_semaphore(%run_scoped3A : memref<!tpu.dma_semaphore, #tpu.memory_space<semaphore_mem>>)
      %dma_wait3A_314 = arith.constant 0 : i32
      %dma_wait3A_315 = arith.constant 0 : i32
      %dma_wait3A_316 = tpu.memref_slice %arg4[%add3A, %dma_wait3A_314, %dma_wait3A_315] : memref<32x250x40xi32, #tpu.memory_space<hbm>> -> memref<1x250x40xi32, #tpu.memory_space<hbm>>
      %dma_wait3A_317 = tpu.memref_squeeze %dma_wait3A_316 : memref<1x250x40xi32, #tpu.memory_space<hbm>> -> memref<250x40xi32, #tpu.memory_space<hbm>>
      %dma_wait3A_318 = arith.constant 0 : i32
      %dma_wait3A_319 = arith.constant 0 : i32
      %dma_wait3A_320 = tpu.memref_slice %arg4[%add3A, %dma_wait3A_318, %dma_wait3A_319] : memref<32x250x40xi32, #tpu.memory_space<hbm>> -> memref<1x250x40xi32, #tpu.memory_space<hbm>>
      %dma_wait3A_321 = tpu.memref_squeeze %dma_wait3A_320 : memref<1x250x40xi32, #tpu.memory_space<hbm>> -> memref<250x40xi32, #tpu.memory_space<hbm>>
      tpu.wait_dma2 semaphore(%run_scoped3A : memref<!tpu.dma_semaphore, #tpu.memory_space<semaphore_mem>>) src(%dma_wait3A_321 : memref<250x40xi32, #tpu.memory_space<hbm>>) dst(%arg7 : memref<250x40xi32, #tpu.memory_space<vmem>>)
      tpu.yield
    }) : () -> ()
    %dma_start3A = arith.constant 0 : i32
    %dma_start3A_1 = arith.constant 0 : i32
    %dma_start3A_2 = tpu.memref_slice %arg6[%dma_start3A, %dma_start3A_1] : memref<250x40xi32, #tpu.memory_space<vmem>> -> memref<1x40xi32, #tpu.memory_space<vmem>>
    %dma_start3A_3 = tpu.memref_squeeze %dma_start3A_2 : memref<1x40xi32, #tpu.memory_space<vmem>> -> memref<40xi32, #tpu.memory_space<vmem>>
    %dma_start3A_4 = arith.constant 0 : i32
    %dma_start3A_5 = arith.constant 0 : i32
    %dma_start3A_6 = tpu.memref_slice %arg2[%dma_start3A_4, %dma_start3A_5] : memref<10000x128xf32, #tpu.memory_space<hbm>> -> memref<10000x128xf32, #tpu.memory_space<hbm>>
    tpu.enqueue_indirect_dma source(%dma_start3A_6 : memref<10000x128xf32, #tpu.memory_space<hbm>>) target(%arg8 : memref<40x128xf32, #tpu.memory_space<vmem>>) offsets(%dma_start3A_3 : memref<40xi32, #tpu.memory_space<vmem>>) semaphore(%arg15 : memref<!tpu.dma_semaphore, #tpu.memory_space<semaphore_mem>>)
    %dma_start3A_7 = arith.constant 1 : i32
    %dma_start3A_8 = arith.constant 0 : i32
    %dma_start3A_9 = tpu.memref_slice %arg6[%dma_start3A_7, %dma_start3A_8] : memref<250x40xi32, #tpu.memory_space<vmem>> -> memref<1x40xi32, #tpu.memory_space<vmem>>
    %dma_start3A_10 = tpu.memref_squeeze %dma_start3A_9 : memref<1x40xi32, #tpu.memory_space<vmem>> -> memref<40xi32, #tpu.memory_space<vmem>>
    %dma_start3A_11 = arith.constant 0 : i32
    %dma_start3A_12 = arith.constant 0 : i32
    %dma_start3A_13 = tpu.memref_slice %arg2[%dma_start3A_11, %dma_start3A_12] : memref<10000x128xf32, #tpu.memory_space<hbm>> -> memref<10000x128xf32, #tpu.memory_space<hbm>>
    tpu.enqueue_indirect_dma source(%dma_start3A_13 : memref<10000x128xf32, #tpu.memory_space<hbm>>) target(%arg9 : memref<40x128xf32, #tpu.memory_space<vmem>>) offsets(%dma_start3A_10 : memref<40xi32, #tpu.memory_space<vmem>>) semaphore(%arg16 : memref<!tpu.dma_semaphore, #tpu.memory_space<semaphore_mem>>)
    %dma_start3A_14 = arith.constant 2 : i32
    %dma_start3A_15 = arith.constant 0 : i32
    %dma_start3A_16 = tpu.memref_slice %arg6[%dma_start3A_14, %dma_start3A_15] : memref<250x40xi32, #tpu.memory_space<vmem>> -> memref<1x40xi32, #tpu.memory_space<vmem>>
    %dma_start3A_17 = tpu.memref_squeeze %dma_start3A_16 : memref<1x40xi32, #tpu.memory_space<vmem>> -> memref<40xi32, #tpu.memory_space<vmem>>
    %dma_start3A_18 = arith.constant 0 : i32
    %dma_start3A_19 = arith.constant 0 : i32
    %dma_start3A_20 = tpu.memref_slice %arg2[%dma_start3A_18, %dma_start3A_19] : memref<10000x128xf32, #tpu.memory_space<hbm>> -> memref<10000x128xf32, #tpu.memory_space<hbm>>
    tpu.enqueue_indirect_dma source(%dma_start3A_20 : memref<10000x128xf32, #tpu.memory_space<hbm>>) target(%arg10 : memref<40x128xf32, #tpu.memory_space<vmem>>) offsets(%dma_start3A_17 : memref<40xi32, #tpu.memory_space<vmem>>) semaphore(%arg17 : memref<!tpu.dma_semaphore, #tpu.memory_space<semaphore_mem>>)
    %dma_start3A_21 = arith.constant 3 : i32
    %dma_start3A_22 = arith.constant 0 : i32
    %dma_start3A_23 = tpu.memref_slice %arg6[%dma_start3A_21, %dma_start3A_22] : memref<250x40xi32, #tpu.memory_space<vmem>> -> memref<1x40xi32, #tpu.memory_space<vmem>>
    %dma_start3A_24 = tpu.memref_squeeze %dma_start3A_23 : memref<1x40xi32, #tpu.memory_space<vmem>> -> memref<40xi32, #tpu.memory_space<vmem>>
    %dma_start3A_25 = arith.constant 0 : i32
    %dma_start3A_26 = arith.constant 0 : i32
    %dma_start3A_27 = tpu.memref_slice %arg2[%dma_start3A_25, %dma_start3A_26] : memref<10000x128xf32, #tpu.memory_space<hbm>> -> memref<10000x128xf32, #tpu.memory_space<hbm>>
    tpu.enqueue_indirect_dma source(%dma_start3A_27 : memref<10000x128xf32, #tpu.memory_space<hbm>>) target(%arg11 : memref<40x128xf32, #tpu.memory_space<vmem>>) offsets(%dma_start3A_24 : memref<40xi32, #tpu.memory_space<vmem>>) semaphore(%arg18 : memref<!tpu.dma_semaphore, #tpu.memory_space<semaphore_mem>>)
    %broadcast_in_dim3A = arith.constant 0.000000e+00 : f32
    %broadcast_in_dim3A_28 = vector.broadcast %broadcast_in_dim3A : f32 to vector<16xf32>
    %scan3A = arith.constant 0 : i32
    %scan3A_29 = arith.constant 0 : i32
    %scan3A_30 = arith.constant 25 : i32
    %scan3A_31 = arith.addi %scan3A_29, %scan3A_30 : i32
    %scan3A_32 = arith.constant 1 : i32
    scf.for %scan3A_306 = %scan3A_29 to %scan3A_31 step %scan3A_32  : i32 {
      %swap3A = arith.index_cast %scan3A_306 : i32 to index
      %swap3A_307 = arith.constant 0 : index
      %swap3A_308 = tpu.vector_load %arg13[%swap3A, %swap3A_307] {strides = array<i32>} : memref<25x128xf32, #tpu.memory_space<vmem>>, vector<1x16xf32>,
      %swap3A_309 = vector.shape_cast %swap3A_308 : vector<1x16xf32> to vector<16xf32>
      %swap3A_310 = vector.shape_cast %broadcast_in_dim3A_28 : vector<16xf32> to vector<1x16xf32>
      tpu.vector_store %arg13[%swap3A, %swap3A_307], %swap3A_310 {strides = array<i32>} : memref<25x128xf32, #tpu.memory_space<vmem>>, vector<1x16xf32>,
      %swap3A_311 = arith.index_cast %scan3A_306 : i32 to index
      %swap3A_312 = arith.constant 16 : index
      %swap3A_313 = tpu.vector_load %arg13[%swap3A_311, %swap3A_312] {strides = array<i32>} : memref<25x128xf32, #tpu.memory_space<vmem>>, vector<1x16xf32>,
      %swap3A_314 = vector.shape_cast %swap3A_313 : vector<1x16xf32> to vector<16xf32>
      %swap3A_315 = vector.shape_cast %broadcast_in_dim3A_28 : vector<16xf32> to vector<1x16xf32>
      tpu.vector_store %arg13[%swap3A_311, %swap3A_312], %swap3A_315 {strides = array<i32>} : memref<25x128xf32, #tpu.memory_space<vmem>>, vector<1x16xf32>,
      %swap3A_316 = arith.index_cast %scan3A_306 : i32 to index
      %swap3A_317 = arith.constant 32 : index
      %swap3A_318 = tpu.vector_load %arg13[%swap3A_316, %swap3A_317] {strides = array<i32>} : memref<25x128xf32, #tpu.memory_space<vmem>>, vector<1x16xf32>,
      %swap3A_319 = vector.shape_cast %swap3A_318 : vector<1x16xf32> to vector<16xf32>
      %swap3A_320 = vector.shape_cast %broadcast_in_dim3A_28 : vector<16xf32> to vector<1x16xf32>
      tpu.vector_store %arg13[%swap3A_316, %swap3A_317], %swap3A_320 {strides = array<i32>} : memref<25x128xf32, #tpu.memory_space<vmem>>, vector<1x16xf32>,
      %swap3A_321 = arith.index_cast %scan3A_306 : i32 to index
      %swap3A_322 = arith.constant 48 : index
      %swap3A_323 = tpu.vector_load %arg13[%swap3A_321, %swap3A_322] {strides = array<i32>} : memref<25x128xf32, #tpu.memory_space<vmem>>, vector<1x16xf32>,
      %swap3A_324 = vector.shape_cast %swap3A_323 : vector<1x16xf32> to vector<16xf32>
      %swap3A_325 = vector.shape_cast %broadcast_in_dim3A_28 : vector<16xf32> to vector<1x16xf32>
      tpu.vector_store %arg13[%swap3A_321, %swap3A_322], %swap3A_325 {strides = array<i32>} : memref<25x128xf32, #tpu.memory_space<vmem>>, vector<1x16xf32>,
      %swap3A_326 = arith.index_cast %scan3A_306 : i32 to index
      %swap3A_327 = arith.constant 64 : index
      %swap3A_328 = tpu.vector_load %arg13[%swap3A_326, %swap3A_327] {strides = array<i32>} : memref<25x128xf32, #tpu.memory_space<vmem>>, vector<1x16xf32>,
      %swap3A_329 = vector.shape_cast %swap3A_328 : vector<1x16xf32> to vector<16xf32>
      %swap3A_330 = vector.shape_cast %broadcast_in_dim3A_28 : vector<16xf32> to vector<1x16xf32>
      tpu.vector_store %arg13[%swap3A_326, %swap3A_327], %swap3A_330 {strides = array<i32>} : memref<25x128xf32, #tpu.memory_space<vmem>>, vector<1x16xf32>,
      %swap3A_331 = arith.index_cast %scan3A_306 : i32 to index
      %swap3A_332 = arith.constant 80 : index
      %swap3A_333 = tpu.vector_load %arg13[%swap3A_331, %swap3A_332] {strides = array<i32>} : memref<25x128xf32, #tpu.memory_space<vmem>>, vector<1x16xf32>,
      %swap3A_334 = vector.shape_cast %swap3A_333 : vector<1x16xf32> to vector<16xf32>
      %swap3A_335 = vector.shape_cast %broadcast_in_dim3A_28 : vector<16xf32> to vector<1x16xf32>
      tpu.vector_store %arg13[%swap3A_331, %swap3A_332], %swap3A_335 {strides = array<i32>} : memref<25x128xf32, #tpu.memory_space<vmem>>, vector<1x16xf32>,
      %swap3A_336 = arith.index_cast %scan3A_306 : i32 to index
      %swap3A_337 = arith.constant 96 : index
      %swap3A_338 = tpu.vector_load %arg13[%swap3A_336, %swap3A_337] {strides = array<i32>} : memref<25x128xf32, #tpu.memory_space<vmem>>, vector<1x16xf32>,
      %swap3A_339 = vector.shape_cast %swap3A_338 : vector<1x16xf32> to vector<16xf32>
      %swap3A_340 = vector.shape_cast %broadcast_in_dim3A_28 : vector<16xf32> to vector<1x16xf32>
      tpu.vector_store %arg13[%swap3A_336, %swap3A_337], %swap3A_340 {strides = array<i32>} : memref<25x128xf32, #tpu.memory_space<vmem>>, vector<1x16xf32>,
      %swap3A_341 = arith.index_cast %scan3A_306 : i32 to index
      %swap3A_342 = arith.constant 112 : index
      %swap3A_343 = tpu.vector_load %arg13[%swap3A_341, %swap3A_342] {strides = array<i32>} : memref<25x128xf32, #tpu.memory_space<vmem>>, vector<1x16xf32>,
      %swap3A_344 = vector.shape_cast %swap3A_343 : vector<1x16xf32> to vector<16xf32>
      %swap3A_345 = vector.shape_cast %broadcast_in_dim3A_28 : vector<16xf32> to vector<1x16xf32>
      tpu.vector_store %arg13[%swap3A_341, %swap3A_342], %swap3A_345 {strides = array<i32>} : memref<25x128xf32, #tpu.memory_space<vmem>>, vector<1x16xf32>,
    }
    %scan3A_33 = arith.constant 25 : i32
    %scan3A_34 = arith.constant 0 : i32
    %scan3A_35 = arith.constant 0 : i32
    %scan3A_36 = arith.constant 25 : i32
    %scan3A_37 = arith.addi %scan3A_35, %scan3A_36 : i32
    %scan3A_38 = arith.constant 1 : i32
    scf.for %scan3A_306 = %scan3A_35 to %scan3A_37 step %scan3A_38  : i32 {
      %mul3A_307 = arith.constant 625 : i32
      %mul3A_308 = arith.muli %arg1, %mul3A_307 : i32
      %mul3A_309 = arith.constant 25 : i32
      %mul3A_310 = arith.muli %scan3A_306, %mul3A_309 : i32
      %add3A_311 = arith.addi %mul3A_308, %mul3A_310 : i32
      %dma_start3A_312 = arith.constant 0 : i32
      %dma_start3A_313 = tpu.memref_slice %arg14[%add3A_311, %dma_start3A_312] : memref<10000x128xf32, #tpu.memory_space<vmem_shared>> -> memref<25x128xf32, #tpu.memory_space<vmem_shared>>
      %dma_start3A_314 = arith.constant 0 : i32
      %dma_start3A_315 = tpu.memref_slice %arg14[%add3A_311, %dma_start3A_314] : memref<10000x128xf32, #tpu.memory_space<vmem_shared>> -> memref<25x128xf32, #tpu.memory_space<vmem_shared>>
      tpu.enqueue_dma source(%arg13 : memref<25x128xf32, #tpu.memory_space<vmem>>) target(%dma_start3A_315 : memref<25x128xf32, #tpu.memory_space<vmem_shared>>) target_semaphore(%arg20 : memref<!tpu.dma_semaphore, #tpu.memory_space<semaphore_mem>>)
    }
    %scan3A_39 = arith.constant 25 : i32
    %mul3A_40 = arith.constant 625 : i32
    %mul3A_41 = arith.muli %arg1, %mul3A_40 : i32
    %dma_wait3A = arith.constant 0 : i32
    %dma_wait3A_42 = tpu.memref_slice %arg14[%mul3A_41, %dma_wait3A] : memref<10000x128xf32, #tpu.memory_space<vmem_shared>> -> memref<25x128xf32, #tpu.memory_space<vmem_shared>>
    %dma_wait3A_43 = arith.constant 0 : i32
    %dma_wait3A_44 = tpu.memref_slice %arg14[%mul3A_41, %dma_wait3A_43] : memref<10000x128xf32, #tpu.memory_space<vmem_shared>> -> memref<25x128xf32, #tpu.memory_space<vmem_shared>>
    tpu.wait_dma2 semaphore(%arg20 : memref<!tpu.dma_semaphore, #tpu.memory_space<semaphore_mem>>) src(%arg13 : memref<25x128xf32, #tpu.memory_space<vmem>>) dst(%dma_wait3A_44 : memref<25x128xf32, #tpu.memory_space<vmem_shared>>)
    %mul3A_45 = arith.constant 625 : i32
    %mul3A_46 = arith.muli %arg1, %mul3A_45 : i32
    %dma_wait3A_47 = arith.constant 0 : i32
    %dma_wait3A_48 = tpu.memref_slice %arg14[%mul3A_46, %dma_wait3A_47] : memref<10000x128xf32, #tpu.memory_space<vmem_shared>> -> memref<25x128xf32, #tpu.memory_space<vmem_shared>>
    %dma_wait3A_49 = arith.constant 0 : i32
    %dma_wait3A_50 = tpu.memref_slice %arg14[%mul3A_46, %dma_wait3A_49] : memref<10000x128xf32, #tpu.memory_space<vmem_shared>> -> memref<25x128xf32, #tpu.memory_space<vmem_shared>>
    tpu.wait_dma2 semaphore(%arg20 : memref<!tpu.dma_semaphore, #tpu.memory_space<semaphore_mem>>) src(%arg13 : memref<25x128xf32, #tpu.memory_space<vmem>>) dst(%dma_wait3A_50 : memref<25x128xf32, #tpu.memory_space<vmem_shared>>)
    %mul3A_51 = arith.constant 625 : i32
    %mul3A_52 = arith.muli %arg1, %mul3A_51 : i32
    %dma_wait3A_53 = arith.constant 0 : i32
    %dma_wait3A_54 = tpu.memref_slice %arg14[%mul3A_52, %dma_wait3A_53] : memref<10000x128xf32, #tpu.memory_space<vmem_shared>> -> memref<25x128xf32, #tpu.memory_space<vmem_shared>>
    %dma_wait3A_55 = arith.constant 0 : i32
    %dma_wait3A_56 = tpu.memref_slice %arg14[%mul3A_52, %dma_wait3A_55] : memref<10000x128xf32, #tpu.memory_space<vmem_shared>> -> memref<25x128xf32, #tpu.memory_space<vmem_shared>>
    tpu.wait_dma2 semaphore(%arg20 : memref<!tpu.dma_semaphore, #tpu.memory_space<semaphore_mem>>) src(%arg13 : memref<25x128xf32, #tpu.memory_space<vmem>>) dst(%dma_wait3A_56 : memref<25x128xf32, #tpu.memory_space<vmem_shared>>)
    %mul3A_57 = arith.constant 625 : i32
    %mul3A_58 = arith.muli %arg1, %mul3A_57 : i32
    %dma_wait3A_59 = arith.constant 0 : i32
    %dma_wait3A_60 = tpu.memref_slice %arg14[%mul3A_58, %dma_wait3A_59] : memref<10000x128xf32, #tpu.memory_space<vmem_shared>> -> memref<25x128xf32, #tpu.memory_space<vmem_shared>>
    %dma_wait3A_61 = arith.constant 0 : i32
    %dma_wait3A_62 = tpu.memref_slice %arg14[%mul3A_58, %dma_wait3A_61] : memref<10000x128xf32, #tpu.memory_space<vmem_shared>> -> memref<25x128xf32, #tpu.memory_space<vmem_shared>>
    tpu.wait_dma2 semaphore(%arg20 : memref<!tpu.dma_semaphore, #tpu.memory_space<semaphore_mem>>) src(%arg13 : memref<25x128xf32, #tpu.memory_space<vmem>>) dst(%dma_wait3A_62 : memref<25x128xf32, #tpu.memory_space<vmem_shared>>)
    %mul3A_63 = arith.constant 625 : i32
    %mul3A_64 = arith.muli %arg1, %mul3A_63 : i32
    %dma_wait3A_65 = arith.constant 0 : i32
    %dma_wait3A_66 = tpu.memref_slice %arg14[%mul3A_64, %dma_wait3A_65] : memref<10000x128xf32, #tpu.memory_space<vmem_shared>> -> memref<25x128xf32, #tpu.memory_space<vmem_shared>>
    %dma_wait3A_67 = arith.constant 0 : i32
    %dma_wait3A_68 = tpu.memref_slice %arg14[%mul3A_64, %dma_wait3A_67] : memref<10000x128xf32, #tpu.memory_space<vmem_shared>> -> memref<25x128xf32, #tpu.memory_space<vmem_shared>>
    tpu.wait_dma2 semaphore(%arg20 : memref<!tpu.dma_semaphore, #tpu.memory_space<semaphore_mem>>) src(%arg13 : memref<25x128xf32, #tpu.memory_space<vmem>>) dst(%dma_wait3A_68 : memref<25x128xf32, #tpu.memory_space<vmem_shared>>)
    %mul3A_69 = arith.constant 625 : i32
    %mul3A_70 = arith.muli %arg1, %mul3A_69 : i32
    %dma_wait3A_71 = arith.constant 0 : i32
    %dma_wait3A_72 = tpu.memref_slice %arg14[%mul3A_70, %dma_wait3A_71] : memref<10000x128xf32, #tpu.memory_space<vmem_shared>> -> memref<25x128xf32, #tpu.memory_space<vmem_shared>>
    %dma_wait3A_73 = arith.constant 0 : i32
    %dma_wait3A_74 = tpu.memref_slice %arg14[%mul3A_70, %dma_wait3A_73] : memref<10000x128xf32, #tpu.memory_space<vmem_shared>> -> memref<25x128xf32, #tpu.memory_space<vmem_shared>>
    tpu.wait_dma2 semaphore(%arg20 : memref<!tpu.dma_semaphore, #tpu.memory_space<semaphore_mem>>) src(%arg13 : memref<25x128xf32, #tpu.memory_space<vmem>>) dst(%dma_wait3A_74 : memref<25x128xf32, #tpu.memory_space<vmem_shared>>)
    %mul3A_75 = arith.constant 625 : i32
    %mul3A_76 = arith.muli %arg1, %mul3A_75 : i32
    %dma_wait3A_77 = arith.constant 0 : i32
    %dma_wait3A_78 = tpu.memref_slice %arg14[%mul3A_76, %dma_wait3A_77] : memref<10000x128xf32, #tpu.memory_space<vmem_shared>> -> memref<25x128xf32, #tpu.memory_space<vmem_shared>>
    %dma_wait3A_79 = arith.constant 0 : i32
    %dma_wait3A_80 = tpu.memref_slice %arg14[%mul3A_76, %dma_wait3A_79] : memref<10000x128xf32, #tpu.memory_space<vmem_shared>> -> memref<25x128xf32, #tpu.memory_space<vmem_shared>>
    tpu.wait_dma2 semaphore(%arg20 : memref<!tpu.dma_semaphore, #tpu.memory_space<semaphore_mem>>) src(%arg13 : memref<25x128xf32, #tpu.memory_space<vmem>>) dst(%dma_wait3A_80 : memref<25x128xf32, #tpu.memory_space<vmem_shared>>)
    %mul3A_81 = arith.constant 625 : i32
    %mul3A_82 = arith.muli %arg1, %mul3A_81 : i32
    %dma_wait3A_83 = arith.constant 0 : i32
    %dma_wait3A_84 = tpu.memref_slice %arg14[%mul3A_82, %dma_wait3A_83] : memref<10000x128xf32, #tpu.memory_space<vmem_shared>> -> memref<25x128xf32, #tpu.memory_space<vmem_shared>>
    %dma_wait3A_85 = arith.constant 0 : i32
    %dma_wait3A_86 = tpu.memref_slice %arg14[%mul3A_82, %dma_wait3A_85] : memref<10000x128xf32, #tpu.memory_space<vmem_shared>> -> memref<25x128xf32, #tpu.memory_space<vmem_shared>>
    tpu.wait_dma2 semaphore(%arg20 : memref<!tpu.dma_semaphore, #tpu.memory_space<semaphore_mem>>) src(%arg13 : memref<25x128xf32, #tpu.memory_space<vmem>>) dst(%dma_wait3A_86 : memref<25x128xf32, #tpu.memory_space<vmem_shared>>)
    %mul3A_87 = arith.constant 625 : i32
    %mul3A_88 = arith.muli %arg1, %mul3A_87 : i32
    %dma_wait3A_89 = arith.constant 0 : i32
    %dma_wait3A_90 = tpu.memref_slice %arg14[%mul3A_88, %dma_wait3A_89] : memref<10000x128xf32, #tpu.memory_space<vmem_shared>> -> memref<25x128xf32, #tpu.memory_space<vmem_shared>>
    %dma_wait3A_91 = arith.constant 0 : i32
    %dma_wait3A_92 = tpu.memref_slice %arg14[%mul3A_88, %dma_wait3A_91] : memref<10000x128xf32, #tpu.memory_space<vmem_shared>> -> memref<25x128xf32, #tpu.memory_space<vmem_shared>>
    tpu.wait_dma2 semaphore(%arg20 : memref<!tpu.dma_semaphore, #tpu.memory_space<semaphore_mem>>) src(%arg13 : memref<25x128xf32, #tpu.memory_space<vmem>>) dst(%dma_wait3A_92 : memref<25x128xf32, #tpu.memory_space<vmem_shared>>)
    %mul3A_93 = arith.constant 625 : i32
    %mul3A_94 = arith.muli %arg1, %mul3A_93 : i32
    %dma_wait3A_95 = arith.constant 0 : i32
    %dma_wait3A_96 = tpu.memref_slice %arg14[%mul3A_94, %dma_wait3A_95] : memref<10000x128xf32, #tpu.memory_space<vmem_shared>> -> memref<25x128xf32, #tpu.memory_space<vmem_shared>>
    %dma_wait3A_97 = arith.constant 0 : i32
    %dma_wait3A_98 = tpu.memref_slice %arg14[%mul3A_94, %dma_wait3A_97] : memref<10000x128xf32, #tpu.memory_space<vmem_shared>> -> memref<25x128xf32, #tpu.memory_space<vmem_shared>>
    tpu.wait_dma2 semaphore(%arg20 : memref<!tpu.dma_semaphore, #tpu.memory_space<semaphore_mem>>) src(%arg13 : memref<25x128xf32, #tpu.memory_space<vmem>>) dst(%dma_wait3A_98 : memref<25x128xf32, #tpu.memory_space<vmem_shared>>)
    %mul3A_99 = arith.constant 625 : i32
    %mul3A_100 = arith.muli %arg1, %mul3A_99 : i32
    %dma_wait3A_101 = arith.constant 0 : i32
    %dma_wait3A_102 = tpu.memref_slice %arg14[%mul3A_100, %dma_wait3A_101] : memref<10000x128xf32, #tpu.memory_space<vmem_shared>> -> memref<25x128xf32, #tpu.memory_space<vmem_shared>>
    %dma_wait3A_103 = arith.constant 0 : i32
    %dma_wait3A_104 = tpu.memref_slice %arg14[%mul3A_100, %dma_wait3A_103] : memref<10000x128xf32, #tpu.memory_space<vmem_shared>> -> memref<25x128xf32, #tpu.memory_space<vmem_shared>>
    tpu.wait_dma2 semaphore(%arg20 : memref<!tpu.dma_semaphore, #tpu.memory_space<semaphore_mem>>) src(%arg13 : memref<25x128xf32, #tpu.memory_space<vmem>>) dst(%dma_wait3A_104 : memref<25x128xf32, #tpu.memory_space<vmem_shared>>)
    %mul3A_105 = arith.constant 625 : i32
    %mul3A_106 = arith.muli %arg1, %mul3A_105 : i32
    %dma_wait3A_107 = arith.constant 0 : i32
    %dma_wait3A_108 = tpu.memref_slice %arg14[%mul3A_106, %dma_wait3A_107] : memref<10000x128xf32, #tpu.memory_space<vmem_shared>> -> memref<25x128xf32, #tpu.memory_space<vmem_shared>>
    %dma_wait3A_109 = arith.constant 0 : i32
    %dma_wait3A_110 = tpu.memref_slice %arg14[%mul3A_106, %dma_wait3A_109] : memref<10000x128xf32, #tpu.memory_space<vmem_shared>> -> memref<25x128xf32, #tpu.memory_space<vmem_shared>>
    tpu.wait_dma2 semaphore(%arg20 : memref<!tpu.dma_semaphore, #tpu.memory_space<semaphore_mem>>) src(%arg13 : memref<25x128xf32, #tpu.memory_space<vmem>>) dst(%dma_wait3A_110 : memref<25x128xf32, #tpu.memory_space<vmem_shared>>)
    %mul3A_111 = arith.constant 625 : i32
    %mul3A_112 = arith.muli %arg1, %mul3A_111 : i32
    %dma_wait3A_113 = arith.constant 0 : i32
    %dma_wait3A_114 = tpu.memref_slice %arg14[%mul3A_112, %dma_wait3A_113] : memref<10000x128xf32, #tpu.memory_space<vmem_shared>> -> memref<25x128xf32, #tpu.memory_space<vmem_shared>>
    %dma_wait3A_115 = arith.constant 0 : i32
    %dma_wait3A_116 = tpu.memref_slice %arg14[%mul3A_112, %dma_wait3A_115] : memref<10000x128xf32, #tpu.memory_space<vmem_shared>> -> memref<25x128xf32, #tpu.memory_space<vmem_shared>>
    tpu.wait_dma2 semaphore(%arg20 : memref<!tpu.dma_semaphore, #tpu.memory_space<semaphore_mem>>) src(%arg13 : memref<25x128xf32, #tpu.memory_space<vmem>>) dst(%dma_wait3A_116 : memref<25x128xf32, #tpu.memory_space<vmem_shared>>)
    %mul3A_117 = arith.constant 625 : i32
    %mul3A_118 = arith.muli %arg1, %mul3A_117 : i32
    %dma_wait3A_119 = arith.constant 0 : i32
    %dma_wait3A_120 = tpu.memref_slice %arg14[%mul3A_118, %dma_wait3A_119] : memref<10000x128xf32, #tpu.memory_space<vmem_shared>> -> memref<25x128xf32, #tpu.memory_space<vmem_shared>>
    %dma_wait3A_121 = arith.constant 0 : i32
    %dma_wait3A_122 = tpu.memref_slice %arg14[%mul3A_118, %dma_wait3A_121] : memref<10000x128xf32, #tpu.memory_space<vmem_shared>> -> memref<25x128xf32, #tpu.memory_space<vmem_shared>>
    tpu.wait_dma2 semaphore(%arg20 : memref<!tpu.dma_semaphore, #tpu.memory_space<semaphore_mem>>) src(%arg13 : memref<25x128xf32, #tpu.memory_space<vmem>>) dst(%dma_wait3A_122 : memref<25x128xf32, #tpu.memory_space<vmem_shared>>)
    %mul3A_123 = arith.constant 625 : i32
    %mul3A_124 = arith.muli %arg1, %mul3A_123 : i32
    %dma_wait3A_125 = arith.constant 0 : i32
    %dma_wait3A_126 = tpu.memref_slice %arg14[%mul3A_124, %dma_wait3A_125] : memref<10000x128xf32, #tpu.memory_space<vmem_shared>> -> memref<25x128xf32, #tpu.memory_space<vmem_shared>>
    %dma_wait3A_127 = arith.constant 0 : i32
    %dma_wait3A_128 = tpu.memref_slice %arg14[%mul3A_124, %dma_wait3A_127] : memref<10000x128xf32, #tpu.memory_space<vmem_shared>> -> memref<25x128xf32, #tpu.memory_space<vmem_shared>>
    tpu.wait_dma2 semaphore(%arg20 : memref<!tpu.dma_semaphore, #tpu.memory_space<semaphore_mem>>) src(%arg13 : memref<25x128xf32, #tpu.memory_space<vmem>>) dst(%dma_wait3A_128 : memref<25x128xf32, #tpu.memory_space<vmem_shared>>)
    %mul3A_129 = arith.constant 625 : i32
    %mul3A_130 = arith.muli %arg1, %mul3A_129 : i32
    %dma_wait3A_131 = arith.constant 0 : i32
    %dma_wait3A_132 = tpu.memref_slice %arg14[%mul3A_130, %dma_wait3A_131] : memref<10000x128xf32, #tpu.memory_space<vmem_shared>> -> memref<25x128xf32, #tpu.memory_space<vmem_shared>>
    %dma_wait3A_133 = arith.constant 0 : i32
    %dma_wait3A_134 = tpu.memref_slice %arg14[%mul3A_130, %dma_wait3A_133] : memref<10000x128xf32, #tpu.memory_space<vmem_shared>> -> memref<25x128xf32, #tpu.memory_space<vmem_shared>>
    tpu.wait_dma2 semaphore(%arg20 : memref<!tpu.dma_semaphore, #tpu.memory_space<semaphore_mem>>) src(%arg13 : memref<25x128xf32, #tpu.memory_space<vmem>>) dst(%dma_wait3A_134 : memref<25x128xf32, #tpu.memory_space<vmem_shared>>)
    %mul3A_135 = arith.constant 625 : i32
    %mul3A_136 = arith.muli %arg1, %mul3A_135 : i32
    %dma_wait3A_137 = arith.constant 0 : i32
    %dma_wait3A_138 = tpu.memref_slice %arg14[%mul3A_136, %dma_wait3A_137] : memref<10000x128xf32, #tpu.memory_space<vmem_shared>> -> memref<25x128xf32, #tpu.memory_space<vmem_shared>>
    %dma_wait3A_139 = arith.constant 0 : i32
    %dma_wait3A_140 = tpu.memref_slice %arg14[%mul3A_136, %dma_wait3A_139] : memref<10000x128xf32, #tpu.memory_space<vmem_shared>> -> memref<25x128xf32, #tpu.memory_space<vmem_shared>>
    tpu.wait_dma2 semaphore(%arg20 : memref<!tpu.dma_semaphore, #tpu.memory_space<semaphore_mem>>) src(%arg13 : memref<25x128xf32, #tpu.memory_space<vmem>>) dst(%dma_wait3A_140 : memref<25x128xf32, #tpu.memory_space<vmem_shared>>)
    %mul3A_141 = arith.constant 625 : i32
    %mul3A_142 = arith.muli %arg1, %mul3A_141 : i32
    %dma_wait3A_143 = arith.constant 0 : i32
    %dma_wait3A_144 = tpu.memref_slice %arg14[%mul3A_142, %dma_wait3A_143] : memref<10000x128xf32, #tpu.memory_space<vmem_shared>> -> memref<25x128xf32, #tpu.memory_space<vmem_shared>>
    %dma_wait3A_145 = arith.constant 0 : i32
    %dma_wait3A_146 = tpu.memref_slice %arg14[%mul3A_142, %dma_wait3A_145] : memref<10000x128xf32, #tpu.memory_space<vmem_shared>> -> memref<25x128xf32, #tpu.memory_space<vmem_shared>>
    tpu.wait_dma2 semaphore(%arg20 : memref<!tpu.dma_semaphore, #tpu.memory_space<semaphore_mem>>) src(%arg13 : memref<25x128xf32, #tpu.memory_space<vmem>>) dst(%dma_wait3A_146 : memref<25x128xf32, #tpu.memory_space<vmem_shared>>)
    %mul3A_147 = arith.constant 625 : i32
    %mul3A_148 = arith.muli %arg1, %mul3A_147 : i32
    %dma_wait3A_149 = arith.constant 0 : i32
    %dma_wait3A_150 = tpu.memref_slice %arg14[%mul3A_148, %dma_wait3A_149] : memref<10000x128xf32, #tpu.memory_space<vmem_shared>> -> memref<25x128xf32, #tpu.memory_space<vmem_shared>>
    %dma_wait3A_151 = arith.constant 0 : i32
    %dma_wait3A_152 = tpu.memref_slice %arg14[%mul3A_148, %dma_wait3A_151] : memref<10000x128xf32, #tpu.memory_space<vmem_shared>> -> memref<25x128xf32, #tpu.memory_space<vmem_shared>>
    tpu.wait_dma2 semaphore(%arg20 : memref<!tpu.dma_semaphore, #tpu.memory_space<semaphore_mem>>) src(%arg13 : memref<25x128xf32, #tpu.memory_space<vmem>>) dst(%dma_wait3A_152 : memref<25x128xf32, #tpu.memory_space<vmem_shared>>)
    %mul3A_153 = arith.constant 625 : i32
    %mul3A_154 = arith.muli %arg1, %mul3A_153 : i32
    %dma_wait3A_155 = arith.constant 0 : i32
    %dma_wait3A_156 = tpu.memref_slice %arg14[%mul3A_154, %dma_wait3A_155] : memref<10000x128xf32, #tpu.memory_space<vmem_shared>> -> memref<25x128xf32, #tpu.memory_space<vmem_shared>>
    %dma_wait3A_157 = arith.constant 0 : i32
    %dma_wait3A_158 = tpu.memref_slice %arg14[%mul3A_154, %dma_wait3A_157] : memref<10000x128xf32, #tpu.memory_space<vmem_shared>> -> memref<25x128xf32, #tpu.memory_space<vmem_shared>>
    tpu.wait_dma2 semaphore(%arg20 : memref<!tpu.dma_semaphore, #tpu.memory_space<semaphore_mem>>) src(%arg13 : memref<25x128xf32, #tpu.memory_space<vmem>>) dst(%dma_wait3A_158 : memref<25x128xf32, #tpu.memory_space<vmem_shared>>)
    %mul3A_159 = arith.constant 625 : i32
    %mul3A_160 = arith.muli %arg1, %mul3A_159 : i32
    %dma_wait3A_161 = arith.constant 0 : i32
    %dma_wait3A_162 = tpu.memref_slice %arg14[%mul3A_160, %dma_wait3A_161] : memref<10000x128xf32, #tpu.memory_space<vmem_shared>> -> memref<25x128xf32, #tpu.memory_space<vmem_shared>>
    %dma_wait3A_163 = arith.constant 0 : i32
    %dma_wait3A_164 = tpu.memref_slice %arg14[%mul3A_160, %dma_wait3A_163] : memref<10000x128xf32, #tpu.memory_space<vmem_shared>> -> memref<25x128xf32, #tpu.memory_space<vmem_shared>>
    tpu.wait_dma2 semaphore(%arg20 : memref<!tpu.dma_semaphore, #tpu.memory_space<semaphore_mem>>) src(%arg13 : memref<25x128xf32, #tpu.memory_space<vmem>>) dst(%dma_wait3A_164 : memref<25x128xf32, #tpu.memory_space<vmem_shared>>)
    %mul3A_165 = arith.constant 625 : i32
    %mul3A_166 = arith.muli %arg1, %mul3A_165 : i32
    %dma_wait3A_167 = arith.constant 0 : i32
    %dma_wait3A_168 = tpu.memref_slice %arg14[%mul3A_166, %dma_wait3A_167] : memref<10000x128xf32, #tpu.memory_space<vmem_shared>> -> memref<25x128xf32, #tpu.memory_space<vmem_shared>>
    %dma_wait3A_169 = arith.constant 0 : i32
    %dma_wait3A_170 = tpu.memref_slice %arg14[%mul3A_166, %dma_wait3A_169] : memref<10000x128xf32, #tpu.memory_space<vmem_shared>> -> memref<25x128xf32, #tpu.memory_space<vmem_shared>>
    tpu.wait_dma2 semaphore(%arg20 : memref<!tpu.dma_semaphore, #tpu.memory_space<semaphore_mem>>) src(%arg13 : memref<25x128xf32, #tpu.memory_space<vmem>>) dst(%dma_wait3A_170 : memref<25x128xf32, #tpu.memory_space<vmem_shared>>)
    %mul3A_171 = arith.constant 625 : i32
    %mul3A_172 = arith.muli %arg1, %mul3A_171 : i32
    %dma_wait3A_173 = arith.constant 0 : i32
    %dma_wait3A_174 = tpu.memref_slice %arg14[%mul3A_172, %dma_wait3A_173] : memref<10000x128xf32, #tpu.memory_space<vmem_shared>> -> memref<25x128xf32, #tpu.memory_space<vmem_shared>>
    %dma_wait3A_175 = arith.constant 0 : i32
    %dma_wait3A_176 = tpu.memref_slice %arg14[%mul3A_172, %dma_wait3A_175] : memref<10000x128xf32, #tpu.memory_space<vmem_shared>> -> memref<25x128xf32, #tpu.memory_space<vmem_shared>>
    tpu.wait_dma2 semaphore(%arg20 : memref<!tpu.dma_semaphore, #tpu.memory_space<semaphore_mem>>) src(%arg13 : memref<25x128xf32, #tpu.memory_space<vmem>>) dst(%dma_wait3A_176 : memref<25x128xf32, #tpu.memory_space<vmem_shared>>)
    %mul3A_177 = arith.constant 625 : i32
    %mul3A_178 = arith.muli %arg1, %mul3A_177 : i32
    %dma_wait3A_179 = arith.constant 0 : i32
    %dma_wait3A_180 = tpu.memref_slice %arg14[%mul3A_178, %dma_wait3A_179] : memref<10000x128xf32, #tpu.memory_space<vmem_shared>> -> memref<25x128xf32, #tpu.memory_space<vmem_shared>>
    %dma_wait3A_181 = arith.constant 0 : i32
    %dma_wait3A_182 = tpu.memref_slice %arg14[%mul3A_178, %dma_wait3A_181] : memref<10000x128xf32, #tpu.memory_space<vmem_shared>> -> memref<25x128xf32, #tpu.memory_space<vmem_shared>>
    tpu.wait_dma2 semaphore(%arg20 : memref<!tpu.dma_semaphore, #tpu.memory_space<semaphore_mem>>) src(%arg13 : memref<25x128xf32, #tpu.memory_space<vmem>>) dst(%dma_wait3A_182 : memref<25x128xf32, #tpu.memory_space<vmem_shared>>)
    %mul3A_183 = arith.constant 625 : i32
    %mul3A_184 = arith.muli %arg1, %mul3A_183 : i32
    %dma_wait3A_185 = arith.constant 0 : i32
    %dma_wait3A_186 = tpu.memref_slice %arg14[%mul3A_184, %dma_wait3A_185] : memref<10000x128xf32, #tpu.memory_space<vmem_shared>> -> memref<25x128xf32, #tpu.memory_space<vmem_shared>>
    %dma_wait3A_187 = arith.constant 0 : i32
    %dma_wait3A_188 = tpu.memref_slice %arg14[%mul3A_184, %dma_wait3A_187] : memref<10000x128xf32, #tpu.memory_space<vmem_shared>> -> memref<25x128xf32, #tpu.memory_space<vmem_shared>>
    tpu.wait_dma2 semaphore(%arg20 : memref<!tpu.dma_semaphore, #tpu.memory_space<semaphore_mem>>) src(%arg13 : memref<25x128xf32, #tpu.memory_space<vmem>>) dst(%dma_wait3A_188 : memref<25x128xf32, #tpu.memory_space<vmem_shared>>)
    %barrier3A = arith.constant 0 : index
    tpu.barrier barrier_id(%barrier3A)
    %scan3A_189 = arith.constant 0 : i32
    %scan3A_190 = arith.constant 0 : i32
    %scan3A_191 = arith.constant 50 : i32
    %scan3A_192 = arith.addi %scan3A_190, %scan3A_191 : i32
    %scan3A_193 = arith.constant 1 : i32
    scf.for %scan3A_306 = %scan3A_190 to %scan3A_192 step %scan3A_193  : i32 {
      %mul3A_307 = arith.constant 5 : i32
      %mul3A_308 = arith.muli %scan3A_306, %mul3A_307 : i32
      %add3A_309 = arith.constant 0 : i32
      %add3A_310 = arith.addi %mul3A_308, %add3A_309 : i32
      %dma_wait3A_311 = arith.constant 0 : i32
      %dma_wait3A_312 = tpu.memref_slice %arg6[%add3A_310, %dma_wait3A_311] : memref<250x40xi32, #tpu.memory_space<vmem>> -> memref<1x40xi32, #tpu.memory_space<vmem>>
      %dma_wait3A_313 = tpu.memref_squeeze %dma_wait3A_312 : memref<1x40xi32, #tpu.memory_space<vmem>> -> memref<40xi32, #tpu.memory_space<vmem>>
      %dma_wait3A_314 = arith.constant 0 : i32
      %dma_wait3A_315 = arith.constant 0 : i32
      %dma_wait3A_316 = tpu.memref_slice %arg2[%dma_wait3A_314, %dma_wait3A_315] : memref<10000x128xf32, #tpu.memory_space<hbm>> -> memref<10000x128xf32, #tpu.memory_space<hbm>>
      tpu.wait_indirect_dma semaphore(%arg15 : memref<!tpu.dma_semaphore, #tpu.memory_space<semaphore_mem>>) src(%dma_wait3A_316 : memref<10000x128xf32, #tpu.memory_space<hbm>>) dst(%arg8 : memref<40x128xf32, #tpu.memory_space<vmem>>)
      %le3A = arith.constant 245 : i32
      %le3A_317 = arith.cmpi sle, %add3A_310, %le3A : i32
      %convert_element_type3A = arith.extui %le3A_317 : i1 to i32
      %cond3A = arith.constant 0 : i32
      %cond3A_318 = arith.cmpi ne, %convert_element_type3A, %cond3A : i32
      scf.if %cond3A_318 {
        %add3A_379 = arith.constant 5 : i32
        %add3A_380 = arith.addi %add3A_310, %add3A_379 : i32
        %sub3A = arith.constant 1 : i32
        %sub3A_381 = arith.subi %add3A_380, %sub3A : i32
        %dma_start3A_382 = arith.constant 0 : i32
        %dma_start3A_383 = tpu.memref_slice %arg6[%sub3A_381, %dma_start3A_382] : memref<250x40xi32, #tpu.memory_space<vmem>> -> memref<1x40xi32, #tpu.memory_space<vmem>>
        %dma_start3A_384 = tpu.memref_squeeze %dma_start3A_383 : memref<1x40xi32, #tpu.memory_space<vmem>> -> memref<40xi32, #tpu.memory_space<vmem>>
        %dma_start3A_385 = arith.constant 0 : i32
        %dma_start3A_386 = arith.constant 0 : i32
        %dma_start3A_387 = tpu.memref_slice %arg2[%dma_start3A_385, %dma_start3A_386] : memref<10000x128xf32, #tpu.memory_space<hbm>> -> memref<10000x128xf32, #tpu.memory_space<hbm>>
        tpu.enqueue_indirect_dma source(%dma_start3A_387 : memref<10000x128xf32, #tpu.memory_space<hbm>>) target(%arg12 : memref<40x128xf32, #tpu.memory_space<vmem>>) offsets(%dma_start3A_384 : memref<40xi32, #tpu.memory_space<vmem>>) semaphore(%arg19 : memref<!tpu.dma_semaphore, #tpu.memory_space<semaphore_mem>>)
      } else {
      }
      "tpu.region"() ({
        %run_scoped3A = tpu.sem_alloc : memref<!tpu.dma_semaphore, #tpu.memory_space<semaphore_mem>>
        %dma_start3A_379 = arith.constant 0 : i32
        %dma_start3A_380 = tpu.memref_slice %arg7[%add3A_310, %dma_start3A_379] : memref<250x40xi32, #tpu.memory_space<vmem>> -> memref<1x40xi32, #tpu.memory_space<vmem>>
        %dma_start3A_381 = tpu.memref_squeeze %dma_start3A_380 : memref<1x40xi32, #tpu.memory_space<vmem>> -> memref<40xi32, #tpu.memory_space<vmem>>
        %dma_start3A_382 = arith.constant 0 : i32
        %dma_start3A_383 = arith.constant 0 : i32
        %dma_start3A_384 = tpu.memref_slice %arg14[%dma_start3A_382, %dma_start3A_383] : memref<10000x128xf32, #tpu.memory_space<vmem_shared>> -> memref<10000x128xf32, #tpu.memory_space<vmem_shared>>
        tpu.enqueue_indirect_dma source(%arg8 : memref<40x128xf32, #tpu.memory_space<vmem>>) target(%dma_start3A_384 : memref<10000x128xf32, #tpu.memory_space<vmem_shared>>) offsets(%dma_start3A_381 : memref<40xi32, #tpu.memory_space<vmem>>) semaphore(%run_scoped3A : memref<!tpu.dma_semaphore, #tpu.memory_space<semaphore_mem>>) {add = true}
        %dma_wait3A_385 = arith.constant 0 : i32
        %dma_wait3A_386 = tpu.memref_slice %arg7[%add3A_310, %dma_wait3A_385] : memref<250x40xi32, #tpu.memory_space<vmem>> -> memref<1x40xi32, #tpu.memory_space<vmem>>
        %dma_wait3A_387 = tpu.memref_squeeze %dma_wait3A_386 : memref<1x40xi32, #tpu.memory_space<vmem>> -> memref<40xi32, #tpu.memory_space<vmem>>
        %dma_wait3A_388 = arith.constant 0 : i32
        %dma_wait3A_389 = arith.constant 0 : i32
        %dma_wait3A_390 = tpu.memref_slice %arg14[%dma_wait3A_388, %dma_wait3A_389] : memref<10000x128xf32, #tpu.memory_space<vmem_shared>> -> memref<10000x128xf32, #tpu.memory_space<vmem_shared>>
        tpu.wait_indirect_dma semaphore(%run_scoped3A : memref<!tpu.dma_semaphore, #tpu.memory_space<semaphore_mem>>) src(%arg8 : memref<40x128xf32, #tpu.memory_space<vmem>>) dst(%dma_wait3A_390 : memref<10000x128xf32, #tpu.memory_space<vmem_shared>>)
        tpu.yield
      }) : () -> ()
      %mul3A_319 = arith.constant 5 : i32
      %mul3A_320 = arith.muli %scan3A_306, %mul3A_319 : i32
      %add3A_321 = arith.constant 1 : i32
      %add3A_322 = arith.addi %mul3A_320, %add3A_321 : i32
      %dma_wait3A_323 = arith.constant 0 : i32
      %dma_wait3A_324 = tpu.memref_slice %arg6[%add3A_322, %dma_wait3A_323] : memref<250x40xi32, #tpu.memory_space<vmem>> -> memref<1x40xi32, #tpu.memory_space<vmem>>
      %dma_wait3A_325 = tpu.memref_squeeze %dma_wait3A_324 : memref<1x40xi32, #tpu.memory_space<vmem>> -> memref<40xi32, #tpu.memory_space<vmem>>
      %dma_wait3A_326 = arith.constant 0 : i32
      %dma_wait3A_327 = arith.constant 0 : i32
      %dma_wait3A_328 = tpu.memref_slice %arg2[%dma_wait3A_326, %dma_wait3A_327] : memref<10000x128xf32, #tpu.memory_space<hbm>> -> memref<10000x128xf32, #tpu.memory_space<hbm>>
      tpu.wait_indirect_dma semaphore(%arg16 : memref<!tpu.dma_semaphore, #tpu.memory_space<semaphore_mem>>) src(%dma_wait3A_328 : memref<10000x128xf32, #tpu.memory_space<hbm>>) dst(%arg9 : memref<40x128xf32, #tpu.memory_space<vmem>>)
      %le3A_329 = arith.constant 245 : i32
      %le3A_330 = arith.cmpi sle, %add3A_322, %le3A_329 : i32
      %convert_element_type3A_331 = arith.extui %le3A_330 : i1 to i32
      %cond3A_332 = arith.constant 0 : i32
      %cond3A_333 = arith.cmpi ne, %convert_element_type3A_331, %cond3A_332 : i32
      scf.if %cond3A_333 {
        %add3A_379 = arith.constant 5 : i32
        %add3A_380 = arith.addi %add3A_322, %add3A_379 : i32
        %sub3A = arith.constant 1 : i32
        %sub3A_381 = arith.subi %add3A_380, %sub3A : i32
        %dma_start3A_382 = arith.constant 0 : i32
        %dma_start3A_383 = tpu.memref_slice %arg6[%sub3A_381, %dma_start3A_382] : memref<250x40xi32, #tpu.memory_space<vmem>> -> memref<1x40xi32, #tpu.memory_space<vmem>>
        %dma_start3A_384 = tpu.memref_squeeze %dma_start3A_383 : memref<1x40xi32, #tpu.memory_space<vmem>> -> memref<40xi32, #tpu.memory_space<vmem>>
        %dma_start3A_385 = arith.constant 0 : i32
        %dma_start3A_386 = arith.constant 0 : i32
        %dma_start3A_387 = tpu.memref_slice %arg2[%dma_start3A_385, %dma_start3A_386] : memref<10000x128xf32, #tpu.memory_space<hbm>> -> memref<10000x128xf32, #tpu.memory_space<hbm>>
        tpu.enqueue_indirect_dma source(%dma_start3A_387 : memref<10000x128xf32, #tpu.memory_space<hbm>>) target(%arg8 : memref<40x128xf32, #tpu.memory_space<vmem>>) offsets(%dma_start3A_384 : memref<40xi32, #tpu.memory_space<vmem>>) semaphore(%arg15 : memref<!tpu.dma_semaphore, #tpu.memory_space<semaphore_mem>>)
      } else {
      }
      "tpu.region"() ({
        %run_scoped3A = tpu.sem_alloc : memref<!tpu.dma_semaphore, #tpu.memory_space<semaphore_mem>>
        %dma_start3A_379 = arith.constant 0 : i32
        %dma_start3A_380 = tpu.memref_slice %arg7[%add3A_322, %dma_start3A_379] : memref<250x40xi32, #tpu.memory_space<vmem>> -> memref<1x40xi32, #tpu.memory_space<vmem>>
        %dma_start3A_381 = tpu.memref_squeeze %dma_start3A_380 : memref<1x40xi32, #tpu.memory_space<vmem>> -> memref<40xi32, #tpu.memory_space<vmem>>
        %dma_start3A_382 = arith.constant 0 : i32
        %dma_start3A_383 = arith.constant 0 : i32
        %dma_start3A_384 = tpu.memref_slice %arg14[%dma_start3A_382, %dma_start3A_383] : memref<10000x128xf32, #tpu.memory_space<vmem_shared>> -> memref<10000x128xf32, #tpu.memory_space<vmem_shared>>
        tpu.enqueue_indirect_dma source(%arg9 : memref<40x128xf32, #tpu.memory_space<vmem>>) target(%dma_start3A_384 : memref<10000x128xf32, #tpu.memory_space<vmem_shared>>) offsets(%dma_start3A_381 : memref<40xi32, #tpu.memory_space<vmem>>) semaphore(%run_scoped3A : memref<!tpu.dma_semaphore, #tpu.memory_space<semaphore_mem>>) {add = true}
        %dma_wait3A_385 = arith.constant 0 : i32
        %dma_wait3A_386 = tpu.memref_slice %arg7[%add3A_322, %dma_wait3A_385] : memref<250x40xi32, #tpu.memory_space<vmem>> -> memref<1x40xi32, #tpu.memory_space<vmem>>
        %dma_wait3A_387 = tpu.memref_squeeze %dma_wait3A_386 : memref<1x40xi32, #tpu.memory_space<vmem>> -> memref<40xi32, #tpu.memory_space<vmem>>
        %dma_wait3A_388 = arith.constant 0 : i32
        %dma_wait3A_389 = arith.constant 0 : i32
        %dma_wait3A_390 = tpu.memref_slice %arg14[%dma_wait3A_388, %dma_wait3A_389] : memref<10000x128xf32, #tpu.memory_space<vmem_shared>> -> memref<10000x128xf32, #tpu.memory_space<vmem_shared>>
        tpu.wait_indirect_dma semaphore(%run_scoped3A : memref<!tpu.dma_semaphore, #tpu.memory_space<semaphore_mem>>) src(%arg9 : memref<40x128xf32, #tpu.memory_space<vmem>>) dst(%dma_wait3A_390 : memref<10000x128xf32, #tpu.memory_space<vmem_shared>>)
        tpu.yield
      }) : () -> ()
      %mul3A_334 = arith.constant 5 : i32
      %mul3A_335 = arith.muli %scan3A_306, %mul3A_334 : i32
      %add3A_336 = arith.constant 2 : i32
      %add3A_337 = arith.addi %mul3A_335, %add3A_336 : i32
      %dma_wait3A_338 = arith.constant 0 : i32
      %dma_wait3A_339 = tpu.memref_slice %arg6[%add3A_337, %dma_wait3A_338] : memref<250x40xi32, #tpu.memory_space<vmem>> -> memref<1x40xi32, #tpu.memory_space<vmem>>
      %dma_wait3A_340 = tpu.memref_squeeze %dma_wait3A_339 : memref<1x40xi32, #tpu.memory_space<vmem>> -> memref<40xi32, #tpu.memory_space<vmem>>
      %dma_wait3A_341 = arith.constant 0 : i32
      %dma_wait3A_342 = arith.constant 0 : i32
      %dma_wait3A_343 = tpu.memref_slice %arg2[%dma_wait3A_341, %dma_wait3A_342] : memref<10000x128xf32, #tpu.memory_space<hbm>> -> memref<10000x128xf32, #tpu.memory_space<hbm>>
      tpu.wait_indirect_dma semaphore(%arg17 : memref<!tpu.dma_semaphore, #tpu.memory_space<semaphore_mem>>) src(%dma_wait3A_343 : memref<10000x128xf32, #tpu.memory_space<hbm>>) dst(%arg10 : memref<40x128xf32, #tpu.memory_space<vmem>>)
      %le3A_344 = arith.constant 245 : i32
      %le3A_345 = arith.cmpi sle, %add3A_337, %le3A_344 : i32
      %convert_element_type3A_346 = arith.extui %le3A_345 : i1 to i32
      %cond3A_347 = arith.constant 0 : i32
      %cond3A_348 = arith.cmpi ne, %convert_element_type3A_346, %cond3A_347 : i32
      scf.if %cond3A_348 {
        %add3A_379 = arith.constant 5 : i32
        %add3A_380 = arith.addi %add3A_337, %add3A_379 : i32
        %sub3A = arith.constant 1 : i32
        %sub3A_381 = arith.subi %add3A_380, %sub3A : i32
        %dma_start3A_382 = arith.constant 0 : i32
        %dma_start3A_383 = tpu.memref_slice %arg6[%sub3A_381, %dma_start3A_382] : memref<250x40xi32, #tpu.memory_space<vmem>> -> memref<1x40xi32, #tpu.memory_space<vmem>>
        %dma_start3A_384 = tpu.memref_squeeze %dma_start3A_383 : memref<1x40xi32, #tpu.memory_space<vmem>> -> memref<40xi32, #tpu.memory_space<vmem>>
        %dma_start3A_385 = arith.constant 0 : i32
        %dma_start3A_386 = arith.constant 0 : i32
        %dma_start3A_387 = tpu.memref_slice %arg2[%dma_start3A_385, %dma_start3A_386] : memref<10000x128xf32, #tpu.memory_space<hbm>> -> memref<10000x128xf32, #tpu.memory_space<hbm>>
        tpu.enqueue_indirect_dma source(%dma_start3A_387 : memref<10000x128xf32, #tpu.memory_space<hbm>>) target(%arg9 : memref<40x128xf32, #tpu.memory_space<vmem>>) offsets(%dma_start3A_384 : memref<40xi32, #tpu.memory_space<vmem>>) semaphore(%arg16 : memref<!tpu.dma_semaphore, #tpu.memory_space<semaphore_mem>>)
      } else {
      }
      "tpu.region"() ({
        %run_scoped3A = tpu.sem_alloc : memref<!tpu.dma_semaphore, #tpu.memory_space<semaphore_mem>>
        %dma_start3A_379 = arith.constant 0 : i32
        %dma_start3A_380 = tpu.memref_slice %arg7[%add3A_337, %dma_start3A_379] : memref<250x40xi32, #tpu.memory_space<vmem>> -> memref<1x40xi32, #tpu.memory_space<vmem>>
        %dma_start3A_381 = tpu.memref_squeeze %dma_start3A_380 : memref<1x40xi32, #tpu.memory_space<vmem>> -> memref<40xi32, #tpu.memory_space<vmem>>
        %dma_start3A_382 = arith.constant 0 : i32
        %dma_start3A_383 = arith.constant 0 : i32
        %dma_start3A_384 = tpu.memref_slice %arg14[%dma_start3A_382, %dma_start3A_383] : memref<10000x128xf32, #tpu.memory_space<vmem_shared>> -> memref<10000x128xf32, #tpu.memory_space<vmem_shared>>
        tpu.enqueue_indirect_dma source(%arg10 : memref<40x128xf32, #tpu.memory_space<vmem>>) target(%dma_start3A_384 : memref<10000x128xf32, #tpu.memory_space<vmem_shared>>) offsets(%dma_start3A_381 : memref<40xi32, #tpu.memory_space<vmem>>) semaphore(%run_scoped3A : memref<!tpu.dma_semaphore, #tpu.memory_space<semaphore_mem>>) {add = true}
        %dma_wait3A_385 = arith.constant 0 : i32
        %dma_wait3A_386 = tpu.memref_slice %arg7[%add3A_337, %dma_wait3A_385] : memref<250x40xi32, #tpu.memory_space<vmem>> -> memref<1x40xi32, #tpu.memory_space<vmem>>
        %dma_wait3A_387 = tpu.memref_squeeze %dma_wait3A_386 : memref<1x40xi32, #tpu.memory_space<vmem>> -> memref<40xi32, #tpu.memory_space<vmem>>
        %dma_wait3A_388 = arith.constant 0 : i32
        %dma_wait3A_389 = arith.constant 0 : i32
        %dma_wait3A_390 = tpu.memref_slice %arg14[%dma_wait3A_388, %dma_wait3A_389] : memref<10000x128xf32, #tpu.memory_space<vmem_shared>> -> memref<10000x128xf32, #tpu.memory_space<vmem_shared>>
        tpu.wait_indirect_dma semaphore(%run_scoped3A : memref<!tpu.dma_semaphore, #tpu.memory_space<semaphore_mem>>) src(%arg10 : memref<40x128xf32, #tpu.memory_space<vmem>>) dst(%dma_wait3A_390 : memref<10000x128xf32, #tpu.memory_space<vmem_shared>>)
        tpu.yield
      }) : () -> ()
      %mul3A_349 = arith.constant 5 : i32
      %mul3A_350 = arith.muli %scan3A_306, %mul3A_349 : i32
      %add3A_351 = arith.constant 3 : i32
      %add3A_352 = arith.addi %mul3A_350, %add3A_351 : i32
      %dma_wait3A_353 = arith.constant 0 : i32
      %dma_wait3A_354 = tpu.memref_slice %arg6[%add3A_352, %dma_wait3A_353] : memref<250x40xi32, #tpu.memory_space<vmem>> -> memref<1x40xi32, #tpu.memory_space<vmem>>
      %dma_wait3A_355 = tpu.memref_squeeze %dma_wait3A_354 : memref<1x40xi32, #tpu.memory_space<vmem>> -> memref<40xi32, #tpu.memory_space<vmem>>
      %dma_wait3A_356 = arith.constant 0 : i32
      %dma_wait3A_357 = arith.constant 0 : i32
      %dma_wait3A_358 = tpu.memref_slice %arg2[%dma_wait3A_356, %dma_wait3A_357] : memref<10000x128xf32, #tpu.memory_space<hbm>> -> memref<10000x128xf32, #tpu.memory_space<hbm>>
      tpu.wait_indirect_dma semaphore(%arg18 : memref<!tpu.dma_semaphore, #tpu.memory_space<semaphore_mem>>) src(%dma_wait3A_358 : memref<10000x128xf32, #tpu.memory_space<hbm>>) dst(%arg11 : memref<40x128xf32, #tpu.memory_space<vmem>>)
      %le3A_359 = arith.constant 245 : i32
      %le3A_360 = arith.cmpi sle, %add3A_352, %le3A_359 : i32
      %convert_element_type3A_361 = arith.extui %le3A_360 : i1 to i32
      %cond3A_362 = arith.constant 0 : i32
      %cond3A_363 = arith.cmpi ne, %convert_element_type3A_361, %cond3A_362 : i32
      scf.if %cond3A_363 {
        %add3A_379 = arith.constant 5 : i32
        %add3A_380 = arith.addi %add3A_352, %add3A_379 : i32
        %sub3A = arith.constant 1 : i32
        %sub3A_381 = arith.subi %add3A_380, %sub3A : i32
        %dma_start3A_382 = arith.constant 0 : i32
        %dma_start3A_383 = tpu.memref_slice %arg6[%sub3A_381, %dma_start3A_382] : memref<250x40xi32, #tpu.memory_space<vmem>> -> memref<1x40xi32, #tpu.memory_space<vmem>>
        %dma_start3A_384 = tpu.memref_squeeze %dma_start3A_383 : memref<1x40xi32, #tpu.memory_space<vmem>> -> memref<40xi32, #tpu.memory_space<vmem>>
        %dma_start3A_385 = arith.constant 0 : i32
        %dma_start3A_386 = arith.constant 0 : i32
        %dma_start3A_387 = tpu.memref_slice %arg2[%dma_start3A_385, %dma_start3A_386] : memref<10000x128xf32, #tpu.memory_space<hbm>> -> memref<10000x128xf32, #tpu.memory_space<hbm>>
        tpu.enqueue_indirect_dma source(%dma_start3A_387 : memref<10000x128xf32, #tpu.memory_space<hbm>>) target(%arg10 : memref<40x128xf32, #tpu.memory_space<vmem>>) offsets(%dma_start3A_384 : memref<40xi32, #tpu.memory_space<vmem>>) semaphore(%arg17 : memref<!tpu.dma_semaphore, #tpu.memory_space<semaphore_mem>>)
      } else {
      }
      "tpu.region"() ({
        %run_scoped3A = tpu.sem_alloc : memref<!tpu.dma_semaphore, #tpu.memory_space<semaphore_mem>>
        %dma_start3A_379 = arith.constant 0 : i32
        %dma_start3A_380 = tpu.memref_slice %arg7[%add3A_352, %dma_start3A_379] : memref<250x40xi32, #tpu.memory_space<vmem>> -> memref<1x40xi32, #tpu.memory_space<vmem>>
        %dma_start3A_381 = tpu.memref_squeeze %dma_start3A_380 : memref<1x40xi32, #tpu.memory_space<vmem>> -> memref<40xi32, #tpu.memory_space<vmem>>
        %dma_start3A_382 = arith.constant 0 : i32
        %dma_start3A_383 = arith.constant 0 : i32
        %dma_start3A_384 = tpu.memref_slice %arg14[%dma_start3A_382, %dma_start3A_383] : memref<10000x128xf32, #tpu.memory_space<vmem_shared>> -> memref<10000x128xf32, #tpu.memory_space<vmem_shared>>
        tpu.enqueue_indirect_dma source(%arg11 : memref<40x128xf32, #tpu.memory_space<vmem>>) target(%dma_start3A_384 : memref<10000x128xf32, #tpu.memory_space<vmem_shared>>) offsets(%dma_start3A_381 : memref<40xi32, #tpu.memory_space<vmem>>) semaphore(%run_scoped3A : memref<!tpu.dma_semaphore, #tpu.memory_space<semaphore_mem>>) {add = true}
        %dma_wait3A_385 = arith.constant 0 : i32
        %dma_wait3A_386 = tpu.memref_slice %arg7[%add3A_352, %dma_wait3A_385] : memref<250x40xi32, #tpu.memory_space<vmem>> -> memref<1x40xi32, #tpu.memory_space<vmem>>
        %dma_wait3A_387 = tpu.memref_squeeze %dma_wait3A_386 : memref<1x40xi32, #tpu.memory_space<vmem>> -> memref<40xi32, #tpu.memory_space<vmem>>
        %dma_wait3A_388 = arith.constant 0 : i32
        %dma_wait3A_389 = arith.constant 0 : i32
        %dma_wait3A_390 = tpu.memref_slice %arg14[%dma_wait3A_388, %dma_wait3A_389] : memref<10000x128xf32, #tpu.memory_space<vmem_shared>> -> memref<10000x128xf32, #tpu.memory_space<vmem_shared>>
        tpu.wait_indirect_dma semaphore(%run_scoped3A : memref<!tpu.dma_semaphore, #tpu.memory_space<semaphore_mem>>) src(%arg11 : memref<40x128xf32, #tpu.memory_space<vmem>>) dst(%dma_wait3A_390 : memref<10000x128xf32, #tpu.memory_space<vmem_shared>>)
        tpu.yield
      }) : () -> ()
      %mul3A_364 = arith.constant 5 : i32
      %mul3A_365 = arith.muli %scan3A_306, %mul3A_364 : i32
      %add3A_366 = arith.constant 4 : i32
      %add3A_367 = arith.addi %mul3A_365, %add3A_366 : i32
      %dma_wait3A_368 = arith.constant 0 : i32
      %dma_wait3A_369 = tpu.memref_slice %arg6[%add3A_367, %dma_wait3A_368] : memref<250x40xi32, #tpu.memory_space<vmem>> -> memref<1x40xi32, #tpu.memory_space<vmem>>
      %dma_wait3A_370 = tpu.memref_squeeze %dma_wait3A_369 : memref<1x40xi32, #tpu.memory_space<vmem>> -> memref<40xi32, #tpu.memory_space<vmem>>
      %dma_wait3A_371 = arith.constant 0 : i32
      %dma_wait3A_372 = arith.constant 0 : i32
      %dma_wait3A_373 = tpu.memref_slice %arg2[%dma_wait3A_371, %dma_wait3A_372] : memref<10000x128xf32, #tpu.memory_space<hbm>> -> memref<10000x128xf32, #tpu.memory_space<hbm>>
      tpu.wait_indirect_dma semaphore(%arg19 : memref<!tpu.dma_semaphore, #tpu.memory_space<semaphore_mem>>) src(%dma_wait3A_373 : memref<10000x128xf32, #tpu.memory_space<hbm>>) dst(%arg12 : memref<40x128xf32, #tpu.memory_space<vmem>>)
      %le3A_374 = arith.constant 245 : i32
      %le3A_375 = arith.cmpi sle, %add3A_367, %le3A_374 : i32
      %convert_element_type3A_376 = arith.extui %le3A_375 : i1 to i32
      %cond3A_377 = arith.constant 0 : i32
      %cond3A_378 = arith.cmpi ne, %convert_element_type3A_376, %cond3A_377 : i32
      scf.if %cond3A_378 {
        %add3A_379 = arith.constant 5 : i32
        %add3A_380 = arith.addi %add3A_367, %add3A_379 : i32
        %sub3A = arith.constant 1 : i32
        %sub3A_381 = arith.subi %add3A_380, %sub3A : i32
        %dma_start3A_382 = arith.constant 0 : i32
        %dma_start3A_383 = tpu.memref_slice %arg6[%sub3A_381, %dma_start3A_382] : memref<250x40xi32, #tpu.memory_space<vmem>> -> memref<1x40xi32, #tpu.memory_space<vmem>>
        %dma_start3A_384 = tpu.memref_squeeze %dma_start3A_383 : memref<1x40xi32, #tpu.memory_space<vmem>> -> memref<40xi32, #tpu.memory_space<vmem>>
        %dma_start3A_385 = arith.constant 0 : i32
        %dma_start3A_386 = arith.constant 0 : i32
        %dma_start3A_387 = tpu.memref_slice %arg2[%dma_start3A_385, %dma_start3A_386] : memref<10000x128xf32, #tpu.memory_space<hbm>> -> memref<10000x128xf32, #tpu.memory_space<hbm>>
        tpu.enqueue_indirect_dma source(%dma_start3A_387 : memref<10000x128xf32, #tpu.memory_space<hbm>>) target(%arg11 : memref<40x128xf32, #tpu.memory_space<vmem>>) offsets(%dma_start3A_384 : memref<40xi32, #tpu.memory_space<vmem>>) semaphore(%arg18 : memref<!tpu.dma_semaphore, #tpu.memory_space<semaphore_mem>>)
      } else {
      }
      "tpu.region"() ({
        %run_scoped3A = tpu.sem_alloc : memref<!tpu.dma_semaphore, #tpu.memory_space<semaphore_mem>>
        %dma_start3A_379 = arith.constant 0 : i32
        %dma_start3A_380 = tpu.memref_slice %arg7[%add3A_367, %dma_start3A_379] : memref<250x40xi32, #tpu.memory_space<vmem>> -> memref<1x40xi32, #tpu.memory_space<vmem>>
        %dma_start3A_381 = tpu.memref_squeeze %dma_start3A_380 : memref<1x40xi32, #tpu.memory_space<vmem>> -> memref<40xi32, #tpu.memory_space<vmem>>
        %dma_start3A_382 = arith.constant 0 : i32
        %dma_start3A_383 = arith.constant 0 : i32
        %dma_start3A_384 = tpu.memref_slice %arg14[%dma_start3A_382, %dma_start3A_383] : memref<10000x128xf32, #tpu.memory_space<vmem_shared>> -> memref<10000x128xf32, #tpu.memory_space<vmem_shared>>
        tpu.enqueue_indirect_dma source(%arg12 : memref<40x128xf32, #tpu.memory_space<vmem>>) target(%dma_start3A_384 : memref<10000x128xf32, #tpu.memory_space<vmem_shared>>) offsets(%dma_start3A_381 : memref<40xi32, #tpu.memory_space<vmem>>) semaphore(%run_scoped3A : memref<!tpu.dma_semaphore, #tpu.memory_space<semaphore_mem>>) {add = true}
        %dma_wait3A_385 = arith.constant 0 : i32
        %dma_wait3A_386 = tpu.memref_slice %arg7[%add3A_367, %dma_wait3A_385] : memref<250x40xi32, #tpu.memory_space<vmem>> -> memref<1x40xi32, #tpu.memory_space<vmem>>
        %dma_wait3A_387 = tpu.memref_squeeze %dma_wait3A_386 : memref<1x40xi32, #tpu.memory_space<vmem>> -> memref<40xi32, #tpu.memory_space<vmem>>
        %dma_wait3A_388 = arith.constant 0 : i32
        %dma_wait3A_389 = arith.constant 0 : i32
        %dma_wait3A_390 = tpu.memref_slice %arg14[%dma_wait3A_388, %dma_wait3A_389] : memref<10000x128xf32, #tpu.memory_space<vmem_shared>> -> memref<10000x128xf32, #tpu.memory_space<vmem_shared>>
        tpu.wait_indirect_dma semaphore(%run_scoped3A : memref<!tpu.dma_semaphore, #tpu.memory_space<semaphore_mem>>) src(%arg12 : memref<40x128xf32, #tpu.memory_space<vmem>>) dst(%dma_wait3A_390 : memref<10000x128xf32, #tpu.memory_space<vmem_shared>>)
        tpu.yield
      }) : () -> ()
    }
    %scan3A_194 = arith.constant 50 : i32
    %barrier3A_195 = arith.constant 0 : index
    tpu.barrier barrier_id(%barrier3A_195)
    %mul3A_196 = arith.constant 625 : i32
    %mul3A_197 = arith.muli %arg1, %mul3A_196 : i32
    %add3A_198 = arith.constant 0 : i32
    %add3A_199 = arith.addi %mul3A_197, %add3A_198 : i32
    %mul3A_200 = arith.constant 10000 : i32
    %mul3A_201 = arith.muli %arg0, %mul3A_200 : i32
    %add3A_202 = arith.addi %mul3A_201, %add3A_199 : i32
    %dma_start3A_203 = arith.constant 0 : i32
    %dma_start3A_204 = tpu.memref_slice %arg5[%add3A_202, %dma_start3A_203] : memref<20000x128xf32, #tpu.memory_space<hbm>> -> memref<125x128xf32, #tpu.memory_space<hbm>>
    %dma_start3A_205 = arith.constant 0 : i32
    %dma_start3A_206 = tpu.memref_slice %arg14[%add3A_199, %dma_start3A_205] : memref<10000x128xf32, #tpu.memory_space<vmem_shared>> -> memref<125x128xf32, #tpu.memory_space<vmem_shared>>
    tpu.enqueue_dma source(%dma_start3A_206 : memref<125x128xf32, #tpu.memory_space<vmem_shared>>) target(%dma_start3A_204 : memref<125x128xf32, #tpu.memory_space<hbm>>) target_semaphore(%arg20 : memref<!tpu.dma_semaphore, #tpu.memory_space<semaphore_mem>>)
    %mul3A_207 = arith.constant 625 : i32
    %mul3A_208 = arith.muli %arg1, %mul3A_207 : i32
    %add3A_209 = arith.constant 125 : i32
    %add3A_210 = arith.addi %mul3A_208, %add3A_209 : i32
    %mul3A_211 = arith.constant 10000 : i32
    %mul3A_212 = arith.muli %arg0, %mul3A_211 : i32
    %add3A_213 = arith.addi %mul3A_212, %add3A_210 : i32
    %dma_start3A_214 = arith.constant 0 : i32
    %dma_start3A_215 = tpu.memref_slice %arg5[%add3A_213, %dma_start3A_214] : memref<20000x128xf32, #tpu.memory_space<hbm>> -> memref<125x128xf32, #tpu.memory_space<hbm>>
    %dma_start3A_216 = arith.constant 0 : i32
    %dma_start3A_217 = tpu.memref_slice %arg14[%add3A_210, %dma_start3A_216] : memref<10000x128xf32, #tpu.memory_space<vmem_shared>> -> memref<125x128xf32, #tpu.memory_space<vmem_shared>>
    tpu.enqueue_dma source(%dma_start3A_217 : memref<125x128xf32, #tpu.memory_space<vmem_shared>>) target(%dma_start3A_215 : memref<125x128xf32, #tpu.memory_space<hbm>>) target_semaphore(%arg20 : memref<!tpu.dma_semaphore, #tpu.memory_space<semaphore_mem>>)
    %mul3A_218 = arith.constant 625 : i32
    %mul3A_219 = arith.muli %arg1, %mul3A_218 : i32
    %add3A_220 = arith.constant 250 : i32
    %add3A_221 = arith.addi %mul3A_219, %add3A_220 : i32
    %mul3A_222 = arith.constant 10000 : i32
    %mul3A_223 = arith.muli %arg0, %mul3A_222 : i32
    %add3A_224 = arith.addi %mul3A_223, %add3A_221 : i32
    %dma_start3A_225 = arith.constant 0 : i32
    %dma_start3A_226 = tpu.memref_slice %arg5[%add3A_224, %dma_start3A_225] : memref<20000x128xf32, #tpu.memory_space<hbm>> -> memref<125x128xf32, #tpu.memory_space<hbm>>
    %dma_start3A_227 = arith.constant 0 : i32
    %dma_start3A_228 = tpu.memref_slice %arg14[%add3A_221, %dma_start3A_227] : memref<10000x128xf32, #tpu.memory_space<vmem_shared>> -> memref<125x128xf32, #tpu.memory_space<vmem_shared>>
    tpu.enqueue_dma source(%dma_start3A_228 : memref<125x128xf32, #tpu.memory_space<vmem_shared>>) target(%dma_start3A_226 : memref<125x128xf32, #tpu.memory_space<hbm>>) target_semaphore(%arg20 : memref<!tpu.dma_semaphore, #tpu.memory_space<semaphore_mem>>)
    %mul3A_229 = arith.constant 625 : i32
    %mul3A_230 = arith.muli %arg1, %mul3A_229 : i32
    %add3A_231 = arith.constant 375 : i32
    %add3A_232 = arith.addi %mul3A_230, %add3A_231 : i32
    %mul3A_233 = arith.constant 10000 : i32
    %mul3A_234 = arith.muli %arg0, %mul3A_233 : i32
    %add3A_235 = arith.addi %mul3A_234, %add3A_232 : i32
    %dma_start3A_236 = arith.constant 0 : i32
    %dma_start3A_237 = tpu.memref_slice %arg5[%add3A_235, %dma_start3A_236] : memref<20000x128xf32, #tpu.memory_space<hbm>> -> memref<125x128xf32, #tpu.memory_space<hbm>>
    %dma_start3A_238 = arith.constant 0 : i32
    %dma_start3A_239 = tpu.memref_slice %arg14[%add3A_232, %dma_start3A_238] : memref<10000x128xf32, #tpu.memory_space<vmem_shared>> -> memref<125x128xf32, #tpu.memory_space<vmem_shared>>
    tpu.enqueue_dma source(%dma_start3A_239 : memref<125x128xf32, #tpu.memory_space<vmem_shared>>) target(%dma_start3A_237 : memref<125x128xf32, #tpu.memory_space<hbm>>) target_semaphore(%arg20 : memref<!tpu.dma_semaphore, #tpu.memory_space<semaphore_mem>>)
    %mul3A_240 = arith.constant 625 : i32
    %mul3A_241 = arith.muli %arg1, %mul3A_240 : i32
    %add3A_242 = arith.constant 500 : i32
    %add3A_243 = arith.addi %mul3A_241, %add3A_242 : i32
    %mul3A_244 = arith.constant 10000 : i32
    %mul3A_245 = arith.muli %arg0, %mul3A_244 : i32
    %add3A_246 = arith.addi %mul3A_245, %add3A_243 : i32
    %dma_start3A_247 = arith.constant 0 : i32
    %dma_start3A_248 = tpu.memref_slice %arg5[%add3A_246, %dma_start3A_247] : memref<20000x128xf32, #tpu.memory_space<hbm>> -> memref<125x128xf32, #tpu.memory_space<hbm>>
    %dma_start3A_249 = arith.constant 0 : i32
    %dma_start3A_250 = tpu.memref_slice %arg14[%add3A_243, %dma_start3A_249] : memref<10000x128xf32, #tpu.memory_space<vmem_shared>> -> memref<125x128xf32, #tpu.memory_space<vmem_shared>>
    tpu.enqueue_dma source(%dma_start3A_250 : memref<125x128xf32, #tpu.memory_space<vmem_shared>>) target(%dma_start3A_248 : memref<125x128xf32, #tpu.memory_space<hbm>>) target_semaphore(%arg20 : memref<!tpu.dma_semaphore, #tpu.memory_space<semaphore_mem>>)
    %mul3A_251 = arith.constant 625 : i32
    %mul3A_252 = arith.muli %arg1, %mul3A_251 : i32
    %add3A_253 = arith.constant 0 : i32
    %add3A_254 = arith.addi %mul3A_252, %add3A_253 : i32
    %mul3A_255 = arith.constant 10000 : i32
    %mul3A_256 = arith.muli %arg0, %mul3A_255 : i32
    %add3A_257 = arith.addi %mul3A_256, %add3A_254 : i32
    %dma_wait3A_258 = arith.constant 0 : i32
    %dma_wait3A_259 = tpu.memref_slice %arg5[%add3A_257, %dma_wait3A_258] : memref<20000x128xf32, #tpu.memory_space<hbm>> -> memref<125x128xf32, #tpu.memory_space<hbm>>
    %dma_wait3A_260 = arith.constant 0 : i32
    %dma_wait3A_261 = tpu.memref_slice %arg14[%add3A_254, %dma_wait3A_260] : memref<10000x128xf32, #tpu.memory_space<vmem_shared>> -> memref<125x128xf32, #tpu.memory_space<vmem_shared>>
    tpu.wait_dma2 semaphore(%arg20 : memref<!tpu.dma_semaphore, #tpu.memory_space<semaphore_mem>>) src(%dma_wait3A_261 : memref<125x128xf32, #tpu.memory_space<vmem_shared>>) dst(%dma_wait3A_259 : memref<125x128xf32, #tpu.memory_space<hbm>>)
    %mul3A_262 = arith.constant 625 : i32
    %mul3A_263 = arith.muli %arg1, %mul3A_262 : i32
    %add3A_264 = arith.constant 125 : i32
    %add3A_265 = arith.addi %mul3A_263, %add3A_264 : i32
    %mul3A_266 = arith.constant 10000 : i32
    %mul3A_267 = arith.muli %arg0, %mul3A_266 : i32
    %add3A_268 = arith.addi %mul3A_267, %add3A_265 : i32
    %dma_wait3A_269 = arith.constant 0 : i32
    %dma_wait3A_270 = tpu.memref_slice %arg5[%add3A_268, %dma_wait3A_269] : memref<20000x128xf32, #tpu.memory_space<hbm>> -> memref<125x128xf32, #tpu.memory_space<hbm>>
    %dma_wait3A_271 = arith.constant 0 : i32
    %dma_wait3A_272 = tpu.memref_slice %arg14[%add3A_265, %dma_wait3A_271] : memref<10000x128xf32, #tpu.memory_space<vmem_shared>> -> memref<125x128xf32, #tpu.memory_space<vmem_shared>>
    tpu.wait_dma2 semaphore(%arg20 : memref<!tpu.dma_semaphore, #tpu.memory_space<semaphore_mem>>) src(%dma_wait3A_272 : memref<125x128xf32, #tpu.memory_space<vmem_shared>>) dst(%dma_wait3A_270 : memref<125x128xf32, #tpu.memory_space<hbm>>)
    %mul3A_273 = arith.constant 625 : i32
    %mul3A_274 = arith.muli %arg1, %mul3A_273 : i32
    %add3A_275 = arith.constant 250 : i32
    %add3A_276 = arith.addi %mul3A_274, %add3A_275 : i32
    %mul3A_277 = arith.constant 10000 : i32
    %mul3A_278 = arith.muli %arg0, %mul3A_277 : i32
    %add3A_279 = arith.addi %mul3A_278, %add3A_276 : i32
    %dma_wait3A_280 = arith.constant 0 : i32
    %dma_wait3A_281 = tpu.memref_slice %arg5[%add3A_279, %dma_wait3A_280] : memref<20000x128xf32, #tpu.memory_space<hbm>> -> memref<125x128xf32, #tpu.memory_space<hbm>>
    %dma_wait3A_282 = arith.constant 0 : i32
    %dma_wait3A_283 = tpu.memref_slice %arg14[%add3A_276, %dma_wait3A_282] : memref<10000x128xf32, #tpu.memory_space<vmem_shared>> -> memref<125x128xf32, #tpu.memory_space<vmem_shared>>
    tpu.wait_dma2 semaphore(%arg20 : memref<!tpu.dma_semaphore, #tpu.memory_space<semaphore_mem>>) src(%dma_wait3A_283 : memref<125x128xf32, #tpu.memory_space<vmem_shared>>) dst(%dma_wait3A_281 : memref<125x128xf32, #tpu.memory_space<hbm>>)
    %mul3A_284 = arith.constant 625 : i32
    %mul3A_285 = arith.muli %arg1, %mul3A_284 : i32
    %add3A_286 = arith.constant 375 : i32
    %add3A_287 = arith.addi %mul3A_285, %add3A_286 : i32
    %mul3A_288 = arith.constant 10000 : i32
    %mul3A_289 = arith.muli %arg0, %mul3A_288 : i32
    %add3A_290 = arith.addi %mul3A_289, %add3A_287 : i32
    %dma_wait3A_291 = arith.constant 0 : i32
    %dma_wait3A_292 = tpu.memref_slice %arg5[%add3A_290, %dma_wait3A_291] : memref<20000x128xf32, #tpu.memory_space<hbm>> -> memref<125x128xf32, #tpu.memory_space<hbm>>
    %dma_wait3A_293 = arith.constant 0 : i32
    %dma_wait3A_294 = tpu.memref_slice %arg14[%add3A_287, %dma_wait3A_293] : memref<10000x128xf32, #tpu.memory_space<vmem_shared>> -> memref<125x128xf32, #tpu.memory_space<vmem_shared>>
    tpu.wait_dma2 semaphore(%arg20 : memref<!tpu.dma_semaphore, #tpu.memory_space<semaphore_mem>>) src(%dma_wait3A_294 : memref<125x128xf32, #tpu.memory_space<vmem_shared>>) dst(%dma_wait3A_292 : memref<125x128xf32, #tpu.memory_space<hbm>>)
    %mul3A_295 = arith.constant 625 : i32
    %mul3A_296 = arith.muli %arg1, %mul3A_295 : i32
    %add3A_297 = arith.constant 500 : i32
    %add3A_298 = arith.addi %mul3A_296, %add3A_297 : i32
    %mul3A_299 = arith.constant 10000 : i32
    %mul3A_300 = arith.muli %arg0, %mul3A_299 : i32
    %add3A_301 = arith.addi %mul3A_300, %add3A_298 : i32
    %dma_wait3A_302 = arith.constant 0 : i32
    %dma_wait3A_303 = tpu.memref_slice %arg5[%add3A_301, %dma_wait3A_302] : memref<20000x128xf32, #tpu.memory_space<hbm>> -> memref<125x128xf32, #tpu.memory_space<hbm>>
    %dma_wait3A_304 = arith.constant 0 : i32
    %dma_wait3A_305 = tpu.memref_slice %arg14[%add3A_298, %dma_wait3A_304] : memref<10000x128xf32, #tpu.memory_space<vmem_shared>> -> memref<125x128xf32, #tpu.memory_space<vmem_shared>>
    tpu.wait_dma2 semaphore(%arg20 : memref<!tpu.dma_semaphore, #tpu.memory_space<semaphore_mem>>) src(%dma_wait3A_305 : memref<125x128xf32, #tpu.memory_space<vmem_shared>>) dst(%dma_wait3A_303 : memref<125x128xf32, #tpu.memory_space<hbm>>)
    return
  }
}

module attributes {stable_mosaic.version = 14 : i64} {
  func.func @_layer_body(%arg0: memref<10000x128xf32, #tpu.memory_space<vmem>>, %arg1: memref<2x10000x128xf32, #tpu.memory_space<vmem>>, %arg2: memref<128x128xf32, #tpu.memory_space<vmem>>, %arg3: memref<128xf32, #tpu.memory_space<vmem>>, %arg4: memref<128x128xf32, #tpu.memory_space<vmem>>, %arg5: memref<128xf32, #tpu.memory_space<vmem>>, %arg6: memref<128xf32, #tpu.memory_space<vmem>>, %arg7: memref<128xf32, #tpu.memory_space<vmem>>, %arg8: memref<10000x128xf32, #tpu.memory_space<vmem>>) attributes {dimension_semantics = [], scalar_prefetch = 0 : i64, scratch_operands = 0 : i64, tpu.core_type = #tpu.core_type<tc>} {
    %get3A = arith.constant 0 : index
    %get3A_0 = arith.constant 0 : index
    %get3A_1 = vector.load %arg0[%get3A, %get3A_0] : memref<10000x128xf32, #tpu.memory_space<vmem>>, vector<10000x128xf32>
    %get3A_2 = arith.constant 0 : index
    %get3A_3 = arith.constant 0 : index
    %get3A_4 = arith.constant 0 : index
    %get3A_5 = vector.load %arg1[%get3A_2, %get3A_3, %get3A_4] : memref<2x10000x128xf32, #tpu.memory_space<vmem>>, vector<1x10000x128xf32>
    %get3A_6 = vector.shape_cast %get3A_5 : vector<1x10000x128xf32> to vector<10000x128xf32>
    %add3A = arith.addf %get3A_1, %get3A_6 : vector<10000x128xf32>
    %get3A_7 = arith.constant 1 : index
    %get3A_8 = arith.constant 0 : index
    %get3A_9 = arith.constant 0 : index
    %get3A_10 = vector.load %arg1[%get3A_7, %get3A_8, %get3A_9] : memref<2x10000x128xf32, #tpu.memory_space<vmem>>, vector<1x10000x128xf32>
    %get3A_11 = vector.shape_cast %get3A_10 : vector<1x10000x128xf32> to vector<10000x128xf32>
    %add3A_12 = arith.addf %add3A, %get3A_11 : vector<10000x128xf32>
    %get3A_13 = arith.constant 0 : index
    %get3A_14 = arith.constant 0 : index
    %get3A_15 = vector.load %arg2[%get3A_13, %get3A_14] : memref<128x128xf32, #tpu.memory_space<vmem>>, vector<128x128xf32>
    %dot_general3A = arith.constant dense<0.000000e+00> : vector<10000x128xf32>
    %dot_general3A_16 = tpu.matmul %add3A_12, %get3A_15, %dot_general3A {dimension_numbers = #tpu.dot_dimension_numbers<[1], [0], [0], [1], [0, 0, 1, 1], [], []>, transpose_lhs_hint = false} : vector<10000x128xf32>, vector<128x128xf32>, vector<10000x128xf32> -> vector<10000x128xf32>
    %get3A_17 = arith.constant 0 : index
    %get3A_18 = vector.load %arg3[%get3A_17] : memref<128xf32, #tpu.memory_space<vmem>>, vector<128xf32>
    %broadcast_in_dim3A = vector.shape_cast %get3A_18 : vector<128xf32> to vector<1x128xf32>
    %add3A_19 = vector.broadcast %broadcast_in_dim3A : vector<1x128xf32> to vector<10000x128xf32>
    %add3A_20 = arith.addf %dot_general3A_16, %add3A_19 : vector<10000x128xf32>
    %max3A = arith.constant 0.000000e+00 : f32
    %max3A_21 = vector.broadcast %max3A : f32 to vector<10000x128xf32>
    %max3A_22 = arith.maximumf %add3A_20, %max3A_21 : vector<10000x128xf32>
    %get3A_23 = arith.constant 0 : index
    %get3A_24 = arith.constant 0 : index
    %get3A_25 = vector.load %arg4[%get3A_23, %get3A_24] : memref<128x128xf32, #tpu.memory_space<vmem>>, vector<128x128xf32>
    %dot_general3A_26 = arith.constant dense<0.000000e+00> : vector<10000x128xf32>
    %dot_general3A_27 = tpu.matmul %max3A_22, %get3A_25, %dot_general3A_26 {dimension_numbers = #tpu.dot_dimension_numbers<[1], [0], [0], [1], [0, 0, 1, 1], [], []>, transpose_lhs_hint = false} : vector<10000x128xf32>, vector<128x128xf32>, vector<10000x128xf32> -> vector<10000x128xf32>
    %get3A_28 = arith.constant 0 : index
    %get3A_29 = vector.load %arg5[%get3A_28] : memref<128xf32, #tpu.memory_space<vmem>>, vector<128xf32>
    %broadcast_in_dim3A_30 = vector.shape_cast %get3A_29 : vector<128xf32> to vector<1x128xf32>
    %add3A_31 = vector.broadcast %broadcast_in_dim3A_30 : vector<1x128xf32> to vector<10000x128xf32>
    %add3A_32 = arith.addf %dot_general3A_27, %add3A_31 : vector<10000x128xf32>
    %max3A_33 = arith.constant 0.000000e+00 : f32
    %max3A_34 = vector.broadcast %max3A_33 : f32 to vector<10000x128xf32>
    %max3A_35 = arith.maximumf %add3A_32, %max3A_34 : vector<10000x128xf32>
    %get3A_36 = arith.constant 0 : index
    %get3A_37 = vector.load %arg6[%get3A_36] : memref<128xf32, #tpu.memory_space<vmem>>, vector<128xf32>
    %get3A_38 = arith.constant 0 : index
    %get3A_39 = vector.load %arg7[%get3A_38] : memref<128xf32, #tpu.memory_space<vmem>>, vector<128xf32>
    %reduce_sum3A = arith.constant dense<0.000000e+00> : vector<128xf32>
    %reduce_sum3A_40 = vector.multi_reduction <add>, %max3A_35, %reduce_sum3A [0] : vector<10000x128xf32> to vector<128xf32>
    %mul3A = arith.constant 9.99999974E-5 : f32
    %mul3A_41 = vector.broadcast %mul3A : f32 to vector<128xf32>
    %mul3A_42 = arith.mulf %reduce_sum3A_40, %mul3A_41 : vector<128xf32>
    %broadcast_in_dim3A_43 = vector.shape_cast %mul3A_42 : vector<128xf32> to vector<1x128xf32>
    %sub3A = vector.broadcast %broadcast_in_dim3A_43 : vector<1x128xf32> to vector<10000x128xf32>
    %sub3A_44 = arith.subf %max3A_35, %sub3A : vector<10000x128xf32>
    %broadcast_in_dim3A_45 = vector.shape_cast %mul3A_42 : vector<128xf32> to vector<1x128xf32>
    %sub3A_46 = vector.broadcast %broadcast_in_dim3A_45 : vector<1x128xf32> to vector<10000x128xf32>
    %sub3A_47 = arith.subf %max3A_35, %sub3A_46 : vector<10000x128xf32>
    %mul3A_48 = arith.mulf %sub3A_44, %sub3A_47 : vector<10000x128xf32>
    %reduce_sum3A_49 = arith.constant dense<0.000000e+00> : vector<128xf32>
    %reduce_sum3A_50 = vector.multi_reduction <add>, %mul3A_48, %reduce_sum3A_49 [0] : vector<10000x128xf32> to vector<128xf32>
    %mul3A_51 = arith.constant 9.99999974E-5 : f32
    %mul3A_52 = vector.broadcast %mul3A_51 : f32 to vector<128xf32>
    %mul3A_53 = arith.mulf %reduce_sum3A_50, %mul3A_52 : vector<128xf32>
    %add3A_54 = arith.constant 9.99999974E-6 : f32
    %add3A_55 = vector.broadcast %add3A_54 : f32 to vector<128xf32>
    %add3A_56 = arith.addf %mul3A_53, %add3A_55 : vector<128xf32>
    %rsqrt3A = math.rsqrt %add3A_56 : vector<128xf32>
    %mul3A_57 = arith.constant 5.000000e-01 : f32
    %mul3A_58 = vector.broadcast %mul3A_57 : f32 to vector<128xf32>
    %mul3A_59 = arith.mulf %mul3A_58, %add3A_56 : vector<128xf32>
    %mul3A_60 = arith.mulf %mul3A_59, %rsqrt3A : vector<128xf32>
    %mul3A_61 = arith.mulf %mul3A_60, %rsqrt3A : vector<128xf32>
    %sub3A_62 = arith.constant 1.500000e+00 : f32
    %sub3A_63 = vector.broadcast %sub3A_62 : f32 to vector<128xf32>
    %sub3A_64 = arith.subf %sub3A_63, %mul3A_61 : vector<128xf32>
    %mul3A_65 = arith.mulf %rsqrt3A, %sub3A_64 : vector<128xf32>
    %broadcast_in_dim3A_66 = vector.shape_cast %mul3A_42 : vector<128xf32> to vector<1x128xf32>
    %sub3A_67 = vector.broadcast %broadcast_in_dim3A_66 : vector<1x128xf32> to vector<10000x128xf32>
    %sub3A_68 = arith.subf %max3A_35, %sub3A_67 : vector<10000x128xf32>
    %broadcast_in_dim3A_69 = vector.shape_cast %mul3A_65 : vector<128xf32> to vector<1x128xf32>
    %mul3A_70 = vector.broadcast %broadcast_in_dim3A_69 : vector<1x128xf32> to vector<10000x128xf32>
    %mul3A_71 = arith.mulf %sub3A_68, %mul3A_70 : vector<10000x128xf32>
    %broadcast_in_dim3A_72 = vector.shape_cast %get3A_37 : vector<128xf32> to vector<1x128xf32>
    %mul3A_73 = vector.broadcast %broadcast_in_dim3A_72 : vector<1x128xf32> to vector<10000x128xf32>
    %mul3A_74 = arith.mulf %mul3A_71, %mul3A_73 : vector<10000x128xf32>
    %broadcast_in_dim3A_75 = vector.shape_cast %get3A_39 : vector<128xf32> to vector<1x128xf32>
    %add3A_76 = vector.broadcast %broadcast_in_dim3A_75 : vector<1x128xf32> to vector<10000x128xf32>
    %add3A_77 = arith.addf %mul3A_74, %add3A_76 : vector<10000x128xf32>
    %swap3A = arith.constant 0 : index
    %swap3A_78 = arith.constant 0 : index
    %swap3A_79 = vector.load %arg8[%swap3A, %swap3A_78] : memref<10000x128xf32, #tpu.memory_space<vmem>>, vector<10000x128xf32>
    tpu.vector_store %arg8[%swap3A, %swap3A_78], %add3A_77 {strides = array<i32>} : memref<10000x128xf32, #tpu.memory_space<vmem>>, vector<10000x128xf32>,
    return
  }
}

module attributes {stable_mosaic.version = 14 : i64} {
  func.func @_final_body(%arg0: memref<10000x128xf32, #tpu.memory_space<vmem>>, %arg1: memref<2x10000x128xf32, #tpu.memory_space<vmem>>, %arg2: memref<128x128xf32, #tpu.memory_space<vmem>>, %arg3: memref<128xf32, #tpu.memory_space<vmem>>, %arg4: memref<128x128xf32, #tpu.memory_space<vmem>>, %arg5: memref<128xf32, #tpu.memory_space<vmem>>, %arg6: memref<128xf32, #tpu.memory_space<vmem>>, %arg7: memref<128xf32, #tpu.memory_space<vmem>>, %arg8: memref<10000x1xi32, #tpu.memory_space<vmem>>, %arg9: memref<128x256xf32, #tpu.memory_space<vmem>>, %arg10: memref<256xf32, #tpu.memory_space<vmem>>, %arg11: memref<256x128xf32, #tpu.memory_space<vmem>>, %arg12: memref<128xf32, #tpu.memory_space<vmem>>, %arg13: memref<128x8xf32, #tpu.memory_space<vmem>>, %arg14: memref<8xf32, #tpu.memory_space<vmem>>, %arg15: memref<64x8xf32, #tpu.memory_space<vmem>>, %arg16: memref<64x128xf32, #tpu.memory_space<vmem>>) attributes {dimension_semantics = [], scalar_prefetch = 0 : i64, scratch_operands = 1 : i64, tpu.core_type = #tpu.core_type<tc>} {
    %get3A = arith.constant 0 : index
    %get3A_0 = arith.constant 0 : index
    %get3A_1 = vector.load %arg0[%get3A, %get3A_0] : memref<10000x128xf32, #tpu.memory_space<vmem>>, vector<10000x128xf32>
    %get3A_2 = arith.constant 0 : index
    %get3A_3 = arith.constant 0 : index
    %get3A_4 = arith.constant 0 : index
    %get3A_5 = vector.load %arg1[%get3A_2, %get3A_3, %get3A_4] : memref<2x10000x128xf32, #tpu.memory_space<vmem>>, vector<1x10000x128xf32>
    %get3A_6 = vector.shape_cast %get3A_5 : vector<1x10000x128xf32> to vector<10000x128xf32>
    %add3A = arith.addf %get3A_1, %get3A_6 : vector<10000x128xf32>
    %get3A_7 = arith.constant 1 : index
    %get3A_8 = arith.constant 0 : index
    %get3A_9 = arith.constant 0 : index
    %get3A_10 = vector.load %arg1[%get3A_7, %get3A_8, %get3A_9] : memref<2x10000x128xf32, #tpu.memory_space<vmem>>, vector<1x10000x128xf32>
    %get3A_11 = vector.shape_cast %get3A_10 : vector<1x10000x128xf32> to vector<10000x128xf32>
    %add3A_12 = arith.addf %add3A, %get3A_11 : vector<10000x128xf32>
    %get3A_13 = arith.constant 0 : index
    %get3A_14 = arith.constant 0 : index
    %get3A_15 = vector.load %arg2[%get3A_13, %get3A_14] : memref<128x128xf32, #tpu.memory_space<vmem>>, vector<128x128xf32>
    %dot_general3A = arith.constant dense<0.000000e+00> : vector<10000x128xf32>
    %dot_general3A_16 = tpu.matmul %add3A_12, %get3A_15, %dot_general3A {dimension_numbers = #tpu.dot_dimension_numbers<[1], [0], [0], [1], [0, 0, 1, 1], [], []>, transpose_lhs_hint = false} : vector<10000x128xf32>, vector<128x128xf32>, vector<10000x128xf32> -> vector<10000x128xf32>
    %get3A_17 = arith.constant 0 : index
    %get3A_18 = vector.load %arg3[%get3A_17] : memref<128xf32, #tpu.memory_space<vmem>>, vector<128xf32>
    %broadcast_in_dim3A = vector.shape_cast %get3A_18 : vector<128xf32> to vector<1x128xf32>
    %add3A_19 = vector.broadcast %broadcast_in_dim3A : vector<1x128xf32> to vector<10000x128xf32>
    %add3A_20 = arith.addf %dot_general3A_16, %add3A_19 : vector<10000x128xf32>
    %max3A = arith.constant 0.000000e+00 : f32
    %max3A_21 = vector.broadcast %max3A : f32 to vector<10000x128xf32>
    %max3A_22 = arith.maximumf %add3A_20, %max3A_21 : vector<10000x128xf32>
    %get3A_23 = arith.constant 0 : index
    %get3A_24 = arith.constant 0 : index
    %get3A_25 = vector.load %arg4[%get3A_23, %get3A_24] : memref<128x128xf32, #tpu.memory_space<vmem>>, vector<128x128xf32>
    %dot_general3A_26 = arith.constant dense<0.000000e+00> : vector<10000x128xf32>
    %dot_general3A_27 = tpu.matmul %max3A_22, %get3A_25, %dot_general3A_26 {dimension_numbers = #tpu.dot_dimension_numbers<[1], [0], [0], [1], [0, 0, 1, 1], [], []>, transpose_lhs_hint = false} : vector<10000x128xf32>, vector<128x128xf32>, vector<10000x128xf32> -> vector<10000x128xf32>
    %get3A_28 = arith.constant 0 : index
    %get3A_29 = vector.load %arg5[%get3A_28] : memref<128xf32, #tpu.memory_space<vmem>>, vector<128xf32>
    %broadcast_in_dim3A_30 = vector.shape_cast %get3A_29 : vector<128xf32> to vector<1x128xf32>
    %add3A_31 = vector.broadcast %broadcast_in_dim3A_30 : vector<1x128xf32> to vector<10000x128xf32>
    %add3A_32 = arith.addf %dot_general3A_27, %add3A_31 : vector<10000x128xf32>
    %max3A_33 = arith.constant 0.000000e+00 : f32
    %max3A_34 = vector.broadcast %max3A_33 : f32 to vector<10000x128xf32>
    %max3A_35 = arith.maximumf %add3A_32, %max3A_34 : vector<10000x128xf32>
    %get3A_36 = arith.constant 0 : index
    %get3A_37 = vector.load %arg6[%get3A_36] : memref<128xf32, #tpu.memory_space<vmem>>, vector<128xf32>
    %get3A_38 = arith.constant 0 : index
    %get3A_39 = vector.load %arg7[%get3A_38] : memref<128xf32, #tpu.memory_space<vmem>>, vector<128xf32>
    %reduce_sum3A = arith.constant dense<0.000000e+00> : vector<128xf32>
    %reduce_sum3A_40 = vector.multi_reduction <add>, %max3A_35, %reduce_sum3A [0] : vector<10000x128xf32> to vector<128xf32>
    %mul3A = arith.constant 9.99999974E-5 : f32
    %mul3A_41 = vector.broadcast %mul3A : f32 to vector<128xf32>
    %mul3A_42 = arith.mulf %reduce_sum3A_40, %mul3A_41 : vector<128xf32>
    %broadcast_in_dim3A_43 = vector.shape_cast %mul3A_42 : vector<128xf32> to vector<1x128xf32>
    %sub3A = vector.broadcast %broadcast_in_dim3A_43 : vector<1x128xf32> to vector<10000x128xf32>
    %sub3A_44 = arith.subf %max3A_35, %sub3A : vector<10000x128xf32>
    %broadcast_in_dim3A_45 = vector.shape_cast %mul3A_42 : vector<128xf32> to vector<1x128xf32>
    %sub3A_46 = vector.broadcast %broadcast_in_dim3A_45 : vector<1x128xf32> to vector<10000x128xf32>
    %sub3A_47 = arith.subf %max3A_35, %sub3A_46 : vector<10000x128xf32>
    %mul3A_48 = arith.mulf %sub3A_44, %sub3A_47 : vector<10000x128xf32>
    %reduce_sum3A_49 = arith.constant dense<0.000000e+00> : vector<128xf32>
    %reduce_sum3A_50 = vector.multi_reduction <add>, %mul3A_48, %reduce_sum3A_49 [0] : vector<10000x128xf32> to vector<128xf32>
    %mul3A_51 = arith.constant 9.99999974E-5 : f32
    %mul3A_52 = vector.broadcast %mul3A_51 : f32 to vector<128xf32>
    %mul3A_53 = arith.mulf %reduce_sum3A_50, %mul3A_52 : vector<128xf32>
    %add3A_54 = arith.constant 9.99999974E-6 : f32
    %add3A_55 = vector.broadcast %add3A_54 : f32 to vector<128xf32>
    %add3A_56 = arith.addf %mul3A_53, %add3A_55 : vector<128xf32>
    %rsqrt3A = math.rsqrt %add3A_56 : vector<128xf32>
    %mul3A_57 = arith.constant 5.000000e-01 : f32
    %mul3A_58 = vector.broadcast %mul3A_57 : f32 to vector<128xf32>
    %mul3A_59 = arith.mulf %mul3A_58, %add3A_56 : vector<128xf32>
    %mul3A_60 = arith.mulf %mul3A_59, %rsqrt3A : vector<128xf32>
    %mul3A_61 = arith.mulf %mul3A_60, %rsqrt3A : vector<128xf32>
    %sub3A_62 = arith.constant 1.500000e+00 : f32
    %sub3A_63 = vector.broadcast %sub3A_62 : f32 to vector<128xf32>
    %sub3A_64 = arith.subf %sub3A_63, %mul3A_61 : vector<128xf32>
    %mul3A_65 = arith.mulf %rsqrt3A, %sub3A_64 : vector<128xf32>
    %broadcast_in_dim3A_66 = vector.shape_cast %mul3A_42 : vector<128xf32> to vector<1x128xf32>
    %sub3A_67 = vector.broadcast %broadcast_in_dim3A_66 : vector<1x128xf32> to vector<10000x128xf32>
    %sub3A_68 = arith.subf %max3A_35, %sub3A_67 : vector<10000x128xf32>
    %broadcast_in_dim3A_69 = vector.shape_cast %mul3A_65 : vector<128xf32> to vector<1x128xf32>
    %mul3A_70 = vector.broadcast %broadcast_in_dim3A_69 : vector<1x128xf32> to vector<10000x128xf32>
    %mul3A_71 = arith.mulf %sub3A_68, %mul3A_70 : vector<10000x128xf32>
    %broadcast_in_dim3A_72 = vector.shape_cast %get3A_37 : vector<128xf32> to vector<1x128xf32>
    %mul3A_73 = vector.broadcast %broadcast_in_dim3A_72 : vector<1x128xf32> to vector<10000x128xf32>
    %mul3A_74 = arith.mulf %mul3A_71, %mul3A_73 : vector<10000x128xf32>
    %broadcast_in_dim3A_75 = vector.shape_cast %get3A_39 : vector<128xf32> to vector<1x128xf32>
    %add3A_76 = vector.broadcast %broadcast_in_dim3A_75 : vector<1x128xf32> to vector<10000x128xf32>
    %add3A_77 = arith.addf %mul3A_74, %add3A_76 : vector<10000x128xf32>
    %get3A_78 = arith.constant 0 : index
    %get3A_79 = arith.constant 0 : index
    %get3A_80 = vector.load %arg8[%get3A_78, %get3A_79] : memref<10000x1xi32, #tpu.memory_space<vmem>>, vector<10000x1xi32>
    %scan3A = arith.constant 0xFF800000 : f32
    %scan3A_81 = arith.constant 0 : i32
    %scan3A_82 = arith.constant 64 : i32
    %scan3A_83 = arith.addi %scan3A_81, %scan3A_82 : i32
    %scan3A_84 = arith.constant 1 : i32
    scf.for %scan3A_133 = %scan3A_81 to %scan3A_83 step %scan3A_84  : i32 {
      %eq3A = vector.broadcast %scan3A_133 : i32 to vector<10000x1xi32>
      %eq3A_134 = arith.cmpi eq, %get3A_80, %eq3A : vector<10000x1xi32>
      %broadcast_in_dim3A_135 = vector.shape_cast %eq3A_134 : vector<10000x1xi1> to vector<10000x1xi1>
      %broadcast_in_dim3A_136 = vector.broadcast %broadcast_in_dim3A_135 : vector<10000x1xi1> to vector<10000x128xi1>
      %broadcast_in_dim3A_137 = vector.broadcast %scan3A : f32 to vector<10000x128xf32>
      %select_n3A_138 = arith.select %broadcast_in_dim3A_136, %add3A_77, %broadcast_in_dim3A_137 : vector<10000x128xi1>, vector<10000x128xf32>
      %reduce_max3A = arith.constant dense<0xFF800000> : vector<128xf32>
      %reduce_max3A_139 = vector.multi_reduction <maximumf>, %select_n3A_138, %reduce_max3A [0] : vector<10000x128xf32> to vector<128xf32>
      %broadcast_in_dim3A_140 = vector.shape_cast %reduce_max3A_139 : vector<128xf32> to vector<1x128xf32>
      %swap3A_141 = arith.index_cast %scan3A_133 : i32 to index
      %swap3A_142 = arith.constant 0 : index
      %swap3A_143 = vector.load %arg16[%swap3A_141, %swap3A_142] : memref<64x128xf32, #tpu.memory_space<vmem>>, vector<1x128xf32>
      tpu.vector_store %arg16[%swap3A_141, %swap3A_142], %broadcast_in_dim3A_140 {strides = array<i32>} : memref<64x128xf32, #tpu.memory_space<vmem>>, vector<1x128xf32>,
    }
    %scan3A_85 = arith.constant 64 : i32
    %get3A_86 = arith.constant 0 : index
    %get3A_87 = arith.constant 0 : index
    %get3A_88 = vector.load %arg16[%get3A_86, %get3A_87] : memref<64x128xf32, #tpu.memory_space<vmem>>, vector<64x128xf32>
    %get3A_89 = arith.constant 0 : index
    %get3A_90 = arith.constant 0 : index
    %get3A_91 = vector.load %arg9[%get3A_89, %get3A_90] : memref<128x256xf32, #tpu.memory_space<vmem>>, vector<128x256xf32>
    %dot_general3A_92 = arith.constant dense<0.000000e+00> : vector<64x256xf32>
    %dot_general3A_93 = tpu.matmul %get3A_88, %get3A_91, %dot_general3A_92 {dimension_numbers = #tpu.dot_dimension_numbers<[1], [0], [0], [1], [0, 0, 1, 1], [], []>, transpose_lhs_hint = false} : vector<64x128xf32>, vector<128x256xf32>, vector<64x256xf32> -> vector<64x256xf32>
    %get3A_94 = arith.constant 0 : index
    %get3A_95 = vector.load %arg10[%get3A_94] : memref<256xf32, #tpu.memory_space<vmem>>, vector<256xf32>
    %broadcast_in_dim3A_96 = vector.shape_cast %get3A_95 : vector<256xf32> to vector<1x256xf32>
    %add3A_97 = vector.broadcast %broadcast_in_dim3A_96 : vector<1x256xf32> to vector<64x256xf32>
    %add3A_98 = arith.addf %dot_general3A_93, %add3A_97 : vector<64x256xf32>
    %ge3A = arith.constant 0.000000e+00 : f32
    %ge3A_99 = vector.broadcast %ge3A : f32 to vector<64x256xf32>
    %ge3A_100 = arith.cmpf oge, %add3A_98, %ge3A_99 : vector<64x256xf32>
    %mul3A_101 = arith.constant 2.500000e-02 : f32
    %mul3A_102 = vector.broadcast %mul3A_101 : f32 to vector<64x256xf32>
    %mul3A_103 = arith.mulf %mul3A_102, %add3A_98 : vector<64x256xf32>
    %select_n3A = arith.select %ge3A_100, %add3A_98, %mul3A_103 : vector<64x256xi1>, vector<64x256xf32>
    %get3A_104 = arith.constant 0 : index
    %get3A_105 = arith.constant 0 : index
    %get3A_106 = vector.load %arg11[%get3A_104, %get3A_105] : memref<256x128xf32, #tpu.memory_space<vmem>>, vector<256x128xf32>
    %dot_general3A_107 = arith.constant dense<0.000000e+00> : vector<64x128xf32>
    %dot_general3A_108 = tpu.matmul %select_n3A, %get3A_106, %dot_general3A_107 {dimension_numbers = #tpu.dot_dimension_numbers<[1], [0], [0], [1], [0, 0, 1, 1], [], []>, transpose_lhs_hint = false} : vector<64x256xf32>, vector<256x128xf32>, vector<64x128xf32> -> vector<64x128xf32>
    %get3A_109 = arith.constant 0 : index
    %get3A_110 = vector.load %arg12[%get3A_109] : memref<128xf32, #tpu.memory_space<vmem>>, vector<128xf32>
    %broadcast_in_dim3A_111 = vector.shape_cast %get3A_110 : vector<128xf32> to vector<1x128xf32>
    %add3A_112 = vector.broadcast %broadcast_in_dim3A_111 : vector<1x128xf32> to vector<64x128xf32>
    %add3A_113 = arith.addf %dot_general3A_108, %add3A_112 : vector<64x128xf32>
    %ge3A_114 = arith.constant 0.000000e+00 : f32
    %ge3A_115 = vector.broadcast %ge3A_114 : f32 to vector<64x128xf32>
    %ge3A_116 = arith.cmpf oge, %add3A_113, %ge3A_115 : vector<64x128xf32>
    %mul3A_117 = arith.constant 2.500000e-02 : f32
    %mul3A_118 = vector.broadcast %mul3A_117 : f32 to vector<64x128xf32>
    %mul3A_119 = arith.mulf %mul3A_118, %add3A_113 : vector<64x128xf32>
    %select_n3A_120 = arith.select %ge3A_116, %add3A_113, %mul3A_119 : vector<64x128xi1>, vector<64x128xf32>
    %get3A_121 = arith.constant 0 : index
    %get3A_122 = arith.constant 0 : index
    %get3A_123 = vector.load %arg13[%get3A_121, %get3A_122] : memref<128x8xf32, #tpu.memory_space<vmem>>, vector<128x8xf32>
    %dot_general3A_124 = arith.constant dense<0.000000e+00> : vector<64x8xf32>
    %dot_general3A_125 = tpu.matmul %select_n3A_120, %get3A_123, %dot_general3A_124 {dimension_numbers = #tpu.dot_dimension_numbers<[1], [0], [0], [1], [0, 0, 1, 1], [], []>, transpose_lhs_hint = false} : vector<64x128xf32>, vector<128x8xf32>, vector<64x8xf32> -> vector<64x8xf32>
    %get3A_126 = arith.constant 0 : index
    %get3A_127 = vector.load %arg14[%get3A_126] : memref<8xf32, #tpu.memory_space<vmem>>, vector<8xf32>
    %broadcast_in_dim3A_128 = vector.shape_cast %get3A_127 : vector<8xf32> to vector<1x8xf32>
    %add3A_129 = vector.broadcast %broadcast_in_dim3A_128 : vector<1x8xf32> to vector<64x8xf32>
    %add3A_130 = arith.addf %dot_general3A_125, %add3A_129 : vector<64x8xf32>
    %swap3A = arith.constant 0 : index
    %swap3A_131 = arith.constant 0 : index
    %swap3A_132 = vector.load %arg15[%swap3A, %swap3A_131] : memref<64x8xf32, #tpu.memory_space<vmem>>, vector<64x8xf32>
    tpu.vector_store %arg15[%swap3A, %swap3A_131], %add3A_130 {strides = array<i32>} : memref<64x8xf32, #tpu.memory_space<vmem>>, vector<64x8xf32>,
    return
  }
}

</mosaic_0001>

<sc_bundles>
// kernel: kernel.11.cloned.1.call-start
scs
__scs_entry_jumppad:
0x0: {  	(pc) =	sbr.rel $0x88, $3  }
0x1: {  	(tag) =	ssettag $0x0;
	lr =	simm.s32 $0x1  }
0x2: {  	[smem:$0x3F86] =	sst lr;
	_ =	strace $0xD0000000  }
0x3: {  	_ = 	snop  }
0x4: {  	_ = 	snop  }
0x5: {  	_ = 	snop  }
0x6: {  	_ = 	snop  }
0x7: {  	_ = 	snop  }
__scs_overlays_trampoline_lowered:
0x8: {  	[smem:$0x3F95] =	sst s0  }
0x9: {  	[smem:$0x3F96] =	sst s1  }
0xa: {  	[smem:$0x3F97] =	sst s2  }
0xb: {  	[smem:$0x3F98] =	sst s3  }
0xc: {  	[smem:$0x3F99] =	sst s4  }
0xd: {  	[smem:$0x3F9A] =	sst s5  }
0xe: {  	[smem:$0x3F9B] =	sst s6  }
0xf: {  	[smem:$0x3F9C] =	sst s7  }
0x10: {  	[smem:$0x3F9D] =	sst s8  }
0x11: {  	[smem:$0x3F9E] =	sst s9;
	s0 =	simm.s32 @!p0 $0x0  }
0x12: {  	s1 =	sld [smem:$0x3F84];
	s0 =	simm.s32 @p0 $0x1  }
0x13: {  	[smem:$0x3F9F] =	sst s0;
	s0 =	simm.s32 @!p1 $0x0  }
0x14: {  	s2 =	sld [smem:$0x3F83];
	s0 =	simm.s32 @p1 $0x1  }
0x15: {  	[smem:$0x3FA0] =	sst s0;
	s0 =	simm.s32 @!p2 $0x0  }
0x16: {  	s3 =	sld [smem:$0x3FDB];
	s0 =	simm.s32 @p2 $0x1  }
0x17: {  	s4 =	simm.s32 $0x1BF5;
	[smem:$0x3FA2] =	sst s0  }
0x18: {  	s0 =	sld [smem:$0x3F85];
	_ =	swait.ge [sflag:s4], $0x0  }
0x19: {  	s7 =	sld [smem:$0x3F86]  }
0x1a: {  	s8 =	sadd.s32 $0xFFFFE003, lr  }
0x1b: {  	s9 =	sadd.s32 $0xFFFFFEF7, lr;
	s5 =	simm.s32 $0xFFFFFFFF;
	p2 =	slt.u32 s8, $0xFFFFF086  }
0x1c: {  	p1 =	slt.u32 s9, $0xF7A;
	s5 =	simm.s32 @!p2 $0x0  }
0x1d: {  	s5 =	simm.s32 @p1 $0x1;
	p0 =	seq.s32 s7, s2  }
0x1e: {  	s7 =	smul.u32 @!p0 $0xF7A, s2;
	p2 =	seq.s32 @!p0 s5, $0x0  }
0x1f: {  	s9 =	smul.u32 $0xF7A, s1;
	s8 =	simm.s32 @!p0 $0x1BF5;
	p2 =	por !p2, p0  }
0x20: {  	[sflag:s8] =	ssyncset.s32 @!p0 $0xFFFFF086;
	s6 =	sadd.s32 @!p0 s3, s7;
	s7 =	simm.s32 @!p0 $0x108  }
0x21: {  	s3 =	sadd.s32 s3, s9;
	s6 =	sadd.s32 @!p0 $0x88, s6;
	s7 =	simm.s32 @p2 $0x1082  }
0x22: {  	[simem:s7], [sflag:s8] =	dma.local @!p0 [hbm:s6], $0xF7A  }
0x23: {  	s9 =	sor.u32 $0xD0000000, s2;
	s6 =	simm.s32 $0x108;
	_ =	swait.ge @!p0 [sflag:s8], $0x0  }
0x24: {  	s3 =	sadd.s32 $0x88, s3;
	s6 =	simm.s32 @!p1 $0x1082;
	[sflag:s4] =	ssyncset.s32 $0xFFFFF086  }
0x25: {  	[simem:s6], [sflag:s4] =	dma.local [hbm:s3], $0xF7A  }
0x26: {  	[smem:$0x3F86] =	sst s1;
	(tag) =	ssettag s2;
	_ =	strace s9  }
0x27: {  	s1 =	sld [smem:$0x3F96]  }
0x28: {  	s2 =	sld [smem:$0x3F97]  }
0x29: {  	s4 =	sld [smem:$0x3F99]  }
0x2a: {  	p0 =	seq.s32 s5, $0x0;
	s5 =	sld [smem:$0x3F9A]  }
0x2b: {  	s6 =	sld [smem:$0x3F9B]  }
0x2c: {  	s7 =	sld [smem:$0x3F9C]  }
0x2d: {  	s3 =	simm.s32 $0x108;
	s8 =	sld [smem:$0x3F9D]  }
0x2e: {  	s3 =	simm.s32 @!p0 $0x1082;
	s9 =	sld [smem:$0x3F9E]  }
0x2f: {  	lr =	sadd.s32 s0, s3;
	s0 =	sld [smem:$0x3F95]  }
0x30: {  	s3 =	sld [smem:$0x3F98]  }
0x31: {  	[smem:$0x3FA1] =	sst s10  }
0x32: {  	s10 =	sld [smem:$0x3F9F];
	_ =	sdelay $0x3  }
0x33: {  	p0 =	seq.s32 s10, $0x1;
	s10 =	sld [smem:$0x3FA1];
	_ =	sdelay $0x3  }
0x34: {  	[smem:$0x3FA1] =	sst s10  }
0x35: {  	s10 =	sld [smem:$0x3FA0];
	_ =	sdelay $0x3  }
0x36: {  	p1 =	seq.s32 s10, $0x1;
	s10 =	sld [smem:$0x3FA1];
	_ =	sdelay $0x3  }
0x37: {  	[smem:$0x3FA1] =	sst s10  }
0x38: {  	s10 =	sld [smem:$0x3FA2]  }
0x39: {  	_ = 	snop;
	(pc) =	sbr.ind lr, $3  }
0x3a: {  	_ = 	snop  }
0x3b: {  	_ = 	snop  }
0x3c: {  	p2 =	seq.s32 s10, $0x1;
	s10 =	sld [smem:$0x3FA1]  }
0x3d: {  	_ =	shalt  }
0x3e: {  	_ =	shalt  }
0x3f: {  	_ =	shalt  }
0x40: {  	_ =	shalt  }
0x41: {  	_ =	shalt  }
0x42: {  	_ =	shalt  }
0x43: {  	_ =	shalt  }
0x44: {  	_ =	shalt  }
0x45: {  	_ =	shalt  }
0x46: {  	_ =	shalt  }
0x47: {  	_ =	shalt  }
0x48: {  	_ =	shalt  }
0x49: {  	_ =	shalt  }
0x4a: {  	_ =	shalt  }
0x4b: {  	_ =	shalt  }
0x4c: {  	_ =	shalt  }
0x4d: {  	_ =	shalt  }
0x4e: {  	_ =	shalt  }
0x4f: {  	_ =	shalt  }
0x50: {  	_ =	shalt  }
0x51: {  	_ =	shalt  }
0x52: {  	_ =	shalt  }
0x53: {  	_ =	shalt  }
0x54: {  	_ =	shalt  }
0x55: {  	_ =	shalt  }
0x56: {  	_ =	shalt  }
0x57: {  	_ =	shalt  }
0x58: {  	_ =	shalt  }
0x59: {  	_ =	shalt  }
0x5a: {  	_ =	shalt  }
0x5b: {  	_ =	shalt  }
0x5c: {  	_ =	shalt  }
0x5d: {  	_ =	shalt  }
0x5e: {  	_ =	shalt  }
0x5f: {  	_ =	shalt  }
0x60: {  	_ =	shalt  }
0x61: {  	_ =	shalt  }
0x62: {  	_ =	shalt  }
0x63: {  	_ =	shalt  }
0x64: {  	_ =	shalt  }
0x65: {  	_ =	shalt  }
0x66: {  	_ =	shalt  }
0x67: {  	_ =	shalt  }
0x68: {  	_ =	shalt  }
0x69: {  	_ =	shalt  }
0x6a: {  	_ =	shalt  }
0x6b: {  	_ =	shalt  }
0x6c: {  	_ =	shalt  }
0x6d: {  	_ =	shalt  }
0x6e: {  	_ =	shalt  }
0x6f: {  	_ =	shalt  }
0x70: {  	_ =	shalt  }
0x71: {  	_ =	shalt  }
0x72: {  	_ =	shalt  }
0x73: {  	_ =	shalt  }
0x74: {  	_ =	shalt  }
0x75: {  	_ =	shalt  }
0x76: {  	_ =	shalt  }
0x77: {  	_ =	shalt  }
0x78: {  	_ =	shalt  }
0x79: {  	_ =	shalt  }
0x7a: {  	_ =	shalt  }
0x7b: {  	_ =	shalt  }
0x7c: {  	_ =	shalt  }
0x7d: {  	_ =	shalt  }
0x7e: {  	_ =	shalt  }
0x7f: {  	_ =	shalt  }
0x80: {  	_ =	shalt  }
0x81: {  	_ =	shalt  }
0x82: {  	_ =	shalt  }
0x83: {  	_ =	shalt  }
0x84: {  	_ =	shalt  }
0x85: {  	_ =	shalt  }
0x86: {  	_ =	shalt  }
0x87: {  	_ =	shalt  }
.Lfunc_end0:
.L_simem_size_0:
called_computation.1_lowered:
.L_overlay_start_0:
0x88: {  	s2 =	sld [smem:$0x3FD9]  }
0x89: {  	s3 =	sld [smem:$0x3FFE];
	_ =	sdelay $0x1  }
0x8a: {  	s1 =	srdreg.scid  }
0x8b: {  	s0 =	sand.u32 $0x1, s1  }
0x8c: {  	s16 =	sshll.u32 s0, $0xA;
	s2 =	sadd.s32 s3, s2  }
0x8d: {  	s2 =	sadd.s32 s2, s16  }
0x8e: {  	[smem:$0x3FAD] =	sst s2  }
0x8f: {  	_ = 	snop  }
0x90: {  	(tm) =	ssettm $0x1  }
0x91: {  	s17 =	sld [smem:$0x3FFB];
	_ =	sdelay $0x3  }
0x92: {  	_ =	strace s17  }
0x93: {  	s2 =	sld [smem:$0x3FFC];
	_ =	sdelay $0x3  }
0x94: {  	_ =	strace s2  }
0x95: {  	s2 =	sld [smem:$0x3FFD];
	_ =	sdelay $0x3  }
0x96: {  	_ =	strace s2  }
0x97: {  	_ =	strace $0x8FFFFFFF  }
0x98: {  	s18 =	sld [smem:$0x3FDB];
	_ =	sdelay $0x1  }
0x99: {  	s19 =	simm.s32 $_scs_section_size  }
0x9a: {  	s4 =	simm.s32 $_size__tile_overlayer_lowered;
	s5 =	simm.s32 $_tile_overlayer_lowered  }
0x9b: {  	s22 =	simm.s32 $0x1BFF;
	s21 =	sshll.u32 s5, $0x1;
	s2 =	sadd.s32 s19, s18  }
0x9c: {  	s6 =	simm.s32 $0x0;
	s20 =	sshll.u32 s4, $0x1;
	s4 =	sadd.s32 s21, s2  }
0x9d: {  	[timem:s6], [sflag:s22] =	dma.local [hbm:s4], s20  }
0x9e: {  	_ =	swait.ge [sflag:s22], s20  }
0x9f: {  	s3 =	ssub.s32 $0x0, s20;
	[sflag:s22] =	ssyncset.done $0x0  }
0xa0: {  	[sflag:s22] =	ssyncadd.s32 s3;
	_ =	sdelay $0x1  }
0xa1: {  	s23 =	simm.s32 $0x1B8B  }
0xa2: {  	_ =	swait.ge [sflag:s23], $0x1  }
0xa3: {  	[sflag:s23] =	ssyncset.done $0x0  }
0xa4: {  	s25 =	simm.s32 $0x1B8E;
	s24 =	sld [smem:$0x3FFE];
	[sflag:s23] =	ssyncadd.s32 $0xFFFFFFFF  }
0xa5: {  	s26 =	simm.s32 $execute0_lowered;
	[smem:$0x3FD2] =	sst s25  }
0xa6: {  	s4 =	sshll.u32 s26, $0x1;
	_ =	strace $0x80000049;
	[dreg:$0x1] =	wrdreg $0xFFFFFFFF  }
0xa7: {  	s28 =	simm.s32 $_size_execute0_lowered;
	s2 =	sadd.s32 s2, s4;
	[dreg:$0x0] =	wrdreg $0x0  }
0xa8: {  	s4 =	sshll.u32 s28, $0x1;
	[dreg:$0x2] =	wrdreg s2  }
0xa9: {  	[dreg:$0x3] =	wrdreg s4  }
0xaa: {  	[dreg:$0x4] =	wrdreg $0xC0  }
0xab: {  	_ =	task [dreg:s6], $0x5FFFF  }
0xac: {  	[dreg:$0x1] =	wrdreg $0xFFFFFFFF  }
0xad: {  	[dreg:$0x0] =	wrdreg $0x60  }
0xae: {  	[dreg:$0x2] =	wrdreg s24  }
0xaf: {  	[dreg:$0x3] =	wrdreg $0xBEA00  }
0xb0: {  	[dreg:$0x4] =	wrdreg $0x9  }
0xb1: {  	_ =	task.clear_ibuf [dreg:s6], $0x5FFFF;
	_ =	strace $0x90000049  }
0xb2: {  	s29 =	simm.s32 $0x9;
	_ =	strace $0x8000004B  }
0xb3: {  	_ =	swait.ge [sflag:s29], $0x1  }
0xb4: {  	[sflag:s29] =	ssyncadd.s32 $0xFFFFFFFF  }
0xb5: {  	_ =	strace $0x9000004B  }
0xb6: {  	_ =	sfence  }
0xb7: {  	s30 =	sld [smem:$0x0];
	_ =	sdelay $0x2  }
0xb8: {  	s31 =	sshll.u32 s1, $0xD;
	s1 =	sshrl.u32 s1, $0x2  }
0xb9: {  	s3 =	sand.u32 $0x4000, s31;
	s1 =	sadd.s32 s1, s30  }
0xba: {  	s0 =	sor.u32 s3, s0;
	s1 =	sshll.u32 s1, $0x11  }
0xbb: {  	s0 =	sor.u32 s1, s0  }
0xbc: {  	s0 =	sadd.s32 $0x8F2B, s0  }
0xbd: {  	[sflag:s0] =	ssyncadd.remote.s32 $0x1  }
0xbe: {  	_ =	sfence.sel $0xFFFF  }
0xbf: {  	[dreg:$0x0] =	wrdreg $0xFFFFFFFF;
	(pc) =	sbr.abs _section_cstart, $3  }
0xc0: {  	[dreg:$0x1] =	wrdreg $0xFFFFFFFF  }
0xc1: {  	_ =	task.clear_ibuf [dreg:s6], $0x2FFFF;
	_ =	strace $0x9FFFFFFF  }
0xc2: {  	(tm) =	ssettm $0x7FFFFFFF  }
0xc3: {  	_ =	shalt  }
tec
execute0_lowered:
.L_overlay_start_1:
0x0: {  	(tag) =	ssettag $0x1  }
0x1: {  	s0 =	srdreg.scid;
	s1 =	rddreg [dreg:$0x0]  }
0x2: {  	s2 =	rddreg [dreg:$0x1];
	s9 =	stileid.u32;
	s3 =	simm.s32 $0x0  }
0x3: {  	s28 =	simm.s32 $0x4;
	s0 =	sand.u32 $0x1, s0;
	[smem:$0x7FF] =	sst s3  }
0x4: {  	s6 =	smul.u32 $0x271, s9;
	s4 =	sshll.u32 s0, $0x4;
	_ =	strace $0x8000004A  }
0x5: {  	s7 =	ssub.s32 $0x2, s0;
	s0 =	smul.u32 $0x2710, s0;
	s4 =	sor.u32 s9, s4  }
0x6: {  	s8 =	sshrl.u32 s7, $0x1;
	s9 =	smul.u32 $0x4E200, s9;
	s10 =	sadd.s32 $0x7D, s6  }
0x7: {  	s24 =	sadd.s32 $0xFA, s6;
	s11 =	sadd.s32 $0x177, s6;
	s5 =	smul.u32 $0x4E2, s4  }
0x8: {  	s4 =	sadd.s32 $0x19400, s1;
	s7 =	ssub.s32 s7, s8;
	s20 =	sadd.s32 s6, s0  }
0x9: {  	s22 =	sadd.s32 s0, s10;
	s25 =	sadd.s32 s0, s24;
	s26 =	sadd.s32 s0, s11  }
0xa: {  	s6 =	sadd.s32 $0x1F4, s6;
	s8 =	sshll.u32 s20, $0x4;
	s23 =	sshrl.u32 s9, $0x2  }
0xb: {  	s9 =	sshll.u32 s24, $0x7;
	s7 =	smax.u32 s7, $0x1;
	s5 =	sadd.s32 s5, s1  }
0xc: {  	s0 =	sadd.s32 s0, s6;
	[dreg:$0xa] =	wrdreg s7;
	s19 =	sadd.s32 $0xF600, s5  }
0xd: {  	s1 =	sadd.s32 $0x40600, s1;
	s5 =	sadd.s32 $0x5800, s5;
	[dreg:$0x3] =	wrdreg s19  }
0xe: {  	s0 =	sshll.u32 s0, $0x4;
	s21 =	sadd.s32 s1, s8;
	[dreg:$0x4] =	wrdreg s5  }
0xf: {  	s8 =	sadd.s32 s23, s2;
	s0 =	sadd.s32 s1, s0;
	[dreg:$0x5] =	wrdreg s21  }
0x10: {  	s12 =	sadd.s32 s9, s2;
	[dreg:$0x9] =	wrdreg s0;
	s9 =	sadd.s32 $0xC80, s8  }
0x11: {  	s31 =	sshll.u32 s11, $0x7;
	s11 =	sadd.s32 $0x1900, s8;
	[dreg:$0xb] =	wrdreg s9  }
0x12: {  	s29 =	simm.s32 $0x5;
	s13 =	sadd.s32 $0x2580, s8;
	[dreg:$0xc] =	wrdreg s11  }
0x13: {  	s30 =	simm.s32 $0x0;
	s15 =	sadd.s32 $0x3200, s8;
	[dreg:$0xd] =	wrdreg s13  }
0x14: {  	s10 =	sshll.u32 s10, $0x7;
	s17 =	sadd.s32 $0x4B00, s8;
	[dreg:$0xe] =	wrdreg s15  }
0x15: {  	s10 =	sadd.s32 s10, s2;
	s18 =	sadd.s32 $0x5780, s8;
	[dreg:$0xf] =	wrdreg s17  }
0x16: {  	s6 =	sshll.u32 s6, $0x7;
	s19 =	sadd.s32 $0x6400, s8;
	[dreg:$0x10] =	wrdreg s18  }
0x17: {  	s14 =	sadd.s32 s31, s2;
	s20 =	sadd.s32 $0x7080, s8;
	[dreg:$0x11] =	wrdreg s19  }
0x18: {  	s16 =	sadd.s32 s6, s2;
	s21 =	sadd.s32 $0x8980, s8;
	[dreg:$0x12] =	wrdreg s20  }
0x19: {  	s5 =	sshll.u32 s22, $0x4;
	s22 =	sadd.s32 $0x9600, s8;
	[dreg:$0x13] =	wrdreg s21  }
0x1a: {  	s23 =	sadd.s32 $0xA280, s8;
	s24 =	sadd.s32 $0xAF00, s8;
	[dreg:$0x14] =	wrdreg s22  }
0x1b: {  	s31 =	sadd.s32 $0xE100, s8;
	s6 =	sadd.s32 $0x10680, s8;
	[dreg:$0x15] =	wrdreg s23  }
0x1c: {  	s7 =	sadd.s32 $0x11300, s8;
	s5 =	sadd.s32 s1, s5;
	[dreg:$0x16] =	wrdreg s24  }
0x1d: {  	[dreg:$0x19] =	wrdreg s31;
	s9 =	sadd.s32 $0x11F80, s8;
	s11 =	sadd.s32 $0x12C00, s8  }
0x1e: {  	s13 =	simm.s32 $0x7;
	s15 =	simm.s32 $0x28;
	s17 =	simm.s32 $0x4E20  }
0x1f: {  	s18 =	simm.s32 $0x6220;
	s19 =	simm.s32 $0x7620;
	s20 =	simm.s32 $0x8A20  }
0x20: {  	s21 =	simm.s32 $0xB220;
	s22 =	simm.s32 $0x6;
	s23 =	simm.s32 $0x1  }
0x21: {  	[dreg:$0x6] =	wrdreg s5;
	s5 =	sshll.u32 s25, $0x4;
	s25 =	sadd.s32 $0xC800, s8  }
0x22: {  	s24 =	simm.s32 $0x9E20;
	s5 =	sadd.s32 s1, s5;
	[dreg:$0x17] =	wrdreg s25  }
0x23: {  	[dreg:$0x7] =	wrdreg s5;
	s5 =	sshll.u32 s26, $0x4;
	s26 =	sadd.s32 $0xD480, s8  }
0x24: {  	s25 =	simm.s32 $0x2;
	s5 =	sadd.s32 s1, s5;
	[dreg:$0x18] =	wrdreg s26  }
0x25: {  	v0 =	vimm.f32 $0.0e+00;
	s26 =	simm.s32 $0x3;
	[dreg:$0x8] =	wrdreg s5;
	s5 =	sadd.s32 $0xED80, s8  }
.LBB2_1:
0x26: {  	s0 =	rddreg [dreg:$0x3]  }
0x27: {  	[tilespmem:s3], [sflag:$0x7] =	stream.linear.gather [hbm4b:s0+s3], $0x2710, $0x38;
	[tilespmem:$0x1F720] =	vst v63  }
0x28: {  	_ =	swait.ge [sflag:s13], $0x2710  }
0x29: {  	[sflag:s13] =	ssyncset.done $0x0  }
0x2a: {  	s1 =	simm.s32 $0x2710;
	s0 =	rddreg [dreg:$0x4];
	[sflag:s13] =	ssyncadd.s32 $0xFFFFD8F0  }
0x2b: {  	[tilespmem:s1], [sflag:$0x7] =	stream.linear.gather [hbm4b:s0+s3], $0x2710, $0x38;
	[tilespmem:$0x1F720] =	vst v63  }
0x2c: {  	_ =	swait.ge [sflag:s13], $0x2710  }
0x2d: {  	[sflag:s13] =	ssyncset.done $0x0  }
0x2e: {  	[sflag:s13] =	ssyncadd.s32 $0xFFFFD8F0  }
0x2f: {  	[tilespmem:s17], [sflag:$0x1] =	stream.indirect.gather [hbm4b:s4+s15], $0x80, s3, s15, $0xb8;
	[tilespmem:$0x1F720] =	vst v63  }
0x30: {  	_ = 	snop  }
0x31: {  	[tilespmem:s18], [sflag:$0x2] =	stream.indirect.gather [hbm4b:s4+s15], $0x80, s15, s15, $0xb8;
	[tilespmem:$0x1F720] =	vst v63  }
0x32: {  	s1 =	simm.s32 $0x50  }
0x33: {  	[tilespmem:s19], [sflag:$0x3] =	stream.indirect.gather [hbm4b:s4+s15], $0x80, s1, s15, $0xb8;
	[tilespmem:$0x1F720] =	vst v63  }
0x34: {  	s31 =	simm.s32 $0x200;
	s0 =	simm.s32 $0x0;
	s1 =	simm.s32 $0x78  }
0x35: {  	[tilespmem:s20], [sflag:$0x4] =	stream.indirect.gather [hbm4b:s4+s15], $0x80, s1, s15, $0xb8;
	[tilespmem:$0x1F720] =	vst v63  }
.LBB2_2:
0x36: {  	p0 =	sne.s32 s31, $0x3000;
	[tilespmem:s0+$0xB290] =	vst v0  }
0x37: {  	[tilespmem:s0+$0xB220] =	vst v0  }
0x38: {  	[tilespmem:s0+$0xB230] =	vst v0  }
.Ltmp0:
0x39: {  	[tilespmem:s0+$0xB240] =	vst v0;
	(pc) =	sbr.rel @p0 .LBB2_2-.Ltmp0, $4  }
0x3a: {  	[tilespmem:s0+$0xB250] =	vst v0  }
0x3b: {  	[tilespmem:s0+$0xB260] =	vst v0  }
0x3c: {  	[tilespmem:s0+$0xB270] =	vst v0  }
0x3d: {  	[tilespmem:s0+$0xB280] =	vst v0;
	s0 =	sshra.s32 s31, $0x2;
	s31 =	sadd.s32 $0x200, s31  }
0x3e: {  	[tilespmem:s0+$0xB290] =	vst v0  }
0x3f: {  	[tilespmem:s0+$0xB220] =	vst v0  }
0x40: {  	[tilespmem:s0+$0xB230] =	vst v0  }
0x41: {  	[tilespmem:s0+$0xB240] =	vst v0  }
0x42: {  	[tilespmem:s0+$0xB250] =	vst v0  }
0x43: {  	[tilespmem:s0+$0xB260] =	vst v0  }
0x44: {  	[tilespmem:s0+$0xB270] =	vst v0  }
0x45: {  	[tilespmem:s0+$0xB280] =	vst v0  }
0x46: {  	[spmem:s8] =	stream.linear.scatter [tilespmem:s21], [sflag:$0x6], $0xC80, $0x38;
	[tilespmem:$0x1F720] =	vst v63  }
0x47: {  	s1 =	rddreg [dreg:$0xb]  }
0x48: {  	[spmem:s1] =	stream.linear.scatter [tilespmem:s21], [sflag:$0x6], $0xC80, $0x38;
	[tilespmem:$0x1F720] =	vst v63  }
0x49: {  	s1 =	rddreg [dreg:$0xc]  }
0x4a: {  	[spmem:s1] =	stream.linear.scatter [tilespmem:s21], [sflag:$0x6], $0xC80, $0x38;
	[tilespmem:$0x1F720] =	vst v63  }
0x4b: {  	s1 =	rddreg [dreg:$0xd]  }
0x4c: {  	[spmem:s1] =	stream.linear.scatter [tilespmem:s21], [sflag:$0x6], $0xC80, $0x38;
	[tilespmem:$0x1F720] =	vst v63  }
0x4d: {  	s1 =	rddreg [dreg:$0xe]  }
0x4e: {  	[spmem:s1] =	stream.linear.scatter [tilespmem:s21], [sflag:$0x6], $0xC80, $0x38;
	[tilespmem:$0x1F720] =	vst v63  }
0x4f: {  	_ = 	snop  }
0x50: {  	[spmem:s10] =	stream.linear.scatter [tilespmem:s21], [sflag:$0x6], $0xC80, $0x38;
	[tilespmem:$0x1F720] =	vst v63  }
0x51: {  	s1 =	rddreg [dreg:$0xf]  }
0x52: {  	[spmem:s1] =	stream.linear.scatter [tilespmem:s21], [sflag:$0x6], $0xC80, $0x38;
	[tilespmem:$0x1F720] =	vst v63  }
0x53: {  	s1 =	rddreg [dreg:$0x10]  }
0x54: {  	[spmem:s1] =	stream.linear.scatter [tilespmem:s21], [sflag:$0x6], $0xC80, $0x38;
	[tilespmem:$0x1F720] =	vst v63  }
0x55: {  	s1 =	rddreg [dreg:$0x11]  }
0x56: {  	[spmem:s1] =	stream.linear.scatter [tilespmem:s21], [sflag:$0x6], $0xC80, $0x38;
	[tilespmem:$0x1F720] =	vst v63  }
0x57: {  	s1 =	rddreg [dreg:$0x12]  }
0x58: {  	[spmem:s1] =	stream.linear.scatter [tilespmem:s21], [sflag:$0x6], $0xC80, $0x38;
	[tilespmem:$0x1F720] =	vst v63  }
0x59: {  	_ = 	snop  }
0x5a: {  	[spmem:s12] =	stream.linear.scatter [tilespmem:s21], [sflag:$0x6], $0xC80, $0x38;
	[tilespmem:$0x1F720] =	vst v63  }
0x5b: {  	s1 =	rddreg [dreg:$0x13]  }
0x5c: {  	[spmem:s1] =	stream.linear.scatter [tilespmem:s21], [sflag:$0x6], $0xC80, $0x38;
	[tilespmem:$0x1F720] =	vst v63  }
0x5d: {  	s1 =	rddreg [dreg:$0x14]  }
0x5e: {  	[spmem:s1] =	stream.linear.scatter [tilespmem:s21], [sflag:$0x6], $0xC80, $0x38;
	[tilespmem:$0x1F720] =	vst v63  }
0x5f: {  	s1 =	rddreg [dreg:$0x15]  }
0x60: {  	[spmem:s1] =	stream.linear.scatter [tilespmem:s21], [sflag:$0x6], $0xC80, $0x38;
	[tilespmem:$0x1F720] =	vst v63  }
0x61: {  	s1 =	rddreg [dreg:$0x16]  }
0x62: {  	[spmem:s1] =	stream.linear.scatter [tilespmem:s21], [sflag:$0x6], $0xC80, $0x38;
	[tilespmem:$0x1F720] =	vst v63  }
0x63: {  	_ = 	snop  }
0x64: {  	[spmem:s14] =	stream.linear.scatter [tilespmem:s21], [sflag:$0x6], $0xC80, $0x38;
	[tilespmem:$0x1F720] =	vst v63  }
0x65: {  	s1 =	rddreg [dreg:$0x17]  }
0x66: {  	[spmem:s1] =	stream.linear.scatter [tilespmem:s21], [sflag:$0x6], $0xC80, $0x38;
	[tilespmem:$0x1F720] =	vst v63  }
0x67: {  	s1 =	rddreg [dreg:$0x18]  }
0x68: {  	[spmem:s1] =	stream.linear.scatter [tilespmem:s21], [sflag:$0x6], $0xC80, $0x38;
	[tilespmem:$0x1F720] =	vst v63  }
0x69: {  	s1 =	rddreg [dreg:$0x19]  }
0x6a: {  	[spmem:s1] =	stream.linear.scatter [tilespmem:s21], [sflag:$0x6], $0xC80, $0x38;
	[tilespmem:$0x1F720] =	vst v63  }
0x6b: {  	_ = 	snop  }
0x6c: {  	[spmem:s5] =	stream.linear.scatter [tilespmem:s21], [sflag:$0x6], $0xC80, $0x38;
	[tilespmem:$0x1F720] =	vst v63  }
0x6d: {  	_ = 	snop  }
0x6e: {  	[spmem:s16] =	stream.linear.scatter [tilespmem:s21], [sflag:$0x6], $0xC80, $0x38;
	[tilespmem:$0x1F720] =	vst v63  }
0x6f: {  	_ = 	snop  }
0x70: {  	[spmem:s6] =	stream.linear.scatter [tilespmem:s21], [sflag:$0x6], $0xC80, $0x38;
	[tilespmem:$0x1F720] =	vst v63  }
0x71: {  	_ = 	snop  }
0x72: {  	[spmem:s7] =	stream.linear.scatter [tilespmem:s21], [sflag:$0x6], $0xC80, $0x38;
	[tilespmem:$0x1F720] =	vst v63  }
0x73: {  	_ = 	snop  }
0x74: {  	[spmem:s9] =	stream.linear.scatter [tilespmem:s21], [sflag:$0x6], $0xC80, $0x38;
	[tilespmem:$0x1F720] =	vst v63  }
0x75: {  	_ = 	snop  }
0x76: {  	[spmem:s11] =	stream.linear.scatter [tilespmem:s21], [sflag:$0x6], $0xC80, $0x38;
	[tilespmem:$0x1F720] =	vst v63  }
0x77: {  	_ =	swait.ge [sflag:s22], $0xC80  }
0x78: {  	[sflag:s22] =	ssyncset.done $0x0  }
0x79: {  	[sflag:s22] =	ssyncadd.s32 $0xFFFFF380  }
0x7a: {  	_ =	swait.ge [sflag:s22], $0xC80  }
0x7b: {  	[sflag:s22] =	ssyncset.done $0x0  }
0x7c: {  	[sflag:s22] =	ssyncadd.s32 $0xFFFFF380  }
0x7d: {  	_ =	swait.ge [sflag:s22], $0xC80  }
0x7e: {  	[sflag:s22] =	ssyncset.done $0x0  }
0x7f: {  	[sflag:s22] =	ssyncadd.s32 $0xFFFFF380  }
0x80: {  	_ =	swait.ge [sflag:s22], $0xC80  }
0x81: {  	[sflag:s22] =	ssyncset.done $0x0  }
0x82: {  	[sflag:s22] =	ssyncadd.s32 $0xFFFFF380  }
0x83: {  	_ =	swait.ge [sflag:s22], $0xC80  }
0x84: {  	[sflag:s22] =	ssyncset.done $0x0  }
0x85: {  	[sflag:s22] =	ssyncadd.s32 $0xFFFFF380  }
0x86: {  	_ =	swait.ge [sflag:s22], $0xC80  }
0x87: {  	[sflag:s22] =	ssyncset.done $0x0  }
0x88: {  	[sflag:s22] =	ssyncadd.s32 $0xFFFFF380  }
0x89: {  	_ =	swait.ge [sflag:s22], $0xC80  }
0x8a: {  	[sflag:s22] =	ssyncset.done $0x0  }
0x8b: {  	[sflag:s22] =	ssyncadd.s32 $0xFFFFF380  }
0x8c: {  	_ =	swait.ge [sflag:s22], $0xC80  }
0x8d: {  	[sflag:s22] =	ssyncset.done $0x0  }
0x8e: {  	[sflag:s22] =	ssyncadd.s32 $0xFFFFF380  }
0x8f: {  	_ =	swait.ge [sflag:s22], $0xC80  }
0x90: {  	[sflag:s22] =	ssyncset.done $0x0  }
0x91: {  	[sflag:s22] =	ssyncadd.s32 $0xFFFFF380  }
0x92: {  	_ =	swait.ge [sflag:s22], $0xC80  }
0x93: {  	[sflag:s22] =	ssyncset.done $0x0  }
0x94: {  	[sflag:s22] =	ssyncadd.s32 $0xFFFFF380  }
0x95: {  	_ =	swait.ge [sflag:s22], $0xC80  }
0x96: {  	[sflag:s22] =	ssyncset.done $0x0  }
0x97: {  	[sflag:s22] =	ssyncadd.s32 $0xFFFFF380  }
0x98: {  	_ =	swait.ge [sflag:s22], $0xC80  }
0x99: {  	[sflag:s22] =	ssyncset.done $0x0  }
0x9a: {  	[sflag:s22] =	ssyncadd.s32 $0xFFFFF380  }
0x9b: {  	_ =	swait.ge [sflag:s22], $0xC80  }
0x9c: {  	[sflag:s22] =	ssyncset.done $0x0  }
0x9d: {  	[sflag:s22] =	ssyncadd.s32 $0xFFFFF380  }
0x9e: {  	_ =	swait.ge [sflag:s22], $0xC80  }
0x9f: {  	[sflag:s22] =	ssyncset.done $0x0  }
0xa0: {  	[sflag:s22] =	ssyncadd.s32 $0xFFFFF380  }
0xa1: {  	_ =	swait.ge [sflag:s22], $0xC80  }
0xa2: {  	[sflag:s22] =	ssyncset.done $0x0  }
0xa3: {  	[sflag:s22] =	ssyncadd.s32 $0xFFFFF380  }
0xa4: {  	_ =	swait.ge [sflag:s22], $0xC80  }
0xa5: {  	[sflag:s22] =	ssyncset.done $0x0  }
0xa6: {  	[sflag:s22] =	ssyncadd.s32 $0xFFFFF380  }
0xa7: {  	_ =	swait.ge [sflag:s22], $0xC80  }
0xa8: {  	[sflag:s22] =	ssyncset.done $0x0  }
0xa9: {  	[sflag:s22] =	ssyncadd.s32 $0xFFFFF380  }
0xaa: {  	_ =	swait.ge [sflag:s22], $0xC80  }
0xab: {  	[sflag:s22] =	ssyncset.done $0x0  }
0xac: {  	[sflag:s22] =	ssyncadd.s32 $0xFFFFF380  }
0xad: {  	_ =	swait.ge [sflag:s22], $0xC80  }
0xae: {  	[sflag:s22] =	ssyncset.done $0x0  }
0xaf: {  	[sflag:s22] =	ssyncadd.s32 $0xFFFFF380  }
0xb0: {  	_ =	swait.ge [sflag:s22], $0xC80  }
0xb1: {  	[sflag:s22] =	ssyncset.done $0x0  }
0xb2: {  	[sflag:s22] =	ssyncadd.s32 $0xFFFFF380  }
0xb3: {  	_ =	swait.ge [sflag:s22], $0xC80  }
0xb4: {  	[sflag:s22] =	ssyncset.done $0x0  }
0xb5: {  	[sflag:s22] =	ssyncadd.s32 $0xFFFFF380  }
0xb6: {  	_ =	swait.ge [sflag:s22], $0xC80  }
0xb7: {  	[sflag:s22] =	ssyncset.done $0x0  }
0xb8: {  	[sflag:s22] =	ssyncadd.s32 $0xFFFFF380  }
0xb9: {  	_ =	swait.ge [sflag:s22], $0xC80  }
0xba: {  	[sflag:s22] =	ssyncset.done $0x0  }
0xbb: {  	[sflag:s22] =	ssyncadd.s32 $0xFFFFF380  }
0xbc: {  	_ =	swait.ge [sflag:s22], $0xC80  }
0xbd: {  	[sflag:s22] =	ssyncset.done $0x0  }
0xbe: {  	[sflag:s22] =	ssyncadd.s32 $0xFFFFF380  }
0xbf: {  	_ =	swait.ge [sflag:s22], $0xC80  }
0xc0: {  	[sflag:s22] =	ssyncset.done $0x0  }
0xc1: {  	[sflag:s22] =	ssyncadd.s32 $0xFFFFF380  }
0xc2: {  	[bflag:$0x0] =	sbarrier.arrive $0xFFFF  }
0xc3: {  	_ =	swait.ge [sflag:s23], $0x1400  }
0xc4: {  	[sflag:s23] =	ssyncset.done $0x0  }
0xc5: {  	s1 =	simm.s32 $0xA0;
	[sflag:s23] =	ssyncadd.s32 $0xFFFFEC00  }
0xc6: {  	[tilespmem:s24], [sflag:$0x5] =	stream.indirect.gather [hbm4b:s4+s15], $0x80, s1, s15, $0xb8;
	[tilespmem:$0x1F720] =	vst v63  }
0xc7: {  	s1 =	simm.s32 $0x2710  }
0xc8: {  	[spmem:s2] =	stream.indirect.scatter.add.f32 [tilespmem:s17], [sflag:$0x7], $0x80, s1, s15, $0xb8;
	[tilespmem:$0x1F720] =	vst v63  }
0xc9: {  	_ =	swait.ge [sflag:s13], $0x1400  }
0xca: {  	[sflag:s13] =	ssyncset.done $0x0  }
0xcb: {  	[sflag:s13] =	ssyncadd.s32 $0xFFFFEC00  }
0xcc: {  	_ =	swait.ge [sflag:s25], $0x1400  }
0xcd: {  	[sflag:s25] =	ssyncset.done $0x0  }
0xce: {  	s1 =	simm.s32 $0xC8;
	[sflag:s25] =	ssyncadd.s32 $0xFFFFEC00  }
0xcf: {  	[tilespmem:s17], [sflag:$0x1] =	stream.indirect.gather [hbm4b:s4+s15], $0x80, s1, s15, $0xb8;
	[tilespmem:$0x1F720] =	vst v63  }
0xd0: {  	s1 =	simm.s32 $0x2738  }
0xd1: {  	[spmem:s2] =	stream.indirect.scatter.add.f32 [tilespmem:s18], [sflag:$0x7], $0x80, s1, s15, $0xb8;
	[tilespmem:$0x1F720] =	vst v63  }
0xd2: {  	_ =	swait.ge [sflag:s13], $0x1400  }
0xd3: {  	[sflag:s13] =	ssyncset.done $0x0  }
0xd4: {  	[sflag:s13] =	ssyncadd.s32 $0xFFFFEC00  }
0xd5: {  	_ =	swait.ge [sflag:s26], $0x1400  }
0xd6: {  	[sflag:s26] =	ssyncset.done $0x0  }
0xd7: {  	s1 =	simm.s32 $0xF0;
	[sflag:s26] =	ssyncadd.s32 $0xFFFFEC00  }
0xd8: {  	[tilespmem:s18], [sflag:$0x2] =	stream.indirect.gather [hbm4b:s4+s15], $0x80, s1, s15, $0xb8;
	[tilespmem:$0x1F720] =	vst v63  }
0xd9: {  	s1 =	simm.s32 $0x2760  }
0xda: {  	[spmem:s2] =	stream.indirect.scatter.add.f32 [tilespmem:s19], [sflag:$0x7], $0x80, s1, s15, $0xb8;
	[tilespmem:$0x1F720] =	vst v63  }
0xdb: {  	_ =	swait.ge [sflag:s13], $0x1400  }
0xdc: {  	[sflag:s13] =	ssyncset.done $0x0  }
0xdd: {  	[sflag:s13] =	ssyncadd.s32 $0xFFFFEC00  }
0xde: {  	_ =	swait.ge [sflag:s28], $0x1400  }
0xdf: {  	[sflag:s28] =	ssyncset.done $0x0  }
0xe0: {  	s1 =	simm.s32 $0x118;
	[sflag:s28] =	ssyncadd.s32 $0xFFFFEC00  }
0xe1: {  	[tilespmem:s19], [sflag:$0x3] =	stream.indirect.gather [hbm4b:s4+s15], $0x80, s1, s15, $0xb8;
	[tilespmem:$0x1F720] =	vst v63  }
0xe2: {  	s1 =	simm.s32 $0x2788  }
0xe3: {  	[spmem:s2] =	stream.indirect.scatter.add.f32 [tilespmem:s20], [sflag:$0x7], $0x80, s1, s15, $0xb8;
	[tilespmem:$0x1F720] =	vst v63  }
0xe4: {  	_ =	swait.ge [sflag:s13], $0x1400  }
0xe5: {  	[sflag:s13] =	ssyncset.done $0x0  }
0xe6: {  	[sflag:s13] =	ssyncadd.s32 $0xFFFFEC00  }
0xe7: {  	_ =	swait.ge [sflag:s29], $0x1400  }
0xe8: {  	[sflag:s29] =	ssyncset.done $0x0  }
0xe9: {  	s1 =	simm.s32 $0x140;
	[sflag:s29] =	ssyncadd.s32 $0xFFFFEC00  }
0xea: {  	[tilespmem:s20], [sflag:$0x4] =	stream.indirect.gather [hbm4b:s4+s15], $0x80, s1, s15, $0xb8;
	[tilespmem:$0x1F720] =	vst v63  }
0xeb: {  	s1 =	simm.s32 $0x27B0  }
0xec: {  	[spmem:s2] =	stream.indirect.scatter.add.f32 [tilespmem:s24], [sflag:$0x7], $0x80, s1, s15, $0xb8;
	[tilespmem:$0x1F720] =	vst v63  }
0xed: {  	_ =	swait.ge [sflag:s13], $0x1400  }
0xee: {  	s31 =	simm.s32 $0x320;
	[sflag:s13] =	ssyncset.done $0x0  }
.LBB2_4:
0xef: {  	p0 =	sne.s32 s31, $0x9600  }
0xf0: {  	[sflag:s13] =	ssyncadd.s32 $0xFFFFEC00;
	s0 =	smov.u32 s31;
	s31 =	sadd.s32 $0x320, s31  }
0xf1: {  	_ = 	snop  }
0xf2: {  	_ =	swait.ge [sflag:s23], $0x1400  }
0xf3: {  	s0 =	sshra.s32 s0, $0x2;
	[sflag:s23] =	ssyncset.done $0x0  }
0xf4: {  	s1 =	sadd.s32 $0xA0, s0;
	[sflag:s23] =	ssyncadd.s32 $0xFFFFEC00  }
0xf5: {  	[tilespmem:s24], [sflag:$0x5] =	stream.indirect.gather [hbm4b:s4+s15], $0x80, s1, s15, $0xb8;
	[tilespmem:$0x1F720] =	vst v63  }
0xf6: {  	s1 =	sadd.s32 $0x2710, s0  }
0xf7: {  	[spmem:s2] =	stream.indirect.scatter.add.f32 [tilespmem:s17], [sflag:$0x7], $0x80, s1, s15, $0xb8;
	[tilespmem:$0x1F720] =	vst v63  }
0xf8: {  	_ =	swait.ge [sflag:s13], $0x1400  }
0xf9: {  	[sflag:s13] =	ssyncset.done $0x0  }
0xfa: {  	[sflag:s13] =	ssyncadd.s32 $0xFFFFEC00  }
0xfb: {  	_ =	swait.ge [sflag:s25], $0x1400  }
0xfc: {  	[sflag:s25] =	ssyncset.done $0x0  }
0xfd: {  	s1 =	sadd.s32 $0xC8, s0;
	[sflag:s25] =	ssyncadd.s32 $0xFFFFEC00  }
0xfe: {  	[tilespmem:s17], [sflag:$0x1] =	stream.indirect.gather [hbm4b:s4+s15], $0x80, s1, s15, $0xb8;
	[tilespmem:$0x1F720] =	vst v63  }
0xff: {  	s1 =	sadd.s32 $0x2738, s0  }
0x100: {  	[spmem:s2] =	stream.indirect.scatter.add.f32 [tilespmem:s18], [sflag:$0x7], $0x80, s1, s15, $0xb8;
	[tilespmem:$0x1F720] =	vst v63  }
0x101: {  	_ =	swait.ge [sflag:s13], $0x1400  }
0x102: {  	[sflag:s13] =	ssyncset.done $0x0  }
0x103: {  	[sflag:s13] =	ssyncadd.s32 $0xFFFFEC00  }
0x104: {  	_ =	swait.ge [sflag:s26], $0x1400  }
0x105: {  	[sflag:s26] =	ssyncset.done $0x0  }
0x106: {  	s1 =	sadd.s32 $0xF0, s0;
	[sflag:s26] =	ssyncadd.s32 $0xFFFFEC00  }
0x107: {  	[tilespmem:s18], [sflag:$0x2] =	stream.indirect.gather [hbm4b:s4+s15], $0x80, s1, s15, $0xb8;
	[tilespmem:$0x1F720] =	vst v63  }
0x108: {  	s1 =	sadd.s32 $0x2760, s0  }
0x109: {  	[spmem:s2] =	stream.indirect.scatter.add.f32 [tilespmem:s19], [sflag:$0x7], $0x80, s1, s15, $0xb8;
	[tilespmem:$0x1F720] =	vst v63  }
0x10a: {  	_ =	swait.ge [sflag:s13], $0x1400  }
0x10b: {  	[sflag:s13] =	ssyncset.done $0x0  }
0x10c: {  	[sflag:s13] =	ssyncadd.s32 $0xFFFFEC00  }
0x10d: {  	_ =	swait.ge [sflag:s28], $0x1400  }
0x10e: {  	[sflag:s28] =	ssyncset.done $0x0  }
0x10f: {  	s1 =	sadd.s32 $0x118, s0;
	[sflag:s28] =	ssyncadd.s32 $0xFFFFEC00  }
0x110: {  	[tilespmem:s19], [sflag:$0x3] =	stream.indirect.gather [hbm4b:s4+s15], $0x80, s1, s15, $0xb8;
	[tilespmem:$0x1F720] =	vst v63  }
0x111: {  	s1 =	sadd.s32 $0x2788, s0  }
0x112: {  	[spmem:s2] =	stream.indirect.scatter.add.f32 [tilespmem:s20], [sflag:$0x7], $0x80, s1, s15, $0xb8;
	[tilespmem:$0x1F720] =	vst v63  }
0x113: {  	_ =	swait.ge [sflag:s13], $0x1400  }
0x114: {  	[sflag:s13] =	ssyncset.done $0x0  }
0x115: {  	[sflag:s13] =	ssyncadd.s32 $0xFFFFEC00  }
0x116: {  	_ =	swait.ge [sflag:s29], $0x1400  }
0x117: {  	[sflag:s29] =	ssyncset.done $0x0  }
0x118: {  	s1 =	sadd.s32 $0x140, s0;
	[sflag:s29] =	ssyncadd.s32 $0xFFFFEC00  }
0x119: {  	[tilespmem:s20], [sflag:$0x4] =	stream.indirect.gather [hbm4b:s4+s15], $0x80, s1, s15, $0xb8;
	[tilespmem:$0x1F720] =	vst v63  }
.Ltmp1:
0x11a: {  	_ = 	snop;
	(pc) =	sbr.rel @p0 .LBB2_4-.Ltmp1, $4  }
0x11b: {  	s0 =	sadd.s32 $0x27B0, s0  }
0x11c: {  	[spmem:s2] =	stream.indirect.scatter.add.f32 [tilespmem:s24], [sflag:$0x7], $0x80, s0, s15, $0xb8;
	[tilespmem:$0x1F720] =	vst v63  }
0x11d: {  	_ =	swait.ge [sflag:s13], $0x1400  }
0x11e: {  	[sflag:s13] =	ssyncset.done $0x0  }
0x11f: {  	[sflag:s13] =	ssyncadd.s32 $0xFFFFEC00  }
0x120: {  	_ =	swait.ge [sflag:s23], $0x1400  }
0x121: {  	[sflag:s23] =	ssyncset.done $0x0  }
0x122: {  	s0 =	simm.s32 $0x26E8;
	[sflag:s23] =	ssyncadd.s32 $0xFFFFEC00  }
0x123: {  	[tilespmem:s24], [sflag:$0x5] =	stream.indirect.gather [hbm4b:s4+s15], $0x80, s0, s15, $0xb8;
	[tilespmem:$0x1F720] =	vst v63  }
0x124: {  	s31 =	simm.s32 $0x4D58  }
0x125: {  	[spmem:s2] =	stream.indirect.scatter.add.f32 [tilespmem:s17], [sflag:$0x7], $0x80, s31, s15, $0xb8;
	[tilespmem:$0x1F720] =	vst v63  }
0x126: {  	_ =	swait.ge [sflag:s13], $0x1400  }
0x127: {  	[sflag:s13] =	ssyncset.done $0x0  }
0x128: {  	[sflag:s13] =	ssyncadd.s32 $0xFFFFEC00  }
0x129: {  	_ =	swait.ge [sflag:s25], $0x1400  }
0x12a: {  	[sflag:s25] =	ssyncset.done $0x0  }
0x12b: {  	s1 =	simm.s32 $0x4D80;
	[sflag:s25] =	ssyncadd.s32 $0xFFFFEC00  }
0x12c: {  	[spmem:s2] =	stream.indirect.scatter.add.f32 [tilespmem:s18], [sflag:$0x7], $0x80, s1, s15, $0xb8;
	[tilespmem:$0x1F720] =	vst v63  }
0x12d: {  	_ =	swait.ge [sflag:s13], $0x1400  }
0x12e: {  	[sflag:s13] =	ssyncset.done $0x0  }
0x12f: {  	[sflag:s13] =	ssyncadd.s32 $0xFFFFEC00  }
0x130: {  	_ =	swait.ge [sflag:s26], $0x1400  }
0x131: {  	[sflag:s26] =	ssyncset.done $0x0  }
0x132: {  	s31 =	simm.s32 $0x4DA8;
	[sflag:s26] =	ssyncadd.s32 $0xFFFFEC00  }
0x133: {  	[spmem:s2] =	stream.indirect.scatter.add.f32 [tilespmem:s19], [sflag:$0x7], $0x80, s31, s15, $0xb8;
	[tilespmem:$0x1F720] =	vst v63  }
0x134: {  	_ =	swait.ge [sflag:s13], $0x1400  }
0x135: {  	[sflag:s13] =	ssyncset.done $0x0  }
0x136: {  	[sflag:s13] =	ssyncadd.s32 $0xFFFFEC00  }
0x137: {  	_ =	swait.ge [sflag:s28], $0x1400  }
0x138: {  	[sflag:s28] =	ssyncset.done $0x0  }
0x139: {  	s1 =	simm.s32 $0x4DD0;
	[sflag:s28] =	ssyncadd.s32 $0xFFFFEC00  }
0x13a: {  	[spmem:s2] =	stream.indirect.scatter.add.f32 [tilespmem:s20], [sflag:$0x7], $0x80, s1, s15, $0xb8;
	[tilespmem:$0x1F720] =	vst v63  }
0x13b: {  	_ =	swait.ge [sflag:s13], $0x1400  }
0x13c: {  	[sflag:s13] =	ssyncset.done $0x0  }
0x13d: {  	[sflag:s13] =	ssyncadd.s32 $0xFFFFEC00  }
0x13e: {  	_ =	swait.ge [sflag:s29], $0x1400  }
0x13f: {  	[sflag:s29] =	ssyncset.done $0x0  }
0x140: {  	s31 =	simm.s32 $0x4DF8;
	[sflag:s29] =	ssyncadd.s32 $0xFFFFEC00  }
0x141: {  	[spmem:s2] =	stream.indirect.scatter.add.f32 [tilespmem:s24], [sflag:$0x7], $0x80, s31, s15, $0xb8;
	[tilespmem:$0x1F720] =	vst v63  }
0x142: {  	_ =	swait.ge [sflag:s13], $0x1400  }
0x143: {  	[sflag:s13] =	ssyncset.done $0x0  }
0x144: {  	s1 =	stileid.u32;
	[sflag:s13] =	ssyncadd.s32 $0xFFFFEC00  }
0x145: {  	s0 =	sshll.u32 s1, $0x6;
	[bflag:$0x0] =	sbarrier.arrive $0xFFFF  }
0x146: {  	s1 =	sshrl.u32 s8, $0x3;
	s0 =	sor.u32 $0x1C06, s0;
	s31 =	rddreg [dreg:$0x5]  }
0x147: {  	[hbm:s31], [sflag:s0] =	dma.local [spmem:s1], $0x7D0  }
0x148: {  	s1 =	sshrl.u32 s10, $0x3;
	s31 =	rddreg [dreg:$0x6]  }
0x149: {  	[hbm:s31], [sflag:s0] =	dma.local [spmem:s1], $0x7D0  }
0x14a: {  	s1 =	sshrl.u32 s12, $0x3;
	s31 =	rddreg [dreg:$0x7]  }
0x14b: {  	[hbm:s31], [sflag:s0] =	dma.local [spmem:s1], $0x7D0  }
0x14c: {  	s1 =	sshrl.u32 s14, $0x3;
	s31 =	rddreg [dreg:$0x8]  }
0x14d: {  	[hbm:s31], [sflag:s0] =	dma.local [spmem:s1], $0x7D0  }
0x14e: {  	s1 =	sshrl.u32 s16, $0x3;
	s31 =	rddreg [dreg:$0x9]  }
0x14f: {  	[hbm:s31], [sflag:s0] =	dma.local [spmem:s1], $0x7D0  }
0x150: {  	_ =	swait.ge [sflag:s22], $0x7D0  }
0x151: {  	[sflag:s22] =	ssyncset.done $0x0  }
0x152: {  	[sflag:s22] =	ssyncadd.s32 $0xFFFFF830  }
0x153: {  	_ =	swait.ge [sflag:s22], $0x7D0  }
0x154: {  	[sflag:s22] =	ssyncset.done $0x0  }
0x155: {  	[sflag:s22] =	ssyncadd.s32 $0xFFFFF830  }
0x156: {  	_ =	swait.ge [sflag:s22], $0x7D0  }
0x157: {  	[sflag:s22] =	ssyncset.done $0x0  }
0x158: {  	[sflag:s22] =	ssyncadd.s32 $0xFFFFF830  }
0x159: {  	_ =	swait.ge [sflag:s22], $0x7D0  }
0x15a: {  	[sflag:s22] =	ssyncset.done $0x0  }
0x15b: {  	[sflag:s22] =	ssyncadd.s32 $0xFFFFF830  }
0x15c: {  	_ =	swait.ge [sflag:s22], $0x7D0  }
0x15d: {  	s30 =	sadd.s32 $0x1, s30;
	s31 =	rddreg [dreg:$0xa]  }
0x15e: {  	p0 =	sne.s32 s30, s31  }
.Ltmp2:
0x15f: {  	_ = 	snop;
	(pc) =	sbr.rel @p0 .LBB2_1-.Ltmp2, $3  }
0x160: {  	_ =	sdelay $0x1  }
0x161: {  	[sflag:s22] =	ssyncset.done $0x0  }
0x162: {  	[sflag:s22] =	ssyncadd.s32 $0xFFFFF830  }
0x163: {  	_ =	sfence.sel $0x180000  }
0x164: {  	[bflag:$0x0] =	sbarrier.arrive $0xFFFF  }
0x165: {  	_ =	strace $0x9000004A  }
0x166: {  	s0 =	stileid.u32;
	[bflag:$0x2] =	sbarrier.arrive $0xFFFF  }
0x167: {  	p0 =	sne.s32 s0, $0x0;
	s0 =	rddreg [dreg:$0x2]  }
0x168: {  	s0 =	sadd.s32 @!p0 $0x100000, s0  }
0x169: {  	[sflag:s0] =	ssyncadd.tile.s32 @!p0 $0x1;
	_ =	shalt  }
.Lfunc_end2:
_tile_overlayer_lowered:
.L_overlay_start_2:
0x16a: {  	(tag) =	ssettag $0x2  }
0x16b: {  	s0 =	rddreg [dreg:$0x0];
	s2 =	stileid.u32  }
0x16c: {  	s1 =	rddreg [dreg:$0x1];
	p0 =	sne.s32 s2, $0x0  }
0x16d: {  	s3 =	rddreg [dreg:$0x2];
	[bflag:$0x3] =	sbarrier.arrive $0xFFFF;
	s2 =	simm.s32 @!p0 $0x1C07  }
0x16e: {  	[timem:s3], [sflag:s2] =	dma.local @!p0 [hbm:s0], s1  }
0x16f: {  	s0 =	simm.s32 @!p0 $0x7  }
0x170: {  	_ =	swait.ge @!p0 [sflag:s0], s1  }
0x171: {  	s1 =	ssub.s32 @!p0 $0x0, s1;
	[sflag:s0] =	ssyncset.done @!p0 $0x0  }
0x172: {  	[sflag:s0] =	ssyncadd.s32 @!p0 s1  }
0x173: {  	[bflag:$0x3] =	sbarrier.arrive $0xFFFF  }
0x174: {  	_ =	shalt  }

// kernel: kernel.14.cloned.1.call-start
scs
__scs_entry_jumppad:
0x0: {  	(pc) =	sbr.rel $0x88, $3  }
0x1: {  	(tag) =	ssettag $0x0;
	lr =	simm.s32 $0x1  }
0x2: {  	[smem:$0x3F86] =	sst lr;
	_ =	strace $0xD0000000  }
0x3: {  	_ = 	snop  }
0x4: {  	_ = 	snop  }
0x5: {  	_ = 	snop  }
0x6: {  	_ = 	snop  }
0x7: {  	_ = 	snop  }
__scs_overlays_trampoline_lowered:
0x8: {  	[smem:$0x3F95] =	sst s0  }
0x9: {  	[smem:$0x3F96] =	sst s1  }
0xa: {  	[smem:$0x3F97] =	sst s2  }
0xb: {  	[smem:$0x3F98] =	sst s3  }
0xc: {  	[smem:$0x3F99] =	sst s4  }
0xd: {  	[smem:$0x3F9A] =	sst s5  }
0xe: {  	[smem:$0x3F9B] =	sst s6  }
0xf: {  	[smem:$0x3F9C] =	sst s7  }
0x10: {  	[smem:$0x3F9D] =	sst s8  }
0x11: {  	[smem:$0x3F9E] =	sst s9;
	s0 =	simm.s32 @!p0 $0x0  }
0x12: {  	s1 =	sld [smem:$0x3F84];
	s0 =	simm.s32 @p0 $0x1  }
0x13: {  	[smem:$0x3F9F] =	sst s0;
	s0 =	simm.s32 @!p1 $0x0  }
0x14: {  	s2 =	sld [smem:$0x3F83];
	s0 =	simm.s32 @p1 $0x1  }
0x15: {  	[smem:$0x3FA0] =	sst s0;
	s0 =	simm.s32 @!p2 $0x0  }
0x16: {  	s3 =	sld [smem:$0x3FDB];
	s0 =	simm.s32 @p2 $0x1  }
0x17: {  	s4 =	simm.s32 $0x1BF5;
	[smem:$0x3FA2] =	sst s0  }
0x18: {  	s0 =	sld [smem:$0x3F85];
	_ =	swait.ge [sflag:s4], $0x0  }
0x19: {  	s7 =	sld [smem:$0x3F86]  }
0x1a: {  	s8 =	sadd.s32 $0xFFFFE003, lr  }
0x1b: {  	s9 =	sadd.s32 $0xFFFFFEF7, lr;
	s5 =	simm.s32 $0xFFFFFFFF;
	p2 =	slt.u32 s8, $0xFFFFF086  }
0x1c: {  	p1 =	slt.u32 s9, $0xF7A;
	s5 =	simm.s32 @!p2 $0x0  }
0x1d: {  	s5 =	simm.s32 @p1 $0x1;
	p0 =	seq.s32 s7, s2  }
0x1e: {  	s7 =	smul.u32 @!p0 $0xF7A, s2;
	p2 =	seq.s32 @!p0 s5, $0x0  }
0x1f: {  	s9 =	smul.u32 $0xF7A, s1;
	s8 =	simm.s32 @!p0 $0x1BF5;
	p2 =	por !p2, p0  }
0x20: {  	[sflag:s8] =	ssyncset.s32 @!p0 $0xFFFFF086;
	s6 =	sadd.s32 @!p0 s3, s7;
	s7 =	simm.s32 @!p0 $0x108  }
0x21: {  	s3 =	sadd.s32 s3, s9;
	s6 =	sadd.s32 @!p0 $0x88, s6;
	s7 =	simm.s32 @p2 $0x1082  }
0x22: {  	[simem:s7], [sflag:s8] =	dma.local @!p0 [hbm:s6], $0xF7A  }
0x23: {  	s9 =	sor.u32 $0xD0000000, s2;
	s6 =	simm.s32 $0x108;
	_ =	swait.ge @!p0 [sflag:s8], $0x0  }
0x24: {  	s3 =	sadd.s32 $0x88, s3;
	s6 =	simm.s32 @!p1 $0x1082;
	[sflag:s4] =	ssyncset.s32 $0xFFFFF086  }
0x25: {  	[simem:s6], [sflag:s4] =	dma.local [hbm:s3], $0xF7A  }
0x26: {  	[smem:$0x3F86] =	sst s1;
	(tag) =	ssettag s2;
	_ =	strace s9  }
0x27: {  	s1 =	sld [smem:$0x3F96]  }
0x28: {  	s2 =	sld [smem:$0x3F97]  }
0x29: {  	s4 =	sld [smem:$0x3F99]  }
0x2a: {  	p0 =	seq.s32 s5, $0x0;
	s5 =	sld [smem:$0x3F9A]  }
0x2b: {  	s6 =	sld [smem:$0x3F9B]  }
0x2c: {  	s7 =	sld [smem:$0x3F9C]  }
0x2d: {  	s3 =	simm.s32 $0x108;
	s8 =	sld [smem:$0x3F9D]  }
0x2e: {  	s3 =	simm.s32 @!p0 $0x1082;
	s9 =	sld [smem:$0x3F9E]  }
0x2f: {  	lr =	sadd.s32 s0, s3;
	s0 =	sld [smem:$0x3F95]  }
0x30: {  	s3 =	sld [smem:$0x3F98]  }
0x31: {  	[smem:$0x3FA1] =	sst s10  }
0x32: {  	s10 =	sld [smem:$0x3F9F];
	_ =	sdelay $0x3  }
0x33: {  	p0 =	seq.s32 s10, $0x1;
	s10 =	sld [smem:$0x3FA1];
	_ =	sdelay $0x3  }
0x34: {  	[smem:$0x3FA1] =	sst s10  }
0x35: {  	s10 =	sld [smem:$0x3FA0];
	_ =	sdelay $0x3  }
0x36: {  	p1 =	seq.s32 s10, $0x1;
	s10 =	sld [smem:$0x3FA1];
	_ =	sdelay $0x3  }
0x37: {  	[smem:$0x3FA1] =	sst s10  }
0x38: {  	s10 =	sld [smem:$0x3FA2]  }
0x39: {  	_ = 	snop;
	(pc) =	sbr.ind lr, $3  }
0x3a: {  	_ = 	snop  }
0x3b: {  	_ = 	snop  }
0x3c: {  	p2 =	seq.s32 s10, $0x1;
	s10 =	sld [smem:$0x3FA1]  }
0x3d: {  	_ =	shalt  }
0x3e: {  	_ =	shalt  }
0x3f: {  	_ =	shalt  }
0x40: {  	_ =	shalt  }
0x41: {  	_ =	shalt  }
0x42: {  	_ =	shalt  }
0x43: {  	_ =	shalt  }
0x44: {  	_ =	shalt  }
0x45: {  	_ =	shalt  }
0x46: {  	_ =	shalt  }
0x47: {  	_ =	shalt  }
0x48: {  	_ =	shalt  }
0x49: {  	_ =	shalt  }
0x4a: {  	_ =	shalt  }
0x4b: {  	_ =	shalt  }
0x4c: {  	_ =	shalt  }
0x4d: {  	_ =	shalt  }
0x4e: {  	_ =	shalt  }
0x4f: {  	_ =	shalt  }
0x50: {  	_ =	shalt  }
0x51: {  	_ =	shalt  }
0x52: {  	_ =	shalt  }
0x53: {  	_ =	shalt  }
0x54: {  	_ =	shalt  }
0x55: {  	_ =	shalt  }
0x56: {  	_ =	shalt  }
0x57: {  	_ =	shalt  }
0x58: {  	_ =	shalt  }
0x59: {  	_ =	shalt  }
0x5a: {  	_ =	shalt  }
0x5b: {  	_ =	shalt  }
0x5c: {  	_ =	shalt  }
0x5d: {  	_ =	shalt  }
0x5e: {  	_ =	shalt  }
0x5f: {  	_ =	shalt  }
0x60: {  	_ =	shalt  }
0x61: {  	_ =	shalt  }
0x62: {  	_ =	shalt  }
0x63: {  	_ =	shalt  }
0x64: {  	_ =	shalt  }
0x65: {  	_ =	shalt  }
0x66: {  	_ =	shalt  }
0x67: {  	_ =	shalt  }
0x68: {  	_ =	shalt  }
0x69: {  	_ =	shalt  }
0x6a: {  	_ =	shalt  }
0x6b: {  	_ =	shalt  }
0x6c: {  	_ =	shalt  }
0x6d: {  	_ =	shalt  }
0x6e: {  	_ =	shalt  }
0x6f: {  	_ =	shalt  }
0x70: {  	_ =	shalt  }
0x71: {  	_ =	shalt  }
0x72: {  	_ =	shalt  }
0x73: {  	_ =	shalt  }
0x74: {  	_ =	shalt  }
0x75: {  	_ =	shalt  }
0x76: {  	_ =	shalt  }
0x77: {  	_ =	shalt  }
0x78: {  	_ =	shalt  }
0x79: {  	_ =	shalt  }
0x7a: {  	_ =	shalt  }
0x7b: {  	_ =	shalt  }
0x7c: {  	_ =	shalt  }
0x7d: {  	_ =	shalt  }
0x7e: {  	_ =	shalt  }
0x7f: {  	_ =	shalt  }
0x80: {  	_ =	shalt  }
0x81: {  	_ =	shalt  }
0x82: {  	_ =	shalt  }
0x83: {  	_ =	shalt  }
0x84: {  	_ =	shalt  }
0x85: {  	_ =	shalt  }
0x86: {  	_ =	shalt  }
0x87: {  	_ =	shalt  }
.Lfunc_end0:
.L_simem_size_0:
called_computation.2_lowered:
.L_overlay_start_0:
0x88: {  	s2 =	sld [smem:$0x3FD9]  }
0x89: {  	s3 =	sld [smem:$0x3FFE];
	_ =	sdelay $0x1  }
0x8a: {  	s1 =	srdreg.scid  }
0x8b: {  	s0 =	sand.u32 $0x1, s1  }
0x8c: {  	s16 =	sshll.u32 s0, $0xA;
	s2 =	sadd.s32 s3, s2  }
0x8d: {  	s2 =	sadd.s32 s2, s16  }
0x8e: {  	[smem:$0x3FAD] =	sst s2  }
0x8f: {  	_ = 	snop  }
0x90: {  	(tm) =	ssettm $0x1  }
0x91: {  	s17 =	sld [smem:$0x3FFB];
	_ =	sdelay $0x3  }
0x92: {  	_ =	strace s17  }
0x93: {  	s2 =	sld [smem:$0x3FFC];
	_ =	sdelay $0x3  }
0x94: {  	_ =	strace s2  }
0x95: {  	s2 =	sld [smem:$0x3FFD];
	_ =	sdelay $0x3  }
0x96: {  	_ =	strace s2  }
0x97: {  	_ =	strace $0x8FFFFFFF  }
0x98: {  	s18 =	sld [smem:$0x3FDB];
	_ =	sdelay $0x1  }
0x99: {  	s19 =	simm.s32 $_scs_section_size  }
0x9a: {  	s4 =	simm.s32 $_size__tile_overlayer_lowered;
	s5 =	simm.s32 $_tile_overlayer_lowered  }
0x9b: {  	s22 =	simm.s32 $0x1BFF;
	s21 =	sshll.u32 s5, $0x1;
	s2 =	sadd.s32 s19, s18  }
0x9c: {  	s6 =	simm.s32 $0x0;
	s20 =	sshll.u32 s4, $0x1;
	s4 =	sadd.s32 s21, s2  }
0x9d: {  	[timem:s6], [sflag:s22] =	dma.local [hbm:s4], s20  }
0x9e: {  	_ =	swait.ge [sflag:s22], s20  }
0x9f: {  	s3 =	ssub.s32 $0x0, s20;
	[sflag:s22] =	ssyncset.done $0x0  }
0xa0: {  	[sflag:s22] =	ssyncadd.s32 s3;
	_ =	sdelay $0x1  }
0xa1: {  	s23 =	simm.s32 $0x1B8B  }
0xa2: {  	_ =	swait.ge [sflag:s23], $0x1  }
0xa3: {  	[sflag:s23] =	ssyncset.done $0x0  }
0xa4: {  	s25 =	simm.s32 $0x1B8E;
	s24 =	sld [smem:$0x3FFE];
	[sflag:s23] =	ssyncadd.s32 $0xFFFFFFFF  }
0xa5: {  	s26 =	simm.s32 $execute0_lowered;
	[smem:$0x3FD2] =	sst s25  }
0xa6: {  	s4 =	sshll.u32 s26, $0x1;
	_ =	strace $0x8000004C;
	[dreg:$0x1] =	wrdreg $0xFFFFFFFF  }
0xa7: {  	s28 =	simm.s32 $_size_execute0_lowered;
	s2 =	sadd.s32 s2, s4;
	[dreg:$0x0] =	wrdreg $0x0  }
0xa8: {  	s4 =	sshll.u32 s28, $0x1;
	[dreg:$0x2] =	wrdreg s2  }
0xa9: {  	[dreg:$0x3] =	wrdreg s4  }
0xaa: {  	[dreg:$0x4] =	wrdreg $0xC0  }
0xab: {  	_ =	task [dreg:s6], $0x5FFFF  }
0xac: {  	[dreg:$0x1] =	wrdreg $0xFFFFFFFF  }
0xad: {  	[dreg:$0x0] =	wrdreg $0x60  }
0xae: {  	[dreg:$0x2] =	wrdreg s24  }
0xaf: {  	[dreg:$0x3] =	wrdreg $0xBEA00  }
0xb0: {  	[dreg:$0x4] =	wrdreg $0x9  }
0xb1: {  	_ =	task.clear_ibuf [dreg:s6], $0x5FFFF;
	_ =	strace $0x9000004C  }
0xb2: {  	s29 =	simm.s32 $0x9;
	_ =	strace $0x8000004E  }
0xb3: {  	_ =	swait.ge [sflag:s29], $0x1  }
0xb4: {  	[sflag:s29] =	ssyncadd.s32 $0xFFFFFFFF  }
0xb5: {  	_ =	strace $0x9000004E  }
0xb6: {  	_ =	sfence  }
0xb7: {  	s30 =	sld [smem:$0x0];
	_ =	sdelay $0x2  }
0xb8: {  	s31 =	sshll.u32 s1, $0xD;
	s1 =	sshrl.u32 s1, $0x2  }
0xb9: {  	s3 =	sand.u32 $0x4000, s31;
	s1 =	sadd.s32 s1, s30  }
0xba: {  	s0 =	sor.u32 s3, s0;
	s1 =	sshll.u32 s1, $0x11  }
0xbb: {  	s0 =	sor.u32 s1, s0  }
0xbc: {  	s0 =	sadd.s32 $0x8F2B, s0  }
0xbd: {  	[sflag:s0] =	ssyncadd.remote.s32 $0x1  }
0xbe: {  	_ =	sfence.sel $0xFFFF  }
0xbf: {  	[dreg:$0x0] =	wrdreg $0xFFFFFFFF;
	(pc) =	sbr.abs _section_cstart, $3  }
0xc0: {  	[dreg:$0x1] =	wrdreg $0xFFFFFFFF  }
0xc1: {  	_ =	task.clear_ibuf [dreg:s6], $0x2FFFF;
	_ =	strace $0x9FFFFFFF  }
0xc2: {  	(tm) =	ssettm $0x7FFFFFFF  }
0xc3: {  	_ =	shalt  }
tec
execute0_lowered:
.L_overlay_start_1:
0x0: {  	(tag) =	ssettag $0x1  }
0x1: {  	s0 =	srdreg.scid;
	s1 =	rddreg [dreg:$0x0]  }
0x2: {  	s2 =	rddreg [dreg:$0x1];
	s9 =	stileid.u32;
	s3 =	simm.s32 $0x0  }
0x3: {  	s28 =	simm.s32 $0x4;
	s0 =	sand.u32 $0x1, s0;
	[smem:$0x7FF] =	sst s3  }
0x4: {  	s6 =	smul.u32 $0x271, s9;
	s4 =	sshll.u32 s0, $0x4;
	_ =	strace $0x8000004D  }
0x5: {  	s7 =	ssub.s32 $0x2, s0;
	s0 =	smul.u32 $0x2710, s0;
	s4 =	sor.u32 s9, s4  }
0x6: {  	s8 =	sshrl.u32 s7, $0x1;
	s9 =	smul.u32 $0x4E200, s9;
	s10 =	sadd.s32 $0x7D, s6  }
0x7: {  	s24 =	sadd.s32 $0xFA, s6;
	s11 =	sadd.s32 $0x177, s6;
	s5 =	smul.u32 $0x4E2, s4  }
0x8: {  	s4 =	sadd.s32 $0x19400, s1;
	s7 =	ssub.s32 s7, s8;
	s20 =	sadd.s32 s6, s0  }
0x9: {  	s22 =	sadd.s32 s0, s10;
	s25 =	sadd.s32 s0, s24;
	s26 =	sadd.s32 s0, s11  }
0xa: {  	s6 =	sadd.s32 $0x1F4, s6;
	s8 =	sshll.u32 s20, $0x4;
	s23 =	sshrl.u32 s9, $0x2  }
0xb: {  	s9 =	sshll.u32 s24, $0x7;
	s7 =	smax.u32 s7, $0x1;
	s5 =	sadd.s32 s5, s1  }
0xc: {  	s0 =	sadd.s32 s0, s6;
	[dreg:$0xa] =	wrdreg s7;
	s19 =	sadd.s32 $0xF600, s5  }
0xd: {  	s1 =	sadd.s32 $0x40600, s1;
	s5 =	sadd.s32 $0x5800, s5;
	[dreg:$0x3] =	wrdreg s19  }
0xe: {  	s0 =	sshll.u32 s0, $0x4;
	s21 =	sadd.s32 s1, s8;
	[dreg:$0x4] =	wrdreg s5  }
0xf: {  	s8 =	sadd.s32 s23, s2;
	s0 =	sadd.s32 s1, s0;
	[dreg:$0x5] =	wrdreg s21  }
0x10: {  	s12 =	sadd.s32 s9, s2;
	[dreg:$0x9] =	wrdreg s0;
	s9 =	sadd.s32 $0xC80, s8  }
0x11: {  	s31 =	sshll.u32 s11, $0x7;
	s11 =	sadd.s32 $0x1900, s8;
	[dreg:$0xb] =	wrdreg s9  }
0x12: {  	s29 =	simm.s32 $0x5;
	s13 =	sadd.s32 $0x2580, s8;
	[dreg:$0xc] =	wrdreg s11  }
0x13: {  	s30 =	simm.s32 $0x0;
	s15 =	sadd.s32 $0x3200, s8;
	[dreg:$0xd] =	wrdreg s13  }
0x14: {  	s10 =	sshll.u32 s10, $0x7;
	s17 =	sadd.s32 $0x4B00, s8;
	[dreg:$0xe] =	wrdreg s15  }
0x15: {  	s10 =	sadd.s32 s10, s2;
	s18 =	sadd.s32 $0x5780, s8;
	[dreg:$0xf] =	wrdreg s17  }
0x16: {  	s6 =	sshll.u32 s6, $0x7;
	s19 =	sadd.s32 $0x6400, s8;
	[dreg:$0x10] =	wrdreg s18  }
0x17: {  	s14 =	sadd.s32 s31, s2;
	s20 =	sadd.s32 $0x7080, s8;
	[dreg:$0x11] =	wrdreg s19  }
0x18: {  	s16 =	sadd.s32 s6, s2;
	s21 =	sadd.s32 $0x8980, s8;
	[dreg:$0x12] =	wrdreg s20  }
0x19: {  	s5 =	sshll.u32 s22, $0x4;
	s22 =	sadd.s32 $0x9600, s8;
	[dreg:$0x13] =	wrdreg s21  }
0x1a: {  	s23 =	sadd.s32 $0xA280, s8;
	s24 =	sadd.s32 $0xAF00, s8;
	[dreg:$0x14] =	wrdreg s22  }
0x1b: {  	s31 =	sadd.s32 $0xE100, s8;
	s6 =	sadd.s32 $0x10680, s8;
	[dreg:$0x15] =	wrdreg s23  }
0x1c: {  	s7 =	sadd.s32 $0x11300, s8;
	s5 =	sadd.s32 s1, s5;
	[dreg:$0x16] =	wrdreg s24  }
0x1d: {  	[dreg:$0x19] =	wrdreg s31;
	s9 =	sadd.s32 $0x11F80, s8;
	s11 =	sadd.s32 $0x12C00, s8  }
0x1e: {  	s13 =	simm.s32 $0x7;
	s15 =	simm.s32 $0x28;
	s17 =	simm.s32 $0x4E20  }
0x1f: {  	s18 =	simm.s32 $0x6220;
	s19 =	simm.s32 $0x7620;
	s20 =	simm.s32 $0x8A20  }
0x20: {  	s21 =	simm.s32 $0xB220;
	s22 =	simm.s32 $0x6;
	s23 =	simm.s32 $0x1  }
0x21: {  	[dreg:$0x6] =	wrdreg s5;
	s5 =	sshll.u32 s25, $0x4;
	s25 =	sadd.s32 $0xC800, s8  }
0x22: {  	s24 =	simm.s32 $0x9E20;
	s5 =	sadd.s32 s1, s5;
	[dreg:$0x17] =	wrdreg s25  }
0x23: {  	[dreg:$0x7] =	wrdreg s5;
	s5 =	sshll.u32 s26, $0x4;
	s26 =	sadd.s32 $0xD480, s8  }
0x24: {  	s25 =	simm.s32 $0x2;
	s5 =	sadd.s32 s1, s5;
	[dreg:$0x18] =	wrdreg s26  }
0x25: {  	v0 =	vimm.f32 $0.0e+00;
	s26 =	simm.s32 $0x3;
	[dreg:$0x8] =	wrdreg s5;
	s5 =	sadd.s32 $0xED80, s8  }
.LBB2_1:
0x26: {  	s0 =	rddreg [dreg:$0x3]  }
0x27: {  	[tilespmem:s3], [sflag:$0x7] =	stream.linear.gather [hbm4b:s0+s3], $0x2710, $0x38;
	[tilespmem:$0x1F720] =	vst v63  }
0x28: {  	_ =	swait.ge [sflag:s13], $0x2710  }
0x29: {  	[sflag:s13] =	ssyncset.done $0x0  }
0x2a: {  	s1 =	simm.s32 $0x2710;
	s0 =	rddreg [dreg:$0x4];
	[sflag:s13] =	ssyncadd.s32 $0xFFFFD8F0  }
0x2b: {  	[tilespmem:s1], [sflag:$0x7] =	stream.linear.gather [hbm4b:s0+s3], $0x2710, $0x38;
	[tilespmem:$0x1F720] =	vst v63  }
0x2c: {  	_ =	swait.ge [sflag:s13], $0x2710  }
0x2d: {  	[sflag:s13] =	ssyncset.done $0x0  }
0x2e: {  	[sflag:s13] =	ssyncadd.s32 $0xFFFFD8F0  }
0x2f: {  	[tilespmem:s17], [sflag:$0x1] =	stream.indirect.gather [hbm4b:s4+s15], $0x80, s3, s15, $0xb8;
	[tilespmem:$0x1F720] =	vst v63  }
0x30: {  	_ = 	snop  }
0x31: {  	[tilespmem:s18], [sflag:$0x2] =	stream.indirect.gather [hbm4b:s4+s15], $0x80, s15, s15, $0xb8;
	[tilespmem:$0x1F720] =	vst v63  }
0x32: {  	s1 =	simm.s32 $0x50  }
0x33: {  	[tilespmem:s19], [sflag:$0x3] =	stream.indirect.gather [hbm4b:s4+s15], $0x80, s1, s15, $0xb8;
	[tilespmem:$0x1F720] =	vst v63  }
0x34: {  	s31 =	simm.s32 $0x200;
	s0 =	simm.s32 $0x0;
	s1 =	simm.s32 $0x78  }
0x35: {  	[tilespmem:s20], [sflag:$0x4] =	stream.indirect.gather [hbm4b:s4+s15], $0x80, s1, s15, $0xb8;
	[tilespmem:$0x1F720] =	vst v63  }
.LBB2_2:
0x36: {  	p0 =	sne.s32 s31, $0x3000;
	[tilespmem:s0+$0xB290] =	vst v0  }
0x37: {  	[tilespmem:s0+$0xB220] =	vst v0  }
0x38: {  	[tilespmem:s0+$0xB230] =	vst v0  }
.Ltmp0:
0x39: {  	[tilespmem:s0+$0xB240] =	vst v0;
	(pc) =	sbr.rel @p0 .LBB2_2-.Ltmp0, $4  }
0x3a: {  	[tilespmem:s0+$0xB250] =	vst v0  }
0x3b: {  	[tilespmem:s0+$0xB260] =	vst v0  }
0x3c: {  	[tilespmem:s0+$0xB270] =	vst v0  }
0x3d: {  	[tilespmem:s0+$0xB280] =	vst v0;
	s0 =	sshra.s32 s31, $0x2;
	s31 =	sadd.s32 $0x200, s31  }
0x3e: {  	[tilespmem:s0+$0xB290] =	vst v0  }
0x3f: {  	[tilespmem:s0+$0xB220] =	vst v0  }
0x40: {  	[tilespmem:s0+$0xB230] =	vst v0  }
0x41: {  	[tilespmem:s0+$0xB240] =	vst v0  }
0x42: {  	[tilespmem:s0+$0xB250] =	vst v0  }
0x43: {  	[tilespmem:s0+$0xB260] =	vst v0  }
0x44: {  	[tilespmem:s0+$0xB270] =	vst v0  }
0x45: {  	[tilespmem:s0+$0xB280] =	vst v0  }
0x46: {  	[spmem:s8] =	stream.linear.scatter [tilespmem:s21], [sflag:$0x6], $0xC80, $0x38;
	[tilespmem:$0x1F720] =	vst v63  }
0x47: {  	s1 =	rddreg [dreg:$0xb]  }
0x48: {  	[spmem:s1] =	stream.linear.scatter [tilespmem:s21], [sflag:$0x6], $0xC80, $0x38;
	[tilespmem:$0x1F720] =	vst v63  }
0x49: {  	s1 =	rddreg [dreg:$0xc]  }
0x4a: {  	[spmem:s1] =	stream.linear.scatter [tilespmem:s21], [sflag:$0x6], $0xC80, $0x38;
	[tilespmem:$0x1F720] =	vst v63  }
0x4b: {  	s1 =	rddreg [dreg:$0xd]  }
0x4c: {  	[spmem:s1] =	stream.linear.scatter [tilespmem:s21], [sflag:$0x6], $0xC80, $0x38;
	[tilespmem:$0x1F720] =	vst v63  }
0x4d: {  	s1 =	rddreg [dreg:$0xe]  }
0x4e: {  	[spmem:s1] =	stream.linear.scatter [tilespmem:s21], [sflag:$0x6], $0xC80, $0x38;
	[tilespmem:$0x1F720] =	vst v63  }
0x4f: {  	_ = 	snop  }
0x50: {  	[spmem:s10] =	stream.linear.scatter [tilespmem:s21], [sflag:$0x6], $0xC80, $0x38;
	[tilespmem:$0x1F720] =	vst v63  }
0x51: {  	s1 =	rddreg [dreg:$0xf]  }
0x52: {  	[spmem:s1] =	stream.linear.scatter [tilespmem:s21], [sflag:$0x6], $0xC80, $0x38;
	[tilespmem:$0x1F720] =	vst v63  }
0x53: {  	s1 =	rddreg [dreg:$0x10]  }
0x54: {  	[spmem:s1] =	stream.linear.scatter [tilespmem:s21], [sflag:$0x6], $0xC80, $0x38;
	[tilespmem:$0x1F720] =	vst v63  }
0x55: {  	s1 =	rddreg [dreg:$0x11]  }
0x56: {  	[spmem:s1] =	stream.linear.scatter [tilespmem:s21], [sflag:$0x6], $0xC80, $0x38;
	[tilespmem:$0x1F720] =	vst v63  }
0x57: {  	s1 =	rddreg [dreg:$0x12]  }
0x58: {  	[spmem:s1] =	stream.linear.scatter [tilespmem:s21], [sflag:$0x6], $0xC80, $0x38;
	[tilespmem:$0x1F720] =	vst v63  }
0x59: {  	_ = 	snop  }
0x5a: {  	[spmem:s12] =	stream.linear.scatter [tilespmem:s21], [sflag:$0x6], $0xC80, $0x38;
	[tilespmem:$0x1F720] =	vst v63  }
0x5b: {  	s1 =	rddreg [dreg:$0x13]  }
0x5c: {  	[spmem:s1] =	stream.linear.scatter [tilespmem:s21], [sflag:$0x6], $0xC80, $0x38;
	[tilespmem:$0x1F720] =	vst v63  }
0x5d: {  	s1 =	rddreg [dreg:$0x14]  }
0x5e: {  	[spmem:s1] =	stream.linear.scatter [tilespmem:s21], [sflag:$0x6], $0xC80, $0x38;
	[tilespmem:$0x1F720] =	vst v63  }
0x5f: {  	s1 =	rddreg [dreg:$0x15]  }
0x60: {  	[spmem:s1] =	stream.linear.scatter [tilespmem:s21], [sflag:$0x6], $0xC80, $0x38;
	[tilespmem:$0x1F720] =	vst v63  }
0x61: {  	s1 =	rddreg [dreg:$0x16]  }
0x62: {  	[spmem:s1] =	stream.linear.scatter [tilespmem:s21], [sflag:$0x6], $0xC80, $0x38;
	[tilespmem:$0x1F720] =	vst v63  }
0x63: {  	_ = 	snop  }
0x64: {  	[spmem:s14] =	stream.linear.scatter [tilespmem:s21], [sflag:$0x6], $0xC80, $0x38;
	[tilespmem:$0x1F720] =	vst v63  }
0x65: {  	s1 =	rddreg [dreg:$0x17]  }
0x66: {  	[spmem:s1] =	stream.linear.scatter [tilespmem:s21], [sflag:$0x6], $0xC80, $0x38;
	[tilespmem:$0x1F720] =	vst v63  }
0x67: {  	s1 =	rddreg [dreg:$0x18]  }
0x68: {  	[spmem:s1] =	stream.linear.scatter [tilespmem:s21], [sflag:$0x6], $0xC80, $0x38;
	[tilespmem:$0x1F720] =	vst v63  }
0x69: {  	s1 =	rddreg [dreg:$0x19]  }
0x6a: {  	[spmem:s1] =	stream.linear.scatter [tilespmem:s21], [sflag:$0x6], $0xC80, $0x38;
	[tilespmem:$0x1F720] =	vst v63  }
0x6b: {  	_ = 	snop  }
0x6c: {  	[spmem:s5] =	stream.linear.scatter [tilespmem:s21], [sflag:$0x6], $0xC80, $0x38;
	[tilespmem:$0x1F720] =	vst v63  }
0x6d: {  	_ = 	snop  }
0x6e: {  	[spmem:s16] =	stream.linear.scatter [tilespmem:s21], [sflag:$0x6], $0xC80, $0x38;
	[tilespmem:$0x1F720] =	vst v63  }
0x6f: {  	_ = 	snop  }
0x70: {  	[spmem:s6] =	stream.linear.scatter [tilespmem:s21], [sflag:$0x6], $0xC80, $0x38;
	[tilespmem:$0x1F720] =	vst v63  }
0x71: {  	_ = 	snop  }
0x72: {  	[spmem:s7] =	stream.linear.scatter [tilespmem:s21], [sflag:$0x6], $0xC80, $0x38;
	[tilespmem:$0x1F720] =	vst v63  }
0x73: {  	_ = 	snop  }
0x74: {  	[spmem:s9] =	stream.linear.scatter [tilespmem:s21], [sflag:$0x6], $0xC80, $0x38;
	[tilespmem:$0x1F720] =	vst v63  }
0x75: {  	_ = 	snop  }
0x76: {  	[spmem:s11] =	stream.linear.scatter [tilespmem:s21], [sflag:$0x6], $0xC80, $0x38;
	[tilespmem:$0x1F720] =	vst v63  }
0x77: {  	_ =	swait.ge [sflag:s22], $0xC80  }
0x78: {  	[sflag:s22] =	ssyncset.done $0x0  }
0x79: {  	[sflag:s22] =	ssyncadd.s32 $0xFFFFF380  }
0x7a: {  	_ =	swait.ge [sflag:s22], $0xC80  }
0x7b: {  	[sflag:s22] =	ssyncset.done $0x0  }
0x7c: {  	[sflag:s22] =	ssyncadd.s32 $0xFFFFF380  }
0x7d: {  	_ =	swait.ge [sflag:s22], $0xC80  }
0x7e: {  	[sflag:s22] =	ssyncset.done $0x0  }
0x7f: {  	[sflag:s22] =	ssyncadd.s32 $0xFFFFF380  }
0x80: {  	_ =	swait.ge [sflag:s22], $0xC80  }
0x81: {  	[sflag:s22] =	ssyncset.done $0x0  }
0x82: {  	[sflag:s22] =	ssyncadd.s32 $0xFFFFF380  }
0x83: {  	_ =	swait.ge [sflag:s22], $0xC80  }
0x84: {  	[sflag:s22] =	ssyncset.done $0x0  }
0x85: {  	[sflag:s22] =	ssyncadd.s32 $0xFFFFF380  }
0x86: {  	_ =	swait.ge [sflag:s22], $0xC80  }
0x87: {  	[sflag:s22] =	ssyncset.done $0x0  }
0x88: {  	[sflag:s22] =	ssyncadd.s32 $0xFFFFF380  }
0x89: {  	_ =	swait.ge [sflag:s22], $0xC80  }
0x8a: {  	[sflag:s22] =	ssyncset.done $0x0  }
0x8b: {  	[sflag:s22] =	ssyncadd.s32 $0xFFFFF380  }
0x8c: {  	_ =	swait.ge [sflag:s22], $0xC80  }
0x8d: {  	[sflag:s22] =	ssyncset.done $0x0  }
0x8e: {  	[sflag:s22] =	ssyncadd.s32 $0xFFFFF380  }
0x8f: {  	_ =	swait.ge [sflag:s22], $0xC80  }
0x90: {  	[sflag:s22] =	ssyncset.done $0x0  }
0x91: {  	[sflag:s22] =	ssyncadd.s32 $0xFFFFF380  }
0x92: {  	_ =	swait.ge [sflag:s22], $0xC80  }
0x93: {  	[sflag:s22] =	ssyncset.done $0x0  }
0x94: {  	[sflag:s22] =	ssyncadd.s32 $0xFFFFF380  }
0x95: {  	_ =	swait.ge [sflag:s22], $0xC80  }
0x96: {  	[sflag:s22] =	ssyncset.done $0x0  }
0x97: {  	[sflag:s22] =	ssyncadd.s32 $0xFFFFF380  }
0x98: {  	_ =	swait.ge [sflag:s22], $0xC80  }
0x99: {  	[sflag:s22] =	ssyncset.done $0x0  }
0x9a: {  	[sflag:s22] =	ssyncadd.s32 $0xFFFFF380  }
0x9b: {  	_ =	swait.ge [sflag:s22], $0xC80  }
0x9c: {  	[sflag:s22] =	ssyncset.done $0x0  }
0x9d: {  	[sflag:s22] =	ssyncadd.s32 $0xFFFFF380  }
0x9e: {  	_ =	swait.ge [sflag:s22], $0xC80  }
0x9f: {  	[sflag:s22] =	ssyncset.done $0x0  }
0xa0: {  	[sflag:s22] =	ssyncadd.s32 $0xFFFFF380  }
0xa1: {  	_ =	swait.ge [sflag:s22], $0xC80  }
0xa2: {  	[sflag:s22] =	ssyncset.done $0x0  }
0xa3: {  	[sflag:s22] =	ssyncadd.s32 $0xFFFFF380  }
0xa4: {  	_ =	swait.ge [sflag:s22], $0xC80  }
0xa5: {  	[sflag:s22] =	ssyncset.done $0x0  }
0xa6: {  	[sflag:s22] =	ssyncadd.s32 $0xFFFFF380  }
0xa7: {  	_ =	swait.ge [sflag:s22], $0xC80  }
0xa8: {  	[sflag:s22] =	ssyncset.done $0x0  }
0xa9: {  	[sflag:s22] =	ssyncadd.s32 $0xFFFFF380  }
0xaa: {  	_ =	swait.ge [sflag:s22], $0xC80  }
0xab: {  	[sflag:s22] =	ssyncset.done $0x0  }
0xac: {  	[sflag:s22] =	ssyncadd.s32 $0xFFFFF380  }
0xad: {  	_ =	swait.ge [sflag:s22], $0xC80  }
0xae: {  	[sflag:s22] =	ssyncset.done $0x0  }
0xaf: {  	[sflag:s22] =	ssyncadd.s32 $0xFFFFF380  }
0xb0: {  	_ =	swait.ge [sflag:s22], $0xC80  }
0xb1: {  	[sflag:s22] =	ssyncset.done $0x0  }
0xb2: {  	[sflag:s22] =	ssyncadd.s32 $0xFFFFF380  }
0xb3: {  	_ =	swait.ge [sflag:s22], $0xC80  }
0xb4: {  	[sflag:s22] =	ssyncset.done $0x0  }
0xb5: {  	[sflag:s22] =	ssyncadd.s32 $0xFFFFF380  }
0xb6: {  	_ =	swait.ge [sflag:s22], $0xC80  }
0xb7: {  	[sflag:s22] =	ssyncset.done $0x0  }
0xb8: {  	[sflag:s22] =	ssyncadd.s32 $0xFFFFF380  }
0xb9: {  	_ =	swait.ge [sflag:s22], $0xC80  }
0xba: {  	[sflag:s22] =	ssyncset.done $0x0  }
0xbb: {  	[sflag:s22] =	ssyncadd.s32 $0xFFFFF380  }
0xbc: {  	_ =	swait.ge [sflag:s22], $0xC80  }
0xbd: {  	[sflag:s22] =	ssyncset.done $0x0  }
0xbe: {  	[sflag:s22] =	ssyncadd.s32 $0xFFFFF380  }
0xbf: {  	_ =	swait.ge [sflag:s22], $0xC80  }
0xc0: {  	[sflag:s22] =	ssyncset.done $0x0  }
0xc1: {  	[sflag:s22] =	ssyncadd.s32 $0xFFFFF380  }
0xc2: {  	[bflag:$0x0] =	sbarrier.arrive $0xFFFF  }
0xc3: {  	_ =	swait.ge [sflag:s23], $0x1400  }
0xc4: {  	[sflag:s23] =	ssyncset.done $0x0  }
0xc5: {  	s1 =	simm.s32 $0xA0;
	[sflag:s23] =	ssyncadd.s32 $0xFFFFEC00  }
0xc6: {  	[tilespmem:s24], [sflag:$0x5] =	stream.indirect.gather [hbm4b:s4+s15], $0x80, s1, s15, $0xb8;
	[tilespmem:$0x1F720] =	vst v63  }
0xc7: {  	s1 =	simm.s32 $0x2710  }
0xc8: {  	[spmem:s2] =	stream.indirect.scatter.add.f32 [tilespmem:s17], [sflag:$0x7], $0x80, s1, s15, $0xb8;
	[tilespmem:$0x1F720] =	vst v63  }
0xc9: {  	_ =	swait.ge [sflag:s13], $0x1400  }
0xca: {  	[sflag:s13] =	ssyncset.done $0x0  }
0xcb: {  	[sflag:s13] =	ssyncadd.s32 $0xFFFFEC00  }
0xcc: {  	_ =	swait.ge [sflag:s25], $0x1400  }
0xcd: {  	[sflag:s25] =	ssyncset.done $0x0  }
0xce: {  	s1 =	simm.s32 $0xC8;
	[sflag:s25] =	ssyncadd.s32 $0xFFFFEC00  }
0xcf: {  	[tilespmem:s17], [sflag:$0x1] =	stream.indirect.gather [hbm4b:s4+s15], $0x80, s1, s15, $0xb8;
	[tilespmem:$0x1F720] =	vst v63  }
0xd0: {  	s1 =	simm.s32 $0x2738  }
0xd1: {  	[spmem:s2] =	stream.indirect.scatter.add.f32 [tilespmem:s18], [sflag:$0x7], $0x80, s1, s15, $0xb8;
	[tilespmem:$0x1F720] =	vst v63  }
0xd2: {  	_ =	swait.ge [sflag:s13], $0x1400  }
0xd3: {  	[sflag:s13] =	ssyncset.done $0x0  }
0xd4: {  	[sflag:s13] =	ssyncadd.s32 $0xFFFFEC00  }
0xd5: {  	_ =	swait.ge [sflag:s26], $0x1400  }
0xd6: {  	[sflag:s26] =	ssyncset.done $0x0  }
0xd7: {  	s1 =	simm.s32 $0xF0;
	[sflag:s26] =	ssyncadd.s32 $0xFFFFEC00  }
0xd8: {  	[tilespmem:s18], [sflag:$0x2] =	stream.indirect.gather [hbm4b:s4+s15], $0x80, s1, s15, $0xb8;
	[tilespmem:$0x1F720] =	vst v63  }
0xd9: {  	s1 =	simm.s32 $0x2760  }
0xda: {  	[spmem:s2] =	stream.indirect.scatter.add.f32 [tilespmem:s19], [sflag:$0x7], $0x80, s1, s15, $0xb8;
	[tilespmem:$0x1F720] =	vst v63  }
0xdb: {  	_ =	swait.ge [sflag:s13], $0x1400  }
0xdc: {  	[sflag:s13] =	ssyncset.done $0x0  }
0xdd: {  	[sflag:s13] =	ssyncadd.s32 $0xFFFFEC00  }
0xde: {  	_ =	swait.ge [sflag:s28], $0x1400  }
0xdf: {  	[sflag:s28] =	ssyncset.done $0x0  }
0xe0: {  	s1 =	simm.s32 $0x118;
	[sflag:s28] =	ssyncadd.s32 $0xFFFFEC00  }
0xe1: {  	[tilespmem:s19], [sflag:$0x3] =	stream.indirect.gather [hbm4b:s4+s15], $0x80, s1, s15, $0xb8;
	[tilespmem:$0x1F720] =	vst v63  }
0xe2: {  	s1 =	simm.s32 $0x2788  }
0xe3: {  	[spmem:s2] =	stream.indirect.scatter.add.f32 [tilespmem:s20], [sflag:$0x7], $0x80, s1, s15, $0xb8;
	[tilespmem:$0x1F720] =	vst v63  }
0xe4: {  	_ =	swait.ge [sflag:s13], $0x1400  }
0xe5: {  	[sflag:s13] =	ssyncset.done $0x0  }
0xe6: {  	[sflag:s13] =	ssyncadd.s32 $0xFFFFEC00  }
0xe7: {  	_ =	swait.ge [sflag:s29], $0x1400  }
0xe8: {  	[sflag:s29] =	ssyncset.done $0x0  }
0xe9: {  	s1 =	simm.s32 $0x140;
	[sflag:s29] =	ssyncadd.s32 $0xFFFFEC00  }
0xea: {  	[tilespmem:s20], [sflag:$0x4] =	stream.indirect.gather [hbm4b:s4+s15], $0x80, s1, s15, $0xb8;
	[tilespmem:$0x1F720] =	vst v63  }
0xeb: {  	s1 =	simm.s32 $0x27B0  }
0xec: {  	[spmem:s2] =	stream.indirect.scatter.add.f32 [tilespmem:s24], [sflag:$0x7], $0x80, s1, s15, $0xb8;
	[tilespmem:$0x1F720] =	vst v63  }
0xed: {  	_ =	swait.ge [sflag:s13], $0x1400  }
0xee: {  	s31 =	simm.s32 $0x320;
	[sflag:s13] =	ssyncset.done $0x0  }
.LBB2_4:
0xef: {  	p0 =	sne.s32 s31, $0x9600  }
0xf0: {  	[sflag:s13] =	ssyncadd.s32 $0xFFFFEC00;
	s0 =	smov.u32 s31;
	s31 =	sadd.s32 $0x320, s31  }
0xf1: {  	_ = 	snop  }
0xf2: {  	_ =	swait.ge [sflag:s23], $0x1400  }
0xf3: {  	s0 =	sshra.s32 s0, $0x2;
	[sflag:s23] =	ssyncset.done $0x0  }
0xf4: {  	s1 =	sadd.s32 $0xA0, s0;
	[sflag:s23] =	ssyncadd.s32 $0xFFFFEC00  }
0xf5: {  	[tilespmem:s24], [sflag:$0x5] =	stream.indirect.gather [hbm4b:s4+s15], $0x80, s1, s15, $0xb8;
	[tilespmem:$0x1F720] =	vst v63  }
0xf6: {  	s1 =	sadd.s32 $0x2710, s0  }
0xf7: {  	[spmem:s2] =	stream.indirect.scatter.add.f32 [tilespmem:s17], [sflag:$0x7], $0x80, s1, s15, $0xb8;
	[tilespmem:$0x1F720] =	vst v63  }
0xf8: {  	_ =	swait.ge [sflag:s13], $0x1400  }
0xf9: {  	[sflag:s13] =	ssyncset.done $0x0  }
0xfa: {  	[sflag:s13] =	ssyncadd.s32 $0xFFFFEC00  }
0xfb: {  	_ =	swait.ge [sflag:s25], $0x1400  }
0xfc: {  	[sflag:s25] =	ssyncset.done $0x0  }
0xfd: {  	s1 =	sadd.s32 $0xC8, s0;
	[sflag:s25] =	ssyncadd.s32 $0xFFFFEC00  }
0xfe: {  	[tilespmem:s17], [sflag:$0x1] =	stream.indirect.gather [hbm4b:s4+s15], $0x80, s1, s15, $0xb8;
	[tilespmem:$0x1F720] =	vst v63  }
0xff: {  	s1 =	sadd.s32 $0x2738, s0  }
0x100: {  	[spmem:s2] =	stream.indirect.scatter.add.f32 [tilespmem:s18], [sflag:$0x7], $0x80, s1, s15, $0xb8;
	[tilespmem:$0x1F720] =	vst v63  }
0x101: {  	_ =	swait.ge [sflag:s13], $0x1400  }
0x102: {  	[sflag:s13] =	ssyncset.done $0x0  }
0x103: {  	[sflag:s13] =	ssyncadd.s32 $0xFFFFEC00  }
0x104: {  	_ =	swait.ge [sflag:s26], $0x1400  }
0x105: {  	[sflag:s26] =	ssyncset.done $0x0  }
0x106: {  	s1 =	sadd.s32 $0xF0, s0;
	[sflag:s26] =	ssyncadd.s32 $0xFFFFEC00  }
0x107: {  	[tilespmem:s18], [sflag:$0x2] =	stream.indirect.gather [hbm4b:s4+s15], $0x80, s1, s15, $0xb8;
	[tilespmem:$0x1F720] =	vst v63  }
0x108: {  	s1 =	sadd.s32 $0x2760, s0  }
0x109: {  	[spmem:s2] =	stream.indirect.scatter.add.f32 [tilespmem:s19], [sflag:$0x7], $0x80, s1, s15, $0xb8;
	[tilespmem:$0x1F720] =	vst v63  }
0x10a: {  	_ =	swait.ge [sflag:s13], $0x1400  }
0x10b: {  	[sflag:s13] =	ssyncset.done $0x0  }
0x10c: {  	[sflag:s13] =	ssyncadd.s32 $0xFFFFEC00  }
0x10d: {  	_ =	swait.ge [sflag:s28], $0x1400  }
0x10e: {  	[sflag:s28] =	ssyncset.done $0x0  }
0x10f: {  	s1 =	sadd.s32 $0x118, s0;
	[sflag:s28] =	ssyncadd.s32 $0xFFFFEC00  }
0x110: {  	[tilespmem:s19], [sflag:$0x3] =	stream.indirect.gather [hbm4b:s4+s15], $0x80, s1, s15, $0xb8;
	[tilespmem:$0x1F720] =	vst v63  }
0x111: {  	s1 =	sadd.s32 $0x2788, s0  }
0x112: {  	[spmem:s2] =	stream.indirect.scatter.add.f32 [tilespmem:s20], [sflag:$0x7], $0x80, s1, s15, $0xb8;
	[tilespmem:$0x1F720] =	vst v63  }
0x113: {  	_ =	swait.ge [sflag:s13], $0x1400  }
0x114: {  	[sflag:s13] =	ssyncset.done $0x0  }
0x115: {  	[sflag:s13] =	ssyncadd.s32 $0xFFFFEC00  }
0x116: {  	_ =	swait.ge [sflag:s29], $0x1400  }
0x117: {  	[sflag:s29] =	ssyncset.done $0x0  }
0x118: {  	s1 =	sadd.s32 $0x140, s0;
	[sflag:s29] =	ssyncadd.s32 $0xFFFFEC00  }
0x119: {  	[tilespmem:s20], [sflag:$0x4] =	stream.indirect.gather [hbm4b:s4+s15], $0x80, s1, s15, $0xb8;
	[tilespmem:$0x1F720] =	vst v63  }
.Ltmp1:
0x11a: {  	_ = 	snop;
	(pc) =	sbr.rel @p0 .LBB2_4-.Ltmp1, $4  }
0x11b: {  	s0 =	sadd.s32 $0x27B0, s0  }
0x11c: {  	[spmem:s2] =	stream.indirect.scatter.add.f32 [tilespmem:s24], [sflag:$0x7], $0x80, s0, s15, $0xb8;
	[tilespmem:$0x1F720] =	vst v63  }
0x11d: {  	_ =	swait.ge [sflag:s13], $0x1400  }
0x11e: {  	[sflag:s13] =	ssyncset.done $0x0  }
0x11f: {  	[sflag:s13] =	ssyncadd.s32 $0xFFFFEC00  }
0x120: {  	_ =	swait.ge [sflag:s23], $0x1400  }
0x121: {  	[sflag:s23] =	ssyncset.done $0x0  }
0x122: {  	s0 =	simm.s32 $0x26E8;
	[sflag:s23] =	ssyncadd.s32 $0xFFFFEC00  }
0x123: {  	[tilespmem:s24], [sflag:$0x5] =	stream.indirect.gather [hbm4b:s4+s15], $0x80, s0, s15, $0xb8;
	[tilespmem:$0x1F720] =	vst v63  }
0x124: {  	s31 =	simm.s32 $0x4D58  }
0x125: {  	[spmem:s2] =	stream.indirect.scatter.add.f32 [tilespmem:s17], [sflag:$0x7], $0x80, s31, s15, $0xb8;
	[tilespmem:$0x1F720] =	vst v63  }
0x126: {  	_ =	swait.ge [sflag:s13], $0x1400  }
0x127: {  	[sflag:s13] =	ssyncset.done $0x0  }
0x128: {  	[sflag:s13] =	ssyncadd.s32 $0xFFFFEC00  }
0x129: {  	_ =	swait.ge [sflag:s25], $0x1400  }
0x12a: {  	[sflag:s25] =	ssyncset.done $0x0  }
0x12b: {  	s1 =	simm.s32 $0x4D80;
	[sflag:s25] =	ssyncadd.s32 $0xFFFFEC00  }
0x12c: {  	[spmem:s2] =	stream.indirect.scatter.add.f32 [tilespmem:s18], [sflag:$0x7], $0x80, s1, s15, $0xb8;
	[tilespmem:$0x1F720] =	vst v63  }
0x12d: {  	_ =	swait.ge [sflag:s13], $0x1400  }
0x12e: {  	[sflag:s13] =	ssyncset.done $0x0  }
0x12f: {  	[sflag:s13] =	ssyncadd.s32 $0xFFFFEC00  }
0x130: {  	_ =	swait.ge [sflag:s26], $0x1400  }
0x131: {  	[sflag:s26] =	ssyncset.done $0x0  }
0x132: {  	s31 =	simm.s32 $0x4DA8;
	[sflag:s26] =	ssyncadd.s32 $0xFFFFEC00  }
0x133: {  	[spmem:s2] =	stream.indirect.scatter.add.f32 [tilespmem:s19], [sflag:$0x7], $0x80, s31, s15, $0xb8;
	[tilespmem:$0x1F720] =	vst v63  }
0x134: {  	_ =	swait.ge [sflag:s13], $0x1400  }
0x135: {  	[sflag:s13] =	ssyncset.done $0x0  }
0x136: {  	[sflag:s13] =	ssyncadd.s32 $0xFFFFEC00  }
0x137: {  	_ =	swait.ge [sflag:s28], $0x1400  }
0x138: {  	[sflag:s28] =	ssyncset.done $0x0  }
0x139: {  	s1 =	simm.s32 $0x4DD0;
	[sflag:s28] =	ssyncadd.s32 $0xFFFFEC00  }
0x13a: {  	[spmem:s2] =	stream.indirect.scatter.add.f32 [tilespmem:s20], [sflag:$0x7], $0x80, s1, s15, $0xb8;
	[tilespmem:$0x1F720] =	vst v63  }
0x13b: {  	_ =	swait.ge [sflag:s13], $0x1400  }
0x13c: {  	[sflag:s13] =	ssyncset.done $0x0  }
0x13d: {  	[sflag:s13] =	ssyncadd.s32 $0xFFFFEC00  }
0x13e: {  	_ =	swait.ge [sflag:s29], $0x1400  }
0x13f: {  	[sflag:s29] =	ssyncset.done $0x0  }
0x140: {  	s31 =	simm.s32 $0x4DF8;
	[sflag:s29] =	ssyncadd.s32 $0xFFFFEC00  }
0x141: {  	[spmem:s2] =	stream.indirect.scatter.add.f32 [tilespmem:s24], [sflag:$0x7], $0x80, s31, s15, $0xb8;
	[tilespmem:$0x1F720] =	vst v63  }
0x142: {  	_ =	swait.ge [sflag:s13], $0x1400  }
0x143: {  	[sflag:s13] =	ssyncset.done $0x0  }
0x144: {  	s1 =	stileid.u32;
	[sflag:s13] =	ssyncadd.s32 $0xFFFFEC00  }
0x145: {  	s0 =	sshll.u32 s1, $0x6;
	[bflag:$0x0] =	sbarrier.arrive $0xFFFF  }
0x146: {  	s1 =	sshrl.u32 s8, $0x3;
	s0 =	sor.u32 $0x1C06, s0;
	s31 =	rddreg [dreg:$0x5]  }
0x147: {  	[hbm:s31], [sflag:s0] =	dma.local [spmem:s1], $0x7D0  }
0x148: {  	s1 =	sshrl.u32 s10, $0x3;
	s31 =	rddreg [dreg:$0x6]  }
0x149: {  	[hbm:s31], [sflag:s0] =	dma.local [spmem:s1], $0x7D0  }
0x14a: {  	s1 =	sshrl.u32 s12, $0x3;
	s31 =	rddreg [dreg:$0x7]  }
0x14b: {  	[hbm:s31], [sflag:s0] =	dma.local [spmem:s1], $0x7D0  }
0x14c: {  	s1 =	sshrl.u32 s14, $0x3;
	s31 =	rddreg [dreg:$0x8]  }
0x14d: {  	[hbm:s31], [sflag:s0] =	dma.local [spmem:s1], $0x7D0  }
0x14e: {  	s1 =	sshrl.u32 s16, $0x3;
	s31 =	rddreg [dreg:$0x9]  }
0x14f: {  	[hbm:s31], [sflag:s0] =	dma.local [spmem:s1], $0x7D0  }
0x150: {  	_ =	swait.ge [sflag:s22], $0x7D0  }
0x151: {  	[sflag:s22] =	ssyncset.done $0x0  }
0x152: {  	[sflag:s22] =	ssyncadd.s32 $0xFFFFF830  }
0x153: {  	_ =	swait.ge [sflag:s22], $0x7D0  }
0x154: {  	[sflag:s22] =	ssyncset.done $0x0  }
0x155: {  	[sflag:s22] =	ssyncadd.s32 $0xFFFFF830  }
0x156: {  	_ =	swait.ge [sflag:s22], $0x7D0  }
0x157: {  	[sflag:s22] =	ssyncset.done $0x0  }
0x158: {  	[sflag:s22] =	ssyncadd.s32 $0xFFFFF830  }
0x159: {  	_ =	swait.ge [sflag:s22], $0x7D0  }
0x15a: {  	[sflag:s22] =	ssyncset.done $0x0  }
0x15b: {  	[sflag:s22] =	ssyncadd.s32 $0xFFFFF830  }
0x15c: {  	_ =	swait.ge [sflag:s22], $0x7D0  }
0x15d: {  	s30 =	sadd.s32 $0x1, s30;
	s31 =	rddreg [dreg:$0xa]  }
0x15e: {  	p0 =	sne.s32 s30, s31  }
.Ltmp2:
0x15f: {  	_ = 	snop;
	(pc) =	sbr.rel @p0 .LBB2_1-.Ltmp2, $3  }
0x160: {  	_ =	sdelay $0x1  }
0x161: {  	[sflag:s22] =	ssyncset.done $0x0  }
0x162: {  	[sflag:s22] =	ssyncadd.s32 $0xFFFFF830  }
0x163: {  	_ =	sfence.sel $0x180000  }
0x164: {  	[bflag:$0x0] =	sbarrier.arrive $0xFFFF  }
0x165: {  	_ =	strace $0x9000004D  }
0x166: {  	s0 =	stileid.u32;
	[bflag:$0x2] =	sbarrier.arrive $0xFFFF  }
0x167: {  	p0 =	sne.s32 s0, $0x0;
	s0 =	rddreg [dreg:$0x2]  }
0x168: {  	s0 =	sadd.s32 @!p0 $0x100000, s0  }
0x169: {  	[sflag:s0] =	ssyncadd.tile.s32 @!p0 $0x1;
	_ =	shalt  }
.Lfunc_end2:
_tile_overlayer_lowered:
.L_overlay_start_2:
0x16a: {  	(tag) =	ssettag $0x2  }
0x16b: {  	s0 =	rddreg [dreg:$0x0];
	s2 =	stileid.u32  }
0x16c: {  	s1 =	rddreg [dreg:$0x1];
	p0 =	sne.s32 s2, $0x0  }
0x16d: {  	s3 =	rddreg [dreg:$0x2];
	[bflag:$0x3] =	sbarrier.arrive $0xFFFF;
	s2 =	simm.s32 @!p0 $0x1C07  }
0x16e: {  	[timem:s3], [sflag:s2] =	dma.local @!p0 [hbm:s0], s1  }
0x16f: {  	s0 =	simm.s32 @!p0 $0x7  }
0x170: {  	_ =	swait.ge @!p0 [sflag:s0], s1  }
0x171: {  	s1 =	ssub.s32 @!p0 $0x0, s1;
	[sflag:s0] =	ssyncset.done @!p0 $0x0  }
0x172: {  	[sflag:s0] =	ssyncadd.s32 @!p0 s1  }
0x173: {  	[bflag:$0x3] =	sbarrier.arrive $0xFFFF  }
0x174: {  	_ =	shalt  }

// kernel: kernel.8.cloned.1.call-start
scs
__scs_entry_jumppad:
0x0: {  	(pc) =	sbr.rel $0x88, $3  }
0x1: {  	(tag) =	ssettag $0x0;
	lr =	simm.s32 $0x1  }
0x2: {  	[smem:$0x3F86] =	sst lr;
	_ =	strace $0xD0000000  }
0x3: {  	_ = 	snop  }
0x4: {  	_ = 	snop  }
0x5: {  	_ = 	snop  }
0x6: {  	_ = 	snop  }
0x7: {  	_ = 	snop  }
__scs_overlays_trampoline_lowered:
0x8: {  	[smem:$0x3F95] =	sst s0  }
0x9: {  	[smem:$0x3F96] =	sst s1  }
0xa: {  	[smem:$0x3F97] =	sst s2  }
0xb: {  	[smem:$0x3F98] =	sst s3  }
0xc: {  	[smem:$0x3F99] =	sst s4  }
0xd: {  	[smem:$0x3F9A] =	sst s5  }
0xe: {  	[smem:$0x3F9B] =	sst s6  }
0xf: {  	[smem:$0x3F9C] =	sst s7  }
0x10: {  	[smem:$0x3F9D] =	sst s8  }
0x11: {  	[smem:$0x3F9E] =	sst s9;
	s0 =	simm.s32 @!p0 $0x0  }
0x12: {  	s1 =	sld [smem:$0x3F84];
	s0 =	simm.s32 @p0 $0x1  }
0x13: {  	[smem:$0x3F9F] =	sst s0;
	s0 =	simm.s32 @!p1 $0x0  }
0x14: {  	s2 =	sld [smem:$0x3F83];
	s0 =	simm.s32 @p1 $0x1  }
0x15: {  	[smem:$0x3FA0] =	sst s0;
	s0 =	simm.s32 @!p2 $0x0  }
0x16: {  	s3 =	sld [smem:$0x3FDB];
	s0 =	simm.s32 @p2 $0x1  }
0x17: {  	s4 =	simm.s32 $0x1BF5;
	[smem:$0x3FA2] =	sst s0  }
0x18: {  	s0 =	sld [smem:$0x3F85];
	_ =	swait.ge [sflag:s4], $0x0  }
0x19: {  	s7 =	sld [smem:$0x3F86]  }
0x1a: {  	s8 =	sadd.s32 $0xFFFFE003, lr  }
0x1b: {  	s9 =	sadd.s32 $0xFFFFFEF7, lr;
	s5 =	simm.s32 $0xFFFFFFFF;
	p2 =	slt.u32 s8, $0xFFFFF086  }
0x1c: {  	p1 =	slt.u32 s9, $0xF7A;
	s5 =	simm.s32 @!p2 $0x0  }
0x1d: {  	s5 =	simm.s32 @p1 $0x1;
	p0 =	seq.s32 s7, s2  }
0x1e: {  	s7 =	smul.u32 @!p0 $0xF7A, s2;
	p2 =	seq.s32 @!p0 s5, $0x0  }
0x1f: {  	s9 =	smul.u32 $0xF7A, s1;
	s8 =	simm.s32 @!p0 $0x1BF5;
	p2 =	por !p2, p0  }
0x20: {  	[sflag:s8] =	ssyncset.s32 @!p0 $0xFFFFF086;
	s6 =	sadd.s32 @!p0 s3, s7;
	s7 =	simm.s32 @!p0 $0x108  }
0x21: {  	s3 =	sadd.s32 s3, s9;
	s6 =	sadd.s32 @!p0 $0x88, s6;
	s7 =	simm.s32 @p2 $0x1082  }
0x22: {  	[simem:s7], [sflag:s8] =	dma.local @!p0 [hbm:s6], $0xF7A  }
0x23: {  	s9 =	sor.u32 $0xD0000000, s2;
	s6 =	simm.s32 $0x108;
	_ =	swait.ge @!p0 [sflag:s8], $0x0  }
0x24: {  	s3 =	sadd.s32 $0x88, s3;
	s6 =	simm.s32 @!p1 $0x1082;
	[sflag:s4] =	ssyncset.s32 $0xFFFFF086  }
0x25: {  	[simem:s6], [sflag:s4] =	dma.local [hbm:s3], $0xF7A  }
0x26: {  	[smem:$0x3F86] =	sst s1;
	(tag) =	ssettag s2;
	_ =	strace s9  }
0x27: {  	s1 =	sld [smem:$0x3F96]  }
0x28: {  	s2 =	sld [smem:$0x3F97]  }
0x29: {  	s4 =	sld [smem:$0x3F99]  }
0x2a: {  	p0 =	seq.s32 s5, $0x0;
	s5 =	sld [smem:$0x3F9A]  }
0x2b: {  	s6 =	sld [smem:$0x3F9B]  }
0x2c: {  	s7 =	sld [smem:$0x3F9C]  }
0x2d: {  	s3 =	simm.s32 $0x108;
	s8 =	sld [smem:$0x3F9D]  }
0x2e: {  	s3 =	simm.s32 @!p0 $0x1082;
	s9 =	sld [smem:$0x3F9E]  }
0x2f: {  	lr =	sadd.s32 s0, s3;
	s0 =	sld [smem:$0x3F95]  }
0x30: {  	s3 =	sld [smem:$0x3F98]  }
0x31: {  	[smem:$0x3FA1] =	sst s10  }
0x32: {  	s10 =	sld [smem:$0x3F9F];
	_ =	sdelay $0x3  }
0x33: {  	p0 =	seq.s32 s10, $0x1;
	s10 =	sld [smem:$0x3FA1];
	_ =	sdelay $0x3  }
0x34: {  	[smem:$0x3FA1] =	sst s10  }
0x35: {  	s10 =	sld [smem:$0x3FA0];
	_ =	sdelay $0x3  }
0x36: {  	p1 =	seq.s32 s10, $0x1;
	s10 =	sld [smem:$0x3FA1];
	_ =	sdelay $0x3  }
0x37: {  	[smem:$0x3FA1] =	sst s10  }
0x38: {  	s10 =	sld [smem:$0x3FA2]  }
0x39: {  	_ = 	snop;
	(pc) =	sbr.ind lr, $3  }
0x3a: {  	_ = 	snop  }
0x3b: {  	_ = 	snop  }
0x3c: {  	p2 =	seq.s32 s10, $0x1;
	s10 =	sld [smem:$0x3FA1]  }
0x3d: {  	_ =	shalt  }
0x3e: {  	_ =	shalt  }
0x3f: {  	_ =	shalt  }
0x40: {  	_ =	shalt  }
0x41: {  	_ =	shalt  }
0x42: {  	_ =	shalt  }
0x43: {  	_ =	shalt  }
0x44: {  	_ =	shalt  }
0x45: {  	_ =	shalt  }
0x46: {  	_ =	shalt  }
0x47: {  	_ =	shalt  }
0x48: {  	_ =	shalt  }
0x49: {  	_ =	shalt  }
0x4a: {  	_ =	shalt  }
0x4b: {  	_ =	shalt  }
0x4c: {  	_ =	shalt  }
0x4d: {  	_ =	shalt  }
0x4e: {  	_ =	shalt  }
0x4f: {  	_ =	shalt  }
0x50: {  	_ =	shalt  }
0x51: {  	_ =	shalt  }
0x52: {  	_ =	shalt  }
0x53: {  	_ =	shalt  }
0x54: {  	_ =	shalt  }
0x55: {  	_ =	shalt  }
0x56: {  	_ =	shalt  }
0x57: {  	_ =	shalt  }
0x58: {  	_ =	shalt  }
0x59: {  	_ =	shalt  }
0x5a: {  	_ =	shalt  }
0x5b: {  	_ =	shalt  }
0x5c: {  	_ =	shalt  }
0x5d: {  	_ =	shalt  }
0x5e: {  	_ =	shalt  }
0x5f: {  	_ =	shalt  }
0x60: {  	_ =	shalt  }
0x61: {  	_ =	shalt  }
0x62: {  	_ =	shalt  }
0x63: {  	_ =	shalt  }
0x64: {  	_ =	shalt  }
0x65: {  	_ =	shalt  }
0x66: {  	_ =	shalt  }
0x67: {  	_ =	shalt  }
0x68: {  	_ =	shalt  }
0x69: {  	_ =	shalt  }
0x6a: {  	_ =	shalt  }
0x6b: {  	_ =	shalt  }
0x6c: {  	_ =	shalt  }
0x6d: {  	_ =	shalt  }
0x6e: {  	_ =	shalt  }
0x6f: {  	_ =	shalt  }
0x70: {  	_ =	shalt  }
0x71: {  	_ =	shalt  }
0x72: {  	_ =	shalt  }
0x73: {  	_ =	shalt  }
0x74: {  	_ =	shalt  }
0x75: {  	_ =	shalt  }
0x76: {  	_ =	shalt  }
0x77: {  	_ =	shalt  }
0x78: {  	_ =	shalt  }
0x79: {  	_ =	shalt  }
0x7a: {  	_ =	shalt  }
0x7b: {  	_ =	shalt  }
0x7c: {  	_ =	shalt  }
0x7d: {  	_ =	shalt  }
0x7e: {  	_ =	shalt  }
0x7f: {  	_ =	shalt  }
0x80: {  	_ =	shalt  }
0x81: {  	_ =	shalt  }
0x82: {  	_ =	shalt  }
0x83: {  	_ =	shalt  }
0x84: {  	_ =	shalt  }
0x85: {  	_ =	shalt  }
0x86: {  	_ =	shalt  }
0x87: {  	_ =	shalt  }
.Lfunc_end0:
.L_simem_size_0:
called_computation_lowered:
.L_overlay_start_0:
0x88: {  	s2 =	sld [smem:$0x3FD9]  }
0x89: {  	s3 =	sld [smem:$0x3FFE];
	_ =	sdelay $0x1  }
0x8a: {  	s1 =	srdreg.scid  }
0x8b: {  	s0 =	sand.u32 $0x1, s1  }
0x8c: {  	s17 =	sshll.u32 s0, $0xA;
	s2 =	sadd.s32 s3, s2  }
0x8d: {  	s2 =	sadd.s32 s2, s17  }
0x8e: {  	[smem:$0x3FAD] =	sst s2  }
0x8f: {  	_ = 	snop  }
0x90: {  	s2 =	sld [smem:$0x3FC9];
	(tm) =	ssettm $0x1  }
0x91: {  	s18 =	sld [smem:$0x3FFB];
	_ =	sdelay $0x3  }
0x92: {  	_ =	strace s18  }
0x93: {  	s3 =	sld [smem:$0x3FFC];
	_ =	sdelay $0x3  }
0x94: {  	_ =	strace s3  }
0x95: {  	s3 =	sld [smem:$0x3FFD];
	_ =	sdelay $0x3  }
0x96: {  	_ =	strace s3  }
0x97: {  	_ =	strace $0x8FFFFFFF  }
0x98: {  	s19 =	sld [smem:$0x3FDB];
	_ =	sdelay $0x1  }
0x99: {  	s4 =	simm.s32 $_scs_section_size  }
0x9a: {  	s5 =	simm.s32 $_size__tile_overlayer_lowered;
	s6 =	simm.s32 $_tile_overlayer_lowered  }
0x9b: {  	s22 =	simm.s32 $0x1BFF;
	s21 =	sshll.u32 s6, $0x1;
	s3 =	sadd.s32 s4, s19  }
0x9c: {  	s7 =	simm.s32 $0x0;
	s20 =	sshll.u32 s5, $0x1;
	s5 =	sadd.s32 s21, s3  }
0x9d: {  	[timem:s7], [sflag:s22] =	dma.local [hbm:s5], s20  }
0x9e: {  	_ =	swait.ge [sflag:s22], s20  }
0x9f: {  	s4 =	ssub.s32 $0x0, s20;
	[sflag:s22] =	ssyncset.done $0x0  }
0xa0: {  	[sflag:s22] =	ssyncadd.s32 s4;
	_ =	sdelay $0x1  }
0xa1: {  	s23 =	simm.s32 $0x1B8B  }
0xa2: {  	_ =	swait.ge [sflag:s23], $0x1  }
0xa3: {  	[sflag:s23] =	ssyncset.done $0x0  }
0xa4: {  	s25 =	simm.s32 $0x1B8E;
	s24 =	sld [smem:$0x3FFE];
	[sflag:s23] =	ssyncadd.s32 $0xFFFFFFFF  }
0xa5: {  	s26 =	simm.s32 $execute0_lowered;
	[smem:$0x3FD2] =	sst s25  }
0xa6: {  	s5 =	sshll.u32 s26, $0x1;
	_ =	strace $0x80000046;
	[dreg:$0x1] =	wrdreg $0xFFFFFFFF  }
0xa7: {  	s28 =	simm.s32 $_size_execute0_lowered;
	s3 =	sadd.s32 s3, s5;
	[dreg:$0x0] =	wrdreg $0x0  }
0xa8: {  	s5 =	sshll.u32 s28, $0x1;
	[dreg:$0x2] =	wrdreg s3  }
0xa9: {  	[dreg:$0x3] =	wrdreg s5  }
0xaa: {  	[dreg:$0x4] =	wrdreg $0xC0  }
0xab: {  	_ =	task [dreg:s7], $0x5FFFF  }
0xac: {  	[dreg:$0x1] =	wrdreg $0xFFFFFFFF  }
0xad: {  	[dreg:$0x0] =	wrdreg $0x60  }
0xae: {  	[dreg:$0x2] =	wrdreg s2  }
0xaf: {  	[dreg:$0x3] =	wrdreg s24  }
0xb0: {  	[dreg:$0x4] =	wrdreg $0xBEA00  }
0xb1: {  	[dreg:$0x5] =	wrdreg $0x9  }
0xb2: {  	_ =	task.clear_ibuf [dreg:s7], $0x6FFFF;
	_ =	strace $0x90000046  }
0xb3: {  	s29 =	simm.s32 $0x9;
	_ =	strace $0x80000048  }
0xb4: {  	_ =	swait.ge [sflag:s29], $0x1  }
0xb5: {  	[sflag:s29] =	ssyncadd.s32 $0xFFFFFFFF  }
0xb6: {  	_ =	strace $0x90000048  }
0xb7: {  	_ =	sfence  }
0xb8: {  	s30 =	sld [smem:$0x0];
	_ =	sdelay $0x2  }
0xb9: {  	s31 =	sshll.u32 s1, $0xD;
	s1 =	sshrl.u32 s1, $0x2  }
0xba: {  	s3 =	sand.u32 $0x4000, s31;
	s1 =	sadd.s32 s1, s30  }
0xbb: {  	s0 =	sor.u32 s3, s0;
	s1 =	sshll.u32 s1, $0x11  }
0xbc: {  	s0 =	sor.u32 s1, s0  }
0xbd: {  	s0 =	sadd.s32 $0x8F2B, s0  }
0xbe: {  	[sflag:s0] =	ssyncadd.remote.s32 $0x1  }
0xbf: {  	_ =	sfence.sel $0xFFFF  }
0xc0: {  	[dreg:$0x0] =	wrdreg $0xFFFFFFFF;
	(pc) =	sbr.abs _section_cstart, $3  }
0xc1: {  	[dreg:$0x1] =	wrdreg $0xFFFFFFFF  }
0xc2: {  	_ =	task.clear_ibuf [dreg:s7], $0x2FFFF;
	_ =	strace $0x9FFFFFFF  }
0xc3: {  	(tm) =	ssettm $0x7FFFFFFF  }
tec
execute0_lowered:
.L_overlay_start_1:
0x0: {  	(tag) =	ssettag $0x1  }
0x1: {  	s1 =	rddreg [dreg:$0x0]  }
0x2: {  	s0 =	srdreg.scid;
	s2 =	rddreg [dreg:$0x1]  }
0x3: {  	s9 =	stileid.u32;
	s3 =	rddreg [dreg:$0x2]  }
0x4: {  	s28 =	simm.s32 $0x4;
	s0 =	sand.u32 $0x1, s0;
	s6 =	smul.u32 $0x271, s9  }
0x5: {  	s4 =	sshll.u32 s0, $0x4;
	s7 =	ssub.s32 $0x2, s0;
	s0 =	smul.u32 $0x2710, s0  }
0x6: {  	s5 =	sor.u32 s9, s4;
	s4 =	simm.s32 $0x0;
	s8 =	sshrl.u32 s7, $0x1  }
0x7: {  	s9 =	smul.u32 $0x4E200, s9;
	s10 =	sadd.s32 $0x7D, s6;
	s24 =	sadd.s32 $0xFA, s6  }
0x8: {  	s11 =	sadd.s32 $0x177, s6;
	s5 =	smul.u32 $0x4E2, s5;
	[smem:$0x7FF] =	sst s4  }
0x9: {  	s7 =	ssub.s32 s7, s8;
	s20 =	sadd.s32 s6, s0;
	s22 =	sadd.s32 s0, s10  }
0xa: {  	s25 =	sadd.s32 s0, s24;
	s26 =	sadd.s32 s0, s11;
	s6 =	sadd.s32 $0x1F4, s6  }
0xb: {  	_ =	strace $0x80000047;
	s8 =	sshll.u32 s20, $0x4;
	s23 =	sshrl.u32 s9, $0x2  }
0xc: {  	s9 =	sshll.u32 s24, $0x7;
	s7 =	smax.u32 s7, $0x1;
	s5 =	sadd.s32 s5, s2  }
0xd: {  	s0 =	sadd.s32 s0, s6;
	[dreg:$0xb] =	wrdreg s7;
	s19 =	sadd.s32 $0xF600, s5  }
0xe: {  	s2 =	sadd.s32 $0x19400, s2;
	s5 =	sadd.s32 $0x5800, s5;
	[dreg:$0x4] =	wrdreg s19  }
0xf: {  	s0 =	sshll.u32 s0, $0x4;
	s21 =	sadd.s32 s2, s8;
	[dreg:$0x5] =	wrdreg s5  }
0x10: {  	s8 =	sadd.s32 s23, s3;
	s0 =	sadd.s32 s2, s0;
	[dreg:$0x6] =	wrdreg s21  }
0x11: {  	s12 =	sadd.s32 s9, s3;
	[dreg:$0xa] =	wrdreg s0;
	s9 =	sadd.s32 $0xC80, s8  }
0x12: {  	s31 =	sshll.u32 s11, $0x7;
	s11 =	sadd.s32 $0x1900, s8;
	[dreg:$0xc] =	wrdreg s9  }
0x13: {  	s29 =	simm.s32 $0x5;
	s13 =	sadd.s32 $0x2580, s8;
	[dreg:$0xd] =	wrdreg s11  }
0x14: {  	s30 =	simm.s32 $0x0;
	s15 =	sadd.s32 $0x3200, s8;
	[dreg:$0xe] =	wrdreg s13  }
0x15: {  	s10 =	sshll.u32 s10, $0x7;
	s17 =	sadd.s32 $0x4B00, s8;
	[dreg:$0xf] =	wrdreg s15  }
0x16: {  	s10 =	sadd.s32 s10, s3;
	s18 =	sadd.s32 $0x5780, s8;
	[dreg:$0x10] =	wrdreg s17  }
0x17: {  	s6 =	sshll.u32 s6, $0x7;
	s19 =	sadd.s32 $0x6400, s8;
	[dreg:$0x11] =	wrdreg s18  }
0x18: {  	s14 =	sadd.s32 s31, s3;
	s20 =	sadd.s32 $0x7080, s8;
	[dreg:$0x12] =	wrdreg s19  }
0x19: {  	s16 =	sadd.s32 s6, s3;
	s21 =	sadd.s32 $0x8980, s8;
	[dreg:$0x13] =	wrdreg s20  }
0x1a: {  	s5 =	sshll.u32 s22, $0x4;
	s22 =	sadd.s32 $0x9600, s8;
	[dreg:$0x14] =	wrdreg s21  }
0x1b: {  	s23 =	sadd.s32 $0xA280, s8;
	s24 =	sadd.s32 $0xAF00, s8;
	[dreg:$0x15] =	wrdreg s22  }
0x1c: {  	s31 =	sadd.s32 $0xE100, s8;
	s6 =	sadd.s32 $0x10680, s8;
	[dreg:$0x16] =	wrdreg s23  }
0x1d: {  	s7 =	sadd.s32 $0x11300, s8;
	s5 =	sadd.s32 s2, s5;
	[dreg:$0x17] =	wrdreg s24  }
0x1e: {  	[dreg:$0x1a] =	wrdreg s31;
	s9 =	sadd.s32 $0x11F80, s8;
	s11 =	sadd.s32 $0x12C00, s8  }
0x1f: {  	s13 =	simm.s32 $0x7;
	s15 =	simm.s32 $0x28;
	s17 =	simm.s32 $0x4E20  }
0x20: {  	s18 =	simm.s32 $0x6220;
	s19 =	simm.s32 $0x7620;
	s20 =	simm.s32 $0x8A20  }
0x21: {  	s21 =	simm.s32 $0xB220;
	s22 =	simm.s32 $0x6;
	s23 =	simm.s32 $0x1  }
0x22: {  	[dreg:$0x7] =	wrdreg s5;
	s5 =	sshll.u32 s25, $0x4;
	s25 =	sadd.s32 $0xC800, s8  }
0x23: {  	s24 =	simm.s32 $0x9E20;
	s5 =	sadd.s32 s2, s5;
	[dreg:$0x18] =	wrdreg s25  }
0x24: {  	[dreg:$0x8] =	wrdreg s5;
	s5 =	sshll.u32 s26, $0x4;
	s26 =	sadd.s32 $0xD480, s8  }
0x25: {  	s25 =	simm.s32 $0x2;
	s5 =	sadd.s32 s2, s5;
	[dreg:$0x19] =	wrdreg s26  }
0x26: {  	v0 =	vimm.f32 $0.0e+00;
	s26 =	simm.s32 $0x3;
	[dreg:$0x9] =	wrdreg s5;
	s5 =	sadd.s32 $0xED80, s8  }
.LBB2_1:
0x27: {  	s0 =	rddreg [dreg:$0x4]  }
0x28: {  	[tilespmem:s4], [sflag:$0x7] =	stream.linear.gather [hbm4b:s0+s4], $0x2710, $0x38;
	[tilespmem:$0x1F720] =	vst v63  }
0x29: {  	_ =	swait.ge [sflag:s13], $0x2710  }
0x2a: {  	[sflag:s13] =	ssyncset.done $0x0  }
0x2b: {  	s2 =	simm.s32 $0x2710;
	s0 =	rddreg [dreg:$0x5];
	[sflag:s13] =	ssyncadd.s32 $0xFFFFD8F0  }
0x2c: {  	[tilespmem:s2], [sflag:$0x7] =	stream.linear.gather [hbm4b:s0+s4], $0x2710, $0x38;
	[tilespmem:$0x1F720] =	vst v63  }
0x2d: {  	_ =	swait.ge [sflag:s13], $0x2710  }
0x2e: {  	[sflag:s13] =	ssyncset.done $0x0  }
0x2f: {  	[sflag:s13] =	ssyncadd.s32 $0xFFFFD8F0  }
0x30: {  	[tilespmem:s17], [sflag:$0x1] =	stream.indirect.gather [hbm4b:s1+s15], $0x80, s4, s15, $0xb8;
	[tilespmem:$0x1F720] =	vst v63  }
0x31: {  	_ = 	snop  }
0x32: {  	[tilespmem:s18], [sflag:$0x2] =	stream.indirect.gather [hbm4b:s1+s15], $0x80, s15, s15, $0xb8;
	[tilespmem:$0x1F720] =	vst v63  }
0x33: {  	s2 =	simm.s32 $0x50  }
0x34: {  	[tilespmem:s19], [sflag:$0x3] =	stream.indirect.gather [hbm4b:s1+s15], $0x80, s2, s15, $0xb8;
	[tilespmem:$0x1F720] =	vst v63  }
0x35: {  	s2 =	simm.s32 $0x78  }
0x36: {  	[tilespmem:s20], [sflag:$0x4] =	stream.indirect.gather [hbm4b:s1+s15], $0x80, s2, s15, $0xb8;
	[tilespmem:$0x1F720] =	vst v63  }
0x37: {  	s31 =	simm.s32 $0x200;
	s2 =	simm.s32 $0x0  }
.LBB2_2:
0x38: {  	p0 =	sne.s32 s31, $0x3000;
	[tilespmem:s2+$0xB290] =	vst v0  }
0x39: {  	[tilespmem:s2+$0xB220] =	vst v0  }
0x3a: {  	[tilespmem:s2+$0xB230] =	vst v0  }
.Ltmp0:
0x3b: {  	[tilespmem:s2+$0xB240] =	vst v0;
	(pc) =	sbr.rel @p0 .LBB2_2-.Ltmp0, $4  }
0x3c: {  	[tilespmem:s2+$0xB250] =	vst v0  }
0x3d: {  	[tilespmem:s2+$0xB260] =	vst v0  }
0x3e: {  	[tilespmem:s2+$0xB270] =	vst v0  }
0x3f: {  	[tilespmem:s2+$0xB280] =	vst v0;
	s2 =	sshra.s32 s31, $0x2;
	s31 =	sadd.s32 $0x200, s31  }
0x40: {  	[tilespmem:s2+$0xB290] =	vst v0  }
0x41: {  	[tilespmem:s2+$0xB220] =	vst v0  }
0x42: {  	[tilespmem:s2+$0xB230] =	vst v0  }
0x43: {  	[tilespmem:s2+$0xB240] =	vst v0  }
0x44: {  	[tilespmem:s2+$0xB250] =	vst v0  }
0x45: {  	[tilespmem:s2+$0xB260] =	vst v0  }
0x46: {  	[tilespmem:s2+$0xB270] =	vst v0  }
0x47: {  	[tilespmem:s2+$0xB280] =	vst v0  }
0x48: {  	[spmem:s8] =	stream.linear.scatter [tilespmem:s21], [sflag:$0x6], $0xC80, $0x38;
	[tilespmem:$0x1F720] =	vst v63  }
0x49: {  	s0 =	rddreg [dreg:$0xc]  }
0x4a: {  	[spmem:s0] =	stream.linear.scatter [tilespmem:s21], [sflag:$0x6], $0xC80, $0x38;
	[tilespmem:$0x1F720] =	vst v63  }
0x4b: {  	s2 =	rddreg [dreg:$0xd]  }
0x4c: {  	[spmem:s2] =	stream.linear.scatter [tilespmem:s21], [sflag:$0x6], $0xC80, $0x38;
	[tilespmem:$0x1F720] =	vst v63  }
0x4d: {  	s2 =	rddreg [dreg:$0xe]  }
0x4e: {  	[spmem:s2] =	stream.linear.scatter [tilespmem:s21], [sflag:$0x6], $0xC80, $0x38;
	[tilespmem:$0x1F720] =	vst v63  }
0x4f: {  	s2 =	rddreg [dreg:$0xf]  }
0x50: {  	[spmem:s2] =	stream.linear.scatter [tilespmem:s21], [sflag:$0x6], $0xC80, $0x38;
	[tilespmem:$0x1F720] =	vst v63  }
0x51: {  	_ = 	snop  }
0x52: {  	[spmem:s10] =	stream.linear.scatter [tilespmem:s21], [sflag:$0x6], $0xC80, $0x38;
	[tilespmem:$0x1F720] =	vst v63  }
0x53: {  	s2 =	rddreg [dreg:$0x10]  }
0x54: {  	[spmem:s2] =	stream.linear.scatter [tilespmem:s21], [sflag:$0x6], $0xC80, $0x38;
	[tilespmem:$0x1F720] =	vst v63  }
0x55: {  	s2 =	rddreg [dreg:$0x11]  }
0x56: {  	[spmem:s2] =	stream.linear.scatter [tilespmem:s21], [sflag:$0x6], $0xC80, $0x38;
	[tilespmem:$0x1F720] =	vst v63  }
0x57: {  	s2 =	rddreg [dreg:$0x12]  }
0x58: {  	[spmem:s2] =	stream.linear.scatter [tilespmem:s21], [sflag:$0x6], $0xC80, $0x38;
	[tilespmem:$0x1F720] =	vst v63  }
0x59: {  	s2 =	rddreg [dreg:$0x13]  }
0x5a: {  	[spmem:s2] =	stream.linear.scatter [tilespmem:s21], [sflag:$0x6], $0xC80, $0x38;
	[tilespmem:$0x1F720] =	vst v63  }
0x5b: {  	_ = 	snop  }
0x5c: {  	[spmem:s12] =	stream.linear.scatter [tilespmem:s21], [sflag:$0x6], $0xC80, $0x38;
	[tilespmem:$0x1F720] =	vst v63  }
0x5d: {  	s2 =	rddreg [dreg:$0x14]  }
0x5e: {  	[spmem:s2] =	stream.linear.scatter [tilespmem:s21], [sflag:$0x6], $0xC80, $0x38;
	[tilespmem:$0x1F720] =	vst v63  }
0x5f: {  	s2 =	rddreg [dreg:$0x15]  }
0x60: {  	[spmem:s2] =	stream.linear.scatter [tilespmem:s21], [sflag:$0x6], $0xC80, $0x38;
	[tilespmem:$0x1F720] =	vst v63  }
0x61: {  	s2 =	rddreg [dreg:$0x16]  }
0x62: {  	[spmem:s2] =	stream.linear.scatter [tilespmem:s21], [sflag:$0x6], $0xC80, $0x38;
	[tilespmem:$0x1F720] =	vst v63  }
0x63: {  	s2 =	rddreg [dreg:$0x17]  }
0x64: {  	[spmem:s2] =	stream.linear.scatter [tilespmem:s21], [sflag:$0x6], $0xC80, $0x38;
	[tilespmem:$0x1F720] =	vst v63  }
0x65: {  	_ = 	snop  }
0x66: {  	[spmem:s14] =	stream.linear.scatter [tilespmem:s21], [sflag:$0x6], $0xC80, $0x38;
	[tilespmem:$0x1F720] =	vst v63  }
0x67: {  	s2 =	rddreg [dreg:$0x18]  }
0x68: {  	[spmem:s2] =	stream.linear.scatter [tilespmem:s21], [sflag:$0x6], $0xC80, $0x38;
	[tilespmem:$0x1F720] =	vst v63  }
0x69: {  	s2 =	rddreg [dreg:$0x19]  }
0x6a: {  	[spmem:s2] =	stream.linear.scatter [tilespmem:s21], [sflag:$0x6], $0xC80, $0x38;
	[tilespmem:$0x1F720] =	vst v63  }
0x6b: {  	s2 =	rddreg [dreg:$0x1a]  }
0x6c: {  	[spmem:s2] =	stream.linear.scatter [tilespmem:s21], [sflag:$0x6], $0xC80, $0x38;
	[tilespmem:$0x1F720] =	vst v63  }
0x6d: {  	_ = 	snop  }
0x6e: {  	[spmem:s5] =	stream.linear.scatter [tilespmem:s21], [sflag:$0x6], $0xC80, $0x38;
	[tilespmem:$0x1F720] =	vst v63  }
0x6f: {  	_ = 	snop  }
0x70: {  	[spmem:s16] =	stream.linear.scatter [tilespmem:s21], [sflag:$0x6], $0xC80, $0x38;
	[tilespmem:$0x1F720] =	vst v63  }
0x71: {  	_ = 	snop  }
0x72: {  	[spmem:s6] =	stream.linear.scatter [tilespmem:s21], [sflag:$0x6], $0xC80, $0x38;
	[tilespmem:$0x1F720] =	vst v63  }
0x73: {  	_ = 	snop  }
0x74: {  	[spmem:s7] =	stream.linear.scatter [tilespmem:s21], [sflag:$0x6], $0xC80, $0x38;
	[tilespmem:$0x1F720] =	vst v63  }
0x75: {  	_ = 	snop  }
0x76: {  	[spmem:s9] =	stream.linear.scatter [tilespmem:s21], [sflag:$0x6], $0xC80, $0x38;
	[tilespmem:$0x1F720] =	vst v63  }
0x77: {  	_ = 	snop  }
0x78: {  	[spmem:s11] =	stream.linear.scatter [tilespmem:s21], [sflag:$0x6], $0xC80, $0x38;
	[tilespmem:$0x1F720] =	vst v63  }
0x79: {  	_ =	swait.ge [sflag:s22], $0xC80  }
0x7a: {  	[sflag:s22] =	ssyncset.done $0x0  }
0x7b: {  	[sflag:s22] =	ssyncadd.s32 $0xFFFFF380  }
0x7c: {  	_ =	swait.ge [sflag:s22], $0xC80  }
0x7d: {  	[sflag:s22] =	ssyncset.done $0x0  }
0x7e: {  	[sflag:s22] =	ssyncadd.s32 $0xFFFFF380  }
0x7f: {  	_ =	swait.ge [sflag:s22], $0xC80  }
0x80: {  	[sflag:s22] =	ssyncset.done $0x0  }
0x81: {  	[sflag:s22] =	ssyncadd.s32 $0xFFFFF380  }
0x82: {  	_ =	swait.ge [sflag:s22], $0xC80  }
0x83: {  	[sflag:s22] =	ssyncset.done $0x0  }
0x84: {  	[sflag:s22] =	ssyncadd.s32 $0xFFFFF380  }
0x85: {  	_ =	swait.ge [sflag:s22], $0xC80  }
0x86: {  	[sflag:s22] =	ssyncset.done $0x0  }
0x87: {  	[sflag:s22] =	ssyncadd.s32 $0xFFFFF380  }
0x88: {  	_ =	swait.ge [sflag:s22], $0xC80  }
0x89: {  	[sflag:s22] =	ssyncset.done $0x0  }
0x8a: {  	[sflag:s22] =	ssyncadd.s32 $0xFFFFF380  }
0x8b: {  	_ =	swait.ge [sflag:s22], $0xC80  }
0x8c: {  	[sflag:s22] =	ssyncset.done $0x0  }
0x8d: {  	[sflag:s22] =	ssyncadd.s32 $0xFFFFF380  }
0x8e: {  	_ =	swait.ge [sflag:s22], $0xC80  }
0x8f: {  	[sflag:s22] =	ssyncset.done $0x0  }
0x90: {  	[sflag:s22] =	ssyncadd.s32 $0xFFFFF380  }
0x91: {  	_ =	swait.ge [sflag:s22], $0xC80  }
0x92: {  	[sflag:s22] =	ssyncset.done $0x0  }
0x93: {  	[sflag:s22] =	ssyncadd.s32 $0xFFFFF380  }
0x94: {  	_ =	swait.ge [sflag:s22], $0xC80  }
0x95: {  	[sflag:s22] =	ssyncset.done $0x0  }
0x96: {  	[sflag:s22] =	ssyncadd.s32 $0xFFFFF380  }
0x97: {  	_ =	swait.ge [sflag:s22], $0xC80  }
0x98: {  	[sflag:s22] =	ssyncset.done $0x0  }
0x99: {  	[sflag:s22] =	ssyncadd.s32 $0xFFFFF380  }
0x9a: {  	_ =	swait.ge [sflag:s22], $0xC80  }
0x9b: {  	[sflag:s22] =	ssyncset.done $0x0  }
0x9c: {  	[sflag:s22] =	ssyncadd.s32 $0xFFFFF380  }
0x9d: {  	_ =	swait.ge [sflag:s22], $0xC80  }
0x9e: {  	[sflag:s22] =	ssyncset.done $0x0  }
0x9f: {  	[sflag:s22] =	ssyncadd.s32 $0xFFFFF380  }
0xa0: {  	_ =	swait.ge [sflag:s22], $0xC80  }
0xa1: {  	[sflag:s22] =	ssyncset.done $0x0  }
0xa2: {  	[sflag:s22] =	ssyncadd.s32 $0xFFFFF380  }
0xa3: {  	_ =	swait.ge [sflag:s22], $0xC80  }
0xa4: {  	[sflag:s22] =	ssyncset.done $0x0  }
0xa5: {  	[sflag:s22] =	ssyncadd.s32 $0xFFFFF380  }
0xa6: {  	_ =	swait.ge [sflag:s22], $0xC80  }
0xa7: {  	[sflag:s22] =	ssyncset.done $0x0  }
0xa8: {  	[sflag:s22] =	ssyncadd.s32 $0xFFFFF380  }
0xa9: {  	_ =	swait.ge [sflag:s22], $0xC80  }
0xaa: {  	[sflag:s22] =	ssyncset.done $0x0  }
0xab: {  	[sflag:s22] =	ssyncadd.s32 $0xFFFFF380  }
0xac: {  	_ =	swait.ge [sflag:s22], $0xC80  }
0xad: {  	[sflag:s22] =	ssyncset.done $0x0  }
0xae: {  	[sflag:s22] =	ssyncadd.s32 $0xFFFFF380  }
0xaf: {  	_ =	swait.ge [sflag:s22], $0xC80  }
0xb0: {  	[sflag:s22] =	ssyncset.done $0x0  }
0xb1: {  	[sflag:s22] =	ssyncadd.s32 $0xFFFFF380  }
0xb2: {  	_ =	swait.ge [sflag:s22], $0xC80  }
0xb3: {  	[sflag:s22] =	ssyncset.done $0x0  }
0xb4: {  	[sflag:s22] =	ssyncadd.s32 $0xFFFFF380  }
0xb5: {  	_ =	swait.ge [sflag:s22], $0xC80  }
0xb6: {  	[sflag:s22] =	ssyncset.done $0x0  }
0xb7: {  	[sflag:s22] =	ssyncadd.s32 $0xFFFFF380  }
0xb8: {  	_ =	swait.ge [sflag:s22], $0xC80  }
0xb9: {  	[sflag:s22] =	ssyncset.done $0x0  }
0xba: {  	[sflag:s22] =	ssyncadd.s32 $0xFFFFF380  }
0xbb: {  	_ =	swait.ge [sflag:s22], $0xC80  }
0xbc: {  	[sflag:s22] =	ssyncset.done $0x0  }
0xbd: {  	[sflag:s22] =	ssyncadd.s32 $0xFFFFF380  }
0xbe: {  	_ =	swait.ge [sflag:s22], $0xC80  }
0xbf: {  	[sflag:s22] =	ssyncset.done $0x0  }
0xc0: {  	[sflag:s22] =	ssyncadd.s32 $0xFFFFF380  }
0xc1: {  	_ =	swait.ge [sflag:s22], $0xC80  }
0xc2: {  	[sflag:s22] =	ssyncset.done $0x0  }
0xc3: {  	[sflag:s22] =	ssyncadd.s32 $0xFFFFF380  }
0xc4: {  	[bflag:$0x0] =	sbarrier.arrive $0xFFFF  }
0xc5: {  	_ =	swait.ge [sflag:s23], $0x1400  }
0xc6: {  	[sflag:s23] =	ssyncset.done $0x0  }
0xc7: {  	s0 =	simm.s32 $0xA0;
	[sflag:s23] =	ssyncadd.s32 $0xFFFFEC00  }
0xc8: {  	[tilespmem:s24], [sflag:$0x5] =	stream.indirect.gather [hbm4b:s1+s15], $0x80, s0, s15, $0xb8;
	[tilespmem:$0x1F720] =	vst v63  }
0xc9: {  	s0 =	simm.s32 $0x2710  }
0xca: {  	[spmem:s3] =	stream.indirect.scatter.add.f32 [tilespmem:s17], [sflag:$0x7], $0x80, s0, s15, $0xb8;
	[tilespmem:$0x1F720] =	vst v63  }
0xcb: {  	_ =	swait.ge [sflag:s13], $0x1400  }
0xcc: {  	[sflag:s13] =	ssyncset.done $0x0  }
0xcd: {  	[sflag:s13] =	ssyncadd.s32 $0xFFFFEC00  }
0xce: {  	_ =	swait.ge [sflag:s25], $0x1400  }
0xcf: {  	[sflag:s25] =	ssyncset.done $0x0  }
0xd0: {  	s0 =	simm.s32 $0xC8;
	[sflag:s25] =	ssyncadd.s32 $0xFFFFEC00  }
0xd1: {  	[tilespmem:s17], [sflag:$0x1] =	stream.indirect.gather [hbm4b:s1+s15], $0x80, s0, s15, $0xb8;
	[tilespmem:$0x1F720] =	vst v63  }
0xd2: {  	s0 =	simm.s32 $0x2738  }
0xd3: {  	[spmem:s3] =	stream.indirect.scatter.add.f32 [tilespmem:s18], [sflag:$0x7], $0x80, s0, s15, $0xb8;
	[tilespmem:$0x1F720] =	vst v63  }
0xd4: {  	_ =	swait.ge [sflag:s13], $0x1400  }
0xd5: {  	[sflag:s13] =	ssyncset.done $0x0  }
0xd6: {  	[sflag:s13] =	ssyncadd.s32 $0xFFFFEC00  }
0xd7: {  	_ =	swait.ge [sflag:s26], $0x1400  }
0xd8: {  	[sflag:s26] =	ssyncset.done $0x0  }
0xd9: {  	s0 =	simm.s32 $0xF0;
	[sflag:s26] =	ssyncadd.s32 $0xFFFFEC00  }
0xda: {  	[tilespmem:s18], [sflag:$0x2] =	stream.indirect.gather [hbm4b:s1+s15], $0x80, s0, s15, $0xb8;
	[tilespmem:$0x1F720] =	vst v63  }
0xdb: {  	s0 =	simm.s32 $0x2760  }
0xdc: {  	[spmem:s3] =	stream.indirect.scatter.add.f32 [tilespmem:s19], [sflag:$0x7], $0x80, s0, s15, $0xb8;
	[tilespmem:$0x1F720] =	vst v63  }
0xdd: {  	_ =	swait.ge [sflag:s13], $0x1400  }
0xde: {  	[sflag:s13] =	ssyncset.done $0x0  }
0xdf: {  	[sflag:s13] =	ssyncadd.s32 $0xFFFFEC00  }
0xe0: {  	_ =	swait.ge [sflag:s28], $0x1400  }
0xe1: {  	[sflag:s28] =	ssyncset.done $0x0  }
0xe2: {  	s0 =	simm.s32 $0x118;
	[sflag:s28] =	ssyncadd.s32 $0xFFFFEC00  }
0xe3: {  	[tilespmem:s19], [sflag:$0x3] =	stream.indirect.gather [hbm4b:s1+s15], $0x80, s0, s15, $0xb8;
	[tilespmem:$0x1F720] =	vst v63  }
0xe4: {  	s0 =	simm.s32 $0x2788  }
0xe5: {  	[spmem:s3] =	stream.indirect.scatter.add.f32 [tilespmem:s20], [sflag:$0x7], $0x80, s0, s15, $0xb8;
	[tilespmem:$0x1F720] =	vst v63  }
0xe6: {  	_ =	swait.ge [sflag:s13], $0x1400  }
0xe7: {  	[sflag:s13] =	ssyncset.done $0x0  }
0xe8: {  	[sflag:s13] =	ssyncadd.s32 $0xFFFFEC00  }
0xe9: {  	_ =	swait.ge [sflag:s29], $0x1400  }
0xea: {  	[sflag:s29] =	ssyncset.done $0x0  }
0xeb: {  	s0 =	simm.s32 $0x140;
	[sflag:s29] =	ssyncadd.s32 $0xFFFFEC00  }
0xec: {  	[tilespmem:s20], [sflag:$0x4] =	stream.indirect.gather [hbm4b:s1+s15], $0x80, s0, s15, $0xb8;
	[tilespmem:$0x1F720] =	vst v63  }
0xed: {  	s0 =	simm.s32 $0x27B0  }
0xee: {  	[spmem:s3] =	stream.indirect.scatter.add.f32 [tilespmem:s24], [sflag:$0x7], $0x80, s0, s15, $0xb8;
	[tilespmem:$0x1F720] =	vst v63  }
0xef: {  	_ =	swait.ge [sflag:s13], $0x1400  }
0xf0: {  	s31 =	simm.s32 $0x320;
	[sflag:s13] =	ssyncset.done $0x0  }
.LBB2_4:
0xf1: {  	p0 =	sne.s32 s31, $0x9600  }
0xf2: {  	[sflag:s13] =	ssyncadd.s32 $0xFFFFEC00;
	s2 =	smov.u32 s31;
	s31 =	sadd.s32 $0x320, s31  }
0xf3: {  	_ = 	snop  }
0xf4: {  	_ =	swait.ge [sflag:s23], $0x1400  }
0xf5: {  	s2 =	sshra.s32 s2, $0x2;
	[sflag:s23] =	ssyncset.done $0x0  }
0xf6: {  	s0 =	sadd.s32 $0xA0, s2;
	[sflag:s23] =	ssyncadd.s32 $0xFFFFEC00  }
0xf7: {  	[tilespmem:s24], [sflag:$0x5] =	stream.indirect.gather [hbm4b:s1+s15], $0x80, s0, s15, $0xb8;
	[tilespmem:$0x1F720] =	vst v63  }
0xf8: {  	s0 =	sadd.s32 $0x2710, s2  }
0xf9: {  	[spmem:s3] =	stream.indirect.scatter.add.f32 [tilespmem:s17], [sflag:$0x7], $0x80, s0, s15, $0xb8;
	[tilespmem:$0x1F720] =	vst v63  }
0xfa: {  	_ =	swait.ge [sflag:s13], $0x1400  }
0xfb: {  	[sflag:s13] =	ssyncset.done $0x0  }
0xfc: {  	[sflag:s13] =	ssyncadd.s32 $0xFFFFEC00  }
0xfd: {  	_ =	swait.ge [sflag:s25], $0x1400  }
0xfe: {  	[sflag:s25] =	ssyncset.done $0x0  }
0xff: {  	s0 =	sadd.s32 $0xC8, s2;
	[sflag:s25] =	ssyncadd.s32 $0xFFFFEC00  }
0x100: {  	[tilespmem:s17], [sflag:$0x1] =	stream.indirect.gather [hbm4b:s1+s15], $0x80, s0, s15, $0xb8;
	[tilespmem:$0x1F720] =	vst v63  }
0x101: {  	s0 =	sadd.s32 $0x2738, s2  }
0x102: {  	[spmem:s3] =	stream.indirect.scatter.add.f32 [tilespmem:s18], [sflag:$0x7], $0x80, s0, s15, $0xb8;
	[tilespmem:$0x1F720] =	vst v63  }
0x103: {  	_ =	swait.ge [sflag:s13], $0x1400  }
0x104: {  	[sflag:s13] =	ssyncset.done $0x0  }
0x105: {  	[sflag:s13] =	ssyncadd.s32 $0xFFFFEC00  }
0x106: {  	_ =	swait.ge [sflag:s26], $0x1400  }
0x107: {  	[sflag:s26] =	ssyncset.done $0x0  }
0x108: {  	s0 =	sadd.s32 $0xF0, s2;
	[sflag:s26] =	ssyncadd.s32 $0xFFFFEC00  }
0x109: {  	[tilespmem:s18], [sflag:$0x2] =	stream.indirect.gather [hbm4b:s1+s15], $0x80, s0, s15, $0xb8;
	[tilespmem:$0x1F720] =	vst v63  }
0x10a: {  	s0 =	sadd.s32 $0x2760, s2  }
0x10b: {  	[spmem:s3] =	stream.indirect.scatter.add.f32 [tilespmem:s19], [sflag:$0x7], $0x80, s0, s15, $0xb8;
	[tilespmem:$0x1F720] =	vst v63  }
0x10c: {  	_ =	swait.ge [sflag:s13], $0x1400  }
0x10d: {  	[sflag:s13] =	ssyncset.done $0x0  }
0x10e: {  	[sflag:s13] =	ssyncadd.s32 $0xFFFFEC00  }
0x10f: {  	_ =	swait.ge [sflag:s28], $0x1400  }
0x110: {  	[sflag:s28] =	ssyncset.done $0x0  }
0x111: {  	s0 =	sadd.s32 $0x118, s2;
	[sflag:s28] =	ssyncadd.s32 $0xFFFFEC00  }
0x112: {  	[tilespmem:s19], [sflag:$0x3] =	stream.indirect.gather [hbm4b:s1+s15], $0x80, s0, s15, $0xb8;
	[tilespmem:$0x1F720] =	vst v63  }
0x113: {  	s0 =	sadd.s32 $0x2788, s2  }
0x114: {  	[spmem:s3] =	stream.indirect.scatter.add.f32 [tilespmem:s20], [sflag:$0x7], $0x80, s0, s15, $0xb8;
	[tilespmem:$0x1F720] =	vst v63  }
0x115: {  	_ =	swait.ge [sflag:s13], $0x1400  }
0x116: {  	[sflag:s13] =	ssyncset.done $0x0  }
0x117: {  	[sflag:s13] =	ssyncadd.s32 $0xFFFFEC00  }
0x118: {  	_ =	swait.ge [sflag:s29], $0x1400  }
0x119: {  	[sflag:s29] =	ssyncset.done $0x0  }
0x11a: {  	s0 =	sadd.s32 $0x140, s2;
	[sflag:s29] =	ssyncadd.s32 $0xFFFFEC00  }
0x11b: {  	[tilespmem:s20], [sflag:$0x4] =	stream.indirect.gather [hbm4b:s1+s15], $0x80, s0, s15, $0xb8;
	[tilespmem:$0x1F720] =	vst v63  }
.Ltmp1:
0x11c: {  	_ = 	snop;
	(pc) =	sbr.rel @p0 .LBB2_4-.Ltmp1, $4  }
0x11d: {  	s0 =	sadd.s32 $0x27B0, s2  }
0x11e: {  	[spmem:s3] =	stream.indirect.scatter.add.f32 [tilespmem:s24], [sflag:$0x7], $0x80, s0, s15, $0xb8;
	[tilespmem:$0x1F720] =	vst v63  }
0x11f: {  	_ =	swait.ge [sflag:s13], $0x1400  }
0x120: {  	[sflag:s13] =	ssyncset.done $0x0  }
0x121: {  	[sflag:s13] =	ssyncadd.s32 $0xFFFFEC00  }
0x122: {  	_ =	swait.ge [sflag:s23], $0x1400  }
0x123: {  	[sflag:s23] =	ssyncset.done $0x0  }
0x124: {  	s0 =	simm.s32 $0x26E8;
	[sflag:s23] =	ssyncadd.s32 $0xFFFFEC00  }
0x125: {  	[tilespmem:s24], [sflag:$0x5] =	stream.indirect.gather [hbm4b:s1+s15], $0x80, s0, s15, $0xb8;
	[tilespmem:$0x1F720] =	vst v63  }
0x126: {  	s31 =	simm.s32 $0x4D58  }
0x127: {  	[spmem:s3] =	stream.indirect.scatter.add.f32 [tilespmem:s17], [sflag:$0x7], $0x80, s31, s15, $0xb8;
	[tilespmem:$0x1F720] =	vst v63  }
0x128: {  	_ =	swait.ge [sflag:s13], $0x1400  }
0x129: {  	[sflag:s13] =	ssyncset.done $0x0  }
0x12a: {  	[sflag:s13] =	ssyncadd.s32 $0xFFFFEC00  }
0x12b: {  	_ =	swait.ge [sflag:s25], $0x1400  }
0x12c: {  	[sflag:s25] =	ssyncset.done $0x0  }
0x12d: {  	s2 =	simm.s32 $0x4D80;
	[sflag:s25] =	ssyncadd.s32 $0xFFFFEC00  }
0x12e: {  	[spmem:s3] =	stream.indirect.scatter.add.f32 [tilespmem:s18], [sflag:$0x7], $0x80, s2, s15, $0xb8;
	[tilespmem:$0x1F720] =	vst v63  }
0x12f: {  	_ =	swait.ge [sflag:s13], $0x1400  }
0x130: {  	[sflag:s13] =	ssyncset.done $0x0  }
0x131: {  	[sflag:s13] =	ssyncadd.s32 $0xFFFFEC00  }
0x132: {  	_ =	swait.ge [sflag:s26], $0x1400  }
0x133: {  	[sflag:s26] =	ssyncset.done $0x0  }
0x134: {  	s31 =	simm.s32 $0x4DA8;
	[sflag:s26] =	ssyncadd.s32 $0xFFFFEC00  }
0x135: {  	[spmem:s3] =	stream.indirect.scatter.add.f32 [tilespmem:s19], [sflag:$0x7], $0x80, s31, s15, $0xb8;
	[tilespmem:$0x1F720] =	vst v63  }
0x136: {  	_ =	swait.ge [sflag:s13], $0x1400  }
0x137: {  	[sflag:s13] =	ssyncset.done $0x0  }
0x138: {  	[sflag:s13] =	ssyncadd.s32 $0xFFFFEC00  }
0x139: {  	_ =	swait.ge [sflag:s28], $0x1400  }
0x13a: {  	[sflag:s28] =	ssyncset.done $0x0  }
0x13b: {  	s2 =	simm.s32 $0x4DD0;
	[sflag:s28] =	ssyncadd.s32 $0xFFFFEC00  }
0x13c: {  	[spmem:s3] =	stream.indirect.scatter.add.f32 [tilespmem:s20], [sflag:$0x7], $0x80, s2, s15, $0xb8;
	[tilespmem:$0x1F720] =	vst v63  }
0x13d: {  	_ =	swait.ge [sflag:s13], $0x1400  }
0x13e: {  	[sflag:s13] =	ssyncset.done $0x0  }
0x13f: {  	[sflag:s13] =	ssyncadd.s32 $0xFFFFEC00  }
0x140: {  	_ =	swait.ge [sflag:s29], $0x1400  }
0x141: {  	[sflag:s29] =	ssyncset.done $0x0  }
0x142: {  	s31 =	simm.s32 $0x4DF8;
	[sflag:s29] =	ssyncadd.s32 $0xFFFFEC00  }
0x143: {  	[spmem:s3] =	stream.indirect.scatter.add.f32 [tilespmem:s24], [sflag:$0x7], $0x80, s31, s15, $0xb8;
	[tilespmem:$0x1F720] =	vst v63  }
0x144: {  	_ =	swait.ge [sflag:s13], $0x1400  }
0x145: {  	[sflag:s13] =	ssyncset.done $0x0  }
0x146: {  	s2 =	stileid.u32;
	[sflag:s13] =	ssyncadd.s32 $0xFFFFEC00  }
0x147: {  	s0 =	sshll.u32 s2, $0x6;
	[bflag:$0x0] =	sbarrier.arrive $0xFFFF  }
0x148: {  	s2 =	sshrl.u32 s8, $0x3;
	s0 =	sor.u32 $0x1C06, s0;
	s31 =	rddreg [dreg:$0x6]  }
0x149: {  	[hbm:s31], [sflag:s0] =	dma.local [spmem:s2], $0x7D0  }
0x14a: {  	s2 =	sshrl.u32 s10, $0x3;
	s31 =	rddreg [dreg:$0x7]  }
0x14b: {  	[hbm:s31], [sflag:s0] =	dma.local [spmem:s2], $0x7D0  }
0x14c: {  	s2 =	sshrl.u32 s12, $0x3;
	s31 =	rddreg [dreg:$0x8]  }
0x14d: {  	[hbm:s31], [sflag:s0] =	dma.local [spmem:s2], $0x7D0  }
0x14e: {  	s2 =	sshrl.u32 s14, $0x3;
	s31 =	rddreg [dreg:$0x9]  }
0x14f: {  	[hbm:s31], [sflag:s0] =	dma.local [spmem:s2], $0x7D0  }
0x150: {  	s2 =	sshrl.u32 s16, $0x3;
	s31 =	rddreg [dreg:$0xa]  }
0x151: {  	[hbm:s31], [sflag:s0] =	dma.local [spmem:s2], $0x7D0  }
0x152: {  	_ =	swait.ge [sflag:s22], $0x7D0  }
0x153: {  	[sflag:s22] =	ssyncset.done $0x0  }
0x154: {  	[sflag:s22] =	ssyncadd.s32 $0xFFFFF830  }
0x155: {  	_ =	swait.ge [sflag:s22], $0x7D0  }
0x156: {  	[sflag:s22] =	ssyncset.done $0x0  }
0x157: {  	[sflag:s22] =	ssyncadd.s32 $0xFFFFF830  }
0x158: {  	_ =	swait.ge [sflag:s22], $0x7D0  }
0x159: {  	[sflag:s22] =	ssyncset.done $0x0  }
0x15a: {  	[sflag:s22] =	ssyncadd.s32 $0xFFFFF830  }
0x15b: {  	_ =	swait.ge [sflag:s22], $0x7D0  }
0x15c: {  	[sflag:s22] =	ssyncset.done $0x0  }
0x15d: {  	[sflag:s22] =	ssyncadd.s32 $0xFFFFF830  }
0x15e: {  	_ =	swait.ge [sflag:s22], $0x7D0  }
0x15f: {  	s30 =	sadd.s32 $0x1, s30;
	s31 =	rddreg [dreg:$0xb]  }
0x160: {  	p0 =	sne.s32 s30, s31  }
.Ltmp2:
0x161: {  	_ = 	snop;
	(pc) =	sbr.rel @p0 .LBB2_1-.Ltmp2, $3  }
0x162: {  	_ =	sdelay $0x1  }
0x163: {  	[sflag:s22] =	ssyncset.done $0x0  }
0x164: {  	[sflag:s22] =	ssyncadd.s32 $0xFFFFF830  }
0x165: {  	_ =	sfence.sel $0x180000  }
0x166: {  	[bflag:$0x0] =	sbarrier.arrive $0xFFFF  }
0x167: {  	_ =	strace $0x90000047  }
0x168: {  	s0 =	stileid.u32;
	[bflag:$0x2] =	sbarrier.arrive $0xFFFF  }
0x169: {  	p0 =	sne.s32 s0, $0x0;
	s0 =	rddreg [dreg:$0x3]  }
0x16a: {  	s0 =	sadd.s32 @!p0 $0x100000, s0  }
0x16b: {  	[sflag:s0] =	ssyncadd.tile.s32 @!p0 $0x1;
	_ =	shalt  }
.Lfunc_end2:
_tile_overlayer_lowered:
.L_overlay_start_2:
0x16c: {  	(tag) =	ssettag $0x2  }
0x16d: {  	s0 =	rddreg [dreg:$0x0];
	s2 =	stileid.u32  }
0x16e: {  	s1 =	rddreg [dreg:$0x1];
	p0 =	sne.s32 s2, $0x0  }
0x16f: {  	s3 =	rddreg [dreg:$0x2];
	[bflag:$0x3] =	sbarrier.arrive $0xFFFF;
	s2 =	simm.s32 @!p0 $0x1C07  }
0x170: {  	[timem:s3], [sflag:s2] =	dma.local @!p0 [hbm:s0], s1  }
0x171: {  	s0 =	simm.s32 @!p0 $0x7  }
0x172: {  	_ =	swait.ge @!p0 [sflag:s0], s1  }
0x173: {  	s1 =	ssub.s32 @!p0 $0x0, s1;
	[sflag:s0] =	ssyncset.done @!p0 $0x0  }
0x174: {  	[sflag:s0] =	ssyncadd.s32 @!p0 s1  }
0x175: {  	[bflag:$0x3] =	sbarrier.arrive $0xFFFF  }
0x176: {  	_ =	shalt  }

</sc_bundles>
